<compile_context>
chip_gen: v7x
topology: tpu7x:2x2x1
jax: 0.10.2.dev20260603
libtpu: 0.0.44.dev20260713+nightly
codegen_flags: <defaults>
</compile_context>

<pallas_src>
import jax
import jax.numpy as jnp
from jax import lax
from jax.experimental import pallas as pl
from jax.experimental.pallas import tpu as pltpu
from jax.experimental.pallas import tpu_sc as plsc

_NUM_LEVELS = 16
_TABLE_SIZE = 524288
_FEAT = 2
_N = 262144
_NC, _NS = 2, 16
_NW = _NC * _NS
_S = _N // _NW
_C = 512
_NCHUNK = _S // _C
_G = _C // 16
_IW = 2048
_ROWS = (_C * _NUM_LEVELS * _FEAT) // _IW
_FU = 4

_P1 = -1640531535
_P2 = 805459861
_MASK = _TABLE_SIZE - 1


def _sc_body(pos_ref, scal_ref, table_ref, out_ref, posbuf, scalbuf, idxbuf0,
             idxbuf1, rowsbuf0, rowsbuf1, sem0, sem1):
    cid = lax.axis_index("c")
    sid = lax.axis_index("s")
    wid = sid * _NC + cid
    base = wid * _S
    pltpu.sync_copy(scal_ref, scalbuf)

    def compute(k, idxbuf):
        cb = base + k * _C
        pltpu.sync_copy(pos_ref.at[pl.ds(3 * cb, 3 * _C)], posbuf)

        def group_body(g, c2):
            iota = lax.iota(jnp.int32, 16)
            lane_col = jnp.broadcast_to((g & 3) * 512, (16,)) + iota * 32
            row = jnp.broadcast_to(lax.shift_right_logical(g, 2), (16,))
            off = jnp.broadcast_to(48 * g, (16,)) + 3 * iota
            xs = plsc.load_gather(posbuf, [off])
            ys = plsc.load_gather(posbuf, [off + 1])
            zs = plsc.load_gather(posbuf, [off + 2])
            for l in range(_NUM_LEVELS):
                s = scalbuf[l]
                sx = xs * s
                sy = ys * s
                sz = zs * s
                cx = sx.astype(jnp.int32)
                cy = sy.astype(jnp.int32)
                cz = sz.astype(jnp.int32)
                cx = cx + (sx > cx.astype(jnp.float32)).astype(jnp.int32)
                cy = cy + (sy > cy.astype(jnp.float32)).astype(jnp.int32)
                cz = cz + (sz > cz.astype(jnp.float32)).astype(jnp.int32)
                h = cx ^ (cy * jnp.int32(_P1)) ^ (cz * jnp.int32(_P2))
                h = (h & jnp.int32(_MASK)) + jnp.int32(l * _TABLE_SIZE)
                q0 = (lax.shift_right_logical(h, 7) * 256) + (h & 127)
                plsc.store_scatter(idxbuf, [row, lane_col + 2 * l], q0)
                plsc.store_scatter(idxbuf, [row, lane_col + 2 * l + 1],
                                   q0 + 128)
            return c2

        lax.fori_loop(0, _G, group_body, 0)

    def fire(idxbuf, rowsbuf, sem):
        def body(j, c2):
            for i in range(_FU):
                jj = j * _FU + i
                pltpu.make_async_copy(table_ref.at[idxbuf.at[jj]],
                                      rowsbuf.at[pl.ds(jj * _IW, _IW)],
                                      sem).start()
            return c2

        lax.fori_loop(0, _ROWS // _FU, body, 0)

    def drain(idxbuf, rowsbuf, sem):
        def body(j, c2):
            for i in range(_FU):
                jj = j * _FU + i
                pltpu.make_async_copy(table_ref.at[idxbuf.at[jj]],
                                      rowsbuf.at[pl.ds(jj * _IW, _IW)],
                                      sem).wait()
            return c2

        lax.fori_loop(0, _ROWS // _FU, body, 0)

    def writeback(k, rowsbuf):
        cb = base + k * _C
        pltpu.sync_copy(rowsbuf,
                        out_ref.at[pl.ds(cb * _NUM_LEVELS * _FEAT,
                                         _C * _NUM_LEVELS * _FEAT)])

    compute(0, idxbuf0)
    fire(idxbuf0, rowsbuf0, sem0)

    def pipe(k, carry):
        @pl.when(k % 2 == 1)
        def _():
            compute(k, idxbuf1)
            fire(idxbuf1, rowsbuf1, sem1)
            drain(idxbuf0, rowsbuf0, sem0)
            writeback(k - 1, rowsbuf0)

        @pl.when(k % 2 == 0)
        def _():
            compute(k, idxbuf0)
            fire(idxbuf0, rowsbuf0, sem0)
            drain(idxbuf1, rowsbuf1, sem1)
            writeback(k - 1, rowsbuf1)

        return carry

    lax.fori_loop(1, _NCHUNK, pipe, 0)
    drain(idxbuf1, rowsbuf1, sem1)
    writeback(_NCHUNK - 1, rowsbuf1)


def _sc_gather(pos_flat, scal_b, hash_table):
    mesh = plsc.VectorSubcoreMesh(core_axis_name="c", subcore_axis_name="s",
                                  num_cores=_NC, num_subcores=_NS)
    return pl.kernel(
        _sc_body,
        out_type=jax.ShapeDtypeStruct((_N * _NUM_LEVELS * _FEAT,), jnp.float32),
        mesh=mesh,
        scratch_types=[
            pltpu.VMEM((3 * _C,), jnp.float32),
            pltpu.VMEM((_NUM_LEVELS, 16), jnp.float32),
            pltpu.VMEM((_ROWS, _IW), jnp.int32),
            pltpu.VMEM((_ROWS, _IW), jnp.int32),
            pltpu.VMEM((_C * _NUM_LEVELS * _FEAT,), jnp.float32),
            pltpu.VMEM((_C * _NUM_LEVELS * _FEAT,), jnp.float32),
            pltpu.SemaphoreType.DMA,
            pltpu.SemaphoreType.DMA,
        ],
        compiler_params=pltpu.CompilerParams(use_tc_tiling_on_sc=False,
                                             needs_layout_passes=False),
    )(pos_flat, scal_b, hash_table)


_BM = 512
_M = _N // 4


def _mlp_body(enc_ref, dir_ref, w1, b1, w2, b2, w3a, w3b, b3, w4, b4, w5, b5,
              dens_ref, col_ref):
    x = enc_ref[...]
    h = jnp.maximum(jnp.dot(x, w1[...], preferred_element_type=jnp.float32)
                    + b1[...], 0.0)
    d128 = jnp.dot(h, w2[...], preferred_element_type=jnp.float32) + b2[...]
    dens_ref[...] = d128.T

    dd = dir_ref[...]
    rows = []
    for u in range(4):
        dx = dd[3 * u:3 * u + 1, :]
        dy = dd[3 * u + 1:3 * u + 2, :]
        dz = dd[3 * u + 2:3 * u + 3, :]
        xx = dx * dx
        yy = dy * dy
        zz = dz * dz
        rows += [
            0.28209479177387814 * jnp.ones_like(dx),
            0.4886025119029199 * dy,
            0.4886025119029199 * dz,
            0.4886025119029199 * dx,
            1.0925484305920792 * dx * dy,
            1.0925484305920792 * dy * dz,
            0.9461746957575601 * zz - 0.31539156525252,
            1.0925484305920792 * dx * dz,
            0.5462742152960396 * (xx - yy),
            0.5900435899266435 * dy * (3 * xx - yy),
            2.890611442640554 * dx * dy * dz,
            0.4570457994644658 * dy * (5 * zz - 1),
            0.3731763325901154 * dz * (5 * zz - 3),
            0.4570457994644658 * dx * (5 * zz - 1),
            1.445305721320277 * dz * (xx - yy),
            0.5900435899266435 * dx * (xx - 3 * yy),
        ]
    c4 = jnp.concatenate(rows, axis=0)
    shp = lax.dot_general(c4, w3b[...], (((0,), (0,)), ((), ())),
                          preferred_element_type=jnp.float32)
    densp = jnp.dot(d128, w3a[...], preferred_element_type=jnp.float32)
    xc = jnp.maximum(densp + shp + b3[...], 0.0)
    xc = jnp.maximum(jnp.dot(xc, w4[...], preferred_element_type=jnp.float32)
                     + b4[...], 0.0)
    col = jax.nn.sigmoid(
        jnp.dot(xc, w5[...], preferred_element_type=jnp.float32) + b5[...])
    col_ref[...] = col.T


def _mlp(enc128, dir4, W1, b1, W2, b2, W3, b3, W4, b4, W5, b5):
    from jax.scipy.linalg import block_diag

    def bd4(w):
        return block_diag(w, w, w, w)

    W1_4 = bd4(W1)
    W2_4 = bd4(W2)
    W3a4 = bd4(W3[:16, :])
    W3b4 = bd4(W3[16:, :])
    W4_4 = bd4(W4)
    W5_4 = bd4(W5)
    b1_4 = jnp.tile(b1, 4)[None, :]
    b2_4 = jnp.tile(b2, 4)[None, :]
    b3_4 = jnp.tile(b3, 4)[None, :]
    b4_4 = jnp.tile(b4, 4)[None, :]
    b5_4 = jnp.tile(b5, 4)[None, :]

    grid = (_M // _BM,)
    full = lambda a: pl.BlockSpec(a.shape, lambda i: (0, 0))
    dens_t, col_t = pl.pallas_call(
        _mlp_body,
        grid=grid,
        in_specs=[
            pl.BlockSpec((_BM, 128), lambda i: (i, 0)),
            pl.BlockSpec((12, _BM), lambda i: (0, i)),
            full(W1_4), full(b1_4),
            full(W2_4), full(b2_4),
            full(W3a4), full(W3b4), full(b3_4),
            full(W4_4), full(b4_4),
            full(W5_4), full(b5_4),
        ],
        out_specs=[
            pl.BlockSpec((64, _BM), lambda i: (0, i)),
            pl.BlockSpec((12, _BM), lambda i: (0, i)),
        ],
        out_shape=[
            jax.ShapeDtypeStruct((64, _M), jnp.float32),
            jax.ShapeDtypeStruct((12, _M), jnp.float32),
        ],
    )(enc128, dir4, W1_4, b1_4, W2_4, b2_4, W3a4, W3b4, b3_4, W4_4, b4_4,
      W5_4, b5_4)
    density = dens_t.reshape(4, 16, _M).transpose(1, 2, 0).reshape(16, _N).T
    color = col_t.reshape(4, 3, _M).transpose(1, 2, 0).reshape(3, _N).T
    return density, color


def kernel(position, direction, hash_table, W1, b1, W2, b2, W3, b3, W4, b4,
           W5, b5):
    levels = jnp.arange(_NUM_LEVELS)
    growth = jnp.exp((jnp.log(1024.0) - jnp.log(16.0)) / (_NUM_LEVELS - 1))
    scal = jnp.floor(16 * growth ** levels)
    scal_b = jnp.tile(scal.astype(jnp.float32)[:, None], (1, 16))
    pos_flat = position.reshape(-1)
    ht_flat = hash_table.reshape(_TABLE_SIZE * _NUM_LEVELS // 128, 128,
                                 _FEAT).transpose(0, 2, 1).reshape(-1)
    enc_rows = _sc_gather(pos_flat, scal_b, ht_flat)
    enc128 = enc_rows.reshape(_M, 128)
    dir4 = direction.reshape(_M, 4, 3).transpose(1, 2, 0).reshape(12, _M)
    density, color = _mlp(enc128, dir4, W1, b1, W2, b2, W3, b3, W4, b4,
                          W5, b5)
    return density, color

# --- scband reference (transcript-rebuilt; emitter-appended) ---
"""Pipeline reference for scband-instant-nerf-48576080118249 (READ-ONLY COPY).

The authoritative reference and input builder live on the scoring server;
editing this copy changes nothing except your own understanding.
"""

import jax, jax.numpy as jnp
import numpy as np

NUM_LEVELS = 16
TABLE_SIZE = 524288
FEAT_DIM = 2
COARSEST = 16
FINEST = 1024
N_SAMPLES = 262144
DENSITY_W = 64
COLOR_W = 64


def fourth_order_sh_encoding(directions):
    x = directions[..., 0]; y = directions[..., 1]; z = directions[..., 2]
    xx = x * x; yy = y * y; zz = z * z
    comps = [
        0.28209479177387814 * jnp.ones_like(x),
        0.4886025119029199 * y,
        0.4886025119029199 * z,
        0.4886025119029199 * x,
        1.0925484305920792 * x * y,
        1.0925484305920792 * y * z,
        0.9461746957575601 * zz - 0.31539156525252,
        1.0925484305920792 * x * z,
        0.5462742152960396 * (xx - yy),
        0.5900435899266435 * y * (3 * xx - yy),
        2.890611442640554 * x * y * z,
        0.4570457994644658 * y * (5 * zz - 1),
        0.3731763325901154 * z * (5 * zz - 3),
        0.4570457994644658 * x * (5 * zz - 1),
        1.445305721320277 * z * (xx - yy),
        0.5900435899266435 * x * (xx - 3 * yy),
    ]
    return jnp.stack(comps, axis=-1)


def hash_vertices(v, table_size, hash_offset):
    # v: int32[N, L, 3] (non-negative grid coords); hash_offset: int32[L]
    primes = jnp.array([1, 2654435761, 805459861], dtype=jnp.uint32)
    pre = v.astype(jnp.uint32) * primes
    h = jnp.bitwise_xor(jnp.bitwise_xor(pre[..., 0], pre[..., 1]), pre[..., 2])
    h = h % jnp.uint32(table_size)
    return h.astype(jnp.int32) + hash_offset[None, :]


def hash_encoding(position, hash_table):
    levels = jnp.arange(NUM_LEVELS)
    hash_offset = (levels * TABLE_SIZE).astype(jnp.int32)
    growth = jnp.exp((jnp.log(float(FINEST)) - jnp.log(float(COARSEST))) / (NUM_LEVELS - 1))
    scalings = jnp.floor(COARSEST * growth ** levels)  # [L]
    scaled = position[:, None, :] * scalings[None, :, None]  # [N, L, 3]
    c = jnp.ceil(scaled).astype(jnp.int32)
    f = jnp.floor(scaled).astype(jnp.int32)
    # vertex order matches original: 0=ccc,1=ccf,2=cfc,3=fcc,4=cff,5=fcf,6=ffc,7=fff
    patterns = [(0, 0, 0), (0, 0, 1), (0, 1, 0), (1, 0, 0), (0, 1, 1), (1, 0, 1), (1, 1, 0), (1, 1, 1)]
    feats = []
    for bits in patterns:
        v = jnp.stack([f[..., i] if bits[i] else c[..., i] for i in range(3)], axis=-1)
        h = hash_vertices(v, TABLE_SIZE, hash_offset)
        feats.append(hash_table[h])  # [N, L, F]
    f_0 = feats[0]  # original returns only f_0 (no trilinear interpolation)
    return f_0.reshape(f_0.shape[0], NUM_LEVELS * FEAT_DIM)


def setup_inputs(seed: int = 0):
    key = jax.random.key(seed)
    ks = jax.random.split(key, 16)
    position = jax.random.uniform(ks[0], (N_SAMPLES, 3), dtype=jnp.float32)
    direction = jax.random.normal(ks[1], (N_SAMPLES, 3), dtype=jnp.float32)
    direction = direction / (jnp.linalg.norm(direction, axis=-1, keepdims=True) + 1e-8)
    hash_table = jax.random.uniform(ks[2], (NUM_LEVELS * TABLE_SIZE, FEAT_DIM), minval=-1e-4, maxval=1e-4, dtype=jnp.float32)
    enc_dim = NUM_LEVELS * FEAT_DIM
    W1 = jax.random.normal(ks[3], (enc_dim, DENSITY_W), dtype=jnp.float32) * 0.05
    b1 = jnp.zeros((DENSITY_W,), dtype=jnp.float32)
    W2 = jax.random.normal(ks[4], (DENSITY_W, 16), dtype=jnp.float32) * 0.05
    b2 = jnp.zeros((16,), dtype=jnp.float32)
    W3 = jax.random.normal(ks[5], (16 + 16, COLOR_W), dtype=jnp.float32) * 0.05
    b3 = jnp.zeros((COLOR_W,), dtype=jnp.float32)
    W4 = jax.random.normal(ks[6], (COLOR_W, COLOR_W), dtype=jnp.float32) * 0.05
    b4 = jnp.zeros((COLOR_W,), dtype=jnp.float32)
    W5 = jax.random.normal(ks[7], (COLOR_W, 3), dtype=jnp.float32) * 0.05
    b5 = jnp.zeros((3,), dtype=jnp.float32)
    return {"position": position, "direction": direction, "hash_table": hash_table,
            "W1": W1, "b1": b1, "W2": W2, "b2": b2, "W3": W3, "b3": b3,
            "W4": W4, "b4": b4, "W5": W5, "b5": b5}


def reference(position, direction, hash_table, W1, b1, W2, b2, W3, b3, W4, b4, W5, b5):
    enc = hash_encoding(position, hash_table)
    h = jax.nn.relu(enc @ W1 + b1)
    density = h @ W2 + b2
    sh = fourth_order_sh_encoding(direction)
    xcat = jnp.concatenate([density, sh], axis=-1)
    xcat = jax.nn.relu(xcat @ W3 + b3)
    xcat = jax.nn.relu(xcat @ W4 + b4)
    color = jax.nn.sigmoid(xcat @ W5 + b5)
    return (density, color)

if __name__ == "__main__":
    import jax
    _d = setup_inputs()
    print(jax.jit(kernel)(*tuple(_d.values())))

</pallas_src>

<mosaic_0001>
#map = affine_map<(d0, d1) -> (0)>
#map1 = affine_map<(d0, d1) -> (0, 0)>
module attributes {stable_mosaic.version = 14 : i64} {
  func.func @_sc_body(%arg0: i32, %arg1: i32, %arg2: memref<786432xf32, #tpu.memory_space<hbm>>, %arg3: memref<16x16xf32, #tpu.memory_space<hbm>>, %arg4: memref<16777216xf32, #tpu.memory_space<hbm>>, %arg5: memref<8388608xf32, #tpu.memory_space<hbm>>, %arg6: memref<1536xf32, #tpu.memory_space<vmem>>, %arg7: memref<16x16xf32, #tpu.memory_space<vmem>>, %arg8: memref<8x2048xi32, #tpu.memory_space<vmem>>, %arg9: memref<8x2048xi32, #tpu.memory_space<vmem>>, %arg10: memref<16384xf32, #tpu.memory_space<vmem>>, %arg11: memref<16384xf32, #tpu.memory_space<vmem>>, %arg12: memref<!tpu.dma_semaphore, #tpu.memory_space<semaphore_mem>>, %arg13: memref<!tpu.dma_semaphore, #tpu.memory_space<semaphore_mem>>) attributes {dimension_semantics = [#tpu.dimension_semantics<core_parallel>, #tpu.dimension_semantics<subcore_parallel>], iteration_bounds = array<i64: 2, 16>, scalar_prefetch = 0 : i64, scratch_operands = 8 : i64, tpu.core_type = #tpu.core_type<sc_vector_subcore>, window_params = [{transform_indices = #map}, {transform_indices = #map1}, {transform_indices = #map}, {transform_indices = #map}]} {
    %mul3A = arith.constant 2 : i32
    %mul3A_0 = arith.muli %arg1, %mul3A : i32
    %add3A = arith.addi %mul3A_0, %arg0 : i32
    %mul3A_1 = arith.constant 8192 : i32
    %mul3A_2 = arith.muli %add3A, %mul3A_1 : i32
    "tpu.region"() ({
      %run_scoped3A = tpu.sem_alloc : memref<!tpu.dma_semaphore, #tpu.memory_space<semaphore_mem>>
      tpu.enqueue_dma source(%arg3 : memref<16x16xf32, #tpu.memory_space<hbm>>) target(%arg7 : memref<16x16xf32, #tpu.memory_space<vmem>>) target_semaphore(%run_scoped3A : memref<!tpu.dma_semaphore, #tpu.memory_space<semaphore_mem>>)
      tpu.wait_dma2 semaphore(%run_scoped3A : memref<!tpu.dma_semaphore, #tpu.memory_space<semaphore_mem>>) src(%arg3 : memref<16x16xf32, #tpu.memory_space<hbm>>) dst(%arg7 : memref<16x16xf32, #tpu.memory_space<vmem>>)
      tpu.yield
    }) : () -> ()
    %add3A_3 = arith.constant 0 : i32
    %add3A_4 = arith.addi %mul3A_2, %add3A_3 : i32
    %mul3A_5 = arith.constant 3 : i32
    %mul3A_6 = arith.muli %mul3A_5, %add3A_4 : i32
    "tpu.region"() ({
      %run_scoped3A = tpu.sem_alloc : memref<!tpu.dma_semaphore, #tpu.memory_space<semaphore_mem>>
      %dma_start3A = tpu.memref_slice %arg2[%mul3A_6] : memref<786432xf32, #tpu.memory_space<hbm>> -> memref<1536xf32, #tpu.memory_space<hbm>>
      %dma_start3A_36 = tpu.memref_slice %arg2[%mul3A_6] : memref<786432xf32, #tpu.memory_space<hbm>> -> memref<1536xf32, #tpu.memory_space<hbm>>
      tpu.enqueue_dma source(%dma_start3A_36 : memref<1536xf32, #tpu.memory_space<hbm>>) target(%arg6 : memref<1536xf32, #tpu.memory_space<vmem>>) target_semaphore(%run_scoped3A : memref<!tpu.dma_semaphore, #tpu.memory_space<semaphore_mem>>)
      %dma_wait3A = tpu.memref_slice %arg2[%mul3A_6] : memref<786432xf32, #tpu.memory_space<hbm>> -> memref<1536xf32, #tpu.memory_space<hbm>>
      %dma_wait3A_37 = tpu.memref_slice %arg2[%mul3A_6] : memref<786432xf32, #tpu.memory_space<hbm>> -> memref<1536xf32, #tpu.memory_space<hbm>>
      tpu.wait_dma2 semaphore(%run_scoped3A : memref<!tpu.dma_semaphore, #tpu.memory_space<semaphore_mem>>) src(%dma_wait3A_37 : memref<1536xf32, #tpu.memory_space<hbm>>) dst(%arg6 : memref<1536xf32, #tpu.memory_space<vmem>>)
      tpu.yield
    }) : () -> ()
    %scan3A = arith.constant 0 : i32
    %scan3A_7 = arith.constant 0 : i32
    %scan3A_8 = arith.constant 32 : i32
    %scan3A_9 = arith.addi %scan3A_7, %scan3A_8 : i32
    %scan3A_10 = arith.constant 1 : i32
    scf.for %scan3A_36 = %scan3A_7 to %scan3A_9 step %scan3A_10  : i32 {
      %iota3A = tpu.iota {dimensions = array<i32: 0>} : vector<16xi32>
      %and3A = arith.constant 3 : i32
      %and3A_37 = arith.andi %scan3A_36, %and3A : i32
      %mul3A_38 = arith.constant 512 : i32
      %mul3A_39 = arith.muli %and3A_37, %mul3A_38 : i32
      %broadcast_in_dim3A = vector.broadcast %mul3A_39 : i32 to vector<16xi32>
      %mul3A_40 = arith.constant 32 : i32
      %mul3A_41 = vector.broadcast %mul3A_40 : i32 to vector<16xi32>
      %mul3A_42 = arith.muli %iota3A, %mul3A_41 : vector<16xi32>
      %add3A_43 = arith.addi %broadcast_in_dim3A, %mul3A_42 : vector<16xi32>
      %shift_right_logical3A = arith.constant 2 : i32
      %shift_right_logical3A_44 = arith.shrui %scan3A_36, %shift_right_logical3A : i32
      %broadcast_in_dim3A_45 = vector.broadcast %shift_right_logical3A_44 : i32 to vector<16xi32>
      %mul3A_46 = arith.constant 48 : i32
      %mul3A_47 = arith.muli %mul3A_46, %scan3A_36 : i32
      %broadcast_in_dim3A_48 = vector.broadcast %mul3A_47 : i32 to vector<16xi32>
      %mul3A_49 = arith.constant 3 : i32
      %mul3A_50 = vector.broadcast %mul3A_49 : i32 to vector<16xi32>
      %mul3A_51 = arith.muli %mul3A_50, %iota3A : vector<16xi32>
      %add3A_52 = arith.addi %broadcast_in_dim3A_48, %mul3A_51 : vector<16xi32>
      %gather3A = tpu.vector_load_idx %arg6[%add3A_52] : memref<1536xf32, #tpu.memory_space<vmem>>[vector<16xi32>], vector<16xf32>,
      %add3A_53 = arith.constant 1 : i32
      %add3A_54 = vector.broadcast %add3A_53 : i32 to vector<16xi32>
      %add3A_55 = arith.addi %add3A_52, %add3A_54 : vector<16xi32>
      %gather3A_56 = tpu.vector_load_idx %arg6[%add3A_55] : memref<1536xf32, #tpu.memory_space<vmem>>[vector<16xi32>], vector<16xf32>,
      %add3A_57 = arith.constant 2 : i32
      %add3A_58 = vector.broadcast %add3A_57 : i32 to vector<16xi32>
      %add3A_59 = arith.addi %add3A_52, %add3A_58 : vector<16xi32>
      %gather3A_60 = tpu.vector_load_idx %arg6[%add3A_59] : memref<1536xf32, #tpu.memory_space<vmem>>[vector<16xi32>], vector<16xf32>,
      %get3A = arith.constant 0 : i32
      %get3A_61 = arith.index_cast %get3A : i32 to index
      %get3A_62 = arith.constant 0 : index
      %get3A_63 = tpu.vector_load %arg7[%get3A_61, %get3A_62] {strides = array<i32>} : memref<16x16xf32, #tpu.memory_space<vmem>>, vector<16xf32>,
      %mul3A_64 = arith.mulf %gather3A, %get3A_63 : vector<16xf32>
      %mul3A_65 = arith.mulf %gather3A_56, %get3A_63 : vector<16xf32>
      %mul3A_66 = arith.mulf %gather3A_60, %get3A_63 : vector<16xf32>
      %convert_element_type3A = arith.fptosi %mul3A_64 : vector<16xf32> to vector<16xi32>
      %convert_element_type3A_67 = arith.fptosi %mul3A_65 : vector<16xf32> to vector<16xi32>
      %convert_element_type3A_68 = arith.fptosi %mul3A_66 : vector<16xf32> to vector<16xi32>
      %convert_element_type3A_69 = arith.sitofp %convert_element_type3A : vector<16xi32> to vector<16xf32>
      %gt3A = arith.cmpf ogt, %mul3A_64, %convert_element_type3A_69 : vector<16xf32>
      %convert_element_type3A_70 = arith.extui %gt3A : vector<16xi1> to vector<16xi32>
      %add3A_71 = arith.addi %convert_element_type3A, %convert_element_type3A_70 : vector<16xi32>
      %convert_element_type3A_72 = arith.sitofp %convert_element_type3A_67 : vector<16xi32> to vector<16xf32>
      %gt3A_73 = arith.cmpf ogt, %mul3A_65, %convert_element_type3A_72 : vector<16xf32>
      %convert_element_type3A_74 = arith.extui %gt3A_73 : vector<16xi1> to vector<16xi32>
      %add3A_75 = arith.addi %convert_element_type3A_67, %convert_element_type3A_74 : vector<16xi32>
      %convert_element_type3A_76 = arith.sitofp %convert_element_type3A_68 : vector<16xi32> to vector<16xf32>
      %gt3A_77 = arith.cmpf ogt, %mul3A_66, %convert_element_type3A_76 : vector<16xf32>
      %convert_element_type3A_78 = arith.extui %gt3A_77 : vector<16xi1> to vector<16xi32>
      %add3A_79 = arith.addi %convert_element_type3A_68, %convert_element_type3A_78 : vector<16xi32>
      %mul3A_80 = arith.constant -1640531535 : i32
      %mul3A_81 = vector.broadcast %mul3A_80 : i32 to vector<16xi32>
      %mul3A_82 = arith.muli %add3A_75, %mul3A_81 : vector<16xi32>
      %xor3A = arith.xori %add3A_71, %mul3A_82 : vector<16xi32>
      %mul3A_83 = arith.constant 805459861 : i32
      %mul3A_84 = vector.broadcast %mul3A_83 : i32 to vector<16xi32>
      %mul3A_85 = arith.muli %add3A_79, %mul3A_84 : vector<16xi32>
      %xor3A_86 = arith.xori %xor3A, %mul3A_85 : vector<16xi32>
      %and3A_87 = arith.constant 524287 : i32
      %and3A_88 = vector.broadcast %and3A_87 : i32 to vector<16xi32>
      %and3A_89 = arith.andi %xor3A_86, %and3A_88 : vector<16xi32>
      %add3A_90 = arith.constant 0 : i32
      %add3A_91 = vector.broadcast %add3A_90 : i32 to vector<16xi32>
      %add3A_92 = arith.addi %and3A_89, %add3A_91 : vector<16xi32>
      %shift_right_logical3A_93 = arith.constant 7 : i32
      %shift_right_logical3A_94 = vector.broadcast %shift_right_logical3A_93 : i32 to vector<16xi32>
      %shift_right_logical3A_95 = arith.shrui %add3A_92, %shift_right_logical3A_94 : vector<16xi32>
      %mul3A_96 = arith.constant 256 : i32
      %mul3A_97 = vector.broadcast %mul3A_96 : i32 to vector<16xi32>
      %mul3A_98 = arith.muli %shift_right_logical3A_95, %mul3A_97 : vector<16xi32>
      %and3A_99 = arith.constant 127 : i32
      %and3A_100 = vector.broadcast %and3A_99 : i32 to vector<16xi32>
      %and3A_101 = arith.andi %add3A_92, %and3A_100 : vector<16xi32>
      %add3A_102 = arith.addi %mul3A_98, %and3A_101 : vector<16xi32>
      %add3A_103 = arith.constant 0 : i32
      %add3A_104 = vector.broadcast %add3A_103 : i32 to vector<16xi32>
      %add3A_105 = arith.addi %add3A_43, %add3A_104 : vector<16xi32>
      tpu.vector_store_idx %arg8[%broadcast_in_dim3A_45, %add3A_105], %add3A_102 : memref<8x2048xi32, #tpu.memory_space<vmem>>[vector<16xi32>, vector<16xi32>], vector<16xi32>,
      %add3A_106 = arith.constant 0 : i32
      %add3A_107 = vector.broadcast %add3A_106 : i32 to vector<16xi32>
      %add3A_108 = arith.addi %add3A_43, %add3A_107 : vector<16xi32>
      %add3A_109 = arith.constant 1 : i32
      %add3A_110 = vector.broadcast %add3A_109 : i32 to vector<16xi32>
      %add3A_111 = arith.addi %add3A_108, %add3A_110 : vector<16xi32>
      %add3A_112 = arith.constant 128 : i32
      %add3A_113 = vector.broadcast %add3A_112 : i32 to vector<16xi32>
      %add3A_114 = arith.addi %add3A_102, %add3A_113 : vector<16xi32>
      tpu.vector_store_idx %arg8[%broadcast_in_dim3A_45, %add3A_111], %add3A_114 : memref<8x2048xi32, #tpu.memory_space<vmem>>[vector<16xi32>, vector<16xi32>], vector<16xi32>,
      %get3A_115 = arith.constant 1 : i32
      %get3A_116 = arith.index_cast %get3A_115 : i32 to index
      %get3A_117 = arith.constant 0 : index
      %get3A_118 = tpu.vector_load %arg7[%get3A_116, %get3A_117] {strides = array<i32>} : memref<16x16xf32, #tpu.memory_space<vmem>>, vector<16xf32>,
      %mul3A_119 = arith.mulf %gather3A, %get3A_118 : vector<16xf32>
      %mul3A_120 = arith.mulf %gather3A_56, %get3A_118 : vector<16xf32>
      %mul3A_121 = arith.mulf %gather3A_60, %get3A_118 : vector<16xf32>
      %convert_element_type3A_122 = arith.fptosi %mul3A_119 : vector<16xf32> to vector<16xi32>
      %convert_element_type3A_123 = arith.fptosi %mul3A_120 : vector<16xf32> to vector<16xi32>
      %convert_element_type3A_124 = arith.fptosi %mul3A_121 : vector<16xf32> to vector<16xi32>
      %convert_element_type3A_125 = arith.sitofp %convert_element_type3A_122 : vector<16xi32> to vector<16xf32>
      %gt3A_126 = arith.cmpf ogt, %mul3A_119, %convert_element_type3A_125 : vector<16xf32>
      %convert_element_type3A_127 = arith.extui %gt3A_126 : vector<16xi1> to vector<16xi32>
      %add3A_128 = arith.addi %convert_element_type3A_122, %convert_element_type3A_127 : vector<16xi32>
      %convert_element_type3A_129 = arith.sitofp %convert_element_type3A_123 : vector<16xi32> to vector<16xf32>
      %gt3A_130 = arith.cmpf ogt, %mul3A_120, %convert_element_type3A_129 : vector<16xf32>
      %convert_element_type3A_131 = arith.extui %gt3A_130 : vector<16xi1> to vector<16xi32>
      %add3A_132 = arith.addi %convert_element_type3A_123, %convert_element_type3A_131 : vector<16xi32>
      %convert_element_type3A_133 = arith.sitofp %convert_element_type3A_124 : vector<16xi32> to vector<16xf32>
      %gt3A_134 = arith.cmpf ogt, %mul3A_121, %convert_element_type3A_133 : vector<16xf32>
      %convert_element_type3A_135 = arith.extui %gt3A_134 : vector<16xi1> to vector<16xi32>
      %add3A_136 = arith.addi %convert_element_type3A_124, %convert_element_type3A_135 : vector<16xi32>
      %mul3A_137 = arith.constant -1640531535 : i32
      %mul3A_138 = vector.broadcast %mul3A_137 : i32 to vector<16xi32>
      %mul3A_139 = arith.muli %add3A_132, %mul3A_138 : vector<16xi32>
      %xor3A_140 = arith.xori %add3A_128, %mul3A_139 : vector<16xi32>
      %mul3A_141 = arith.constant 805459861 : i32
      %mul3A_142 = vector.broadcast %mul3A_141 : i32 to vector<16xi32>
      %mul3A_143 = arith.muli %add3A_136, %mul3A_142 : vector<16xi32>
      %xor3A_144 = arith.xori %xor3A_140, %mul3A_143 : vector<16xi32>
      %and3A_145 = arith.constant 524287 : i32
      %and3A_146 = vector.broadcast %and3A_145 : i32 to vector<16xi32>
      %and3A_147 = arith.andi %xor3A_144, %and3A_146 : vector<16xi32>
      %add3A_148 = arith.constant 524288 : i32
      %add3A_149 = vector.broadcast %add3A_148 : i32 to vector<16xi32>
      %add3A_150 = arith.addi %and3A_147, %add3A_149 : vector<16xi32>
      %shift_right_logical3A_151 = arith.constant 7 : i32
      %shift_right_logical3A_152 = vector.broadcast %shift_right_logical3A_151 : i32 to vector<16xi32>
      %shift_right_logical3A_153 = arith.shrui %add3A_150, %shift_right_logical3A_152 : vector<16xi32>
      %mul3A_154 = arith.constant 256 : i32
      %mul3A_155 = vector.broadcast %mul3A_154 : i32 to vector<16xi32>
      %mul3A_156 = arith.muli %shift_right_logical3A_153, %mul3A_155 : vector<16xi32>
      %and3A_157 = arith.constant 127 : i32
      %and3A_158 = vector.broadcast %and3A_157 : i32 to vector<16xi32>
      %and3A_159 = arith.andi %add3A_150, %and3A_158 : vector<16xi32>
      %add3A_160 = arith.addi %mul3A_156, %and3A_159 : vector<16xi32>
      %add3A_161 = arith.constant 2 : i32
      %add3A_162 = vector.broadcast %add3A_161 : i32 to vector<16xi32>
      %add3A_163 = arith.addi %add3A_43, %add3A_162 : vector<16xi32>
      tpu.vector_store_idx %arg8[%broadcast_in_dim3A_45, %add3A_163], %add3A_160 : memref<8x2048xi32, #tpu.memory_space<vmem>>[vector<16xi32>, vector<16xi32>], vector<16xi32>,
      %add3A_164 = arith.constant 2 : i32
      %add3A_165 = vector.broadcast %add3A_164 : i32 to vector<16xi32>
      %add3A_166 = arith.addi %add3A_43, %add3A_165 : vector<16xi32>
      %add3A_167 = arith.constant 1 : i32
      %add3A_168 = vector.broadcast %add3A_167 : i32 to vector<16xi32>
      %add3A_169 = arith.addi %add3A_166, %add3A_168 : vector<16xi32>
      %add3A_170 = arith.constant 128 : i32
      %add3A_171 = vector.broadcast %add3A_170 : i32 to vector<16xi32>
      %add3A_172 = arith.addi %add3A_160, %add3A_171 : vector<16xi32>
      tpu.vector_store_idx %arg8[%broadcast_in_dim3A_45, %add3A_169], %add3A_172 : memref<8x2048xi32, #tpu.memory_space<vmem>>[vector<16xi32>, vector<16xi32>], vector<16xi32>,
      %get3A_173 = arith.constant 2 : i32
      %get3A_174 = arith.index_cast %get3A_173 : i32 to index
      %get3A_175 = arith.constant 0 : index
      %get3A_176 = tpu.vector_load %arg7[%get3A_174, %get3A_175] {strides = array<i32>} : memref<16x16xf32, #tpu.memory_space<vmem>>, vector<16xf32>,
      %mul3A_177 = arith.mulf %gather3A, %get3A_176 : vector<16xf32>
      %mul3A_178 = arith.mulf %gather3A_56, %get3A_176 : vector<16xf32>
      %mul3A_179 = arith.mulf %gather3A_60, %get3A_176 : vector<16xf32>
      %convert_element_type3A_180 = arith.fptosi %mul3A_177 : vector<16xf32> to vector<16xi32>
      %convert_element_type3A_181 = arith.fptosi %mul3A_178 : vector<16xf32> to vector<16xi32>
      %convert_element_type3A_182 = arith.fptosi %mul3A_179 : vector<16xf32> to vector<16xi32>
      %convert_element_type3A_183 = arith.sitofp %convert_element_type3A_180 : vector<16xi32> to vector<16xf32>
      %gt3A_184 = arith.cmpf ogt, %mul3A_177, %convert_element_type3A_183 : vector<16xf32>
      %convert_element_type3A_185 = arith.extui %gt3A_184 : vector<16xi1> to vector<16xi32>
      %add3A_186 = arith.addi %convert_element_type3A_180, %convert_element_type3A_185 : vector<16xi32>
      %convert_element_type3A_187 = arith.sitofp %convert_element_type3A_181 : vector<16xi32> to vector<16xf32>
      %gt3A_188 = arith.cmpf ogt, %mul3A_178, %convert_element_type3A_187 : vector<16xf32>
      %convert_element_type3A_189 = arith.extui %gt3A_188 : vector<16xi1> to vector<16xi32>
      %add3A_190 = arith.addi %convert_element_type3A_181, %convert_element_type3A_189 : vector<16xi32>
      %convert_element_type3A_191 = arith.sitofp %convert_element_type3A_182 : vector<16xi32> to vector<16xf32>
      %gt3A_192 = arith.cmpf ogt, %mul3A_179, %convert_element_type3A_191 : vector<16xf32>
      %convert_element_type3A_193 = arith.extui %gt3A_192 : vector<16xi1> to vector<16xi32>
      %add3A_194 = arith.addi %convert_element_type3A_182, %convert_element_type3A_193 : vector<16xi32>
      %mul3A_195 = arith.constant -1640531535 : i32
      %mul3A_196 = vector.broadcast %mul3A_195 : i32 to vector<16xi32>
      %mul3A_197 = arith.muli %add3A_190, %mul3A_196 : vector<16xi32>
      %xor3A_198 = arith.xori %add3A_186, %mul3A_197 : vector<16xi32>
      %mul3A_199 = arith.constant 805459861 : i32
      %mul3A_200 = vector.broadcast %mul3A_199 : i32 to vector<16xi32>
      %mul3A_201 = arith.muli %add3A_194, %mul3A_200 : vector<16xi32>
      %xor3A_202 = arith.xori %xor3A_198, %mul3A_201 : vector<16xi32>
      %and3A_203 = arith.constant 524287 : i32
      %and3A_204 = vector.broadcast %and3A_203 : i32 to vector<16xi32>
      %and3A_205 = arith.andi %xor3A_202, %and3A_204 : vector<16xi32>
      %add3A_206 = arith.constant 1048576 : i32
      %add3A_207 = vector.broadcast %add3A_206 : i32 to vector<16xi32>
      %add3A_208 = arith.addi %and3A_205, %add3A_207 : vector<16xi32>
      %shift_right_logical3A_209 = arith.constant 7 : i32
      %shift_right_logical3A_210 = vector.broadcast %shift_right_logical3A_209 : i32 to vector<16xi32>
      %shift_right_logical3A_211 = arith.shrui %add3A_208, %shift_right_logical3A_210 : vector<16xi32>
      %mul3A_212 = arith.constant 256 : i32
      %mul3A_213 = vector.broadcast %mul3A_212 : i32 to vector<16xi32>
      %mul3A_214 = arith.muli %shift_right_logical3A_211, %mul3A_213 : vector<16xi32>
      %and3A_215 = arith.constant 127 : i32
      %and3A_216 = vector.broadcast %and3A_215 : i32 to vector<16xi32>
      %and3A_217 = arith.andi %add3A_208, %and3A_216 : vector<16xi32>
      %add3A_218 = arith.addi %mul3A_214, %and3A_217 : vector<16xi32>
      %add3A_219 = arith.constant 4 : i32
      %add3A_220 = vector.broadcast %add3A_219 : i32 to vector<16xi32>
      %add3A_221 = arith.addi %add3A_43, %add3A_220 : vector<16xi32>
      tpu.vector_store_idx %arg8[%broadcast_in_dim3A_45, %add3A_221], %add3A_218 : memref<8x2048xi32, #tpu.memory_space<vmem>>[vector<16xi32>, vector<16xi32>], vector<16xi32>,
      %add3A_222 = arith.constant 4 : i32
      %add3A_223 = vector.broadcast %add3A_222 : i32 to vector<16xi32>
      %add3A_224 = arith.addi %add3A_43, %add3A_223 : vector<16xi32>
      %add3A_225 = arith.constant 1 : i32
      %add3A_226 = vector.broadcast %add3A_225 : i32 to vector<16xi32>
      %add3A_227 = arith.addi %add3A_224, %add3A_226 : vector<16xi32>
      %add3A_228 = arith.constant 128 : i32
      %add3A_229 = vector.broadcast %add3A_228 : i32 to vector<16xi32>
      %add3A_230 = arith.addi %add3A_218, %add3A_229 : vector<16xi32>
      tpu.vector_store_idx %arg8[%broadcast_in_dim3A_45, %add3A_227], %add3A_230 : memref<8x2048xi32, #tpu.memory_space<vmem>>[vector<16xi32>, vector<16xi32>], vector<16xi32>,
      %get3A_231 = arith.constant 3 : i32
      %get3A_232 = arith.index_cast %get3A_231 : i32 to index
      %get3A_233 = arith.constant 0 : index
      %get3A_234 = tpu.vector_load %arg7[%get3A_232, %get3A_233] {strides = array<i32>} : memref<16x16xf32, #tpu.memory_space<vmem>>, vector<16xf32>,
      %mul3A_235 = arith.mulf %gather3A, %get3A_234 : vector<16xf32>
      %mul3A_236 = arith.mulf %gather3A_56, %get3A_234 : vector<16xf32>
      %mul3A_237 = arith.mulf %gather3A_60, %get3A_234 : vector<16xf32>
      %convert_element_type3A_238 = arith.fptosi %mul3A_235 : vector<16xf32> to vector<16xi32>
      %convert_element_type3A_239 = arith.fptosi %mul3A_236 : vector<16xf32> to vector<16xi32>
      %convert_element_type3A_240 = arith.fptosi %mul3A_237 : vector<16xf32> to vector<16xi32>
      %convert_element_type3A_241 = arith.sitofp %convert_element_type3A_238 : vector<16xi32> to vector<16xf32>
      %gt3A_242 = arith.cmpf ogt, %mul3A_235, %convert_element_type3A_241 : vector<16xf32>
      %convert_element_type3A_243 = arith.extui %gt3A_242 : vector<16xi1> to vector<16xi32>
      %add3A_244 = arith.addi %convert_element_type3A_238, %convert_element_type3A_243 : vector<16xi32>
      %convert_element_type3A_245 = arith.sitofp %convert_element_type3A_239 : vector<16xi32> to vector<16xf32>
      %gt3A_246 = arith.cmpf ogt, %mul3A_236, %convert_element_type3A_245 : vector<16xf32>
      %convert_element_type3A_247 = arith.extui %gt3A_246 : vector<16xi1> to vector<16xi32>
      %add3A_248 = arith.addi %convert_element_type3A_239, %convert_element_type3A_247 : vector<16xi32>
      %convert_element_type3A_249 = arith.sitofp %convert_element_type3A_240 : vector<16xi32> to vector<16xf32>
      %gt3A_250 = arith.cmpf ogt, %mul3A_237, %convert_element_type3A_249 : vector<16xf32>
      %convert_element_type3A_251 = arith.extui %gt3A_250 : vector<16xi1> to vector<16xi32>
      %add3A_252 = arith.addi %convert_element_type3A_240, %convert_element_type3A_251 : vector<16xi32>
      %mul3A_253 = arith.constant -1640531535 : i32
      %mul3A_254 = vector.broadcast %mul3A_253 : i32 to vector<16xi32>
      %mul3A_255 = arith.muli %add3A_248, %mul3A_254 : vector<16xi32>
      %xor3A_256 = arith.xori %add3A_244, %mul3A_255 : vector<16xi32>
      %mul3A_257 = arith.constant 805459861 : i32
      %mul3A_258 = vector.broadcast %mul3A_257 : i32 to vector<16xi32>
      %mul3A_259 = arith.muli %add3A_252, %mul3A_258 : vector<16xi32>
      %xor3A_260 = arith.xori %xor3A_256, %mul3A_259 : vector<16xi32>
      %and3A_261 = arith.constant 524287 : i32
      %and3A_262 = vector.broadcast %and3A_261 : i32 to vector<16xi32>
      %and3A_263 = arith.andi %xor3A_260, %and3A_262 : vector<16xi32>
      %add3A_264 = arith.constant 1572864 : i32
      %add3A_265 = vector.broadcast %add3A_264 : i32 to vector<16xi32>
      %add3A_266 = arith.addi %and3A_263, %add3A_265 : vector<16xi32>
      %shift_right_logical3A_267 = arith.constant 7 : i32
      %shift_right_logical3A_268 = vector.broadcast %shift_right_logical3A_267 : i32 to vector<16xi32>
      %shift_right_logical3A_269 = arith.shrui %add3A_266, %shift_right_logical3A_268 : vector<16xi32>
      %mul3A_270 = arith.constant 256 : i32
      %mul3A_271 = vector.broadcast %mul3A_270 : i32 to vector<16xi32>
      %mul3A_272 = arith.muli %shift_right_logical3A_269, %mul3A_271 : vector<16xi32>
      %and3A_273 = arith.constant 127 : i32
      %and3A_274 = vector.broadcast %and3A_273 : i32 to vector<16xi32>
      %and3A_275 = arith.andi %add3A_266, %and3A_274 : vector<16xi32>
      %add3A_276 = arith.addi %mul3A_272, %and3A_275 : vector<16xi32>
      %add3A_277 = arith.constant 6 : i32
      %add3A_278 = vector.broadcast %add3A_277 : i32 to vector<16xi32>
      %add3A_279 = arith.addi %add3A_43, %add3A_278 : vector<16xi32>
      tpu.vector_store_idx %arg8[%broadcast_in_dim3A_45, %add3A_279], %add3A_276 : memref<8x2048xi32, #tpu.memory_space<vmem>>[vector<16xi32>, vector<16xi32>], vector<16xi32>,
      %add3A_280 = arith.constant 6 : i32
      %add3A_281 = vector.broadcast %add3A_280 : i32 to vector<16xi32>
      %add3A_282 = arith.addi %add3A_43, %add3A_281 : vector<16xi32>
      %add3A_283 = arith.constant 1 : i32
      %add3A_284 = vector.broadcast %add3A_283 : i32 to vector<16xi32>
      %add3A_285 = arith.addi %add3A_282, %add3A_284 : vector<16xi32>
      %add3A_286 = arith.constant 128 : i32
      %add3A_287 = vector.broadcast %add3A_286 : i32 to vector<16xi32>
      %add3A_288 = arith.addi %add3A_276, %add3A_287 : vector<16xi32>
      tpu.vector_store_idx %arg8[%broadcast_in_dim3A_45, %add3A_285], %add3A_288 : memref<8x2048xi32, #tpu.memory_space<vmem>>[vector<16xi32>, vector<16xi32>], vector<16xi32>,
      %get3A_289 = arith.constant 4 : i32
      %get3A_290 = arith.index_cast %get3A_289 : i32 to index
      %get3A_291 = arith.constant 0 : index
      %get3A_292 = tpu.vector_load %arg7[%get3A_290, %get3A_291] {strides = array<i32>} : memref<16x16xf32, #tpu.memory_space<vmem>>, vector<16xf32>,
      %mul3A_293 = arith.mulf %gather3A, %get3A_292 : vector<16xf32>
      %mul3A_294 = arith.mulf %gather3A_56, %get3A_292 : vector<16xf32>
      %mul3A_295 = arith.mulf %gather3A_60, %get3A_292 : vector<16xf32>
      %convert_element_type3A_296 = arith.fptosi %mul3A_293 : vector<16xf32> to vector<16xi32>
      %convert_element_type3A_297 = arith.fptosi %mul3A_294 : vector<16xf32> to vector<16xi32>
      %convert_element_type3A_298 = arith.fptosi %mul3A_295 : vector<16xf32> to vector<16xi32>
      %convert_element_type3A_299 = arith.sitofp %convert_element_type3A_296 : vector<16xi32> to vector<16xf32>
      %gt3A_300 = arith.cmpf ogt, %mul3A_293, %convert_element_type3A_299 : vector<16xf32>
      %convert_element_type3A_301 = arith.extui %gt3A_300 : vector<16xi1> to vector<16xi32>
      %add3A_302 = arith.addi %convert_element_type3A_296, %convert_element_type3A_301 : vector<16xi32>
      %convert_element_type3A_303 = arith.sitofp %convert_element_type3A_297 : vector<16xi32> to vector<16xf32>
      %gt3A_304 = arith.cmpf ogt, %mul3A_294, %convert_element_type3A_303 : vector<16xf32>
      %convert_element_type3A_305 = arith.extui %gt3A_304 : vector<16xi1> to vector<16xi32>
      %add3A_306 = arith.addi %convert_element_type3A_297, %convert_element_type3A_305 : vector<16xi32>
      %convert_element_type3A_307 = arith.sitofp %convert_element_type3A_298 : vector<16xi32> to vector<16xf32>
      %gt3A_308 = arith.cmpf ogt, %mul3A_295, %convert_element_type3A_307 : vector<16xf32>
      %convert_element_type3A_309 = arith.extui %gt3A_308 : vector<16xi1> to vector<16xi32>
      %add3A_310 = arith.addi %convert_element_type3A_298, %convert_element_type3A_309 : vector<16xi32>
      %mul3A_311 = arith.constant -1640531535 : i32
      %mul3A_312 = vector.broadcast %mul3A_311 : i32 to vector<16xi32>
      %mul3A_313 = arith.muli %add3A_306, %mul3A_312 : vector<16xi32>
      %xor3A_314 = arith.xori %add3A_302, %mul3A_313 : vector<16xi32>
      %mul3A_315 = arith.constant 805459861 : i32
      %mul3A_316 = vector.broadcast %mul3A_315 : i32 to vector<16xi32>
      %mul3A_317 = arith.muli %add3A_310, %mul3A_316 : vector<16xi32>
      %xor3A_318 = arith.xori %xor3A_314, %mul3A_317 : vector<16xi32>
      %and3A_319 = arith.constant 524287 : i32
      %and3A_320 = vector.broadcast %and3A_319 : i32 to vector<16xi32>
      %and3A_321 = arith.andi %xor3A_318, %and3A_320 : vector<16xi32>
      %add3A_322 = arith.constant 2097152 : i32
      %add3A_323 = vector.broadcast %add3A_322 : i32 to vector<16xi32>
      %add3A_324 = arith.addi %and3A_321, %add3A_323 : vector<16xi32>
      %shift_right_logical3A_325 = arith.constant 7 : i32
      %shift_right_logical3A_326 = vector.broadcast %shift_right_logical3A_325 : i32 to vector<16xi32>
      %shift_right_logical3A_327 = arith.shrui %add3A_324, %shift_right_logical3A_326 : vector<16xi32>
      %mul3A_328 = arith.constant 256 : i32
      %mul3A_329 = vector.broadcast %mul3A_328 : i32 to vector<16xi32>
      %mul3A_330 = arith.muli %shift_right_logical3A_327, %mul3A_329 : vector<16xi32>
      %and3A_331 = arith.constant 127 : i32
      %and3A_332 = vector.broadcast %and3A_331 : i32 to vector<16xi32>
      %and3A_333 = arith.andi %add3A_324, %and3A_332 : vector<16xi32>
      %add3A_334 = arith.addi %mul3A_330, %and3A_333 : vector<16xi32>
      %add3A_335 = arith.constant 8 : i32
      %add3A_336 = vector.broadcast %add3A_335 : i32 to vector<16xi32>
      %add3A_337 = arith.addi %add3A_43, %add3A_336 : vector<16xi32>
      tpu.vector_store_idx %arg8[%broadcast_in_dim3A_45, %add3A_337], %add3A_334 : memref<8x2048xi32, #tpu.memory_space<vmem>>[vector<16xi32>, vector<16xi32>], vector<16xi32>,
      %add3A_338 = arith.constant 8 : i32
      %add3A_339 = vector.broadcast %add3A_338 : i32 to vector<16xi32>
      %add3A_340 = arith.addi %add3A_43, %add3A_339 : vector<16xi32>
      %add3A_341 = arith.constant 1 : i32
      %add3A_342 = vector.broadcast %add3A_341 : i32 to vector<16xi32>
      %add3A_343 = arith.addi %add3A_340, %add3A_342 : vector<16xi32>
      %add3A_344 = arith.constant 128 : i32
      %add3A_345 = vector.broadcast %add3A_344 : i32 to vector<16xi32>
      %add3A_346 = arith.addi %add3A_334, %add3A_345 : vector<16xi32>
      tpu.vector_store_idx %arg8[%broadcast_in_dim3A_45, %add3A_343], %add3A_346 : memref<8x2048xi32, #tpu.memory_space<vmem>>[vector<16xi32>, vector<16xi32>], vector<16xi32>,
      %get3A_347 = arith.constant 5 : i32
      %get3A_348 = arith.index_cast %get3A_347 : i32 to index
      %get3A_349 = arith.constant 0 : index
      %get3A_350 = tpu.vector_load %arg7[%get3A_348, %get3A_349] {strides = array<i32>} : memref<16x16xf32, #tpu.memory_space<vmem>>, vector<16xf32>,
      %mul3A_351 = arith.mulf %gather3A, %get3A_350 : vector<16xf32>
      %mul3A_352 = arith.mulf %gather3A_56, %get3A_350 : vector<16xf32>
      %mul3A_353 = arith.mulf %gather3A_60, %get3A_350 : vector<16xf32>
      %convert_element_type3A_354 = arith.fptosi %mul3A_351 : vector<16xf32> to vector<16xi32>
      %convert_element_type3A_355 = arith.fptosi %mul3A_352 : vector<16xf32> to vector<16xi32>
      %convert_element_type3A_356 = arith.fptosi %mul3A_353 : vector<16xf32> to vector<16xi32>
      %convert_element_type3A_357 = arith.sitofp %convert_element_type3A_354 : vector<16xi32> to vector<16xf32>
      %gt3A_358 = arith.cmpf ogt, %mul3A_351, %convert_element_type3A_357 : vector<16xf32>
      %convert_element_type3A_359 = arith.extui %gt3A_358 : vector<16xi1> to vector<16xi32>
      %add3A_360 = arith.addi %convert_element_type3A_354, %convert_element_type3A_359 : vector<16xi32>
      %convert_element_type3A_361 = arith.sitofp %convert_element_type3A_355 : vector<16xi32> to vector<16xf32>
      %gt3A_362 = arith.cmpf ogt, %mul3A_352, %convert_element_type3A_361 : vector<16xf32>
      %convert_element_type3A_363 = arith.extui %gt3A_362 : vector<16xi1> to vector<16xi32>
      %add3A_364 = arith.addi %convert_element_type3A_355, %convert_element_type3A_363 : vector<16xi32>
      %convert_element_type3A_365 = arith.sitofp %convert_element_type3A_356 : vector<16xi32> to vector<16xf32>
      %gt3A_366 = arith.cmpf ogt, %mul3A_353, %convert_element_type3A_365 : vector<16xf32>
      %convert_element_type3A_367 = arith.extui %gt3A_366 : vector<16xi1> to vector<16xi32>
      %add3A_368 = arith.addi %convert_element_type3A_356, %convert_element_type3A_367 : vector<16xi32>
      %mul3A_369 = arith.constant -1640531535 : i32
      %mul3A_370 = vector.broadcast %mul3A_369 : i32 to vector<16xi32>
      %mul3A_371 = arith.muli %add3A_364, %mul3A_370 : vector<16xi32>
      %xor3A_372 = arith.xori %add3A_360, %mul3A_371 : vector<16xi32>
      %mul3A_373 = arith.constant 805459861 : i32
      %mul3A_374 = vector.broadcast %mul3A_373 : i32 to vector<16xi32>
      %mul3A_375 = arith.muli %add3A_368, %mul3A_374 : vector<16xi32>
      %xor3A_376 = arith.xori %xor3A_372, %mul3A_375 : vector<16xi32>
      %and3A_377 = arith.constant 524287 : i32
      %and3A_378 = vector.broadcast %and3A_377 : i32 to vector<16xi32>
      %and3A_379 = arith.andi %xor3A_376, %and3A_378 : vector<16xi32>
      %add3A_380 = arith.constant 2621440 : i32
      %add3A_381 = vector.broadcast %add3A_380 : i32 to vector<16xi32>
      %add3A_382 = arith.addi %and3A_379, %add3A_381 : vector<16xi32>
      %shift_right_logical3A_383 = arith.constant 7 : i32
      %shift_right_logical3A_384 = vector.broadcast %shift_right_logical3A_383 : i32 to vector<16xi32>
      %shift_right_logical3A_385 = arith.shrui %add3A_382, %shift_right_logical3A_384 : vector<16xi32>
      %mul3A_386 = arith.constant 256 : i32
      %mul3A_387 = vector.broadcast %mul3A_386 : i32 to vector<16xi32>
      %mul3A_388 = arith.muli %shift_right_logical3A_385, %mul3A_387 : vector<16xi32>
      %and3A_389 = arith.constant 127 : i32
      %and3A_390 = vector.broadcast %and3A_389 : i32 to vector<16xi32>
      %and3A_391 = arith.andi %add3A_382, %and3A_390 : vector<16xi32>
      %add3A_392 = arith.addi %mul3A_388, %and3A_391 : vector<16xi32>
      %add3A_393 = arith.constant 10 : i32
      %add3A_394 = vector.broadcast %add3A_393 : i32 to vector<16xi32>
      %add3A_395 = arith.addi %add3A_43, %add3A_394 : vector<16xi32>
      tpu.vector_store_idx %arg8[%broadcast_in_dim3A_45, %add3A_395], %add3A_392 : memref<8x2048xi32, #tpu.memory_space<vmem>>[vector<16xi32>, vector<16xi32>], vector<16xi32>,
      %add3A_396 = arith.constant 10 : i32
      %add3A_397 = vector.broadcast %add3A_396 : i32 to vector<16xi32>
      %add3A_398 = arith.addi %add3A_43, %add3A_397 : vector<16xi32>
      %add3A_399 = arith.constant 1 : i32
      %add3A_400 = vector.broadcast %add3A_399 : i32 to vector<16xi32>
      %add3A_401 = arith.addi %add3A_398, %add3A_400 : vector<16xi32>
      %add3A_402 = arith.constant 128 : i32
      %add3A_403 = vector.broadcast %add3A_402 : i32 to vector<16xi32>
      %add3A_404 = arith.addi %add3A_392, %add3A_403 : vector<16xi32>
      tpu.vector_store_idx %arg8[%broadcast_in_dim3A_45, %add3A_401], %add3A_404 : memref<8x2048xi32, #tpu.memory_space<vmem>>[vector<16xi32>, vector<16xi32>], vector<16xi32>,
      %get3A_405 = arith.constant 6 : i32
      %get3A_406 = arith.index_cast %get3A_405 : i32 to index
      %get3A_407 = arith.constant 0 : index
      %get3A_408 = tpu.vector_load %arg7[%get3A_406, %get3A_407] {strides = array<i32>} : memref<16x16xf32, #tpu.memory_space<vmem>>, vector<16xf32>,
      %mul3A_409 = arith.mulf %gather3A, %get3A_408 : vector<16xf32>
      %mul3A_410 = arith.mulf %gather3A_56, %get3A_408 : vector<16xf32>
      %mul3A_411 = arith.mulf %gather3A_60, %get3A_408 : vector<16xf32>
      %convert_element_type3A_412 = arith.fptosi %mul3A_409 : vector<16xf32> to vector<16xi32>
      %convert_element_type3A_413 = arith.fptosi %mul3A_410 : vector<16xf32> to vector<16xi32>
      %convert_element_type3A_414 = arith.fptosi %mul3A_411 : vector<16xf32> to vector<16xi32>
      %convert_element_type3A_415 = arith.sitofp %convert_element_type3A_412 : vector<16xi32> to vector<16xf32>
      %gt3A_416 = arith.cmpf ogt, %mul3A_409, %convert_element_type3A_415 : vector<16xf32>
      %convert_element_type3A_417 = arith.extui %gt3A_416 : vector<16xi1> to vector<16xi32>
      %add3A_418 = arith.addi %convert_element_type3A_412, %convert_element_type3A_417 : vector<16xi32>
      %convert_element_type3A_419 = arith.sitofp %convert_element_type3A_413 : vector<16xi32> to vector<16xf32>
      %gt3A_420 = arith.cmpf ogt, %mul3A_410, %convert_element_type3A_419 : vector<16xf32>
      %convert_element_type3A_421 = arith.extui %gt3A_420 : vector<16xi1> to vector<16xi32>
      %add3A_422 = arith.addi %convert_element_type3A_413, %convert_element_type3A_421 : vector<16xi32>
      %convert_element_type3A_423 = arith.sitofp %convert_element_type3A_414 : vector<16xi32> to vector<16xf32>
      %gt3A_424 = arith.cmpf ogt, %mul3A_411, %convert_element_type3A_423 : vector<16xf32>
      %convert_element_type3A_425 = arith.extui %gt3A_424 : vector<16xi1> to vector<16xi32>
      %add3A_426 = arith.addi %convert_element_type3A_414, %convert_element_type3A_425 : vector<16xi32>
      %mul3A_427 = arith.constant -1640531535 : i32
      %mul3A_428 = vector.broadcast %mul3A_427 : i32 to vector<16xi32>
      %mul3A_429 = arith.muli %add3A_422, %mul3A_428 : vector<16xi32>
      %xor3A_430 = arith.xori %add3A_418, %mul3A_429 : vector<16xi32>
      %mul3A_431 = arith.constant 805459861 : i32
      %mul3A_432 = vector.broadcast %mul3A_431 : i32 to vector<16xi32>
      %mul3A_433 = arith.muli %add3A_426, %mul3A_432 : vector<16xi32>
      %xor3A_434 = arith.xori %xor3A_430, %mul3A_433 : vector<16xi32>
      %and3A_435 = arith.constant 524287 : i32
      %and3A_436 = vector.broadcast %and3A_435 : i32 to vector<16xi32>
      %and3A_437 = arith.andi %xor3A_434, %and3A_436 : vector<16xi32>
      %add3A_438 = arith.constant 3145728 : i32
      %add3A_439 = vector.broadcast %add3A_438 : i32 to vector<16xi32>
      %add3A_440 = arith.addi %and3A_437, %add3A_439 : vector<16xi32>
      %shift_right_logical3A_441 = arith.constant 7 : i32
      %shift_right_logical3A_442 = vector.broadcast %shift_right_logical3A_441 : i32 to vector<16xi32>
      %shift_right_logical3A_443 = arith.shrui %add3A_440, %shift_right_logical3A_442 : vector<16xi32>
      %mul3A_444 = arith.constant 256 : i32
      %mul3A_445 = vector.broadcast %mul3A_444 : i32 to vector<16xi32>
      %mul3A_446 = arith.muli %shift_right_logical3A_443, %mul3A_445 : vector<16xi32>
      %and3A_447 = arith.constant 127 : i32
      %and3A_448 = vector.broadcast %and3A_447 : i32 to vector<16xi32>
      %and3A_449 = arith.andi %add3A_440, %and3A_448 : vector<16xi32>
      %add3A_450 = arith.addi %mul3A_446, %and3A_449 : vector<16xi32>
      %add3A_451 = arith.constant 12 : i32
      %add3A_452 = vector.broadcast %add3A_451 : i32 to vector<16xi32>
      %add3A_453 = arith.addi %add3A_43, %add3A_452 : vector<16xi32>
      tpu.vector_store_idx %arg8[%broadcast_in_dim3A_45, %add3A_453], %add3A_450 : memref<8x2048xi32, #tpu.memory_space<vmem>>[vector<16xi32>, vector<16xi32>], vector<16xi32>,
      %add3A_454 = arith.constant 12 : i32
      %add3A_455 = vector.broadcast %add3A_454 : i32 to vector<16xi32>
      %add3A_456 = arith.addi %add3A_43, %add3A_455 : vector<16xi32>
      %add3A_457 = arith.constant 1 : i32
      %add3A_458 = vector.broadcast %add3A_457 : i32 to vector<16xi32>
      %add3A_459 = arith.addi %add3A_456, %add3A_458 : vector<16xi32>
      %add3A_460 = arith.constant 128 : i32
      %add3A_461 = vector.broadcast %add3A_460 : i32 to vector<16xi32>
      %add3A_462 = arith.addi %add3A_450, %add3A_461 : vector<16xi32>
      tpu.vector_store_idx %arg8[%broadcast_in_dim3A_45, %add3A_459], %add3A_462 : memref<8x2048xi32, #tpu.memory_space<vmem>>[vector<16xi32>, vector<16xi32>], vector<16xi32>,
      %get3A_463 = arith.constant 7 : i32
      %get3A_464 = arith.index_cast %get3A_463 : i32 to index
      %get3A_465 = arith.constant 0 : index
      %get3A_466 = tpu.vector_load %arg7[%get3A_464, %get3A_465] {strides = array<i32>} : memref<16x16xf32, #tpu.memory_space<vmem>>, vector<16xf32>,
      %mul3A_467 = arith.mulf %gather3A, %get3A_466 : vector<16xf32>
      %mul3A_468 = arith.mulf %gather3A_56, %get3A_466 : vector<16xf32>
      %mul3A_469 = arith.mulf %gather3A_60, %get3A_466 : vector<16xf32>
      %convert_element_type3A_470 = arith.fptosi %mul3A_467 : vector<16xf32> to vector<16xi32>
      %convert_element_type3A_471 = arith.fptosi %mul3A_468 : vector<16xf32> to vector<16xi32>
      %convert_element_type3A_472 = arith.fptosi %mul3A_469 : vector<16xf32> to vector<16xi32>
      %convert_element_type3A_473 = arith.sitofp %convert_element_type3A_470 : vector<16xi32> to vector<16xf32>
      %gt3A_474 = arith.cmpf ogt, %mul3A_467, %convert_element_type3A_473 : vector<16xf32>
      %convert_element_type3A_475 = arith.extui %gt3A_474 : vector<16xi1> to vector<16xi32>
      %add3A_476 = arith.addi %convert_element_type3A_470, %convert_element_type3A_475 : vector<16xi32>
      %convert_element_type3A_477 = arith.sitofp %convert_element_type3A_471 : vector<16xi32> to vector<16xf32>
      %gt3A_478 = arith.cmpf ogt, %mul3A_468, %convert_element_type3A_477 : vector<16xf32>
      %convert_element_type3A_479 = arith.extui %gt3A_478 : vector<16xi1> to vector<16xi32>
      %add3A_480 = arith.addi %convert_element_type3A_471, %convert_element_type3A_479 : vector<16xi32>
      %convert_element_type3A_481 = arith.sitofp %convert_element_type3A_472 : vector<16xi32> to vector<16xf32>
      %gt3A_482 = arith.cmpf ogt, %mul3A_469, %convert_element_type3A_481 : vector<16xf32>
      %convert_element_type3A_483 = arith.extui %gt3A_482 : vector<16xi1> to vector<16xi32>
      %add3A_484 = arith.addi %convert_element_type3A_472, %convert_element_type3A_483 : vector<16xi32>
      %mul3A_485 = arith.constant -1640531535 : i32
      %mul3A_486 = vector.broadcast %mul3A_485 : i32 to vector<16xi32>
      %mul3A_487 = arith.muli %add3A_480, %mul3A_486 : vector<16xi32>
      %xor3A_488 = arith.xori %add3A_476, %mul3A_487 : vector<16xi32>
      %mul3A_489 = arith.constant 805459861 : i32
      %mul3A_490 = vector.broadcast %mul3A_489 : i32 to vector<16xi32>
      %mul3A_491 = arith.muli %add3A_484, %mul3A_490 : vector<16xi32>
      %xor3A_492 = arith.xori %xor3A_488, %mul3A_491 : vector<16xi32>
      %and3A_493 = arith.constant 524287 : i32
      %and3A_494 = vector.broadcast %and3A_493 : i32 to vector<16xi32>
      %and3A_495 = arith.andi %xor3A_492, %and3A_494 : vector<16xi32>
      %add3A_496 = arith.constant 3670016 : i32
      %add3A_497 = vector.broadcast %add3A_496 : i32 to vector<16xi32>
      %add3A_498 = arith.addi %and3A_495, %add3A_497 : vector<16xi32>
      %shift_right_logical3A_499 = arith.constant 7 : i32
      %shift_right_logical3A_500 = vector.broadcast %shift_right_logical3A_499 : i32 to vector<16xi32>
      %shift_right_logical3A_501 = arith.shrui %add3A_498, %shift_right_logical3A_500 : vector<16xi32>
      %mul3A_502 = arith.constant 256 : i32
      %mul3A_503 = vector.broadcast %mul3A_502 : i32 to vector<16xi32>
      %mul3A_504 = arith.muli %shift_right_logical3A_501, %mul3A_503 : vector<16xi32>
      %and3A_505 = arith.constant 127 : i32
      %and3A_506 = vector.broadcast %and3A_505 : i32 to vector<16xi32>
      %and3A_507 = arith.andi %add3A_498, %and3A_506 : vector<16xi32>
      %add3A_508 = arith.addi %mul3A_504, %and3A_507 : vector<16xi32>
      %add3A_509 = arith.constant 14 : i32
      %add3A_510 = vector.broadcast %add3A_509 : i32 to vector<16xi32>
      %add3A_511 = arith.addi %add3A_43, %add3A_510 : vector<16xi32>
      tpu.vector_store_idx %arg8[%broadcast_in_dim3A_45, %add3A_511], %add3A_508 : memref<8x2048xi32, #tpu.memory_space<vmem>>[vector<16xi32>, vector<16xi32>], vector<16xi32>,
      %add3A_512 = arith.constant 14 : i32
      %add3A_513 = vector.broadcast %add3A_512 : i32 to vector<16xi32>
      %add3A_514 = arith.addi %add3A_43, %add3A_513 : vector<16xi32>
      %add3A_515 = arith.constant 1 : i32
      %add3A_516 = vector.broadcast %add3A_515 : i32 to vector<16xi32>
      %add3A_517 = arith.addi %add3A_514, %add3A_516 : vector<16xi32>
      %add3A_518 = arith.constant 128 : i32
      %add3A_519 = vector.broadcast %add3A_518 : i32 to vector<16xi32>
      %add3A_520 = arith.addi %add3A_508, %add3A_519 : vector<16xi32>
      tpu.vector_store_idx %arg8[%broadcast_in_dim3A_45, %add3A_517], %add3A_520 : memref<8x2048xi32, #tpu.memory_space<vmem>>[vector<16xi32>, vector<16xi32>], vector<16xi32>,
      %get3A_521 = arith.constant 8 : i32
      %get3A_522 = arith.index_cast %get3A_521 : i32 to index
      %get3A_523 = arith.constant 0 : index
      %get3A_524 = tpu.vector_load %arg7[%get3A_522, %get3A_523] {strides = array<i32>} : memref<16x16xf32, #tpu.memory_space<vmem>>, vector<16xf32>,
      %mul3A_525 = arith.mulf %gather3A, %get3A_524 : vector<16xf32>
      %mul3A_526 = arith.mulf %gather3A_56, %get3A_524 : vector<16xf32>
      %mul3A_527 = arith.mulf %gather3A_60, %get3A_524 : vector<16xf32>
      %convert_element_type3A_528 = arith.fptosi %mul3A_525 : vector<16xf32> to vector<16xi32>
      %convert_element_type3A_529 = arith.fptosi %mul3A_526 : vector<16xf32> to vector<16xi32>
      %convert_element_type3A_530 = arith.fptosi %mul3A_527 : vector<16xf32> to vector<16xi32>
      %convert_element_type3A_531 = arith.sitofp %convert_element_type3A_528 : vector<16xi32> to vector<16xf32>
      %gt3A_532 = arith.cmpf ogt, %mul3A_525, %convert_element_type3A_531 : vector<16xf32>
      %convert_element_type3A_533 = arith.extui %gt3A_532 : vector<16xi1> to vector<16xi32>
      %add3A_534 = arith.addi %convert_element_type3A_528, %convert_element_type3A_533 : vector<16xi32>
      %convert_element_type3A_535 = arith.sitofp %convert_element_type3A_529 : vector<16xi32> to vector<16xf32>
      %gt3A_536 = arith.cmpf ogt, %mul3A_526, %convert_element_type3A_535 : vector<16xf32>
      %convert_element_type3A_537 = arith.extui %gt3A_536 : vector<16xi1> to vector<16xi32>
      %add3A_538 = arith.addi %convert_element_type3A_529, %convert_element_type3A_537 : vector<16xi32>
      %convert_element_type3A_539 = arith.sitofp %convert_element_type3A_530 : vector<16xi32> to vector<16xf32>
      %gt3A_540 = arith.cmpf ogt, %mul3A_527, %convert_element_type3A_539 : vector<16xf32>
      %convert_element_type3A_541 = arith.extui %gt3A_540 : vector<16xi1> to vector<16xi32>
      %add3A_542 = arith.addi %convert_element_type3A_530, %convert_element_type3A_541 : vector<16xi32>
      %mul3A_543 = arith.constant -1640531535 : i32
      %mul3A_544 = vector.broadcast %mul3A_543 : i32 to vector<16xi32>
      %mul3A_545 = arith.muli %add3A_538, %mul3A_544 : vector<16xi32>
      %xor3A_546 = arith.xori %add3A_534, %mul3A_545 : vector<16xi32>
      %mul3A_547 = arith.constant 805459861 : i32
      %mul3A_548 = vector.broadcast %mul3A_547 : i32 to vector<16xi32>
      %mul3A_549 = arith.muli %add3A_542, %mul3A_548 : vector<16xi32>
      %xor3A_550 = arith.xori %xor3A_546, %mul3A_549 : vector<16xi32>
      %and3A_551 = arith.constant 524287 : i32
      %and3A_552 = vector.broadcast %and3A_551 : i32 to vector<16xi32>
      %and3A_553 = arith.andi %xor3A_550, %and3A_552 : vector<16xi32>
      %add3A_554 = arith.constant 4194304 : i32
      %add3A_555 = vector.broadcast %add3A_554 : i32 to vector<16xi32>
      %add3A_556 = arith.addi %and3A_553, %add3A_555 : vector<16xi32>
      %shift_right_logical3A_557 = arith.constant 7 : i32
      %shift_right_logical3A_558 = vector.broadcast %shift_right_logical3A_557 : i32 to vector<16xi32>
      %shift_right_logical3A_559 = arith.shrui %add3A_556, %shift_right_logical3A_558 : vector<16xi32>
      %mul3A_560 = arith.constant 256 : i32
      %mul3A_561 = vector.broadcast %mul3A_560 : i32 to vector<16xi32>
      %mul3A_562 = arith.muli %shift_right_logical3A_559, %mul3A_561 : vector<16xi32>
      %and3A_563 = arith.constant 127 : i32
      %and3A_564 = vector.broadcast %and3A_563 : i32 to vector<16xi32>
      %and3A_565 = arith.andi %add3A_556, %and3A_564 : vector<16xi32>
      %add3A_566 = arith.addi %mul3A_562, %and3A_565 : vector<16xi32>
      %add3A_567 = arith.constant 16 : i32
      %add3A_568 = vector.broadcast %add3A_567 : i32 to vector<16xi32>
      %add3A_569 = arith.addi %add3A_43, %add3A_568 : vector<16xi32>
      tpu.vector_store_idx %arg8[%broadcast_in_dim3A_45, %add3A_569], %add3A_566 : memref<8x2048xi32, #tpu.memory_space<vmem>>[vector<16xi32>, vector<16xi32>], vector<16xi32>,
      %add3A_570 = arith.constant 16 : i32
      %add3A_571 = vector.broadcast %add3A_570 : i32 to vector<16xi32>
      %add3A_572 = arith.addi %add3A_43, %add3A_571 : vector<16xi32>
      %add3A_573 = arith.constant 1 : i32
      %add3A_574 = vector.broadcast %add3A_573 : i32 to vector<16xi32>
      %add3A_575 = arith.addi %add3A_572, %add3A_574 : vector<16xi32>
      %add3A_576 = arith.constant 128 : i32
      %add3A_577 = vector.broadcast %add3A_576 : i32 to vector<16xi32>
      %add3A_578 = arith.addi %add3A_566, %add3A_577 : vector<16xi32>
      tpu.vector_store_idx %arg8[%broadcast_in_dim3A_45, %add3A_575], %add3A_578 : memref<8x2048xi32, #tpu.memory_space<vmem>>[vector<16xi32>, vector<16xi32>], vector<16xi32>,
      %get3A_579 = arith.constant 9 : i32
      %get3A_580 = arith.index_cast %get3A_579 : i32 to index
      %get3A_581 = arith.constant 0 : index
      %get3A_582 = tpu.vector_load %arg7[%get3A_580, %get3A_581] {strides = array<i32>} : memref<16x16xf32, #tpu.memory_space<vmem>>, vector<16xf32>,
      %mul3A_583 = arith.mulf %gather3A, %get3A_582 : vector<16xf32>
      %mul3A_584 = arith.mulf %gather3A_56, %get3A_582 : vector<16xf32>
      %mul3A_585 = arith.mulf %gather3A_60, %get3A_582 : vector<16xf32>
      %convert_element_type3A_586 = arith.fptosi %mul3A_583 : vector<16xf32> to vector<16xi32>
      %convert_element_type3A_587 = arith.fptosi %mul3A_584 : vector<16xf32> to vector<16xi32>
      %convert_element_type3A_588 = arith.fptosi %mul3A_585 : vector<16xf32> to vector<16xi32>
      %convert_element_type3A_589 = arith.sitofp %convert_element_type3A_586 : vector<16xi32> to vector<16xf32>
      %gt3A_590 = arith.cmpf ogt, %mul3A_583, %convert_element_type3A_589 : vector<16xf32>
      %convert_element_type3A_591 = arith.extui %gt3A_590 : vector<16xi1> to vector<16xi32>
      %add3A_592 = arith.addi %convert_element_type3A_586, %convert_element_type3A_591 : vector<16xi32>
      %convert_element_type3A_593 = arith.sitofp %convert_element_type3A_587 : vector<16xi32> to vector<16xf32>
      %gt3A_594 = arith.cmpf ogt, %mul3A_584, %convert_element_type3A_593 : vector<16xf32>
      %convert_element_type3A_595 = arith.extui %gt3A_594 : vector<16xi1> to vector<16xi32>
      %add3A_596 = arith.addi %convert_element_type3A_587, %convert_element_type3A_595 : vector<16xi32>
      %convert_element_type3A_597 = arith.sitofp %convert_element_type3A_588 : vector<16xi32> to vector<16xf32>
      %gt3A_598 = arith.cmpf ogt, %mul3A_585, %convert_element_type3A_597 : vector<16xf32>
      %convert_element_type3A_599 = arith.extui %gt3A_598 : vector<16xi1> to vector<16xi32>
      %add3A_600 = arith.addi %convert_element_type3A_588, %convert_element_type3A_599 : vector<16xi32>
      %mul3A_601 = arith.constant -1640531535 : i32
      %mul3A_602 = vector.broadcast %mul3A_601 : i32 to vector<16xi32>
      %mul3A_603 = arith.muli %add3A_596, %mul3A_602 : vector<16xi32>
      %xor3A_604 = arith.xori %add3A_592, %mul3A_603 : vector<16xi32>
      %mul3A_605 = arith.constant 805459861 : i32
      %mul3A_606 = vector.broadcast %mul3A_605 : i32 to vector<16xi32>
      %mul3A_607 = arith.muli %add3A_600, %mul3A_606 : vector<16xi32>
      %xor3A_608 = arith.xori %xor3A_604, %mul3A_607 : vector<16xi32>
      %and3A_609 = arith.constant 524287 : i32
      %and3A_610 = vector.broadcast %and3A_609 : i32 to vector<16xi32>
      %and3A_611 = arith.andi %xor3A_608, %and3A_610 : vector<16xi32>
      %add3A_612 = arith.constant 4718592 : i32
      %add3A_613 = vector.broadcast %add3A_612 : i32 to vector<16xi32>
      %add3A_614 = arith.addi %and3A_611, %add3A_613 : vector<16xi32>
      %shift_right_logical3A_615 = arith.constant 7 : i32
      %shift_right_logical3A_616 = vector.broadcast %shift_right_logical3A_615 : i32 to vector<16xi32>
      %shift_right_logical3A_617 = arith.shrui %add3A_614, %shift_right_logical3A_616 : vector<16xi32>
      %mul3A_618 = arith.constant 256 : i32
      %mul3A_619 = vector.broadcast %mul3A_618 : i32 to vector<16xi32>
      %mul3A_620 = arith.muli %shift_right_logical3A_617, %mul3A_619 : vector<16xi32>
      %and3A_621 = arith.constant 127 : i32
      %and3A_622 = vector.broadcast %and3A_621 : i32 to vector<16xi32>
      %and3A_623 = arith.andi %add3A_614, %and3A_622 : vector<16xi32>
      %add3A_624 = arith.addi %mul3A_620, %and3A_623 : vector<16xi32>
      %add3A_625 = arith.constant 18 : i32
      %add3A_626 = vector.broadcast %add3A_625 : i32 to vector<16xi32>
      %add3A_627 = arith.addi %add3A_43, %add3A_626 : vector<16xi32>
      tpu.vector_store_idx %arg8[%broadcast_in_dim3A_45, %add3A_627], %add3A_624 : memref<8x2048xi32, #tpu.memory_space<vmem>>[vector<16xi32>, vector<16xi32>], vector<16xi32>,
      %add3A_628 = arith.constant 18 : i32
      %add3A_629 = vector.broadcast %add3A_628 : i32 to vector<16xi32>
      %add3A_630 = arith.addi %add3A_43, %add3A_629 : vector<16xi32>
      %add3A_631 = arith.constant 1 : i32
      %add3A_632 = vector.broadcast %add3A_631 : i32 to vector<16xi32>
      %add3A_633 = arith.addi %add3A_630, %add3A_632 : vector<16xi32>
      %add3A_634 = arith.constant 128 : i32
      %add3A_635 = vector.broadcast %add3A_634 : i32 to vector<16xi32>
      %add3A_636 = arith.addi %add3A_624, %add3A_635 : vector<16xi32>
      tpu.vector_store_idx %arg8[%broadcast_in_dim3A_45, %add3A_633], %add3A_636 : memref<8x2048xi32, #tpu.memory_space<vmem>>[vector<16xi32>, vector<16xi32>], vector<16xi32>,
      %get3A_637 = arith.constant 10 : i32
      %get3A_638 = arith.index_cast %get3A_637 : i32 to index
      %get3A_639 = arith.constant 0 : index
      %get3A_640 = tpu.vector_load %arg7[%get3A_638, %get3A_639] {strides = array<i32>} : memref<16x16xf32, #tpu.memory_space<vmem>>, vector<16xf32>,
      %mul3A_641 = arith.mulf %gather3A, %get3A_640 : vector<16xf32>
      %mul3A_642 = arith.mulf %gather3A_56, %get3A_640 : vector<16xf32>
      %mul3A_643 = arith.mulf %gather3A_60, %get3A_640 : vector<16xf32>
      %convert_element_type3A_644 = arith.fptosi %mul3A_641 : vector<16xf32> to vector<16xi32>
      %convert_element_type3A_645 = arith.fptosi %mul3A_642 : vector<16xf32> to vector<16xi32>
      %convert_element_type3A_646 = arith.fptosi %mul3A_643 : vector<16xf32> to vector<16xi32>
      %convert_element_type3A_647 = arith.sitofp %convert_element_type3A_644 : vector<16xi32> to vector<16xf32>
      %gt3A_648 = arith.cmpf ogt, %mul3A_641, %convert_element_type3A_647 : vector<16xf32>
      %convert_element_type3A_649 = arith.extui %gt3A_648 : vector<16xi1> to vector<16xi32>
      %add3A_650 = arith.addi %convert_element_type3A_644, %convert_element_type3A_649 : vector<16xi32>
      %convert_element_type3A_651 = arith.sitofp %convert_element_type3A_645 : vector<16xi32> to vector<16xf32>
      %gt3A_652 = arith.cmpf ogt, %mul3A_642, %convert_element_type3A_651 : vector<16xf32>
      %convert_element_type3A_653 = arith.extui %gt3A_652 : vector<16xi1> to vector<16xi32>
      %add3A_654 = arith.addi %convert_element_type3A_645, %convert_element_type3A_653 : vector<16xi32>
      %convert_element_type3A_655 = arith.sitofp %convert_element_type3A_646 : vector<16xi32> to vector<16xf32>
      %gt3A_656 = arith.cmpf ogt, %mul3A_643, %convert_element_type3A_655 : vector<16xf32>
      %convert_element_type3A_657 = arith.extui %gt3A_656 : vector<16xi1> to vector<16xi32>
      %add3A_658 = arith.addi %convert_element_type3A_646, %convert_element_type3A_657 : vector<16xi32>
      %mul3A_659 = arith.constant -1640531535 : i32
      %mul3A_660 = vector.broadcast %mul3A_659 : i32 to vector<16xi32>
      %mul3A_661 = arith.muli %add3A_654, %mul3A_660 : vector<16xi32>
      %xor3A_662 = arith.xori %add3A_650, %mul3A_661 : vector<16xi32>
      %mul3A_663 = arith.constant 805459861 : i32
      %mul3A_664 = vector.broadcast %mul3A_663 : i32 to vector<16xi32>
      %mul3A_665 = arith.muli %add3A_658, %mul3A_664 : vector<16xi32>
      %xor3A_666 = arith.xori %xor3A_662, %mul3A_665 : vector<16xi32>
      %and3A_667 = arith.constant 524287 : i32
      %and3A_668 = vector.broadcast %and3A_667 : i32 to vector<16xi32>
      %and3A_669 = arith.andi %xor3A_666, %and3A_668 : vector<16xi32>
      %add3A_670 = arith.constant 5242880 : i32
      %add3A_671 = vector.broadcast %add3A_670 : i32 to vector<16xi32>
      %add3A_672 = arith.addi %and3A_669, %add3A_671 : vector<16xi32>
      %shift_right_logical3A_673 = arith.constant 7 : i32
      %shift_right_logical3A_674 = vector.broadcast %shift_right_logical3A_673 : i32 to vector<16xi32>
      %shift_right_logical3A_675 = arith.shrui %add3A_672, %shift_right_logical3A_674 : vector<16xi32>
      %mul3A_676 = arith.constant 256 : i32
      %mul3A_677 = vector.broadcast %mul3A_676 : i32 to vector<16xi32>
      %mul3A_678 = arith.muli %shift_right_logical3A_675, %mul3A_677 : vector<16xi32>
      %and3A_679 = arith.constant 127 : i32
      %and3A_680 = vector.broadcast %and3A_679 : i32 to vector<16xi32>
      %and3A_681 = arith.andi %add3A_672, %and3A_680 : vector<16xi32>
      %add3A_682 = arith.addi %mul3A_678, %and3A_681 : vector<16xi32>
      %add3A_683 = arith.constant 20 : i32
      %add3A_684 = vector.broadcast %add3A_683 : i32 to vector<16xi32>
      %add3A_685 = arith.addi %add3A_43, %add3A_684 : vector<16xi32>
      tpu.vector_store_idx %arg8[%broadcast_in_dim3A_45, %add3A_685], %add3A_682 : memref<8x2048xi32, #tpu.memory_space<vmem>>[vector<16xi32>, vector<16xi32>], vector<16xi32>,
      %add3A_686 = arith.constant 20 : i32
      %add3A_687 = vector.broadcast %add3A_686 : i32 to vector<16xi32>
      %add3A_688 = arith.addi %add3A_43, %add3A_687 : vector<16xi32>
      %add3A_689 = arith.constant 1 : i32
      %add3A_690 = vector.broadcast %add3A_689 : i32 to vector<16xi32>
      %add3A_691 = arith.addi %add3A_688, %add3A_690 : vector<16xi32>
      %add3A_692 = arith.constant 128 : i32
      %add3A_693 = vector.broadcast %add3A_692 : i32 to vector<16xi32>
      %add3A_694 = arith.addi %add3A_682, %add3A_693 : vector<16xi32>
      tpu.vector_store_idx %arg8[%broadcast_in_dim3A_45, %add3A_691], %add3A_694 : memref<8x2048xi32, #tpu.memory_space<vmem>>[vector<16xi32>, vector<16xi32>], vector<16xi32>,
      %get3A_695 = arith.constant 11 : i32
      %get3A_696 = arith.index_cast %get3A_695 : i32 to index
      %get3A_697 = arith.constant 0 : index
      %get3A_698 = tpu.vector_load %arg7[%get3A_696, %get3A_697] {strides = array<i32>} : memref<16x16xf32, #tpu.memory_space<vmem>>, vector<16xf32>,
      %mul3A_699 = arith.mulf %gather3A, %get3A_698 : vector<16xf32>
      %mul3A_700 = arith.mulf %gather3A_56, %get3A_698 : vector<16xf32>
      %mul3A_701 = arith.mulf %gather3A_60, %get3A_698 : vector<16xf32>
      %convert_element_type3A_702 = arith.fptosi %mul3A_699 : vector<16xf32> to vector<16xi32>
      %convert_element_type3A_703 = arith.fptosi %mul3A_700 : vector<16xf32> to vector<16xi32>
      %convert_element_type3A_704 = arith.fptosi %mul3A_701 : vector<16xf32> to vector<16xi32>
      %convert_element_type3A_705 = arith.sitofp %convert_element_type3A_702 : vector<16xi32> to vector<16xf32>
      %gt3A_706 = arith.cmpf ogt, %mul3A_699, %convert_element_type3A_705 : vector<16xf32>
      %convert_element_type3A_707 = arith.extui %gt3A_706 : vector<16xi1> to vector<16xi32>
      %add3A_708 = arith.addi %convert_element_type3A_702, %convert_element_type3A_707 : vector<16xi32>
      %convert_element_type3A_709 = arith.sitofp %convert_element_type3A_703 : vector<16xi32> to vector<16xf32>
      %gt3A_710 = arith.cmpf ogt, %mul3A_700, %convert_element_type3A_709 : vector<16xf32>
      %convert_element_type3A_711 = arith.extui %gt3A_710 : vector<16xi1> to vector<16xi32>
      %add3A_712 = arith.addi %convert_element_type3A_703, %convert_element_type3A_711 : vector<16xi32>
      %convert_element_type3A_713 = arith.sitofp %convert_element_type3A_704 : vector<16xi32> to vector<16xf32>
      %gt3A_714 = arith.cmpf ogt, %mul3A_701, %convert_element_type3A_713 : vector<16xf32>
      %convert_element_type3A_715 = arith.extui %gt3A_714 : vector<16xi1> to vector<16xi32>
      %add3A_716 = arith.addi %convert_element_type3A_704, %convert_element_type3A_715 : vector<16xi32>
      %mul3A_717 = arith.constant -1640531535 : i32
      %mul3A_718 = vector.broadcast %mul3A_717 : i32 to vector<16xi32>
      %mul3A_719 = arith.muli %add3A_712, %mul3A_718 : vector<16xi32>
      %xor3A_720 = arith.xori %add3A_708, %mul3A_719 : vector<16xi32>
      %mul3A_721 = arith.constant 805459861 : i32
      %mul3A_722 = vector.broadcast %mul3A_721 : i32 to vector<16xi32>
      %mul3A_723 = arith.muli %add3A_716, %mul3A_722 : vector<16xi32>
      %xor3A_724 = arith.xori %xor3A_720, %mul3A_723 : vector<16xi32>
      %and3A_725 = arith.constant 524287 : i32
      %and3A_726 = vector.broadcast %and3A_725 : i32 to vector<16xi32>
      %and3A_727 = arith.andi %xor3A_724, %and3A_726 : vector<16xi32>
      %add3A_728 = arith.constant 5767168 : i32
      %add3A_729 = vector.broadcast %add3A_728 : i32 to vector<16xi32>
      %add3A_730 = arith.addi %and3A_727, %add3A_729 : vector<16xi32>
      %shift_right_logical3A_731 = arith.constant 7 : i32
      %shift_right_logical3A_732 = vector.broadcast %shift_right_logical3A_731 : i32 to vector<16xi32>
      %shift_right_logical3A_733 = arith.shrui %add3A_730, %shift_right_logical3A_732 : vector<16xi32>
      %mul3A_734 = arith.constant 256 : i32
      %mul3A_735 = vector.broadcast %mul3A_734 : i32 to vector<16xi32>
      %mul3A_736 = arith.muli %shift_right_logical3A_733, %mul3A_735 : vector<16xi32>
      %and3A_737 = arith.constant 127 : i32
      %and3A_738 = vector.broadcast %and3A_737 : i32 to vector<16xi32>
      %and3A_739 = arith.andi %add3A_730, %and3A_738 : vector<16xi32>
      %add3A_740 = arith.addi %mul3A_736, %and3A_739 : vector<16xi32>
      %add3A_741 = arith.constant 22 : i32
      %add3A_742 = vector.broadcast %add3A_741 : i32 to vector<16xi32>
      %add3A_743 = arith.addi %add3A_43, %add3A_742 : vector<16xi32>
      tpu.vector_store_idx %arg8[%broadcast_in_dim3A_45, %add3A_743], %add3A_740 : memref<8x2048xi32, #tpu.memory_space<vmem>>[vector<16xi32>, vector<16xi32>], vector<16xi32>,
      %add3A_744 = arith.constant 22 : i32
      %add3A_745 = vector.broadcast %add3A_744 : i32 to vector<16xi32>
      %add3A_746 = arith.addi %add3A_43, %add3A_745 : vector<16xi32>
      %add3A_747 = arith.constant 1 : i32
      %add3A_748 = vector.broadcast %add3A_747 : i32 to vector<16xi32>
      %add3A_749 = arith.addi %add3A_746, %add3A_748 : vector<16xi32>
      %add3A_750 = arith.constant 128 : i32
      %add3A_751 = vector.broadcast %add3A_750 : i32 to vector<16xi32>
      %add3A_752 = arith.addi %add3A_740, %add3A_751 : vector<16xi32>
      tpu.vector_store_idx %arg8[%broadcast_in_dim3A_45, %add3A_749], %add3A_752 : memref<8x2048xi32, #tpu.memory_space<vmem>>[vector<16xi32>, vector<16xi32>], vector<16xi32>,
      %get3A_753 = arith.constant 12 : i32
      %get3A_754 = arith.index_cast %get3A_753 : i32 to index
      %get3A_755 = arith.constant 0 : index
      %get3A_756 = tpu.vector_load %arg7[%get3A_754, %get3A_755] {strides = array<i32>} : memref<16x16xf32, #tpu.memory_space<vmem>>, vector<16xf32>,
      %mul3A_757 = arith.mulf %gather3A, %get3A_756 : vector<16xf32>
      %mul3A_758 = arith.mulf %gather3A_56, %get3A_756 : vector<16xf32>
      %mul3A_759 = arith.mulf %gather3A_60, %get3A_756 : vector<16xf32>
      %convert_element_type3A_760 = arith.fptosi %mul3A_757 : vector<16xf32> to vector<16xi32>
      %convert_element_type3A_761 = arith.fptosi %mul3A_758 : vector<16xf32> to vector<16xi32>
      %convert_element_type3A_762 = arith.fptosi %mul3A_759 : vector<16xf32> to vector<16xi32>
      %convert_element_type3A_763 = arith.sitofp %convert_element_type3A_760 : vector<16xi32> to vector<16xf32>
      %gt3A_764 = arith.cmpf ogt, %mul3A_757, %convert_element_type3A_763 : vector<16xf32>
      %convert_element_type3A_765 = arith.extui %gt3A_764 : vector<16xi1> to vector<16xi32>
      %add3A_766 = arith.addi %convert_element_type3A_760, %convert_element_type3A_765 : vector<16xi32>
      %convert_element_type3A_767 = arith.sitofp %convert_element_type3A_761 : vector<16xi32> to vector<16xf32>
      %gt3A_768 = arith.cmpf ogt, %mul3A_758, %convert_element_type3A_767 : vector<16xf32>
      %convert_element_type3A_769 = arith.extui %gt3A_768 : vector<16xi1> to vector<16xi32>
      %add3A_770 = arith.addi %convert_element_type3A_761, %convert_element_type3A_769 : vector<16xi32>
      %convert_element_type3A_771 = arith.sitofp %convert_element_type3A_762 : vector<16xi32> to vector<16xf32>
      %gt3A_772 = arith.cmpf ogt, %mul3A_759, %convert_element_type3A_771 : vector<16xf32>
      %convert_element_type3A_773 = arith.extui %gt3A_772 : vector<16xi1> to vector<16xi32>
      %add3A_774 = arith.addi %convert_element_type3A_762, %convert_element_type3A_773 : vector<16xi32>
      %mul3A_775 = arith.constant -1640531535 : i32
      %mul3A_776 = vector.broadcast %mul3A_775 : i32 to vector<16xi32>
      %mul3A_777 = arith.muli %add3A_770, %mul3A_776 : vector<16xi32>
      %xor3A_778 = arith.xori %add3A_766, %mul3A_777 : vector<16xi32>
      %mul3A_779 = arith.constant 805459861 : i32
      %mul3A_780 = vector.broadcast %mul3A_779 : i32 to vector<16xi32>
      %mul3A_781 = arith.muli %add3A_774, %mul3A_780 : vector<16xi32>
      %xor3A_782 = arith.xori %xor3A_778, %mul3A_781 : vector<16xi32>
      %and3A_783 = arith.constant 524287 : i32
      %and3A_784 = vector.broadcast %and3A_783 : i32 to vector<16xi32>
      %and3A_785 = arith.andi %xor3A_782, %and3A_784 : vector<16xi32>
      %add3A_786 = arith.constant 6291456 : i32
      %add3A_787 = vector.broadcast %add3A_786 : i32 to vector<16xi32>
      %add3A_788 = arith.addi %and3A_785, %add3A_787 : vector<16xi32>
      %shift_right_logical3A_789 = arith.constant 7 : i32
      %shift_right_logical3A_790 = vector.broadcast %shift_right_logical3A_789 : i32 to vector<16xi32>
      %shift_right_logical3A_791 = arith.shrui %add3A_788, %shift_right_logical3A_790 : vector<16xi32>
      %mul3A_792 = arith.constant 256 : i32
      %mul3A_793 = vector.broadcast %mul3A_792 : i32 to vector<16xi32>
      %mul3A_794 = arith.muli %shift_right_logical3A_791, %mul3A_793 : vector<16xi32>
      %and3A_795 = arith.constant 127 : i32
      %and3A_796 = vector.broadcast %and3A_795 : i32 to vector<16xi32>
      %and3A_797 = arith.andi %add3A_788, %and3A_796 : vector<16xi32>
      %add3A_798 = arith.addi %mul3A_794, %and3A_797 : vector<16xi32>
      %add3A_799 = arith.constant 24 : i32
      %add3A_800 = vector.broadcast %add3A_799 : i32 to vector<16xi32>
      %add3A_801 = arith.addi %add3A_43, %add3A_800 : vector<16xi32>
      tpu.vector_store_idx %arg8[%broadcast_in_dim3A_45, %add3A_801], %add3A_798 : memref<8x2048xi32, #tpu.memory_space<vmem>>[vector<16xi32>, vector<16xi32>], vector<16xi32>,
      %add3A_802 = arith.constant 24 : i32
      %add3A_803 = vector.broadcast %add3A_802 : i32 to vector<16xi32>
      %add3A_804 = arith.addi %add3A_43, %add3A_803 : vector<16xi32>
      %add3A_805 = arith.constant 1 : i32
      %add3A_806 = vector.broadcast %add3A_805 : i32 to vector<16xi32>
      %add3A_807 = arith.addi %add3A_804, %add3A_806 : vector<16xi32>
      %add3A_808 = arith.constant 128 : i32
      %add3A_809 = vector.broadcast %add3A_808 : i32 to vector<16xi32>
      %add3A_810 = arith.addi %add3A_798, %add3A_809 : vector<16xi32>
      tpu.vector_store_idx %arg8[%broadcast_in_dim3A_45, %add3A_807], %add3A_810 : memref<8x2048xi32, #tpu.memory_space<vmem>>[vector<16xi32>, vector<16xi32>], vector<16xi32>,
      %get3A_811 = arith.constant 13 : i32
      %get3A_812 = arith.index_cast %get3A_811 : i32 to index
      %get3A_813 = arith.constant 0 : index
      %get3A_814 = tpu.vector_load %arg7[%get3A_812, %get3A_813] {strides = array<i32>} : memref<16x16xf32, #tpu.memory_space<vmem>>, vector<16xf32>,
      %mul3A_815 = arith.mulf %gather3A, %get3A_814 : vector<16xf32>
      %mul3A_816 = arith.mulf %gather3A_56, %get3A_814 : vector<16xf32>
      %mul3A_817 = arith.mulf %gather3A_60, %get3A_814 : vector<16xf32>
      %convert_element_type3A_818 = arith.fptosi %mul3A_815 : vector<16xf32> to vector<16xi32>
      %convert_element_type3A_819 = arith.fptosi %mul3A_816 : vector<16xf32> to vector<16xi32>
      %convert_element_type3A_820 = arith.fptosi %mul3A_817 : vector<16xf32> to vector<16xi32>
      %convert_element_type3A_821 = arith.sitofp %convert_element_type3A_818 : vector<16xi32> to vector<16xf32>
      %gt3A_822 = arith.cmpf ogt, %mul3A_815, %convert_element_type3A_821 : vector<16xf32>
      %convert_element_type3A_823 = arith.extui %gt3A_822 : vector<16xi1> to vector<16xi32>
      %add3A_824 = arith.addi %convert_element_type3A_818, %convert_element_type3A_823 : vector<16xi32>
      %convert_element_type3A_825 = arith.sitofp %convert_element_type3A_819 : vector<16xi32> to vector<16xf32>
      %gt3A_826 = arith.cmpf ogt, %mul3A_816, %convert_element_type3A_825 : vector<16xf32>
      %convert_element_type3A_827 = arith.extui %gt3A_826 : vector<16xi1> to vector<16xi32>
      %add3A_828 = arith.addi %convert_element_type3A_819, %convert_element_type3A_827 : vector<16xi32>
      %convert_element_type3A_829 = arith.sitofp %convert_element_type3A_820 : vector<16xi32> to vector<16xf32>
      %gt3A_830 = arith.cmpf ogt, %mul3A_817, %convert_element_type3A_829 : vector<16xf32>
      %convert_element_type3A_831 = arith.extui %gt3A_830 : vector<16xi1> to vector<16xi32>
      %add3A_832 = arith.addi %convert_element_type3A_820, %convert_element_type3A_831 : vector<16xi32>
      %mul3A_833 = arith.constant -1640531535 : i32
      %mul3A_834 = vector.broadcast %mul3A_833 : i32 to vector<16xi32>
      %mul3A_835 = arith.muli %add3A_828, %mul3A_834 : vector<16xi32>
      %xor3A_836 = arith.xori %add3A_824, %mul3A_835 : vector<16xi32>
      %mul3A_837 = arith.constant 805459861 : i32
      %mul3A_838 = vector.broadcast %mul3A_837 : i32 to vector<16xi32>
      %mul3A_839 = arith.muli %add3A_832, %mul3A_838 : vector<16xi32>
      %xor3A_840 = arith.xori %xor3A_836, %mul3A_839 : vector<16xi32>
      %and3A_841 = arith.constant 524287 : i32
      %and3A_842 = vector.broadcast %and3A_841 : i32 to vector<16xi32>
      %and3A_843 = arith.andi %xor3A_840, %and3A_842 : vector<16xi32>
      %add3A_844 = arith.constant 6815744 : i32
      %add3A_845 = vector.broadcast %add3A_844 : i32 to vector<16xi32>
      %add3A_846 = arith.addi %and3A_843, %add3A_845 : vector<16xi32>
      %shift_right_logical3A_847 = arith.constant 7 : i32
      %shift_right_logical3A_848 = vector.broadcast %shift_right_logical3A_847 : i32 to vector<16xi32>
      %shift_right_logical3A_849 = arith.shrui %add3A_846, %shift_right_logical3A_848 : vector<16xi32>
      %mul3A_850 = arith.constant 256 : i32
      %mul3A_851 = vector.broadcast %mul3A_850 : i32 to vector<16xi32>
      %mul3A_852 = arith.muli %shift_right_logical3A_849, %mul3A_851 : vector<16xi32>
      %and3A_853 = arith.constant 127 : i32
      %and3A_854 = vector.broadcast %and3A_853 : i32 to vector<16xi32>
      %and3A_855 = arith.andi %add3A_846, %and3A_854 : vector<16xi32>
      %add3A_856 = arith.addi %mul3A_852, %and3A_855 : vector<16xi32>
      %add3A_857 = arith.constant 26 : i32
      %add3A_858 = vector.broadcast %add3A_857 : i32 to vector<16xi32>
      %add3A_859 = arith.addi %add3A_43, %add3A_858 : vector<16xi32>
      tpu.vector_store_idx %arg8[%broadcast_in_dim3A_45, %add3A_859], %add3A_856 : memref<8x2048xi32, #tpu.memory_space<vmem>>[vector<16xi32>, vector<16xi32>], vector<16xi32>,
      %add3A_860 = arith.constant 26 : i32
      %add3A_861 = vector.broadcast %add3A_860 : i32 to vector<16xi32>
      %add3A_862 = arith.addi %add3A_43, %add3A_861 : vector<16xi32>
      %add3A_863 = arith.constant 1 : i32
      %add3A_864 = vector.broadcast %add3A_863 : i32 to vector<16xi32>
      %add3A_865 = arith.addi %add3A_862, %add3A_864 : vector<16xi32>
      %add3A_866 = arith.constant 128 : i32
      %add3A_867 = vector.broadcast %add3A_866 : i32 to vector<16xi32>
      %add3A_868 = arith.addi %add3A_856, %add3A_867 : vector<16xi32>
      tpu.vector_store_idx %arg8[%broadcast_in_dim3A_45, %add3A_865], %add3A_868 : memref<8x2048xi32, #tpu.memory_space<vmem>>[vector<16xi32>, vector<16xi32>], vector<16xi32>,
      %get3A_869 = arith.constant 14 : i32
      %get3A_870 = arith.index_cast %get3A_869 : i32 to index
      %get3A_871 = arith.constant 0 : index
      %get3A_872 = tpu.vector_load %arg7[%get3A_870, %get3A_871] {strides = array<i32>} : memref<16x16xf32, #tpu.memory_space<vmem>>, vector<16xf32>,
      %mul3A_873 = arith.mulf %gather3A, %get3A_872 : vector<16xf32>
      %mul3A_874 = arith.mulf %gather3A_56, %get3A_872 : vector<16xf32>
      %mul3A_875 = arith.mulf %gather3A_60, %get3A_872 : vector<16xf32>
      %convert_element_type3A_876 = arith.fptosi %mul3A_873 : vector<16xf32> to vector<16xi32>
      %convert_element_type3A_877 = arith.fptosi %mul3A_874 : vector<16xf32> to vector<16xi32>
      %convert_element_type3A_878 = arith.fptosi %mul3A_875 : vector<16xf32> to vector<16xi32>
      %convert_element_type3A_879 = arith.sitofp %convert_element_type3A_876 : vector<16xi32> to vector<16xf32>
      %gt3A_880 = arith.cmpf ogt, %mul3A_873, %convert_element_type3A_879 : vector<16xf32>
      %convert_element_type3A_881 = arith.extui %gt3A_880 : vector<16xi1> to vector<16xi32>
      %add3A_882 = arith.addi %convert_element_type3A_876, %convert_element_type3A_881 : vector<16xi32>
      %convert_element_type3A_883 = arith.sitofp %convert_element_type3A_877 : vector<16xi32> to vector<16xf32>
      %gt3A_884 = arith.cmpf ogt, %mul3A_874, %convert_element_type3A_883 : vector<16xf32>
      %convert_element_type3A_885 = arith.extui %gt3A_884 : vector<16xi1> to vector<16xi32>
      %add3A_886 = arith.addi %convert_element_type3A_877, %convert_element_type3A_885 : vector<16xi32>
      %convert_element_type3A_887 = arith.sitofp %convert_element_type3A_878 : vector<16xi32> to vector<16xf32>
      %gt3A_888 = arith.cmpf ogt, %mul3A_875, %convert_element_type3A_887 : vector<16xf32>
      %convert_element_type3A_889 = arith.extui %gt3A_888 : vector<16xi1> to vector<16xi32>
      %add3A_890 = arith.addi %convert_element_type3A_878, %convert_element_type3A_889 : vector<16xi32>
      %mul3A_891 = arith.constant -1640531535 : i32
      %mul3A_892 = vector.broadcast %mul3A_891 : i32 to vector<16xi32>
      %mul3A_893 = arith.muli %add3A_886, %mul3A_892 : vector<16xi32>
      %xor3A_894 = arith.xori %add3A_882, %mul3A_893 : vector<16xi32>
      %mul3A_895 = arith.constant 805459861 : i32
      %mul3A_896 = vector.broadcast %mul3A_895 : i32 to vector<16xi32>
      %mul3A_897 = arith.muli %add3A_890, %mul3A_896 : vector<16xi32>
      %xor3A_898 = arith.xori %xor3A_894, %mul3A_897 : vector<16xi32>
      %and3A_899 = arith.constant 524287 : i32
      %and3A_900 = vector.broadcast %and3A_899 : i32 to vector<16xi32>
      %and3A_901 = arith.andi %xor3A_898, %and3A_900 : vector<16xi32>
      %add3A_902 = arith.constant 7340032 : i32
      %add3A_903 = vector.broadcast %add3A_902 : i32 to vector<16xi32>
      %add3A_904 = arith.addi %and3A_901, %add3A_903 : vector<16xi32>
      %shift_right_logical3A_905 = arith.constant 7 : i32
      %shift_right_logical3A_906 = vector.broadcast %shift_right_logical3A_905 : i32 to vector<16xi32>
      %shift_right_logical3A_907 = arith.shrui %add3A_904, %shift_right_logical3A_906 : vector<16xi32>
      %mul3A_908 = arith.constant 256 : i32
      %mul3A_909 = vector.broadcast %mul3A_908 : i32 to vector<16xi32>
      %mul3A_910 = arith.muli %shift_right_logical3A_907, %mul3A_909 : vector<16xi32>
      %and3A_911 = arith.constant 127 : i32
      %and3A_912 = vector.broadcast %and3A_911 : i32 to vector<16xi32>
      %and3A_913 = arith.andi %add3A_904, %and3A_912 : vector<16xi32>
      %add3A_914 = arith.addi %mul3A_910, %and3A_913 : vector<16xi32>
      %add3A_915 = arith.constant 28 : i32
      %add3A_916 = vector.broadcast %add3A_915 : i32 to vector<16xi32>
      %add3A_917 = arith.addi %add3A_43, %add3A_916 : vector<16xi32>
      tpu.vector_store_idx %arg8[%broadcast_in_dim3A_45, %add3A_917], %add3A_914 : memref<8x2048xi32, #tpu.memory_space<vmem>>[vector<16xi32>, vector<16xi32>], vector<16xi32>,
      %add3A_918 = arith.constant 28 : i32
      %add3A_919 = vector.broadcast %add3A_918 : i32 to vector<16xi32>
      %add3A_920 = arith.addi %add3A_43, %add3A_919 : vector<16xi32>
      %add3A_921 = arith.constant 1 : i32
      %add3A_922 = vector.broadcast %add3A_921 : i32 to vector<16xi32>
      %add3A_923 = arith.addi %add3A_920, %add3A_922 : vector<16xi32>
      %add3A_924 = arith.constant 128 : i32
      %add3A_925 = vector.broadcast %add3A_924 : i32 to vector<16xi32>
      %add3A_926 = arith.addi %add3A_914, %add3A_925 : vector<16xi32>
      tpu.vector_store_idx %arg8[%broadcast_in_dim3A_45, %add3A_923], %add3A_926 : memref<8x2048xi32, #tpu.memory_space<vmem>>[vector<16xi32>, vector<16xi32>], vector<16xi32>,
      %get3A_927 = arith.constant 15 : i32
      %get3A_928 = arith.index_cast %get3A_927 : i32 to index
      %get3A_929 = arith.constant 0 : index
      %get3A_930 = tpu.vector_load %arg7[%get3A_928, %get3A_929] {strides = array<i32>} : memref<16x16xf32, #tpu.memory_space<vmem>>, vector<16xf32>,
      %mul3A_931 = arith.mulf %gather3A, %get3A_930 : vector<16xf32>
      %mul3A_932 = arith.mulf %gather3A_56, %get3A_930 : vector<16xf32>
      %mul3A_933 = arith.mulf %gather3A_60, %get3A_930 : vector<16xf32>
      %convert_element_type3A_934 = arith.fptosi %mul3A_931 : vector<16xf32> to vector<16xi32>
      %convert_element_type3A_935 = arith.fptosi %mul3A_932 : vector<16xf32> to vector<16xi32>
      %convert_element_type3A_936 = arith.fptosi %mul3A_933 : vector<16xf32> to vector<16xi32>
      %convert_element_type3A_937 = arith.sitofp %convert_element_type3A_934 : vector<16xi32> to vector<16xf32>
      %gt3A_938 = arith.cmpf ogt, %mul3A_931, %convert_element_type3A_937 : vector<16xf32>
      %convert_element_type3A_939 = arith.extui %gt3A_938 : vector<16xi1> to vector<16xi32>
      %add3A_940 = arith.addi %convert_element_type3A_934, %convert_element_type3A_939 : vector<16xi32>
      %convert_element_type3A_941 = arith.sitofp %convert_element_type3A_935 : vector<16xi32> to vector<16xf32>
      %gt3A_942 = arith.cmpf ogt, %mul3A_932, %convert_element_type3A_941 : vector<16xf32>
      %convert_element_type3A_943 = arith.extui %gt3A_942 : vector<16xi1> to vector<16xi32>
      %add3A_944 = arith.addi %convert_element_type3A_935, %convert_element_type3A_943 : vector<16xi32>
      %convert_element_type3A_945 = arith.sitofp %convert_element_type3A_936 : vector<16xi32> to vector<16xf32>
      %gt3A_946 = arith.cmpf ogt, %mul3A_933, %convert_element_type3A_945 : vector<16xf32>
      %convert_element_type3A_947 = arith.extui %gt3A_946 : vector<16xi1> to vector<16xi32>
      %add3A_948 = arith.addi %convert_element_type3A_936, %convert_element_type3A_947 : vector<16xi32>
      %mul3A_949 = arith.constant -1640531535 : i32
      %mul3A_950 = vector.broadcast %mul3A_949 : i32 to vector<16xi32>
      %mul3A_951 = arith.muli %add3A_944, %mul3A_950 : vector<16xi32>
      %xor3A_952 = arith.xori %add3A_940, %mul3A_951 : vector<16xi32>
      %mul3A_953 = arith.constant 805459861 : i32
      %mul3A_954 = vector.broadcast %mul3A_953 : i32 to vector<16xi32>
      %mul3A_955 = arith.muli %add3A_948, %mul3A_954 : vector<16xi32>
      %xor3A_956 = arith.xori %xor3A_952, %mul3A_955 : vector<16xi32>
      %and3A_957 = arith.constant 524287 : i32
      %and3A_958 = vector.broadcast %and3A_957 : i32 to vector<16xi32>
      %and3A_959 = arith.andi %xor3A_956, %and3A_958 : vector<16xi32>
      %add3A_960 = arith.constant 7864320 : i32
      %add3A_961 = vector.broadcast %add3A_960 : i32 to vector<16xi32>
      %add3A_962 = arith.addi %and3A_959, %add3A_961 : vector<16xi32>
      %shift_right_logical3A_963 = arith.constant 7 : i32
      %shift_right_logical3A_964 = vector.broadcast %shift_right_logical3A_963 : i32 to vector<16xi32>
      %shift_right_logical3A_965 = arith.shrui %add3A_962, %shift_right_logical3A_964 : vector<16xi32>
      %mul3A_966 = arith.constant 256 : i32
      %mul3A_967 = vector.broadcast %mul3A_966 : i32 to vector<16xi32>
      %mul3A_968 = arith.muli %shift_right_logical3A_965, %mul3A_967 : vector<16xi32>
      %and3A_969 = arith.constant 127 : i32
      %and3A_970 = vector.broadcast %and3A_969 : i32 to vector<16xi32>
      %and3A_971 = arith.andi %add3A_962, %and3A_970 : vector<16xi32>
      %add3A_972 = arith.addi %mul3A_968, %and3A_971 : vector<16xi32>
      %add3A_973 = arith.constant 30 : i32
      %add3A_974 = vector.broadcast %add3A_973 : i32 to vector<16xi32>
      %add3A_975 = arith.addi %add3A_43, %add3A_974 : vector<16xi32>
      tpu.vector_store_idx %arg8[%broadcast_in_dim3A_45, %add3A_975], %add3A_972 : memref<8x2048xi32, #tpu.memory_space<vmem>>[vector<16xi32>, vector<16xi32>], vector<16xi32>,
      %add3A_976 = arith.constant 30 : i32
      %add3A_977 = vector.broadcast %add3A_976 : i32 to vector<16xi32>
      %add3A_978 = arith.addi %add3A_43, %add3A_977 : vector<16xi32>
      %add3A_979 = arith.constant 1 : i32
      %add3A_980 = vector.broadcast %add3A_979 : i32 to vector<16xi32>
      %add3A_981 = arith.addi %add3A_978, %add3A_980 : vector<16xi32>
      %add3A_982 = arith.constant 128 : i32
      %add3A_983 = vector.broadcast %add3A_982 : i32 to vector<16xi32>
      %add3A_984 = arith.addi %add3A_972, %add3A_983 : vector<16xi32>
      tpu.vector_store_idx %arg8[%broadcast_in_dim3A_45, %add3A_981], %add3A_984 : memref<8x2048xi32, #tpu.memory_space<vmem>>[vector<16xi32>, vector<16xi32>], vector<16xi32>,
    }
    %scan3A_11 = arith.constant 32 : i32
    %scan3A_12 = arith.constant 0 : i32
    %scan3A_13 = arith.constant 0 : i32
    %scan3A_14 = arith.constant 2 : i32
    %scan3A_15 = arith.addi %scan3A_13, %scan3A_14 : i32
    %scan3A_16 = arith.constant 1 : i32
    scf.for %scan3A_36 = %scan3A_13 to %scan3A_15 step %scan3A_16  : i32 {
      %mul3A_37 = arith.constant 4 : i32
      %mul3A_38 = arith.muli %scan3A_36, %mul3A_37 : i32
      %add3A_39 = arith.constant 0 : i32
      %add3A_40 = arith.addi %mul3A_38, %add3A_39 : i32
      %mul3A_41 = arith.constant 2048 : i32
      %mul3A_42 = arith.muli %add3A_40, %mul3A_41 : i32
      %dma_start3A = tpu.memref_slice %arg10[%mul3A_42] : memref<16384xf32, #tpu.memory_space<vmem>> -> memref<2048xf32, #tpu.memory_space<vmem>>
      %dma_start3A_43 = arith.constant 0 : i32
      %dma_start3A_44 = tpu.memref_slice %arg8[%add3A_40, %dma_start3A_43] : memref<8x2048xi32, #tpu.memory_space<vmem>> -> memref<1x2048xi32, #tpu.memory_space<vmem>>
      %dma_start3A_45 = tpu.memref_squeeze %dma_start3A_44 : memref<1x2048xi32, #tpu.memory_space<vmem>> -> memref<2048xi32, #tpu.memory_space<vmem>>
      %dma_start3A_46 = arith.constant 0 : i32
      %dma_start3A_47 = tpu.memref_slice %arg4[%dma_start3A_46] : memref<16777216xf32, #tpu.memory_space<hbm>> -> memref<16777216xf32, #tpu.memory_space<hbm>>
      tpu.enqueue_indirect_dma source(%dma_start3A_47 : memref<16777216xf32, #tpu.memory_space<hbm>>) target(%dma_start3A : memref<2048xf32, #tpu.memory_space<vmem>>) offsets(%dma_start3A_45 : memref<2048xi32, #tpu.memory_space<vmem>>) semaphore(%arg12 : memref<!tpu.dma_semaphore, #tpu.memory_space<semaphore_mem>>)
      %mul3A_48 = arith.constant 4 : i32
      %mul3A_49 = arith.muli %scan3A_36, %mul3A_48 : i32
      %add3A_50 = arith.constant 1 : i32
      %add3A_51 = arith.addi %mul3A_49, %add3A_50 : i32
      %mul3A_52 = arith.constant 2048 : i32
      %mul3A_53 = arith.muli %add3A_51, %mul3A_52 : i32
      %dma_start3A_54 = tpu.memref_slice %arg10[%mul3A_53] : memref<16384xf32, #tpu.memory_space<vmem>> -> memref<2048xf32, #tpu.memory_space<vmem>>
      %dma_start3A_55 = arith.constant 0 : i32
      %dma_start3A_56 = tpu.memref_slice %arg8[%add3A_51, %dma_start3A_55] : memref<8x2048xi32, #tpu.memory_space<vmem>> -> memref<1x2048xi32, #tpu.memory_space<vmem>>
      %dma_start3A_57 = tpu.memref_squeeze %dma_start3A_56 : memref<1x2048xi32, #tpu.memory_space<vmem>> -> memref<2048xi32, #tpu.memory_space<vmem>>
      %dma_start3A_58 = arith.constant 0 : i32
      %dma_start3A_59 = tpu.memref_slice %arg4[%dma_start3A_58] : memref<16777216xf32, #tpu.memory_space<hbm>> -> memref<16777216xf32, #tpu.memory_space<hbm>>
      tpu.enqueue_indirect_dma source(%dma_start3A_59 : memref<16777216xf32, #tpu.memory_space<hbm>>) target(%dma_start3A_54 : memref<2048xf32, #tpu.memory_space<vmem>>) offsets(%dma_start3A_57 : memref<2048xi32, #tpu.memory_space<vmem>>) semaphore(%arg12 : memref<!tpu.dma_semaphore, #tpu.memory_space<semaphore_mem>>)
      %mul3A_60 = arith.constant 4 : i32
      %mul3A_61 = arith.muli %scan3A_36, %mul3A_60 : i32
      %add3A_62 = arith.constant 2 : i32
      %add3A_63 = arith.addi %mul3A_61, %add3A_62 : i32
      %mul3A_64 = arith.constant 2048 : i32
      %mul3A_65 = arith.muli %add3A_63, %mul3A_64 : i32
      %dma_start3A_66 = tpu.memref_slice %arg10[%mul3A_65] : memref<16384xf32, #tpu.memory_space<vmem>> -> memref<2048xf32, #tpu.memory_space<vmem>>
      %dma_start3A_67 = arith.constant 0 : i32
      %dma_start3A_68 = tpu.memref_slice %arg8[%add3A_63, %dma_start3A_67] : memref<8x2048xi32, #tpu.memory_space<vmem>> -> memref<1x2048xi32, #tpu.memory_space<vmem>>
      %dma_start3A_69 = tpu.memref_squeeze %dma_start3A_68 : memref<1x2048xi32, #tpu.memory_space<vmem>> -> memref<2048xi32, #tpu.memory_space<vmem>>
      %dma_start3A_70 = arith.constant 0 : i32
      %dma_start3A_71 = tpu.memref_slice %arg4[%dma_start3A_70] : memref<16777216xf32, #tpu.memory_space<hbm>> -> memref<16777216xf32, #tpu.memory_space<hbm>>
      tpu.enqueue_indirect_dma source(%dma_start3A_71 : memref<16777216xf32, #tpu.memory_space<hbm>>) target(%dma_start3A_66 : memref<2048xf32, #tpu.memory_space<vmem>>) offsets(%dma_start3A_69 : memref<2048xi32, #tpu.memory_space<vmem>>) semaphore(%arg12 : memref<!tpu.dma_semaphore, #tpu.memory_space<semaphore_mem>>)
      %mul3A_72 = arith.constant 4 : i32
      %mul3A_73 = arith.muli %scan3A_36, %mul3A_72 : i32
      %add3A_74 = arith.constant 3 : i32
      %add3A_75 = arith.addi %mul3A_73, %add3A_74 : i32
      %mul3A_76 = arith.constant 2048 : i32
      %mul3A_77 = arith.muli %add3A_75, %mul3A_76 : i32
      %dma_start3A_78 = tpu.memref_slice %arg10[%mul3A_77] : memref<16384xf32, #tpu.memory_space<vmem>> -> memref<2048xf32, #tpu.memory_space<vmem>>
      %dma_start3A_79 = arith.constant 0 : i32
      %dma_start3A_80 = tpu.memref_slice %arg8[%add3A_75, %dma_start3A_79] : memref<8x2048xi32, #tpu.memory_space<vmem>> -> memref<1x2048xi32, #tpu.memory_space<vmem>>
      %dma_start3A_81 = tpu.memref_squeeze %dma_start3A_80 : memref<1x2048xi32, #tpu.memory_space<vmem>> -> memref<2048xi32, #tpu.memory_space<vmem>>
      %dma_start3A_82 = arith.constant 0 : i32
      %dma_start3A_83 = tpu.memref_slice %arg4[%dma_start3A_82] : memref<16777216xf32, #tpu.memory_space<hbm>> -> memref<16777216xf32, #tpu.memory_space<hbm>>
      tpu.enqueue_indirect_dma source(%dma_start3A_83 : memref<16777216xf32, #tpu.memory_space<hbm>>) target(%dma_start3A_78 : memref<2048xf32, #tpu.memory_space<vmem>>) offsets(%dma_start3A_81 : memref<2048xi32, #tpu.memory_space<vmem>>) semaphore(%arg12 : memref<!tpu.dma_semaphore, #tpu.memory_space<semaphore_mem>>)
    }
    %scan3A_17 = arith.constant 2 : i32
    %scan3A_18 = arith.constant 0 : i32
    %scan3A_19 = arith.constant 1 : i32
    %scan3A_20 = arith.constant 15 : i32
    %scan3A_21 = arith.addi %scan3A_19, %scan3A_20 : i32
    %scan3A_22 = arith.constant 1 : i32
    scf.for %scan3A_36 = %scan3A_19 to %scan3A_21 step %scan3A_22  : i32 {
      %jit3A = arith.constant 2 : i32
      %eq3A = arith.constant 0 : i32
      %eq3A_37 = arith.cmpi eq, %jit3A, %eq3A : i32
      %jit3A_38 = arith.constant 1 : i32
      %select_n3A = arith.select %eq3A_37, %jit3A_38, %jit3A : i32
      %rem3A = arith.remsi %scan3A_36, %select_n3A : i32
      %ne3A = arith.constant 0 : i32
      %ne3A_39 = arith.cmpi ne, %rem3A, %ne3A : i32
      %lt3A = arith.constant 0 : i32
      %lt3A_40 = arith.cmpi slt, %rem3A, %lt3A : i32
      %lt3A_41 = arith.constant 0 : i32
      %lt3A_42 = arith.cmpi slt, %select_n3A, %lt3A_41 : i32
      %ne3A_43 = arith.xori %lt3A_40, %lt3A_42 : i1
      %and3A = arith.andi %ne3A_43, %ne3A_39 : i1
      %add3A_44 = arith.addi %rem3A, %select_n3A : i32
      %select_n3A_45 = arith.select %and3A, %add3A_44, %rem3A : i32
      %eq3A_46 = arith.constant 1 : i32
      %eq3A_47 = arith.cmpi eq, %select_n3A_45, %eq3A_46 : i32
      %convert_element_type3A = arith.extui %eq3A_47 : i1 to i32
      %cond3A = arith.constant 0 : i32
      %cond3A_48 = arith.cmpi ne, %convert_element_type3A, %cond3A : i32
      scf.if %cond3A_48 {
        %mul3A_70 = arith.constant 512 : i32
        %mul3A_71 = arith.muli %scan3A_36, %mul3A_70 : i32
        %add3A_72 = arith.addi %mul3A_2, %mul3A_71 : i32
        %mul3A_73 = arith.constant 3 : i32
        %mul3A_74 = arith.muli %mul3A_73, %add3A_72 : i32
        "tpu.region"() ({
          %run_scoped3A = tpu.sem_alloc : memref<!tpu.dma_semaphore, #tpu.memory_space<semaphore_mem>>
          %dma_start3A = tpu.memref_slice %arg2[%mul3A_74] : memref<786432xf32, #tpu.memory_space<hbm>> -> memref<1536xf32, #tpu.memory_space<hbm>>
          %dma_start3A_101 = tpu.memref_slice %arg2[%mul3A_74] : memref<786432xf32, #tpu.memory_space<hbm>> -> memref<1536xf32, #tpu.memory_space<hbm>>
          tpu.enqueue_dma source(%dma_start3A_101 : memref<1536xf32, #tpu.memory_space<hbm>>) target(%arg6 : memref<1536xf32, #tpu.memory_space<vmem>>) target_semaphore(%run_scoped3A : memref<!tpu.dma_semaphore, #tpu.memory_space<semaphore_mem>>)
          %dma_wait3A = tpu.memref_slice %arg2[%mul3A_74] : memref<786432xf32, #tpu.memory_space<hbm>> -> memref<1536xf32, #tpu.memory_space<hbm>>
          %dma_wait3A_102 = tpu.memref_slice %arg2[%mul3A_74] : memref<786432xf32, #tpu.memory_space<hbm>> -> memref<1536xf32, #tpu.memory_space<hbm>>
          tpu.wait_dma2 semaphore(%run_scoped3A : memref<!tpu.dma_semaphore, #tpu.memory_space<semaphore_mem>>) src(%dma_wait3A_102 : memref<1536xf32, #tpu.memory_space<hbm>>) dst(%arg6 : memref<1536xf32, #tpu.memory_space<vmem>>)
          tpu.yield
        }) : () -> ()
        %scan3A_75 = arith.constant 0 : i32
        %scan3A_76 = arith.constant 0 : i32
        %scan3A_77 = arith.constant 32 : i32
        %scan3A_78 = arith.addi %scan3A_76, %scan3A_77 : i32
        %scan3A_79 = arith.constant 1 : i32
        scf.for %scan3A_101 = %scan3A_76 to %scan3A_78 step %scan3A_79  : i32 {
          %iota3A = tpu.iota {dimensions = array<i32: 0>} : vector<16xi32>
          %and3A_102 = arith.constant 3 : i32
          %and3A_103 = arith.andi %scan3A_101, %and3A_102 : i32
          %mul3A_104 = arith.constant 512 : i32
          %mul3A_105 = arith.muli %and3A_103, %mul3A_104 : i32
          %broadcast_in_dim3A = vector.broadcast %mul3A_105 : i32 to vector<16xi32>
          %mul3A_106 = arith.constant 32 : i32
          %mul3A_107 = vector.broadcast %mul3A_106 : i32 to vector<16xi32>
          %mul3A_108 = arith.muli %iota3A, %mul3A_107 : vector<16xi32>
          %add3A_109 = arith.addi %broadcast_in_dim3A, %mul3A_108 : vector<16xi32>
          %shift_right_logical3A = arith.constant 2 : i32
          %shift_right_logical3A_110 = arith.shrui %scan3A_101, %shift_right_logical3A : i32
          %broadcast_in_dim3A_111 = vector.broadcast %shift_right_logical3A_110 : i32 to vector<16xi32>
          %mul3A_112 = arith.constant 48 : i32
          %mul3A_113 = arith.muli %mul3A_112, %scan3A_101 : i32
          %broadcast_in_dim3A_114 = vector.broadcast %mul3A_113 : i32 to vector<16xi32>
          %mul3A_115 = arith.constant 3 : i32
          %mul3A_116 = vector.broadcast %mul3A_115 : i32 to vector<16xi32>
          %mul3A_117 = arith.muli %mul3A_116, %iota3A : vector<16xi32>
          %add3A_118 = arith.addi %broadcast_in_dim3A_114, %mul3A_117 : vector<16xi32>
          %gather3A = tpu.vector_load_idx %arg6[%add3A_118] : memref<1536xf32, #tpu.memory_space<vmem>>[vector<16xi32>], vector<16xf32>,
          %add3A_119 = arith.constant 1 : i32
          %add3A_120 = vector.broadcast %add3A_119 : i32 to vector<16xi32>
          %add3A_121 = arith.addi %add3A_118, %add3A_120 : vector<16xi32>
          %gather3A_122 = tpu.vector_load_idx %arg6[%add3A_121] : memref<1536xf32, #tpu.memory_space<vmem>>[vector<16xi32>], vector<16xf32>,
          %add3A_123 = arith.constant 2 : i32
          %add3A_124 = vector.broadcast %add3A_123 : i32 to vector<16xi32>
          %add3A_125 = arith.addi %add3A_118, %add3A_124 : vector<16xi32>
          %gather3A_126 = tpu.vector_load_idx %arg6[%add3A_125] : memref<1536xf32, #tpu.memory_space<vmem>>[vector<16xi32>], vector<16xf32>,
          %get3A = arith.constant 0 : i32
          %get3A_127 = arith.index_cast %get3A : i32 to index
          %get3A_128 = arith.constant 0 : index
          %get3A_129 = tpu.vector_load %arg7[%get3A_127, %get3A_128] {strides = array<i32>} : memref<16x16xf32, #tpu.memory_space<vmem>>, vector<16xf32>,
          %mul3A_130 = arith.mulf %gather3A, %get3A_129 : vector<16xf32>
          %mul3A_131 = arith.mulf %gather3A_122, %get3A_129 : vector<16xf32>
          %mul3A_132 = arith.mulf %gather3A_126, %get3A_129 : vector<16xf32>
          %convert_element_type3A_133 = arith.fptosi %mul3A_130 : vector<16xf32> to vector<16xi32>
          %convert_element_type3A_134 = arith.fptosi %mul3A_131 : vector<16xf32> to vector<16xi32>
          %convert_element_type3A_135 = arith.fptosi %mul3A_132 : vector<16xf32> to vector<16xi32>
          %convert_element_type3A_136 = arith.sitofp %convert_element_type3A_133 : vector<16xi32> to vector<16xf32>
          %gt3A = arith.cmpf ogt, %mul3A_130, %convert_element_type3A_136 : vector<16xf32>
          %convert_element_type3A_137 = arith.extui %gt3A : vector<16xi1> to vector<16xi32>
          %add3A_138 = arith.addi %convert_element_type3A_133, %convert_element_type3A_137 : vector<16xi32>
          %convert_element_type3A_139 = arith.sitofp %convert_element_type3A_134 : vector<16xi32> to vector<16xf32>
          %gt3A_140 = arith.cmpf ogt, %mul3A_131, %convert_element_type3A_139 : vector<16xf32>
          %convert_element_type3A_141 = arith.extui %gt3A_140 : vector<16xi1> to vector<16xi32>
          %add3A_142 = arith.addi %convert_element_type3A_134, %convert_element_type3A_141 : vector<16xi32>
          %convert_element_type3A_143 = arith.sitofp %convert_element_type3A_135 : vector<16xi32> to vector<16xf32>
          %gt3A_144 = arith.cmpf ogt, %mul3A_132, %convert_element_type3A_143 : vector<16xf32>
          %convert_element_type3A_145 = arith.extui %gt3A_144 : vector<16xi1> to vector<16xi32>
          %add3A_146 = arith.addi %convert_element_type3A_135, %convert_element_type3A_145 : vector<16xi32>
          %mul3A_147 = arith.constant -1640531535 : i32
          %mul3A_148 = vector.broadcast %mul3A_147 : i32 to vector<16xi32>
          %mul3A_149 = arith.muli %add3A_142, %mul3A_148 : vector<16xi32>
          %xor3A = arith.xori %add3A_138, %mul3A_149 : vector<16xi32>
          %mul3A_150 = arith.constant 805459861 : i32
          %mul3A_151 = vector.broadcast %mul3A_150 : i32 to vector<16xi32>
          %mul3A_152 = arith.muli %add3A_146, %mul3A_151 : vector<16xi32>
          %xor3A_153 = arith.xori %xor3A, %mul3A_152 : vector<16xi32>
          %and3A_154 = arith.constant 524287 : i32
          %and3A_155 = vector.broadcast %and3A_154 : i32 to vector<16xi32>
          %and3A_156 = arith.andi %xor3A_153, %and3A_155 : vector<16xi32>
          %add3A_157 = arith.constant 0 : i32
          %add3A_158 = vector.broadcast %add3A_157 : i32 to vector<16xi32>
          %add3A_159 = arith.addi %and3A_156, %add3A_158 : vector<16xi32>
          %shift_right_logical3A_160 = arith.constant 7 : i32
          %shift_right_logical3A_161 = vector.broadcast %shift_right_logical3A_160 : i32 to vector<16xi32>
          %shift_right_logical3A_162 = arith.shrui %add3A_159, %shift_right_logical3A_161 : vector<16xi32>
          %mul3A_163 = arith.constant 256 : i32
          %mul3A_164 = vector.broadcast %mul3A_163 : i32 to vector<16xi32>
          %mul3A_165 = arith.muli %shift_right_logical3A_162, %mul3A_164 : vector<16xi32>
          %and3A_166 = arith.constant 127 : i32
          %and3A_167 = vector.broadcast %and3A_166 : i32 to vector<16xi32>
          %and3A_168 = arith.andi %add3A_159, %and3A_167 : vector<16xi32>
          %add3A_169 = arith.addi %mul3A_165, %and3A_168 : vector<16xi32>
          %add3A_170 = arith.constant 0 : i32
          %add3A_171 = vector.broadcast %add3A_170 : i32 to vector<16xi32>
          %add3A_172 = arith.addi %add3A_109, %add3A_171 : vector<16xi32>
          tpu.vector_store_idx %arg9[%broadcast_in_dim3A_111, %add3A_172], %add3A_169 : memref<8x2048xi32, #tpu.memory_space<vmem>>[vector<16xi32>, vector<16xi32>], vector<16xi32>,
          %add3A_173 = arith.constant 0 : i32
          %add3A_174 = vector.broadcast %add3A_173 : i32 to vector<16xi32>
          %add3A_175 = arith.addi %add3A_109, %add3A_174 : vector<16xi32>
          %add3A_176 = arith.constant 1 : i32
          %add3A_177 = vector.broadcast %add3A_176 : i32 to vector<16xi32>
          %add3A_178 = arith.addi %add3A_175, %add3A_177 : vector<16xi32>
          %add3A_179 = arith.constant 128 : i32
          %add3A_180 = vector.broadcast %add3A_179 : i32 to vector<16xi32>
          %add3A_181 = arith.addi %add3A_169, %add3A_180 : vector<16xi32>
          tpu.vector_store_idx %arg9[%broadcast_in_dim3A_111, %add3A_178], %add3A_181 : memref<8x2048xi32, #tpu.memory_space<vmem>>[vector<16xi32>, vector<16xi32>], vector<16xi32>,
          %get3A_182 = arith.constant 1 : i32
          %get3A_183 = arith.index_cast %get3A_182 : i32 to index
          %get3A_184 = arith.constant 0 : index
          %get3A_185 = tpu.vector_load %arg7[%get3A_183, %get3A_184] {strides = array<i32>} : memref<16x16xf32, #tpu.memory_space<vmem>>, vector<16xf32>,
          %mul3A_186 = arith.mulf %gather3A, %get3A_185 : vector<16xf32>
          %mul3A_187 = arith.mulf %gather3A_122, %get3A_185 : vector<16xf32>
          %mul3A_188 = arith.mulf %gather3A_126, %get3A_185 : vector<16xf32>
          %convert_element_type3A_189 = arith.fptosi %mul3A_186 : vector<16xf32> to vector<16xi32>
          %convert_element_type3A_190 = arith.fptosi %mul3A_187 : vector<16xf32> to vector<16xi32>
          %convert_element_type3A_191 = arith.fptosi %mul3A_188 : vector<16xf32> to vector<16xi32>
          %convert_element_type3A_192 = arith.sitofp %convert_element_type3A_189 : vector<16xi32> to vector<16xf32>
          %gt3A_193 = arith.cmpf ogt, %mul3A_186, %convert_element_type3A_192 : vector<16xf32>
          %convert_element_type3A_194 = arith.extui %gt3A_193 : vector<16xi1> to vector<16xi32>
          %add3A_195 = arith.addi %convert_element_type3A_189, %convert_element_type3A_194 : vector<16xi32>
          %convert_element_type3A_196 = arith.sitofp %convert_element_type3A_190 : vector<16xi32> to vector<16xf32>
          %gt3A_197 = arith.cmpf ogt, %mul3A_187, %convert_element_type3A_196 : vector<16xf32>
          %convert_element_type3A_198 = arith.extui %gt3A_197 : vector<16xi1> to vector<16xi32>
          %add3A_199 = arith.addi %convert_element_type3A_190, %convert_element_type3A_198 : vector<16xi32>
          %convert_element_type3A_200 = arith.sitofp %convert_element_type3A_191 : vector<16xi32> to vector<16xf32>
          %gt3A_201 = arith.cmpf ogt, %mul3A_188, %convert_element_type3A_200 : vector<16xf32>
          %convert_element_type3A_202 = arith.extui %gt3A_201 : vector<16xi1> to vector<16xi32>
          %add3A_203 = arith.addi %convert_element_type3A_191, %convert_element_type3A_202 : vector<16xi32>
          %mul3A_204 = arith.constant -1640531535 : i32
          %mul3A_205 = vector.broadcast %mul3A_204 : i32 to vector<16xi32>
          %mul3A_206 = arith.muli %add3A_199, %mul3A_205 : vector<16xi32>
          %xor3A_207 = arith.xori %add3A_195, %mul3A_206 : vector<16xi32>
          %mul3A_208 = arith.constant 805459861 : i32
          %mul3A_209 = vector.broadcast %mul3A_208 : i32 to vector<16xi32>
          %mul3A_210 = arith.muli %add3A_203, %mul3A_209 : vector<16xi32>
          %xor3A_211 = arith.xori %xor3A_207, %mul3A_210 : vector<16xi32>
          %and3A_212 = arith.constant 524287 : i32
          %and3A_213 = vector.broadcast %and3A_212 : i32 to vector<16xi32>
          %and3A_214 = arith.andi %xor3A_211, %and3A_213 : vector<16xi32>
          %add3A_215 = arith.constant 524288 : i32
          %add3A_216 = vector.broadcast %add3A_215 : i32 to vector<16xi32>
          %add3A_217 = arith.addi %and3A_214, %add3A_216 : vector<16xi32>
          %shift_right_logical3A_218 = arith.constant 7 : i32
          %shift_right_logical3A_219 = vector.broadcast %shift_right_logical3A_218 : i32 to vector<16xi32>
          %shift_right_logical3A_220 = arith.shrui %add3A_217, %shift_right_logical3A_219 : vector<16xi32>
          %mul3A_221 = arith.constant 256 : i32
          %mul3A_222 = vector.broadcast %mul3A_221 : i32 to vector<16xi32>
          %mul3A_223 = arith.muli %shift_right_logical3A_220, %mul3A_222 : vector<16xi32>
          %and3A_224 = arith.constant 127 : i32
          %and3A_225 = vector.broadcast %and3A_224 : i32 to vector<16xi32>
          %and3A_226 = arith.andi %add3A_217, %and3A_225 : vector<16xi32>
          %add3A_227 = arith.addi %mul3A_223, %and3A_226 : vector<16xi32>
          %add3A_228 = arith.constant 2 : i32
          %add3A_229 = vector.broadcast %add3A_228 : i32 to vector<16xi32>
          %add3A_230 = arith.addi %add3A_109, %add3A_229 : vector<16xi32>
          tpu.vector_store_idx %arg9[%broadcast_in_dim3A_111, %add3A_230], %add3A_227 : memref<8x2048xi32, #tpu.memory_space<vmem>>[vector<16xi32>, vector<16xi32>], vector<16xi32>,
          %add3A_231 = arith.constant 2 : i32
          %add3A_232 = vector.broadcast %add3A_231 : i32 to vector<16xi32>
          %add3A_233 = arith.addi %add3A_109, %add3A_232 : vector<16xi32>
          %add3A_234 = arith.constant 1 : i32
          %add3A_235 = vector.broadcast %add3A_234 : i32 to vector<16xi32>
          %add3A_236 = arith.addi %add3A_233, %add3A_235 : vector<16xi32>
          %add3A_237 = arith.constant 128 : i32
          %add3A_238 = vector.broadcast %add3A_237 : i32 to vector<16xi32>
          %add3A_239 = arith.addi %add3A_227, %add3A_238 : vector<16xi32>
          tpu.vector_store_idx %arg9[%broadcast_in_dim3A_111, %add3A_236], %add3A_239 : memref<8x2048xi32, #tpu.memory_space<vmem>>[vector<16xi32>, vector<16xi32>], vector<16xi32>,
          %get3A_240 = arith.constant 2 : i32
          %get3A_241 = arith.index_cast %get3A_240 : i32 to index
          %get3A_242 = arith.constant 0 : index
          %get3A_243 = tpu.vector_load %arg7[%get3A_241, %get3A_242] {strides = array<i32>} : memref<16x16xf32, #tpu.memory_space<vmem>>, vector<16xf32>,
          %mul3A_244 = arith.mulf %gather3A, %get3A_243 : vector<16xf32>
          %mul3A_245 = arith.mulf %gather3A_122, %get3A_243 : vector<16xf32>
          %mul3A_246 = arith.mulf %gather3A_126, %get3A_243 : vector<16xf32>
          %convert_element_type3A_247 = arith.fptosi %mul3A_244 : vector<16xf32> to vector<16xi32>
          %convert_element_type3A_248 = arith.fptosi %mul3A_245 : vector<16xf32> to vector<16xi32>
          %convert_element_type3A_249 = arith.fptosi %mul3A_246 : vector<16xf32> to vector<16xi32>
          %convert_element_type3A_250 = arith.sitofp %convert_element_type3A_247 : vector<16xi32> to vector<16xf32>
          %gt3A_251 = arith.cmpf ogt, %mul3A_244, %convert_element_type3A_250 : vector<16xf32>
          %convert_element_type3A_252 = arith.extui %gt3A_251 : vector<16xi1> to vector<16xi32>
          %add3A_253 = arith.addi %convert_element_type3A_247, %convert_element_type3A_252 : vector<16xi32>
          %convert_element_type3A_254 = arith.sitofp %convert_element_type3A_248 : vector<16xi32> to vector<16xf32>
          %gt3A_255 = arith.cmpf ogt, %mul3A_245, %convert_element_type3A_254 : vector<16xf32>
          %convert_element_type3A_256 = arith.extui %gt3A_255 : vector<16xi1> to vector<16xi32>
          %add3A_257 = arith.addi %convert_element_type3A_248, %convert_element_type3A_256 : vector<16xi32>
          %convert_element_type3A_258 = arith.sitofp %convert_element_type3A_249 : vector<16xi32> to vector<16xf32>
          %gt3A_259 = arith.cmpf ogt, %mul3A_246, %convert_element_type3A_258 : vector<16xf32>
          %convert_element_type3A_260 = arith.extui %gt3A_259 : vector<16xi1> to vector<16xi32>
          %add3A_261 = arith.addi %convert_element_type3A_249, %convert_element_type3A_260 : vector<16xi32>
          %mul3A_262 = arith.constant -1640531535 : i32
          %mul3A_263 = vector.broadcast %mul3A_262 : i32 to vector<16xi32>
          %mul3A_264 = arith.muli %add3A_257, %mul3A_263 : vector<16xi32>
          %xor3A_265 = arith.xori %add3A_253, %mul3A_264 : vector<16xi32>
          %mul3A_266 = arith.constant 805459861 : i32
          %mul3A_267 = vector.broadcast %mul3A_266 : i32 to vector<16xi32>
          %mul3A_268 = arith.muli %add3A_261, %mul3A_267 : vector<16xi32>
          %xor3A_269 = arith.xori %xor3A_265, %mul3A_268 : vector<16xi32>
          %and3A_270 = arith.constant 524287 : i32
          %and3A_271 = vector.broadcast %and3A_270 : i32 to vector<16xi32>
          %and3A_272 = arith.andi %xor3A_269, %and3A_271 : vector<16xi32>
          %add3A_273 = arith.constant 1048576 : i32
          %add3A_274 = vector.broadcast %add3A_273 : i32 to vector<16xi32>
          %add3A_275 = arith.addi %and3A_272, %add3A_274 : vector<16xi32>
          %shift_right_logical3A_276 = arith.constant 7 : i32
          %shift_right_logical3A_277 = vector.broadcast %shift_right_logical3A_276 : i32 to vector<16xi32>
          %shift_right_logical3A_278 = arith.shrui %add3A_275, %shift_right_logical3A_277 : vector<16xi32>
          %mul3A_279 = arith.constant 256 : i32
          %mul3A_280 = vector.broadcast %mul3A_279 : i32 to vector<16xi32>
          %mul3A_281 = arith.muli %shift_right_logical3A_278, %mul3A_280 : vector<16xi32>
          %and3A_282 = arith.constant 127 : i32
          %and3A_283 = vector.broadcast %and3A_282 : i32 to vector<16xi32>
          %and3A_284 = arith.andi %add3A_275, %and3A_283 : vector<16xi32>
          %add3A_285 = arith.addi %mul3A_281, %and3A_284 : vector<16xi32>
          %add3A_286 = arith.constant 4 : i32
          %add3A_287 = vector.broadcast %add3A_286 : i32 to vector<16xi32>
          %add3A_288 = arith.addi %add3A_109, %add3A_287 : vector<16xi32>
          tpu.vector_store_idx %arg9[%broadcast_in_dim3A_111, %add3A_288], %add3A_285 : memref<8x2048xi32, #tpu.memory_space<vmem>>[vector<16xi32>, vector<16xi32>], vector<16xi32>,
          %add3A_289 = arith.constant 4 : i32
          %add3A_290 = vector.broadcast %add3A_289 : i32 to vector<16xi32>
          %add3A_291 = arith.addi %add3A_109, %add3A_290 : vector<16xi32>
          %add3A_292 = arith.constant 1 : i32
          %add3A_293 = vector.broadcast %add3A_292 : i32 to vector<16xi32>
          %add3A_294 = arith.addi %add3A_291, %add3A_293 : vector<16xi32>
          %add3A_295 = arith.constant 128 : i32
          %add3A_296 = vector.broadcast %add3A_295 : i32 to vector<16xi32>
          %add3A_297 = arith.addi %add3A_285, %add3A_296 : vector<16xi32>
          tpu.vector_store_idx %arg9[%broadcast_in_dim3A_111, %add3A_294], %add3A_297 : memref<8x2048xi32, #tpu.memory_space<vmem>>[vector<16xi32>, vector<16xi32>], vector<16xi32>,
          %get3A_298 = arith.constant 3 : i32
          %get3A_299 = arith.index_cast %get3A_298 : i32 to index
          %get3A_300 = arith.constant 0 : index
          %get3A_301 = tpu.vector_load %arg7[%get3A_299, %get3A_300] {strides = array<i32>} : memref<16x16xf32, #tpu.memory_space<vmem>>, vector<16xf32>,
          %mul3A_302 = arith.mulf %gather3A, %get3A_301 : vector<16xf32>
          %mul3A_303 = arith.mulf %gather3A_122, %get3A_301 : vector<16xf32>
          %mul3A_304 = arith.mulf %gather3A_126, %get3A_301 : vector<16xf32>
          %convert_element_type3A_305 = arith.fptosi %mul3A_302 : vector<16xf32> to vector<16xi32>
          %convert_element_type3A_306 = arith.fptosi %mul3A_303 : vector<16xf32> to vector<16xi32>
          %convert_element_type3A_307 = arith.fptosi %mul3A_304 : vector<16xf32> to vector<16xi32>
          %convert_element_type3A_308 = arith.sitofp %convert_element_type3A_305 : vector<16xi32> to vector<16xf32>
          %gt3A_309 = arith.cmpf ogt, %mul3A_302, %convert_element_type3A_308 : vector<16xf32>
          %convert_element_type3A_310 = arith.extui %gt3A_309 : vector<16xi1> to vector<16xi32>
          %add3A_311 = arith.addi %convert_element_type3A_305, %convert_element_type3A_310 : vector<16xi32>
          %convert_element_type3A_312 = arith.sitofp %convert_element_type3A_306 : vector<16xi32> to vector<16xf32>
          %gt3A_313 = arith.cmpf ogt, %mul3A_303, %convert_element_type3A_312 : vector<16xf32>
          %convert_element_type3A_314 = arith.extui %gt3A_313 : vector<16xi1> to vector<16xi32>
          %add3A_315 = arith.addi %convert_element_type3A_306, %convert_element_type3A_314 : vector<16xi32>
          %convert_element_type3A_316 = arith.sitofp %convert_element_type3A_307 : vector<16xi32> to vector<16xf32>
          %gt3A_317 = arith.cmpf ogt, %mul3A_304, %convert_element_type3A_316 : vector<16xf32>
          %convert_element_type3A_318 = arith.extui %gt3A_317 : vector<16xi1> to vector<16xi32>
          %add3A_319 = arith.addi %convert_element_type3A_307, %convert_element_type3A_318 : vector<16xi32>
          %mul3A_320 = arith.constant -1640531535 : i32
          %mul3A_321 = vector.broadcast %mul3A_320 : i32 to vector<16xi32>
          %mul3A_322 = arith.muli %add3A_315, %mul3A_321 : vector<16xi32>
          %xor3A_323 = arith.xori %add3A_311, %mul3A_322 : vector<16xi32>
          %mul3A_324 = arith.constant 805459861 : i32
          %mul3A_325 = vector.broadcast %mul3A_324 : i32 to vector<16xi32>
          %mul3A_326 = arith.muli %add3A_319, %mul3A_325 : vector<16xi32>
          %xor3A_327 = arith.xori %xor3A_323, %mul3A_326 : vector<16xi32>
          %and3A_328 = arith.constant 524287 : i32
          %and3A_329 = vector.broadcast %and3A_328 : i32 to vector<16xi32>
          %and3A_330 = arith.andi %xor3A_327, %and3A_329 : vector<16xi32>
          %add3A_331 = arith.constant 1572864 : i32
          %add3A_332 = vector.broadcast %add3A_331 : i32 to vector<16xi32>
          %add3A_333 = arith.addi %and3A_330, %add3A_332 : vector<16xi32>
          %shift_right_logical3A_334 = arith.constant 7 : i32
          %shift_right_logical3A_335 = vector.broadcast %shift_right_logical3A_334 : i32 to vector<16xi32>
          %shift_right_logical3A_336 = arith.shrui %add3A_333, %shift_right_logical3A_335 : vector<16xi32>
          %mul3A_337 = arith.constant 256 : i32
          %mul3A_338 = vector.broadcast %mul3A_337 : i32 to vector<16xi32>
          %mul3A_339 = arith.muli %shift_right_logical3A_336, %mul3A_338 : vector<16xi32>
          %and3A_340 = arith.constant 127 : i32
          %and3A_341 = vector.broadcast %and3A_340 : i32 to vector<16xi32>
          %and3A_342 = arith.andi %add3A_333, %and3A_341 : vector<16xi32>
          %add3A_343 = arith.addi %mul3A_339, %and3A_342 : vector<16xi32>
          %add3A_344 = arith.constant 6 : i32
          %add3A_345 = vector.broadcast %add3A_344 : i32 to vector<16xi32>
          %add3A_346 = arith.addi %add3A_109, %add3A_345 : vector<16xi32>
          tpu.vector_store_idx %arg9[%broadcast_in_dim3A_111, %add3A_346], %add3A_343 : memref<8x2048xi32, #tpu.memory_space<vmem>>[vector<16xi32>, vector<16xi32>], vector<16xi32>,
          %add3A_347 = arith.constant 6 : i32
          %add3A_348 = vector.broadcast %add3A_347 : i32 to vector<16xi32>
          %add3A_349 = arith.addi %add3A_109, %add3A_348 : vector<16xi32>
          %add3A_350 = arith.constant 1 : i32
          %add3A_351 = vector.broadcast %add3A_350 : i32 to vector<16xi32>
          %add3A_352 = arith.addi %add3A_349, %add3A_351 : vector<16xi32>
          %add3A_353 = arith.constant 128 : i32
          %add3A_354 = vector.broadcast %add3A_353 : i32 to vector<16xi32>
          %add3A_355 = arith.addi %add3A_343, %add3A_354 : vector<16xi32>
          tpu.vector_store_idx %arg9[%broadcast_in_dim3A_111, %add3A_352], %add3A_355 : memref<8x2048xi32, #tpu.memory_space<vmem>>[vector<16xi32>, vector<16xi32>], vector<16xi32>,
          %get3A_356 = arith.constant 4 : i32
          %get3A_357 = arith.index_cast %get3A_356 : i32 to index
          %get3A_358 = arith.constant 0 : index
          %get3A_359 = tpu.vector_load %arg7[%get3A_357, %get3A_358] {strides = array<i32>} : memref<16x16xf32, #tpu.memory_space<vmem>>, vector<16xf32>,
          %mul3A_360 = arith.mulf %gather3A, %get3A_359 : vector<16xf32>
          %mul3A_361 = arith.mulf %gather3A_122, %get3A_359 : vector<16xf32>
          %mul3A_362 = arith.mulf %gather3A_126, %get3A_359 : vector<16xf32>
          %convert_element_type3A_363 = arith.fptosi %mul3A_360 : vector<16xf32> to vector<16xi32>
          %convert_element_type3A_364 = arith.fptosi %mul3A_361 : vector<16xf32> to vector<16xi32>
          %convert_element_type3A_365 = arith.fptosi %mul3A_362 : vector<16xf32> to vector<16xi32>
          %convert_element_type3A_366 = arith.sitofp %convert_element_type3A_363 : vector<16xi32> to vector<16xf32>
          %gt3A_367 = arith.cmpf ogt, %mul3A_360, %convert_element_type3A_366 : vector<16xf32>
          %convert_element_type3A_368 = arith.extui %gt3A_367 : vector<16xi1> to vector<16xi32>
          %add3A_369 = arith.addi %convert_element_type3A_363, %convert_element_type3A_368 : vector<16xi32>
          %convert_element_type3A_370 = arith.sitofp %convert_element_type3A_364 : vector<16xi32> to vector<16xf32>
          %gt3A_371 = arith.cmpf ogt, %mul3A_361, %convert_element_type3A_370 : vector<16xf32>
          %convert_element_type3A_372 = arith.extui %gt3A_371 : vector<16xi1> to vector<16xi32>
          %add3A_373 = arith.addi %convert_element_type3A_364, %convert_element_type3A_372 : vector<16xi32>
          %convert_element_type3A_374 = arith.sitofp %convert_element_type3A_365 : vector<16xi32> to vector<16xf32>
          %gt3A_375 = arith.cmpf ogt, %mul3A_362, %convert_element_type3A_374 : vector<16xf32>
          %convert_element_type3A_376 = arith.extui %gt3A_375 : vector<16xi1> to vector<16xi32>
          %add3A_377 = arith.addi %convert_element_type3A_365, %convert_element_type3A_376 : vector<16xi32>
          %mul3A_378 = arith.constant -1640531535 : i32
          %mul3A_379 = vector.broadcast %mul3A_378 : i32 to vector<16xi32>
          %mul3A_380 = arith.muli %add3A_373, %mul3A_379 : vector<16xi32>
          %xor3A_381 = arith.xori %add3A_369, %mul3A_380 : vector<16xi32>
          %mul3A_382 = arith.constant 805459861 : i32
          %mul3A_383 = vector.broadcast %mul3A_382 : i32 to vector<16xi32>
          %mul3A_384 = arith.muli %add3A_377, %mul3A_383 : vector<16xi32>
          %xor3A_385 = arith.xori %xor3A_381, %mul3A_384 : vector<16xi32>
          %and3A_386 = arith.constant 524287 : i32
          %and3A_387 = vector.broadcast %and3A_386 : i32 to vector<16xi32>
          %and3A_388 = arith.andi %xor3A_385, %and3A_387 : vector<16xi32>
          %add3A_389 = arith.constant 2097152 : i32
          %add3A_390 = vector.broadcast %add3A_389 : i32 to vector<16xi32>
          %add3A_391 = arith.addi %and3A_388, %add3A_390 : vector<16xi32>
          %shift_right_logical3A_392 = arith.constant 7 : i32
          %shift_right_logical3A_393 = vector.broadcast %shift_right_logical3A_392 : i32 to vector<16xi32>
          %shift_right_logical3A_394 = arith.shrui %add3A_391, %shift_right_logical3A_393 : vector<16xi32>
          %mul3A_395 = arith.constant 256 : i32
          %mul3A_396 = vector.broadcast %mul3A_395 : i32 to vector<16xi32>
          %mul3A_397 = arith.muli %shift_right_logical3A_394, %mul3A_396 : vector<16xi32>
          %and3A_398 = arith.constant 127 : i32
          %and3A_399 = vector.broadcast %and3A_398 : i32 to vector<16xi32>
          %and3A_400 = arith.andi %add3A_391, %and3A_399 : vector<16xi32>
          %add3A_401 = arith.addi %mul3A_397, %and3A_400 : vector<16xi32>
          %add3A_402 = arith.constant 8 : i32
          %add3A_403 = vector.broadcast %add3A_402 : i32 to vector<16xi32>
          %add3A_404 = arith.addi %add3A_109, %add3A_403 : vector<16xi32>
          tpu.vector_store_idx %arg9[%broadcast_in_dim3A_111, %add3A_404], %add3A_401 : memref<8x2048xi32, #tpu.memory_space<vmem>>[vector<16xi32>, vector<16xi32>], vector<16xi32>,
          %add3A_405 = arith.constant 8 : i32
          %add3A_406 = vector.broadcast %add3A_405 : i32 to vector<16xi32>
          %add3A_407 = arith.addi %add3A_109, %add3A_406 : vector<16xi32>
          %add3A_408 = arith.constant 1 : i32
          %add3A_409 = vector.broadcast %add3A_408 : i32 to vector<16xi32>
          %add3A_410 = arith.addi %add3A_407, %add3A_409 : vector<16xi32>
          %add3A_411 = arith.constant 128 : i32
          %add3A_412 = vector.broadcast %add3A_411 : i32 to vector<16xi32>
          %add3A_413 = arith.addi %add3A_401, %add3A_412 : vector<16xi32>
          tpu.vector_store_idx %arg9[%broadcast_in_dim3A_111, %add3A_410], %add3A_413 : memref<8x2048xi32, #tpu.memory_space<vmem>>[vector<16xi32>, vector<16xi32>], vector<16xi32>,
          %get3A_414 = arith.constant 5 : i32
          %get3A_415 = arith.index_cast %get3A_414 : i32 to index
          %get3A_416 = arith.constant 0 : index
          %get3A_417 = tpu.vector_load %arg7[%get3A_415, %get3A_416] {strides = array<i32>} : memref<16x16xf32, #tpu.memory_space<vmem>>, vector<16xf32>,
          %mul3A_418 = arith.mulf %gather3A, %get3A_417 : vector<16xf32>
          %mul3A_419 = arith.mulf %gather3A_122, %get3A_417 : vector<16xf32>
          %mul3A_420 = arith.mulf %gather3A_126, %get3A_417 : vector<16xf32>
          %convert_element_type3A_421 = arith.fptosi %mul3A_418 : vector<16xf32> to vector<16xi32>
          %convert_element_type3A_422 = arith.fptosi %mul3A_419 : vector<16xf32> to vector<16xi32>
          %convert_element_type3A_423 = arith.fptosi %mul3A_420 : vector<16xf32> to vector<16xi32>
          %convert_element_type3A_424 = arith.sitofp %convert_element_type3A_421 : vector<16xi32> to vector<16xf32>
          %gt3A_425 = arith.cmpf ogt, %mul3A_418, %convert_element_type3A_424 : vector<16xf32>
          %convert_element_type3A_426 = arith.extui %gt3A_425 : vector<16xi1> to vector<16xi32>
          %add3A_427 = arith.addi %convert_element_type3A_421, %convert_element_type3A_426 : vector<16xi32>
          %convert_element_type3A_428 = arith.sitofp %convert_element_type3A_422 : vector<16xi32> to vector<16xf32>
          %gt3A_429 = arith.cmpf ogt, %mul3A_419, %convert_element_type3A_428 : vector<16xf32>
          %convert_element_type3A_430 = arith.extui %gt3A_429 : vector<16xi1> to vector<16xi32>
          %add3A_431 = arith.addi %convert_element_type3A_422, %convert_element_type3A_430 : vector<16xi32>
          %convert_element_type3A_432 = arith.sitofp %convert_element_type3A_423 : vector<16xi32> to vector<16xf32>
          %gt3A_433 = arith.cmpf ogt, %mul3A_420, %convert_element_type3A_432 : vector<16xf32>
          %convert_element_type3A_434 = arith.extui %gt3A_433 : vector<16xi1> to vector<16xi32>
          %add3A_435 = arith.addi %convert_element_type3A_423, %convert_element_type3A_434 : vector<16xi32>
          %mul3A_436 = arith.constant -1640531535 : i32
          %mul3A_437 = vector.broadcast %mul3A_436 : i32 to vector<16xi32>
          %mul3A_438 = arith.muli %add3A_431, %mul3A_437 : vector<16xi32>
          %xor3A_439 = arith.xori %add3A_427, %mul3A_438 : vector<16xi32>
          %mul3A_440 = arith.constant 805459861 : i32
          %mul3A_441 = vector.broadcast %mul3A_440 : i32 to vector<16xi32>
          %mul3A_442 = arith.muli %add3A_435, %mul3A_441 : vector<16xi32>
          %xor3A_443 = arith.xori %xor3A_439, %mul3A_442 : vector<16xi32>
          %and3A_444 = arith.constant 524287 : i32
          %and3A_445 = vector.broadcast %and3A_444 : i32 to vector<16xi32>
          %and3A_446 = arith.andi %xor3A_443, %and3A_445 : vector<16xi32>
          %add3A_447 = arith.constant 2621440 : i32
          %add3A_448 = vector.broadcast %add3A_447 : i32 to vector<16xi32>
          %add3A_449 = arith.addi %and3A_446, %add3A_448 : vector<16xi32>
          %shift_right_logical3A_450 = arith.constant 7 : i32
          %shift_right_logical3A_451 = vector.broadcast %shift_right_logical3A_450 : i32 to vector<16xi32>
          %shift_right_logical3A_452 = arith.shrui %add3A_449, %shift_right_logical3A_451 : vector<16xi32>
          %mul3A_453 = arith.constant 256 : i32
          %mul3A_454 = vector.broadcast %mul3A_453 : i32 to vector<16xi32>
          %mul3A_455 = arith.muli %shift_right_logical3A_452, %mul3A_454 : vector<16xi32>
          %and3A_456 = arith.constant 127 : i32
          %and3A_457 = vector.broadcast %and3A_456 : i32 to vector<16xi32>
          %and3A_458 = arith.andi %add3A_449, %and3A_457 : vector<16xi32>
          %add3A_459 = arith.addi %mul3A_455, %and3A_458 : vector<16xi32>
          %add3A_460 = arith.constant 10 : i32
          %add3A_461 = vector.broadcast %add3A_460 : i32 to vector<16xi32>
          %add3A_462 = arith.addi %add3A_109, %add3A_461 : vector<16xi32>
          tpu.vector_store_idx %arg9[%broadcast_in_dim3A_111, %add3A_462], %add3A_459 : memref<8x2048xi32, #tpu.memory_space<vmem>>[vector<16xi32>, vector<16xi32>], vector<16xi32>,
          %add3A_463 = arith.constant 10 : i32
          %add3A_464 = vector.broadcast %add3A_463 : i32 to vector<16xi32>
          %add3A_465 = arith.addi %add3A_109, %add3A_464 : vector<16xi32>
          %add3A_466 = arith.constant 1 : i32
          %add3A_467 = vector.broadcast %add3A_466 : i32 to vector<16xi32>
          %add3A_468 = arith.addi %add3A_465, %add3A_467 : vector<16xi32>
          %add3A_469 = arith.constant 128 : i32
          %add3A_470 = vector.broadcast %add3A_469 : i32 to vector<16xi32>
          %add3A_471 = arith.addi %add3A_459, %add3A_470 : vector<16xi32>
          tpu.vector_store_idx %arg9[%broadcast_in_dim3A_111, %add3A_468], %add3A_471 : memref<8x2048xi32, #tpu.memory_space<vmem>>[vector<16xi32>, vector<16xi32>], vector<16xi32>,
          %get3A_472 = arith.constant 6 : i32
          %get3A_473 = arith.index_cast %get3A_472 : i32 to index
          %get3A_474 = arith.constant 0 : index
          %get3A_475 = tpu.vector_load %arg7[%get3A_473, %get3A_474] {strides = array<i32>} : memref<16x16xf32, #tpu.memory_space<vmem>>, vector<16xf32>,
          %mul3A_476 = arith.mulf %gather3A, %get3A_475 : vector<16xf32>
          %mul3A_477 = arith.mulf %gather3A_122, %get3A_475 : vector<16xf32>
          %mul3A_478 = arith.mulf %gather3A_126, %get3A_475 : vector<16xf32>
          %convert_element_type3A_479 = arith.fptosi %mul3A_476 : vector<16xf32> to vector<16xi32>
          %convert_element_type3A_480 = arith.fptosi %mul3A_477 : vector<16xf32> to vector<16xi32>
          %convert_element_type3A_481 = arith.fptosi %mul3A_478 : vector<16xf32> to vector<16xi32>
          %convert_element_type3A_482 = arith.sitofp %convert_element_type3A_479 : vector<16xi32> to vector<16xf32>
          %gt3A_483 = arith.cmpf ogt, %mul3A_476, %convert_element_type3A_482 : vector<16xf32>
          %convert_element_type3A_484 = arith.extui %gt3A_483 : vector<16xi1> to vector<16xi32>
          %add3A_485 = arith.addi %convert_element_type3A_479, %convert_element_type3A_484 : vector<16xi32>
          %convert_element_type3A_486 = arith.sitofp %convert_element_type3A_480 : vector<16xi32> to vector<16xf32>
          %gt3A_487 = arith.cmpf ogt, %mul3A_477, %convert_element_type3A_486 : vector<16xf32>
          %convert_element_type3A_488 = arith.extui %gt3A_487 : vector<16xi1> to vector<16xi32>
          %add3A_489 = arith.addi %convert_element_type3A_480, %convert_element_type3A_488 : vector<16xi32>
          %convert_element_type3A_490 = arith.sitofp %convert_element_type3A_481 : vector<16xi32> to vector<16xf32>
          %gt3A_491 = arith.cmpf ogt, %mul3A_478, %convert_element_type3A_490 : vector<16xf32>
          %convert_element_type3A_492 = arith.extui %gt3A_491 : vector<16xi1> to vector<16xi32>
          %add3A_493 = arith.addi %convert_element_type3A_481, %convert_element_type3A_492 : vector<16xi32>
          %mul3A_494 = arith.constant -1640531535 : i32
          %mul3A_495 = vector.broadcast %mul3A_494 : i32 to vector<16xi32>
          %mul3A_496 = arith.muli %add3A_489, %mul3A_495 : vector<16xi32>
          %xor3A_497 = arith.xori %add3A_485, %mul3A_496 : vector<16xi32>
          %mul3A_498 = arith.constant 805459861 : i32
          %mul3A_499 = vector.broadcast %mul3A_498 : i32 to vector<16xi32>
          %mul3A_500 = arith.muli %add3A_493, %mul3A_499 : vector<16xi32>
          %xor3A_501 = arith.xori %xor3A_497, %mul3A_500 : vector<16xi32>
          %and3A_502 = arith.constant 524287 : i32
          %and3A_503 = vector.broadcast %and3A_502 : i32 to vector<16xi32>
          %and3A_504 = arith.andi %xor3A_501, %and3A_503 : vector<16xi32>
          %add3A_505 = arith.constant 3145728 : i32
          %add3A_506 = vector.broadcast %add3A_505 : i32 to vector<16xi32>
          %add3A_507 = arith.addi %and3A_504, %add3A_506 : vector<16xi32>
          %shift_right_logical3A_508 = arith.constant 7 : i32
          %shift_right_logical3A_509 = vector.broadcast %shift_right_logical3A_508 : i32 to vector<16xi32>
          %shift_right_logical3A_510 = arith.shrui %add3A_507, %shift_right_logical3A_509 : vector<16xi32>
          %mul3A_511 = arith.constant 256 : i32
          %mul3A_512 = vector.broadcast %mul3A_511 : i32 to vector<16xi32>
          %mul3A_513 = arith.muli %shift_right_logical3A_510, %mul3A_512 : vector<16xi32>
          %and3A_514 = arith.constant 127 : i32
          %and3A_515 = vector.broadcast %and3A_514 : i32 to vector<16xi32>
          %and3A_516 = arith.andi %add3A_507, %and3A_515 : vector<16xi32>
          %add3A_517 = arith.addi %mul3A_513, %and3A_516 : vector<16xi32>
          %add3A_518 = arith.constant 12 : i32
          %add3A_519 = vector.broadcast %add3A_518 : i32 to vector<16xi32>
          %add3A_520 = arith.addi %add3A_109, %add3A_519 : vector<16xi32>
          tpu.vector_store_idx %arg9[%broadcast_in_dim3A_111, %add3A_520], %add3A_517 : memref<8x2048xi32, #tpu.memory_space<vmem>>[vector<16xi32>, vector<16xi32>], vector<16xi32>,
          %add3A_521 = arith.constant 12 : i32
          %add3A_522 = vector.broadcast %add3A_521 : i32 to vector<16xi32>
          %add3A_523 = arith.addi %add3A_109, %add3A_522 : vector<16xi32>
          %add3A_524 = arith.constant 1 : i32
          %add3A_525 = vector.broadcast %add3A_524 : i32 to vector<16xi32>
          %add3A_526 = arith.addi %add3A_523, %add3A_525 : vector<16xi32>
          %add3A_527 = arith.constant 128 : i32
          %add3A_528 = vector.broadcast %add3A_527 : i32 to vector<16xi32>
          %add3A_529 = arith.addi %add3A_517, %add3A_528 : vector<16xi32>
          tpu.vector_store_idx %arg9[%broadcast_in_dim3A_111, %add3A_526], %add3A_529 : memref<8x2048xi32, #tpu.memory_space<vmem>>[vector<16xi32>, vector<16xi32>], vector<16xi32>,
          %get3A_530 = arith.constant 7 : i32
          %get3A_531 = arith.index_cast %get3A_530 : i32 to index
          %get3A_532 = arith.constant 0 : index
          %get3A_533 = tpu.vector_load %arg7[%get3A_531, %get3A_532] {strides = array<i32>} : memref<16x16xf32, #tpu.memory_space<vmem>>, vector<16xf32>,
          %mul3A_534 = arith.mulf %gather3A, %get3A_533 : vector<16xf32>
          %mul3A_535 = arith.mulf %gather3A_122, %get3A_533 : vector<16xf32>
          %mul3A_536 = arith.mulf %gather3A_126, %get3A_533 : vector<16xf32>
          %convert_element_type3A_537 = arith.fptosi %mul3A_534 : vector<16xf32> to vector<16xi32>
          %convert_element_type3A_538 = arith.fptosi %mul3A_535 : vector<16xf32> to vector<16xi32>
          %convert_element_type3A_539 = arith.fptosi %mul3A_536 : vector<16xf32> to vector<16xi32>
          %convert_element_type3A_540 = arith.sitofp %convert_element_type3A_537 : vector<16xi32> to vector<16xf32>
          %gt3A_541 = arith.cmpf ogt, %mul3A_534, %convert_element_type3A_540 : vector<16xf32>
          %convert_element_type3A_542 = arith.extui %gt3A_541 : vector<16xi1> to vector<16xi32>
          %add3A_543 = arith.addi %convert_element_type3A_537, %convert_element_type3A_542 : vector<16xi32>
          %convert_element_type3A_544 = arith.sitofp %convert_element_type3A_538 : vector<16xi32> to vector<16xf32>
          %gt3A_545 = arith.cmpf ogt, %mul3A_535, %convert_element_type3A_544 : vector<16xf32>
          %convert_element_type3A_546 = arith.extui %gt3A_545 : vector<16xi1> to vector<16xi32>
          %add3A_547 = arith.addi %convert_element_type3A_538, %convert_element_type3A_546 : vector<16xi32>
          %convert_element_type3A_548 = arith.sitofp %convert_element_type3A_539 : vector<16xi32> to vector<16xf32>
          %gt3A_549 = arith.cmpf ogt, %mul3A_536, %convert_element_type3A_548 : vector<16xf32>
          %convert_element_type3A_550 = arith.extui %gt3A_549 : vector<16xi1> to vector<16xi32>
          %add3A_551 = arith.addi %convert_element_type3A_539, %convert_element_type3A_550 : vector<16xi32>
          %mul3A_552 = arith.constant -1640531535 : i32
          %mul3A_553 = vector.broadcast %mul3A_552 : i32 to vector<16xi32>
          %mul3A_554 = arith.muli %add3A_547, %mul3A_553 : vector<16xi32>
          %xor3A_555 = arith.xori %add3A_543, %mul3A_554 : vector<16xi32>
          %mul3A_556 = arith.constant 805459861 : i32
          %mul3A_557 = vector.broadcast %mul3A_556 : i32 to vector<16xi32>
          %mul3A_558 = arith.muli %add3A_551, %mul3A_557 : vector<16xi32>
          %xor3A_559 = arith.xori %xor3A_555, %mul3A_558 : vector<16xi32>
          %and3A_560 = arith.constant 524287 : i32
          %and3A_561 = vector.broadcast %and3A_560 : i32 to vector<16xi32>
          %and3A_562 = arith.andi %xor3A_559, %and3A_561 : vector<16xi32>
          %add3A_563 = arith.constant 3670016 : i32
          %add3A_564 = vector.broadcast %add3A_563 : i32 to vector<16xi32>
          %add3A_565 = arith.addi %and3A_562, %add3A_564 : vector<16xi32>
          %shift_right_logical3A_566 = arith.constant 7 : i32
          %shift_right_logical3A_567 = vector.broadcast %shift_right_logical3A_566 : i32 to vector<16xi32>
          %shift_right_logical3A_568 = arith.shrui %add3A_565, %shift_right_logical3A_567 : vector<16xi32>
          %mul3A_569 = arith.constant 256 : i32
          %mul3A_570 = vector.broadcast %mul3A_569 : i32 to vector<16xi32>
          %mul3A_571 = arith.muli %shift_right_logical3A_568, %mul3A_570 : vector<16xi32>
          %and3A_572 = arith.constant 127 : i32
          %and3A_573 = vector.broadcast %and3A_572 : i32 to vector<16xi32>
          %and3A_574 = arith.andi %add3A_565, %and3A_573 : vector<16xi32>
          %add3A_575 = arith.addi %mul3A_571, %and3A_574 : vector<16xi32>
          %add3A_576 = arith.constant 14 : i32
          %add3A_577 = vector.broadcast %add3A_576 : i32 to vector<16xi32>
          %add3A_578 = arith.addi %add3A_109, %add3A_577 : vector<16xi32>
          tpu.vector_store_idx %arg9[%broadcast_in_dim3A_111, %add3A_578], %add3A_575 : memref<8x2048xi32, #tpu.memory_space<vmem>>[vector<16xi32>, vector<16xi32>], vector<16xi32>,
          %add3A_579 = arith.constant 14 : i32
          %add3A_580 = vector.broadcast %add3A_579 : i32 to vector<16xi32>
          %add3A_581 = arith.addi %add3A_109, %add3A_580 : vector<16xi32>
          %add3A_582 = arith.constant 1 : i32
          %add3A_583 = vector.broadcast %add3A_582 : i32 to vector<16xi32>
          %add3A_584 = arith.addi %add3A_581, %add3A_583 : vector<16xi32>
          %add3A_585 = arith.constant 128 : i32
          %add3A_586 = vector.broadcast %add3A_585 : i32 to vector<16xi32>
          %add3A_587 = arith.addi %add3A_575, %add3A_586 : vector<16xi32>
          tpu.vector_store_idx %arg9[%broadcast_in_dim3A_111, %add3A_584], %add3A_587 : memref<8x2048xi32, #tpu.memory_space<vmem>>[vector<16xi32>, vector<16xi32>], vector<16xi32>,
          %get3A_588 = arith.constant 8 : i32
          %get3A_589 = arith.index_cast %get3A_588 : i32 to index
          %get3A_590 = arith.constant 0 : index
          %get3A_591 = tpu.vector_load %arg7[%get3A_589, %get3A_590] {strides = array<i32>} : memref<16x16xf32, #tpu.memory_space<vmem>>, vector<16xf32>,
          %mul3A_592 = arith.mulf %gather3A, %get3A_591 : vector<16xf32>
          %mul3A_593 = arith.mulf %gather3A_122, %get3A_591 : vector<16xf32>
          %mul3A_594 = arith.mulf %gather3A_126, %get3A_591 : vector<16xf32>
          %convert_element_type3A_595 = arith.fptosi %mul3A_592 : vector<16xf32> to vector<16xi32>
          %convert_element_type3A_596 = arith.fptosi %mul3A_593 : vector<16xf32> to vector<16xi32>
          %convert_element_type3A_597 = arith.fptosi %mul3A_594 : vector<16xf32> to vector<16xi32>
          %convert_element_type3A_598 = arith.sitofp %convert_element_type3A_595 : vector<16xi32> to vector<16xf32>
          %gt3A_599 = arith.cmpf ogt, %mul3A_592, %convert_element_type3A_598 : vector<16xf32>
          %convert_element_type3A_600 = arith.extui %gt3A_599 : vector<16xi1> to vector<16xi32>
          %add3A_601 = arith.addi %convert_element_type3A_595, %convert_element_type3A_600 : vector<16xi32>
          %convert_element_type3A_602 = arith.sitofp %convert_element_type3A_596 : vector<16xi32> to vector<16xf32>
          %gt3A_603 = arith.cmpf ogt, %mul3A_593, %convert_element_type3A_602 : vector<16xf32>
          %convert_element_type3A_604 = arith.extui %gt3A_603 : vector<16xi1> to vector<16xi32>
          %add3A_605 = arith.addi %convert_element_type3A_596, %convert_element_type3A_604 : vector<16xi32>
          %convert_element_type3A_606 = arith.sitofp %convert_element_type3A_597 : vector<16xi32> to vector<16xf32>
          %gt3A_607 = arith.cmpf ogt, %mul3A_594, %convert_element_type3A_606 : vector<16xf32>
          %convert_element_type3A_608 = arith.extui %gt3A_607 : vector<16xi1> to vector<16xi32>
          %add3A_609 = arith.addi %convert_element_type3A_597, %convert_element_type3A_608 : vector<16xi32>
          %mul3A_610 = arith.constant -1640531535 : i32
          %mul3A_611 = vector.broadcast %mul3A_610 : i32 to vector<16xi32>
          %mul3A_612 = arith.muli %add3A_605, %mul3A_611 : vector<16xi32>
          %xor3A_613 = arith.xori %add3A_601, %mul3A_612 : vector<16xi32>
          %mul3A_614 = arith.constant 805459861 : i32
          %mul3A_615 = vector.broadcast %mul3A_614 : i32 to vector<16xi32>
          %mul3A_616 = arith.muli %add3A_609, %mul3A_615 : vector<16xi32>
          %xor3A_617 = arith.xori %xor3A_613, %mul3A_616 : vector<16xi32>
          %and3A_618 = arith.constant 524287 : i32
          %and3A_619 = vector.broadcast %and3A_618 : i32 to vector<16xi32>
          %and3A_620 = arith.andi %xor3A_617, %and3A_619 : vector<16xi32>
          %add3A_621 = arith.constant 4194304 : i32
          %add3A_622 = vector.broadcast %add3A_621 : i32 to vector<16xi32>
          %add3A_623 = arith.addi %and3A_620, %add3A_622 : vector<16xi32>
          %shift_right_logical3A_624 = arith.constant 7 : i32
          %shift_right_logical3A_625 = vector.broadcast %shift_right_logical3A_624 : i32 to vector<16xi32>
          %shift_right_logical3A_626 = arith.shrui %add3A_623, %shift_right_logical3A_625 : vector<16xi32>
          %mul3A_627 = arith.constant 256 : i32
          %mul3A_628 = vector.broadcast %mul3A_627 : i32 to vector<16xi32>
          %mul3A_629 = arith.muli %shift_right_logical3A_626, %mul3A_628 : vector<16xi32>
          %and3A_630 = arith.constant 127 : i32
          %and3A_631 = vector.broadcast %and3A_630 : i32 to vector<16xi32>
          %and3A_632 = arith.andi %add3A_623, %and3A_631 : vector<16xi32>
          %add3A_633 = arith.addi %mul3A_629, %and3A_632 : vector<16xi32>
          %add3A_634 = arith.constant 16 : i32
          %add3A_635 = vector.broadcast %add3A_634 : i32 to vector<16xi32>
          %add3A_636 = arith.addi %add3A_109, %add3A_635 : vector<16xi32>
          tpu.vector_store_idx %arg9[%broadcast_in_dim3A_111, %add3A_636], %add3A_633 : memref<8x2048xi32, #tpu.memory_space<vmem>>[vector<16xi32>, vector<16xi32>], vector<16xi32>,
          %add3A_637 = arith.constant 16 : i32
          %add3A_638 = vector.broadcast %add3A_637 : i32 to vector<16xi32>
          %add3A_639 = arith.addi %add3A_109, %add3A_638 : vector<16xi32>
          %add3A_640 = arith.constant 1 : i32
          %add3A_641 = vector.broadcast %add3A_640 : i32 to vector<16xi32>
          %add3A_642 = arith.addi %add3A_639, %add3A_641 : vector<16xi32>
          %add3A_643 = arith.constant 128 : i32
          %add3A_644 = vector.broadcast %add3A_643 : i32 to vector<16xi32>
          %add3A_645 = arith.addi %add3A_633, %add3A_644 : vector<16xi32>
          tpu.vector_store_idx %arg9[%broadcast_in_dim3A_111, %add3A_642], %add3A_645 : memref<8x2048xi32, #tpu.memory_space<vmem>>[vector<16xi32>, vector<16xi32>], vector<16xi32>,
          %get3A_646 = arith.constant 9 : i32
          %get3A_647 = arith.index_cast %get3A_646 : i32 to index
          %get3A_648 = arith.constant 0 : index
          %get3A_649 = tpu.vector_load %arg7[%get3A_647, %get3A_648] {strides = array<i32>} : memref<16x16xf32, #tpu.memory_space<vmem>>, vector<16xf32>,
          %mul3A_650 = arith.mulf %gather3A, %get3A_649 : vector<16xf32>
          %mul3A_651 = arith.mulf %gather3A_122, %get3A_649 : vector<16xf32>
          %mul3A_652 = arith.mulf %gather3A_126, %get3A_649 : vector<16xf32>
          %convert_element_type3A_653 = arith.fptosi %mul3A_650 : vector<16xf32> to vector<16xi32>
          %convert_element_type3A_654 = arith.fptosi %mul3A_651 : vector<16xf32> to vector<16xi32>
          %convert_element_type3A_655 = arith.fptosi %mul3A_652 : vector<16xf32> to vector<16xi32>
          %convert_element_type3A_656 = arith.sitofp %convert_element_type3A_653 : vector<16xi32> to vector<16xf32>
          %gt3A_657 = arith.cmpf ogt, %mul3A_650, %convert_element_type3A_656 : vector<16xf32>
          %convert_element_type3A_658 = arith.extui %gt3A_657 : vector<16xi1> to vector<16xi32>
          %add3A_659 = arith.addi %convert_element_type3A_653, %convert_element_type3A_658 : vector<16xi32>
          %convert_element_type3A_660 = arith.sitofp %convert_element_type3A_654 : vector<16xi32> to vector<16xf32>
          %gt3A_661 = arith.cmpf ogt, %mul3A_651, %convert_element_type3A_660 : vector<16xf32>
          %convert_element_type3A_662 = arith.extui %gt3A_661 : vector<16xi1> to vector<16xi32>
          %add3A_663 = arith.addi %convert_element_type3A_654, %convert_element_type3A_662 : vector<16xi32>
          %convert_element_type3A_664 = arith.sitofp %convert_element_type3A_655 : vector<16xi32> to vector<16xf32>
          %gt3A_665 = arith.cmpf ogt, %mul3A_652, %convert_element_type3A_664 : vector<16xf32>
          %convert_element_type3A_666 = arith.extui %gt3A_665 : vector<16xi1> to vector<16xi32>
          %add3A_667 = arith.addi %convert_element_type3A_655, %convert_element_type3A_666 : vector<16xi32>
          %mul3A_668 = arith.constant -1640531535 : i32
          %mul3A_669 = vector.broadcast %mul3A_668 : i32 to vector<16xi32>
          %mul3A_670 = arith.muli %add3A_663, %mul3A_669 : vector<16xi32>
          %xor3A_671 = arith.xori %add3A_659, %mul3A_670 : vector<16xi32>
          %mul3A_672 = arith.constant 805459861 : i32
          %mul3A_673 = vector.broadcast %mul3A_672 : i32 to vector<16xi32>
          %mul3A_674 = arith.muli %add3A_667, %mul3A_673 : vector<16xi32>
          %xor3A_675 = arith.xori %xor3A_671, %mul3A_674 : vector<16xi32>
          %and3A_676 = arith.constant 524287 : i32
          %and3A_677 = vector.broadcast %and3A_676 : i32 to vector<16xi32>
          %and3A_678 = arith.andi %xor3A_675, %and3A_677 : vector<16xi32>
          %add3A_679 = arith.constant 4718592 : i32
          %add3A_680 = vector.broadcast %add3A_679 : i32 to vector<16xi32>
          %add3A_681 = arith.addi %and3A_678, %add3A_680 : vector<16xi32>
          %shift_right_logical3A_682 = arith.constant 7 : i32
          %shift_right_logical3A_683 = vector.broadcast %shift_right_logical3A_682 : i32 to vector<16xi32>
          %shift_right_logical3A_684 = arith.shrui %add3A_681, %shift_right_logical3A_683 : vector<16xi32>
          %mul3A_685 = arith.constant 256 : i32
          %mul3A_686 = vector.broadcast %mul3A_685 : i32 to vector<16xi32>
          %mul3A_687 = arith.muli %shift_right_logical3A_684, %mul3A_686 : vector<16xi32>
          %and3A_688 = arith.constant 127 : i32
          %and3A_689 = vector.broadcast %and3A_688 : i32 to vector<16xi32>
          %and3A_690 = arith.andi %add3A_681, %and3A_689 : vector<16xi32>
          %add3A_691 = arith.addi %mul3A_687, %and3A_690 : vector<16xi32>
          %add3A_692 = arith.constant 18 : i32
          %add3A_693 = vector.broadcast %add3A_692 : i32 to vector<16xi32>
          %add3A_694 = arith.addi %add3A_109, %add3A_693 : vector<16xi32>
          tpu.vector_store_idx %arg9[%broadcast_in_dim3A_111, %add3A_694], %add3A_691 : memref<8x2048xi32, #tpu.memory_space<vmem>>[vector<16xi32>, vector<16xi32>], vector<16xi32>,
          %add3A_695 = arith.constant 18 : i32
          %add3A_696 = vector.broadcast %add3A_695 : i32 to vector<16xi32>
          %add3A_697 = arith.addi %add3A_109, %add3A_696 : vector<16xi32>
          %add3A_698 = arith.constant 1 : i32
          %add3A_699 = vector.broadcast %add3A_698 : i32 to vector<16xi32>
          %add3A_700 = arith.addi %add3A_697, %add3A_699 : vector<16xi32>
          %add3A_701 = arith.constant 128 : i32
          %add3A_702 = vector.broadcast %add3A_701 : i32 to vector<16xi32>
          %add3A_703 = arith.addi %add3A_691, %add3A_702 : vector<16xi32>
          tpu.vector_store_idx %arg9[%broadcast_in_dim3A_111, %add3A_700], %add3A_703 : memref<8x2048xi32, #tpu.memory_space<vmem>>[vector<16xi32>, vector<16xi32>], vector<16xi32>,
          %get3A_704 = arith.constant 10 : i32
          %get3A_705 = arith.index_cast %get3A_704 : i32 to index
          %get3A_706 = arith.constant 0 : index
          %get3A_707 = tpu.vector_load %arg7[%get3A_705, %get3A_706] {strides = array<i32>} : memref<16x16xf32, #tpu.memory_space<vmem>>, vector<16xf32>,
          %mul3A_708 = arith.mulf %gather3A, %get3A_707 : vector<16xf32>
          %mul3A_709 = arith.mulf %gather3A_122, %get3A_707 : vector<16xf32>
          %mul3A_710 = arith.mulf %gather3A_126, %get3A_707 : vector<16xf32>
          %convert_element_type3A_711 = arith.fptosi %mul3A_708 : vector<16xf32> to vector<16xi32>
          %convert_element_type3A_712 = arith.fptosi %mul3A_709 : vector<16xf32> to vector<16xi32>
          %convert_element_type3A_713 = arith.fptosi %mul3A_710 : vector<16xf32> to vector<16xi32>
          %convert_element_type3A_714 = arith.sitofp %convert_element_type3A_711 : vector<16xi32> to vector<16xf32>
          %gt3A_715 = arith.cmpf ogt, %mul3A_708, %convert_element_type3A_714 : vector<16xf32>
          %convert_element_type3A_716 = arith.extui %gt3A_715 : vector<16xi1> to vector<16xi32>
          %add3A_717 = arith.addi %convert_element_type3A_711, %convert_element_type3A_716 : vector<16xi32>
          %convert_element_type3A_718 = arith.sitofp %convert_element_type3A_712 : vector<16xi32> to vector<16xf32>
          %gt3A_719 = arith.cmpf ogt, %mul3A_709, %convert_element_type3A_718 : vector<16xf32>
          %convert_element_type3A_720 = arith.extui %gt3A_719 : vector<16xi1> to vector<16xi32>
          %add3A_721 = arith.addi %convert_element_type3A_712, %convert_element_type3A_720 : vector<16xi32>
          %convert_element_type3A_722 = arith.sitofp %convert_element_type3A_713 : vector<16xi32> to vector<16xf32>
          %gt3A_723 = arith.cmpf ogt, %mul3A_710, %convert_element_type3A_722 : vector<16xf32>
          %convert_element_type3A_724 = arith.extui %gt3A_723 : vector<16xi1> to vector<16xi32>
          %add3A_725 = arith.addi %convert_element_type3A_713, %convert_element_type3A_724 : vector<16xi32>
          %mul3A_726 = arith.constant -1640531535 : i32
          %mul3A_727 = vector.broadcast %mul3A_726 : i32 to vector<16xi32>
          %mul3A_728 = arith.muli %add3A_721, %mul3A_727 : vector<16xi32>
          %xor3A_729 = arith.xori %add3A_717, %mul3A_728 : vector<16xi32>
          %mul3A_730 = arith.constant 805459861 : i32
          %mul3A_731 = vector.broadcast %mul3A_730 : i32 to vector<16xi32>
          %mul3A_732 = arith.muli %add3A_725, %mul3A_731 : vector<16xi32>
          %xor3A_733 = arith.xori %xor3A_729, %mul3A_732 : vector<16xi32>
          %and3A_734 = arith.constant 524287 : i32
          %and3A_735 = vector.broadcast %and3A_734 : i32 to vector<16xi32>
          %and3A_736 = arith.andi %xor3A_733, %and3A_735 : vector<16xi32>
          %add3A_737 = arith.constant 5242880 : i32
          %add3A_738 = vector.broadcast %add3A_737 : i32 to vector<16xi32>
          %add3A_739 = arith.addi %and3A_736, %add3A_738 : vector<16xi32>
          %shift_right_logical3A_740 = arith.constant 7 : i32
          %shift_right_logical3A_741 = vector.broadcast %shift_right_logical3A_740 : i32 to vector<16xi32>
          %shift_right_logical3A_742 = arith.shrui %add3A_739, %shift_right_logical3A_741 : vector<16xi32>
          %mul3A_743 = arith.constant 256 : i32
          %mul3A_744 = vector.broadcast %mul3A_743 : i32 to vector<16xi32>
          %mul3A_745 = arith.muli %shift_right_logical3A_742, %mul3A_744 : vector<16xi32>
          %and3A_746 = arith.constant 127 : i32
          %and3A_747 = vector.broadcast %and3A_746 : i32 to vector<16xi32>
          %and3A_748 = arith.andi %add3A_739, %and3A_747 : vector<16xi32>
          %add3A_749 = arith.addi %mul3A_745, %and3A_748 : vector<16xi32>
          %add3A_750 = arith.constant 20 : i32
          %add3A_751 = vector.broadcast %add3A_750 : i32 to vector<16xi32>
          %add3A_752 = arith.addi %add3A_109, %add3A_751 : vector<16xi32>
          tpu.vector_store_idx %arg9[%broadcast_in_dim3A_111, %add3A_752], %add3A_749 : memref<8x2048xi32, #tpu.memory_space<vmem>>[vector<16xi32>, vector<16xi32>], vector<16xi32>,
          %add3A_753 = arith.constant 20 : i32
          %add3A_754 = vector.broadcast %add3A_753 : i32 to vector<16xi32>
          %add3A_755 = arith.addi %add3A_109, %add3A_754 : vector<16xi32>
          %add3A_756 = arith.constant 1 : i32
          %add3A_757 = vector.broadcast %add3A_756 : i32 to vector<16xi32>
          %add3A_758 = arith.addi %add3A_755, %add3A_757 : vector<16xi32>
          %add3A_759 = arith.constant 128 : i32
          %add3A_760 = vector.broadcast %add3A_759 : i32 to vector<16xi32>
          %add3A_761 = arith.addi %add3A_749, %add3A_760 : vector<16xi32>
          tpu.vector_store_idx %arg9[%broadcast_in_dim3A_111, %add3A_758], %add3A_761 : memref<8x2048xi32, #tpu.memory_space<vmem>>[vector<16xi32>, vector<16xi32>], vector<16xi32>,
          %get3A_762 = arith.constant 11 : i32
          %get3A_763 = arith.index_cast %get3A_762 : i32 to index
          %get3A_764 = arith.constant 0 : index
          %get3A_765 = tpu.vector_load %arg7[%get3A_763, %get3A_764] {strides = array<i32>} : memref<16x16xf32, #tpu.memory_space<vmem>>, vector<16xf32>,
          %mul3A_766 = arith.mulf %gather3A, %get3A_765 : vector<16xf32>
          %mul3A_767 = arith.mulf %gather3A_122, %get3A_765 : vector<16xf32>
          %mul3A_768 = arith.mulf %gather3A_126, %get3A_765 : vector<16xf32>
          %convert_element_type3A_769 = arith.fptosi %mul3A_766 : vector<16xf32> to vector<16xi32>
          %convert_element_type3A_770 = arith.fptosi %mul3A_767 : vector<16xf32> to vector<16xi32>
          %convert_element_type3A_771 = arith.fptosi %mul3A_768 : vector<16xf32> to vector<16xi32>
          %convert_element_type3A_772 = arith.sitofp %convert_element_type3A_769 : vector<16xi32> to vector<16xf32>
          %gt3A_773 = arith.cmpf ogt, %mul3A_766, %convert_element_type3A_772 : vector<16xf32>
          %convert_element_type3A_774 = arith.extui %gt3A_773 : vector<16xi1> to vector<16xi32>
          %add3A_775 = arith.addi %convert_element_type3A_769, %convert_element_type3A_774 : vector<16xi32>
          %convert_element_type3A_776 = arith.sitofp %convert_element_type3A_770 : vector<16xi32> to vector<16xf32>
          %gt3A_777 = arith.cmpf ogt, %mul3A_767, %convert_element_type3A_776 : vector<16xf32>
          %convert_element_type3A_778 = arith.extui %gt3A_777 : vector<16xi1> to vector<16xi32>
          %add3A_779 = arith.addi %convert_element_type3A_770, %convert_element_type3A_778 : vector<16xi32>
          %convert_element_type3A_780 = arith.sitofp %convert_element_type3A_771 : vector<16xi32> to vector<16xf32>
          %gt3A_781 = arith.cmpf ogt, %mul3A_768, %convert_element_type3A_780 : vector<16xf32>
          %convert_element_type3A_782 = arith.extui %gt3A_781 : vector<16xi1> to vector<16xi32>
          %add3A_783 = arith.addi %convert_element_type3A_771, %convert_element_type3A_782 : vector<16xi32>
          %mul3A_784 = arith.constant -1640531535 : i32
          %mul3A_785 = vector.broadcast %mul3A_784 : i32 to vector<16xi32>
          %mul3A_786 = arith.muli %add3A_779, %mul3A_785 : vector<16xi32>
          %xor3A_787 = arith.xori %add3A_775, %mul3A_786 : vector<16xi32>
          %mul3A_788 = arith.constant 805459861 : i32
          %mul3A_789 = vector.broadcast %mul3A_788 : i32 to vector<16xi32>
          %mul3A_790 = arith.muli %add3A_783, %mul3A_789 : vector<16xi32>
          %xor3A_791 = arith.xori %xor3A_787, %mul3A_790 : vector<16xi32>
          %and3A_792 = arith.constant 524287 : i32
          %and3A_793 = vector.broadcast %and3A_792 : i32 to vector<16xi32>
          %and3A_794 = arith.andi %xor3A_791, %and3A_793 : vector<16xi32>
          %add3A_795 = arith.constant 5767168 : i32
          %add3A_796 = vector.broadcast %add3A_795 : i32 to vector<16xi32>
          %add3A_797 = arith.addi %and3A_794, %add3A_796 : vector<16xi32>
          %shift_right_logical3A_798 = arith.constant 7 : i32
          %shift_right_logical3A_799 = vector.broadcast %shift_right_logical3A_798 : i32 to vector<16xi32>
          %shift_right_logical3A_800 = arith.shrui %add3A_797, %shift_right_logical3A_799 : vector<16xi32>
          %mul3A_801 = arith.constant 256 : i32
          %mul3A_802 = vector.broadcast %mul3A_801 : i32 to vector<16xi32>
          %mul3A_803 = arith.muli %shift_right_logical3A_800, %mul3A_802 : vector<16xi32>
          %and3A_804 = arith.constant 127 : i32
          %and3A_805 = vector.broadcast %and3A_804 : i32 to vector<16xi32>
          %and3A_806 = arith.andi %add3A_797, %and3A_805 : vector<16xi32>
          %add3A_807 = arith.addi %mul3A_803, %and3A_806 : vector<16xi32>
          %add3A_808 = arith.constant 22 : i32
          %add3A_809 = vector.broadcast %add3A_808 : i32 to vector<16xi32>
          %add3A_810 = arith.addi %add3A_109, %add3A_809 : vector<16xi32>
          tpu.vector_store_idx %arg9[%broadcast_in_dim3A_111, %add3A_810], %add3A_807 : memref<8x2048xi32, #tpu.memory_space<vmem>>[vector<16xi32>, vector<16xi32>], vector<16xi32>,
          %add3A_811 = arith.constant 22 : i32
          %add3A_812 = vector.broadcast %add3A_811 : i32 to vector<16xi32>
          %add3A_813 = arith.addi %add3A_109, %add3A_812 : vector<16xi32>
          %add3A_814 = arith.constant 1 : i32
          %add3A_815 = vector.broadcast %add3A_814 : i32 to vector<16xi32>
          %add3A_816 = arith.addi %add3A_813, %add3A_815 : vector<16xi32>
          %add3A_817 = arith.constant 128 : i32
          %add3A_818 = vector.broadcast %add3A_817 : i32 to vector<16xi32>
          %add3A_819 = arith.addi %add3A_807, %add3A_818 : vector<16xi32>
          tpu.vector_store_idx %arg9[%broadcast_in_dim3A_111, %add3A_816], %add3A_819 : memref<8x2048xi32, #tpu.memory_space<vmem>>[vector<16xi32>, vector<16xi32>], vector<16xi32>,
          %get3A_820 = arith.constant 12 : i32
          %get3A_821 = arith.index_cast %get3A_820 : i32 to index
          %get3A_822 = arith.constant 0 : index
          %get3A_823 = tpu.vector_load %arg7[%get3A_821, %get3A_822] {strides = array<i32>} : memref<16x16xf32, #tpu.memory_space<vmem>>, vector<16xf32>,
          %mul3A_824 = arith.mulf %gather3A, %get3A_823 : vector<16xf32>
          %mul3A_825 = arith.mulf %gather3A_122, %get3A_823 : vector<16xf32>
          %mul3A_826 = arith.mulf %gather3A_126, %get3A_823 : vector<16xf32>
          %convert_element_type3A_827 = arith.fptosi %mul3A_824 : vector<16xf32> to vector<16xi32>
          %convert_element_type3A_828 = arith.fptosi %mul3A_825 : vector<16xf32> to vector<16xi32>
          %convert_element_type3A_829 = arith.fptosi %mul3A_826 : vector<16xf32> to vector<16xi32>
          %convert_element_type3A_830 = arith.sitofp %convert_element_type3A_827 : vector<16xi32> to vector<16xf32>
          %gt3A_831 = arith.cmpf ogt, %mul3A_824, %convert_element_type3A_830 : vector<16xf32>
          %convert_element_type3A_832 = arith.extui %gt3A_831 : vector<16xi1> to vector<16xi32>
          %add3A_833 = arith.addi %convert_element_type3A_827, %convert_element_type3A_832 : vector<16xi32>
          %convert_element_type3A_834 = arith.sitofp %convert_element_type3A_828 : vector<16xi32> to vector<16xf32>
          %gt3A_835 = arith.cmpf ogt, %mul3A_825, %convert_element_type3A_834 : vector<16xf32>
          %convert_element_type3A_836 = arith.extui %gt3A_835 : vector<16xi1> to vector<16xi32>
          %add3A_837 = arith.addi %convert_element_type3A_828, %convert_element_type3A_836 : vector<16xi32>
          %convert_element_type3A_838 = arith.sitofp %convert_element_type3A_829 : vector<16xi32> to vector<16xf32>
          %gt3A_839 = arith.cmpf ogt, %mul3A_826, %convert_element_type3A_838 : vector<16xf32>
          %convert_element_type3A_840 = arith.extui %gt3A_839 : vector<16xi1> to vector<16xi32>
          %add3A_841 = arith.addi %convert_element_type3A_829, %convert_element_type3A_840 : vector<16xi32>
          %mul3A_842 = arith.constant -1640531535 : i32
          %mul3A_843 = vector.broadcast %mul3A_842 : i32 to vector<16xi32>
          %mul3A_844 = arith.muli %add3A_837, %mul3A_843 : vector<16xi32>
          %xor3A_845 = arith.xori %add3A_833, %mul3A_844 : vector<16xi32>
          %mul3A_846 = arith.constant 805459861 : i32
          %mul3A_847 = vector.broadcast %mul3A_846 : i32 to vector<16xi32>
          %mul3A_848 = arith.muli %add3A_841, %mul3A_847 : vector<16xi32>
          %xor3A_849 = arith.xori %xor3A_845, %mul3A_848 : vector<16xi32>
          %and3A_850 = arith.constant 524287 : i32
          %and3A_851 = vector.broadcast %and3A_850 : i32 to vector<16xi32>
          %and3A_852 = arith.andi %xor3A_849, %and3A_851 : vector<16xi32>
          %add3A_853 = arith.constant 6291456 : i32
          %add3A_854 = vector.broadcast %add3A_853 : i32 to vector<16xi32>
          %add3A_855 = arith.addi %and3A_852, %add3A_854 : vector<16xi32>
          %shift_right_logical3A_856 = arith.constant 7 : i32
          %shift_right_logical3A_857 = vector.broadcast %shift_right_logical3A_856 : i32 to vector<16xi32>
          %shift_right_logical3A_858 = arith.shrui %add3A_855, %shift_right_logical3A_857 : vector<16xi32>
          %mul3A_859 = arith.constant 256 : i32
          %mul3A_860 = vector.broadcast %mul3A_859 : i32 to vector<16xi32>
          %mul3A_861 = arith.muli %shift_right_logical3A_858, %mul3A_860 : vector<16xi32>
          %and3A_862 = arith.constant 127 : i32
          %and3A_863 = vector.broadcast %and3A_862 : i32 to vector<16xi32>
          %and3A_864 = arith.andi %add3A_855, %and3A_863 : vector<16xi32>
          %add3A_865 = arith.addi %mul3A_861, %and3A_864 : vector<16xi32>
          %add3A_866 = arith.constant 24 : i32
          %add3A_867 = vector.broadcast %add3A_866 : i32 to vector<16xi32>
          %add3A_868 = arith.addi %add3A_109, %add3A_867 : vector<16xi32>
          tpu.vector_store_idx %arg9[%broadcast_in_dim3A_111, %add3A_868], %add3A_865 : memref<8x2048xi32, #tpu.memory_space<vmem>>[vector<16xi32>, vector<16xi32>], vector<16xi32>,
          %add3A_869 = arith.constant 24 : i32
          %add3A_870 = vector.broadcast %add3A_869 : i32 to vector<16xi32>
          %add3A_871 = arith.addi %add3A_109, %add3A_870 : vector<16xi32>
          %add3A_872 = arith.constant 1 : i32
          %add3A_873 = vector.broadcast %add3A_872 : i32 to vector<16xi32>
          %add3A_874 = arith.addi %add3A_871, %add3A_873 : vector<16xi32>
          %add3A_875 = arith.constant 128 : i32
          %add3A_876 = vector.broadcast %add3A_875 : i32 to vector<16xi32>
          %add3A_877 = arith.addi %add3A_865, %add3A_876 : vector<16xi32>
          tpu.vector_store_idx %arg9[%broadcast_in_dim3A_111, %add3A_874], %add3A_877 : memref<8x2048xi32, #tpu.memory_space<vmem>>[vector<16xi32>, vector<16xi32>], vector<16xi32>,
          %get3A_878 = arith.constant 13 : i32
          %get3A_879 = arith.index_cast %get3A_878 : i32 to index
          %get3A_880 = arith.constant 0 : index
          %get3A_881 = tpu.vector_load %arg7[%get3A_879, %get3A_880] {strides = array<i32>} : memref<16x16xf32, #tpu.memory_space<vmem>>, vector<16xf32>,
          %mul3A_882 = arith.mulf %gather3A, %get3A_881 : vector<16xf32>
          %mul3A_883 = arith.mulf %gather3A_122, %get3A_881 : vector<16xf32>
          %mul3A_884 = arith.mulf %gather3A_126, %get3A_881 : vector<16xf32>
          %convert_element_type3A_885 = arith.fptosi %mul3A_882 : vector<16xf32> to vector<16xi32>
          %convert_element_type3A_886 = arith.fptosi %mul3A_883 : vector<16xf32> to vector<16xi32>
          %convert_element_type3A_887 = arith.fptosi %mul3A_884 : vector<16xf32> to vector<16xi32>
          %convert_element_type3A_888 = arith.sitofp %convert_element_type3A_885 : vector<16xi32> to vector<16xf32>
          %gt3A_889 = arith.cmpf ogt, %mul3A_882, %convert_element_type3A_888 : vector<16xf32>
          %convert_element_type3A_890 = arith.extui %gt3A_889 : vector<16xi1> to vector<16xi32>
          %add3A_891 = arith.addi %convert_element_type3A_885, %convert_element_type3A_890 : vector<16xi32>
          %convert_element_type3A_892 = arith.sitofp %convert_element_type3A_886 : vector<16xi32> to vector<16xf32>
          %gt3A_893 = arith.cmpf ogt, %mul3A_883, %convert_element_type3A_892 : vector<16xf32>
          %convert_element_type3A_894 = arith.extui %gt3A_893 : vector<16xi1> to vector<16xi32>
          %add3A_895 = arith.addi %convert_element_type3A_886, %convert_element_type3A_894 : vector<16xi32>
          %convert_element_type3A_896 = arith.sitofp %convert_element_type3A_887 : vector<16xi32> to vector<16xf32>
          %gt3A_897 = arith.cmpf ogt, %mul3A_884, %convert_element_type3A_896 : vector<16xf32>
          %convert_element_type3A_898 = arith.extui %gt3A_897 : vector<16xi1> to vector<16xi32>
          %add3A_899 = arith.addi %convert_element_type3A_887, %convert_element_type3A_898 : vector<16xi32>
          %mul3A_900 = arith.constant -1640531535 : i32
          %mul3A_901 = vector.broadcast %mul3A_900 : i32 to vector<16xi32>
          %mul3A_902 = arith.muli %add3A_895, %mul3A_901 : vector<16xi32>
          %xor3A_903 = arith.xori %add3A_891, %mul3A_902 : vector<16xi32>
          %mul3A_904 = arith.constant 805459861 : i32
          %mul3A_905 = vector.broadcast %mul3A_904 : i32 to vector<16xi32>
          %mul3A_906 = arith.muli %add3A_899, %mul3A_905 : vector<16xi32>
          %xor3A_907 = arith.xori %xor3A_903, %mul3A_906 : vector<16xi32>
          %and3A_908 = arith.constant 524287 : i32
          %and3A_909 = vector.broadcast %and3A_908 : i32 to vector<16xi32>
          %and3A_910 = arith.andi %xor3A_907, %and3A_909 : vector<16xi32>
          %add3A_911 = arith.constant 6815744 : i32
          %add3A_912 = vector.broadcast %add3A_911 : i32 to vector<16xi32>
          %add3A_913 = arith.addi %and3A_910, %add3A_912 : vector<16xi32>
          %shift_right_logical3A_914 = arith.constant 7 : i32
          %shift_right_logical3A_915 = vector.broadcast %shift_right_logical3A_914 : i32 to vector<16xi32>
          %shift_right_logical3A_916 = arith.shrui %add3A_913, %shift_right_logical3A_915 : vector<16xi32>
          %mul3A_917 = arith.constant 256 : i32
          %mul3A_918 = vector.broadcast %mul3A_917 : i32 to vector<16xi32>
          %mul3A_919 = arith.muli %shift_right_logical3A_916, %mul3A_918 : vector<16xi32>
          %and3A_920 = arith.constant 127 : i32
          %and3A_921 = vector.broadcast %and3A_920 : i32 to vector<16xi32>
          %and3A_922 = arith.andi %add3A_913, %and3A_921 : vector<16xi32>
          %add3A_923 = arith.addi %mul3A_919, %and3A_922 : vector<16xi32>
          %add3A_924 = arith.constant 26 : i32
          %add3A_925 = vector.broadcast %add3A_924 : i32 to vector<16xi32>
          %add3A_926 = arith.addi %add3A_109, %add3A_925 : vector<16xi32>
          tpu.vector_store_idx %arg9[%broadcast_in_dim3A_111, %add3A_926], %add3A_923 : memref<8x2048xi32, #tpu.memory_space<vmem>>[vector<16xi32>, vector<16xi32>], vector<16xi32>,
          %add3A_927 = arith.constant 26 : i32
          %add3A_928 = vector.broadcast %add3A_927 : i32 to vector<16xi32>
          %add3A_929 = arith.addi %add3A_109, %add3A_928 : vector<16xi32>
          %add3A_930 = arith.constant 1 : i32
          %add3A_931 = vector.broadcast %add3A_930 : i32 to vector<16xi32>
          %add3A_932 = arith.addi %add3A_929, %add3A_931 : vector<16xi32>
          %add3A_933 = arith.constant 128 : i32
          %add3A_934 = vector.broadcast %add3A_933 : i32 to vector<16xi32>
          %add3A_935 = arith.addi %add3A_923, %add3A_934 : vector<16xi32>
          tpu.vector_store_idx %arg9[%broadcast_in_dim3A_111, %add3A_932], %add3A_935 : memref<8x2048xi32, #tpu.memory_space<vmem>>[vector<16xi32>, vector<16xi32>], vector<16xi32>,
          %get3A_936 = arith.constant 14 : i32
          %get3A_937 = arith.index_cast %get3A_936 : i32 to index
          %get3A_938 = arith.constant 0 : index
          %get3A_939 = tpu.vector_load %arg7[%get3A_937, %get3A_938] {strides = array<i32>} : memref<16x16xf32, #tpu.memory_space<vmem>>, vector<16xf32>,
          %mul3A_940 = arith.mulf %gather3A, %get3A_939 : vector<16xf32>
          %mul3A_941 = arith.mulf %gather3A_122, %get3A_939 : vector<16xf32>
          %mul3A_942 = arith.mulf %gather3A_126, %get3A_939 : vector<16xf32>
          %convert_element_type3A_943 = arith.fptosi %mul3A_940 : vector<16xf32> to vector<16xi32>
          %convert_element_type3A_944 = arith.fptosi %mul3A_941 : vector<16xf32> to vector<16xi32>
          %convert_element_type3A_945 = arith.fptosi %mul3A_942 : vector<16xf32> to vector<16xi32>
          %convert_element_type3A_946 = arith.sitofp %convert_element_type3A_943 : vector<16xi32> to vector<16xf32>
          %gt3A_947 = arith.cmpf ogt, %mul3A_940, %convert_element_type3A_946 : vector<16xf32>
          %convert_element_type3A_948 = arith.extui %gt3A_947 : vector<16xi1> to vector<16xi32>
          %add3A_949 = arith.addi %convert_element_type3A_943, %convert_element_type3A_948 : vector<16xi32>
          %convert_element_type3A_950 = arith.sitofp %convert_element_type3A_944 : vector<16xi32> to vector<16xf32>
          %gt3A_951 = arith.cmpf ogt, %mul3A_941, %convert_element_type3A_950 : vector<16xf32>
          %convert_element_type3A_952 = arith.extui %gt3A_951 : vector<16xi1> to vector<16xi32>
          %add3A_953 = arith.addi %convert_element_type3A_944, %convert_element_type3A_952 : vector<16xi32>
          %convert_element_type3A_954 = arith.sitofp %convert_element_type3A_945 : vector<16xi32> to vector<16xf32>
          %gt3A_955 = arith.cmpf ogt, %mul3A_942, %convert_element_type3A_954 : vector<16xf32>
          %convert_element_type3A_956 = arith.extui %gt3A_955 : vector<16xi1> to vector<16xi32>
          %add3A_957 = arith.addi %convert_element_type3A_945, %convert_element_type3A_956 : vector<16xi32>
          %mul3A_958 = arith.constant -1640531535 : i32
          %mul3A_959 = vector.broadcast %mul3A_958 : i32 to vector<16xi32>
          %mul3A_960 = arith.muli %add3A_953, %mul3A_959 : vector<16xi32>
          %xor3A_961 = arith.xori %add3A_949, %mul3A_960 : vector<16xi32>
          %mul3A_962 = arith.constant 805459861 : i32
          %mul3A_963 = vector.broadcast %mul3A_962 : i32 to vector<16xi32>
          %mul3A_964 = arith.muli %add3A_957, %mul3A_963 : vector<16xi32>
          %xor3A_965 = arith.xori %xor3A_961, %mul3A_964 : vector<16xi32>
          %and3A_966 = arith.constant 524287 : i32
          %and3A_967 = vector.broadcast %and3A_966 : i32 to vector<16xi32>
          %and3A_968 = arith.andi %xor3A_965, %and3A_967 : vector<16xi32>
          %add3A_969 = arith.constant 7340032 : i32
          %add3A_970 = vector.broadcast %add3A_969 : i32 to vector<16xi32>
          %add3A_971 = arith.addi %and3A_968, %add3A_970 : vector<16xi32>
          %shift_right_logical3A_972 = arith.constant 7 : i32
          %shift_right_logical3A_973 = vector.broadcast %shift_right_logical3A_972 : i32 to vector<16xi32>
          %shift_right_logical3A_974 = arith.shrui %add3A_971, %shift_right_logical3A_973 : vector<16xi32>
          %mul3A_975 = arith.constant 256 : i32
          %mul3A_976 = vector.broadcast %mul3A_975 : i32 to vector<16xi32>
          %mul3A_977 = arith.muli %shift_right_logical3A_974, %mul3A_976 : vector<16xi32>
          %and3A_978 = arith.constant 127 : i32
          %and3A_979 = vector.broadcast %and3A_978 : i32 to vector<16xi32>
          %and3A_980 = arith.andi %add3A_971, %and3A_979 : vector<16xi32>
          %add3A_981 = arith.addi %mul3A_977, %and3A_980 : vector<16xi32>
          %add3A_982 = arith.constant 28 : i32
          %add3A_983 = vector.broadcast %add3A_982 : i32 to vector<16xi32>
          %add3A_984 = arith.addi %add3A_109, %add3A_983 : vector<16xi32>
          tpu.vector_store_idx %arg9[%broadcast_in_dim3A_111, %add3A_984], %add3A_981 : memref<8x2048xi32, #tpu.memory_space<vmem>>[vector<16xi32>, vector<16xi32>], vector<16xi32>,
          %add3A_985 = arith.constant 28 : i32
          %add3A_986 = vector.broadcast %add3A_985 : i32 to vector<16xi32>
          %add3A_987 = arith.addi %add3A_109, %add3A_986 : vector<16xi32>
          %add3A_988 = arith.constant 1 : i32
          %add3A_989 = vector.broadcast %add3A_988 : i32 to vector<16xi32>
          %add3A_990 = arith.addi %add3A_987, %add3A_989 : vector<16xi32>
          %add3A_991 = arith.constant 128 : i32
          %add3A_992 = vector.broadcast %add3A_991 : i32 to vector<16xi32>
          %add3A_993 = arith.addi %add3A_981, %add3A_992 : vector<16xi32>
          tpu.vector_store_idx %arg9[%broadcast_in_dim3A_111, %add3A_990], %add3A_993 : memref<8x2048xi32, #tpu.memory_space<vmem>>[vector<16xi32>, vector<16xi32>], vector<16xi32>,
          %get3A_994 = arith.constant 15 : i32
          %get3A_995 = arith.index_cast %get3A_994 : i32 to index
          %get3A_996 = arith.constant 0 : index
          %get3A_997 = tpu.vector_load %arg7[%get3A_995, %get3A_996] {strides = array<i32>} : memref<16x16xf32, #tpu.memory_space<vmem>>, vector<16xf32>,
          %mul3A_998 = arith.mulf %gather3A, %get3A_997 : vector<16xf32>
          %mul3A_999 = arith.mulf %gather3A_122, %get3A_997 : vector<16xf32>
          %mul3A_1000 = arith.mulf %gather3A_126, %get3A_997 : vector<16xf32>
          %convert_element_type3A_1001 = arith.fptosi %mul3A_998 : vector<16xf32> to vector<16xi32>
          %convert_element_type3A_1002 = arith.fptosi %mul3A_999 : vector<16xf32> to vector<16xi32>
          %convert_element_type3A_1003 = arith.fptosi %mul3A_1000 : vector<16xf32> to vector<16xi32>
          %convert_element_type3A_1004 = arith.sitofp %convert_element_type3A_1001 : vector<16xi32> to vector<16xf32>
          %gt3A_1005 = arith.cmpf ogt, %mul3A_998, %convert_element_type3A_1004 : vector<16xf32>
          %convert_element_type3A_1006 = arith.extui %gt3A_1005 : vector<16xi1> to vector<16xi32>
          %add3A_1007 = arith.addi %convert_element_type3A_1001, %convert_element_type3A_1006 : vector<16xi32>
          %convert_element_type3A_1008 = arith.sitofp %convert_element_type3A_1002 : vector<16xi32> to vector<16xf32>
          %gt3A_1009 = arith.cmpf ogt, %mul3A_999, %convert_element_type3A_1008 : vector<16xf32>
          %convert_element_type3A_1010 = arith.extui %gt3A_1009 : vector<16xi1> to vector<16xi32>
          %add3A_1011 = arith.addi %convert_element_type3A_1002, %convert_element_type3A_1010 : vector<16xi32>
          %convert_element_type3A_1012 = arith.sitofp %convert_element_type3A_1003 : vector<16xi32> to vector<16xf32>
          %gt3A_1013 = arith.cmpf ogt, %mul3A_1000, %convert_element_type3A_1012 : vector<16xf32>
          %convert_element_type3A_1014 = arith.extui %gt3A_1013 : vector<16xi1> to vector<16xi32>
          %add3A_1015 = arith.addi %convert_element_type3A_1003, %convert_element_type3A_1014 : vector<16xi32>
          %mul3A_1016 = arith.constant -1640531535 : i32
          %mul3A_1017 = vector.broadcast %mul3A_1016 : i32 to vector<16xi32>
          %mul3A_1018 = arith.muli %add3A_1011, %mul3A_1017 : vector<16xi32>
          %xor3A_1019 = arith.xori %add3A_1007, %mul3A_1018 : vector<16xi32>
          %mul3A_1020 = arith.constant 805459861 : i32
          %mul3A_1021 = vector.broadcast %mul3A_1020 : i32 to vector<16xi32>
          %mul3A_1022 = arith.muli %add3A_1015, %mul3A_1021 : vector<16xi32>
          %xor3A_1023 = arith.xori %xor3A_1019, %mul3A_1022 : vector<16xi32>
          %and3A_1024 = arith.constant 524287 : i32
          %and3A_1025 = vector.broadcast %and3A_1024 : i32 to vector<16xi32>
          %and3A_1026 = arith.andi %xor3A_1023, %and3A_1025 : vector<16xi32>
          %add3A_1027 = arith.constant 7864320 : i32
          %add3A_1028 = vector.broadcast %add3A_1027 : i32 to vector<16xi32>
          %add3A_1029 = arith.addi %and3A_1026, %add3A_1028 : vector<16xi32>
          %shift_right_logical3A_1030 = arith.constant 7 : i32
          %shift_right_logical3A_1031 = vector.broadcast %shift_right_logical3A_1030 : i32 to vector<16xi32>
          %shift_right_logical3A_1032 = arith.shrui %add3A_1029, %shift_right_logical3A_1031 : vector<16xi32>
          %mul3A_1033 = arith.constant 256 : i32
          %mul3A_1034 = vector.broadcast %mul3A_1033 : i32 to vector<16xi32>
          %mul3A_1035 = arith.muli %shift_right_logical3A_1032, %mul3A_1034 : vector<16xi32>
          %and3A_1036 = arith.constant 127 : i32
          %and3A_1037 = vector.broadcast %and3A_1036 : i32 to vector<16xi32>
          %and3A_1038 = arith.andi %add3A_1029, %and3A_1037 : vector<16xi32>
          %add3A_1039 = arith.addi %mul3A_1035, %and3A_1038 : vector<16xi32>
          %add3A_1040 = arith.constant 30 : i32
          %add3A_1041 = vector.broadcast %add3A_1040 : i32 to vector<16xi32>
          %add3A_1042 = arith.addi %add3A_109, %add3A_1041 : vector<16xi32>
          tpu.vector_store_idx %arg9[%broadcast_in_dim3A_111, %add3A_1042], %add3A_1039 : memref<8x2048xi32, #tpu.memory_space<vmem>>[vector<16xi32>, vector<16xi32>], vector<16xi32>,
          %add3A_1043 = arith.constant 30 : i32
          %add3A_1044 = vector.broadcast %add3A_1043 : i32 to vector<16xi32>
          %add3A_1045 = arith.addi %add3A_109, %add3A_1044 : vector<16xi32>
          %add3A_1046 = arith.constant 1 : i32
          %add3A_1047 = vector.broadcast %add3A_1046 : i32 to vector<16xi32>
          %add3A_1048 = arith.addi %add3A_1045, %add3A_1047 : vector<16xi32>
          %add3A_1049 = arith.constant 128 : i32
          %add3A_1050 = vector.broadcast %add3A_1049 : i32 to vector<16xi32>
          %add3A_1051 = arith.addi %add3A_1039, %add3A_1050 : vector<16xi32>
          tpu.vector_store_idx %arg9[%broadcast_in_dim3A_111, %add3A_1048], %add3A_1051 : memref<8x2048xi32, #tpu.memory_space<vmem>>[vector<16xi32>, vector<16xi32>], vector<16xi32>,
        }
        %scan3A_80 = arith.constant 32 : i32
        %scan3A_81 = arith.constant 0 : i32
        %scan3A_82 = arith.constant 0 : i32
        %scan3A_83 = arith.constant 2 : i32
        %scan3A_84 = arith.addi %scan3A_82, %scan3A_83 : i32
        %scan3A_85 = arith.constant 1 : i32
        scf.for %scan3A_101 = %scan3A_82 to %scan3A_84 step %scan3A_85  : i32 {
          %mul3A_102 = arith.constant 4 : i32
          %mul3A_103 = arith.muli %scan3A_101, %mul3A_102 : i32
          %add3A_104 = arith.constant 0 : i32
          %add3A_105 = arith.addi %mul3A_103, %add3A_104 : i32
          %mul3A_106 = arith.constant 2048 : i32
          %mul3A_107 = arith.muli %add3A_105, %mul3A_106 : i32
          %dma_start3A = tpu.memref_slice %arg11[%mul3A_107] : memref<16384xf32, #tpu.memory_space<vmem>> -> memref<2048xf32, #tpu.memory_space<vmem>>
          %dma_start3A_108 = arith.constant 0 : i32
          %dma_start3A_109 = tpu.memref_slice %arg9[%add3A_105, %dma_start3A_108] : memref<8x2048xi32, #tpu.memory_space<vmem>> -> memref<1x2048xi32, #tpu.memory_space<vmem>>
          %dma_start3A_110 = tpu.memref_squeeze %dma_start3A_109 : memref<1x2048xi32, #tpu.memory_space<vmem>> -> memref<2048xi32, #tpu.memory_space<vmem>>
          %dma_start3A_111 = arith.constant 0 : i32
          %dma_start3A_112 = tpu.memref_slice %arg4[%dma_start3A_111] : memref<16777216xf32, #tpu.memory_space<hbm>> -> memref<16777216xf32, #tpu.memory_space<hbm>>
          tpu.enqueue_indirect_dma source(%dma_start3A_112 : memref<16777216xf32, #tpu.memory_space<hbm>>) target(%dma_start3A : memref<2048xf32, #tpu.memory_space<vmem>>) offsets(%dma_start3A_110 : memref<2048xi32, #tpu.memory_space<vmem>>) semaphore(%arg13 : memref<!tpu.dma_semaphore, #tpu.memory_space<semaphore_mem>>)
          %mul3A_113 = arith.constant 4 : i32
          %mul3A_114 = arith.muli %scan3A_101, %mul3A_113 : i32
          %add3A_115 = arith.constant 1 : i32
          %add3A_116 = arith.addi %mul3A_114, %add3A_115 : i32
          %mul3A_117 = arith.constant 2048 : i32
          %mul3A_118 = arith.muli %add3A_116, %mul3A_117 : i32
          %dma_start3A_119 = tpu.memref_slice %arg11[%mul3A_118] : memref<16384xf32, #tpu.memory_space<vmem>> -> memref<2048xf32, #tpu.memory_space<vmem>>
          %dma_start3A_120 = arith.constant 0 : i32
          %dma_start3A_121 = tpu.memref_slice %arg9[%add3A_116, %dma_start3A_120] : memref<8x2048xi32, #tpu.memory_space<vmem>> -> memref<1x2048xi32, #tpu.memory_space<vmem>>
          %dma_start3A_122 = tpu.memref_squeeze %dma_start3A_121 : memref<1x2048xi32, #tpu.memory_space<vmem>> -> memref<2048xi32, #tpu.memory_space<vmem>>
          %dma_start3A_123 = arith.constant 0 : i32
          %dma_start3A_124 = tpu.memref_slice %arg4[%dma_start3A_123] : memref<16777216xf32, #tpu.memory_space<hbm>> -> memref<16777216xf32, #tpu.memory_space<hbm>>
          tpu.enqueue_indirect_dma source(%dma_start3A_124 : memref<16777216xf32, #tpu.memory_space<hbm>>) target(%dma_start3A_119 : memref<2048xf32, #tpu.memory_space<vmem>>) offsets(%dma_start3A_122 : memref<2048xi32, #tpu.memory_space<vmem>>) semaphore(%arg13 : memref<!tpu.dma_semaphore, #tpu.memory_space<semaphore_mem>>)
          %mul3A_125 = arith.constant 4 : i32
          %mul3A_126 = arith.muli %scan3A_101, %mul3A_125 : i32
          %add3A_127 = arith.constant 2 : i32
          %add3A_128 = arith.addi %mul3A_126, %add3A_127 : i32
          %mul3A_129 = arith.constant 2048 : i32
          %mul3A_130 = arith.muli %add3A_128, %mul3A_129 : i32
          %dma_start3A_131 = tpu.memref_slice %arg11[%mul3A_130] : memref<16384xf32, #tpu.memory_space<vmem>> -> memref<2048xf32, #tpu.memory_space<vmem>>
          %dma_start3A_132 = arith.constant 0 : i32
          %dma_start3A_133 = tpu.memref_slice %arg9[%add3A_128, %dma_start3A_132] : memref<8x2048xi32, #tpu.memory_space<vmem>> -> memref<1x2048xi32, #tpu.memory_space<vmem>>
          %dma_start3A_134 = tpu.memref_squeeze %dma_start3A_133 : memref<1x2048xi32, #tpu.memory_space<vmem>> -> memref<2048xi32, #tpu.memory_space<vmem>>
          %dma_start3A_135 = arith.constant 0 : i32
          %dma_start3A_136 = tpu.memref_slice %arg4[%dma_start3A_135] : memref<16777216xf32, #tpu.memory_space<hbm>> -> memref<16777216xf32, #tpu.memory_space<hbm>>
          tpu.enqueue_indirect_dma source(%dma_start3A_136 : memref<16777216xf32, #tpu.memory_space<hbm>>) target(%dma_start3A_131 : memref<2048xf32, #tpu.memory_space<vmem>>) offsets(%dma_start3A_134 : memref<2048xi32, #tpu.memory_space<vmem>>) semaphore(%arg13 : memref<!tpu.dma_semaphore, #tpu.memory_space<semaphore_mem>>)
          %mul3A_137 = arith.constant 4 : i32
          %mul3A_138 = arith.muli %scan3A_101, %mul3A_137 : i32
          %add3A_139 = arith.constant 3 : i32
          %add3A_140 = arith.addi %mul3A_138, %add3A_139 : i32
          %mul3A_141 = arith.constant 2048 : i32
          %mul3A_142 = arith.muli %add3A_140, %mul3A_141 : i32
          %dma_start3A_143 = tpu.memref_slice %arg11[%mul3A_142] : memref<16384xf32, #tpu.memory_space<vmem>> -> memref<2048xf32, #tpu.memory_space<vmem>>
          %dma_start3A_144 = arith.constant 0 : i32
          %dma_start3A_145 = tpu.memref_slice %arg9[%add3A_140, %dma_start3A_144] : memref<8x2048xi32, #tpu.memory_space<vmem>> -> memref<1x2048xi32, #tpu.memory_space<vmem>>
          %dma_start3A_146 = tpu.memref_squeeze %dma_start3A_145 : memref<1x2048xi32, #tpu.memory_space<vmem>> -> memref<2048xi32, #tpu.memory_space<vmem>>
          %dma_start3A_147 = arith.constant 0 : i32
          %dma_start3A_148 = tpu.memref_slice %arg4[%dma_start3A_147] : memref<16777216xf32, #tpu.memory_space<hbm>> -> memref<16777216xf32, #tpu.memory_space<hbm>>
          tpu.enqueue_indirect_dma source(%dma_start3A_148 : memref<16777216xf32, #tpu.memory_space<hbm>>) target(%dma_start3A_143 : memref<2048xf32, #tpu.memory_space<vmem>>) offsets(%dma_start3A_146 : memref<2048xi32, #tpu.memory_space<vmem>>) semaphore(%arg13 : memref<!tpu.dma_semaphore, #tpu.memory_space<semaphore_mem>>)
        }
        %scan3A_86 = arith.constant 2 : i32
        %scan3A_87 = arith.constant 0 : i32
        %scan3A_88 = arith.constant 0 : i32
        %scan3A_89 = arith.constant 2 : i32
        %scan3A_90 = arith.addi %scan3A_88, %scan3A_89 : i32
        %scan3A_91 = arith.constant 1 : i32
        scf.for %scan3A_101 = %scan3A_88 to %scan3A_90 step %scan3A_91  : i32 {
          %mul3A_102 = arith.constant 4 : i32
          %mul3A_103 = arith.muli %scan3A_101, %mul3A_102 : i32
          %add3A_104 = arith.constant 0 : i32
          %add3A_105 = arith.addi %mul3A_103, %add3A_104 : i32
          %mul3A_106 = arith.constant 2048 : i32
          %mul3A_107 = arith.muli %add3A_105, %mul3A_106 : i32
          %dma_wait3A = tpu.memref_slice %arg10[%mul3A_107] : memref<16384xf32, #tpu.memory_space<vmem>> -> memref<2048xf32, #tpu.memory_space<vmem>>
          %dma_wait3A_108 = arith.constant 0 : i32
          %dma_wait3A_109 = tpu.memref_slice %arg8[%add3A_105, %dma_wait3A_108] : memref<8x2048xi32, #tpu.memory_space<vmem>> -> memref<1x2048xi32, #tpu.memory_space<vmem>>
          %dma_wait3A_110 = tpu.memref_squeeze %dma_wait3A_109 : memref<1x2048xi32, #tpu.memory_space<vmem>> -> memref<2048xi32, #tpu.memory_space<vmem>>
          %dma_wait3A_111 = arith.constant 0 : i32
          %dma_wait3A_112 = tpu.memref_slice %arg4[%dma_wait3A_111] : memref<16777216xf32, #tpu.memory_space<hbm>> -> memref<16777216xf32, #tpu.memory_space<hbm>>
          tpu.wait_indirect_dma semaphore(%arg12 : memref<!tpu.dma_semaphore, #tpu.memory_space<semaphore_mem>>) src(%dma_wait3A_112 : memref<16777216xf32, #tpu.memory_space<hbm>>) dst(%dma_wait3A : memref<2048xf32, #tpu.memory_space<vmem>>)
          %mul3A_113 = arith.constant 4 : i32
          %mul3A_114 = arith.muli %scan3A_101, %mul3A_113 : i32
          %add3A_115 = arith.constant 1 : i32
          %add3A_116 = arith.addi %mul3A_114, %add3A_115 : i32
          %mul3A_117 = arith.constant 2048 : i32
          %mul3A_118 = arith.muli %add3A_116, %mul3A_117 : i32
          %dma_wait3A_119 = tpu.memref_slice %arg10[%mul3A_118] : memref<16384xf32, #tpu.memory_space<vmem>> -> memref<2048xf32, #tpu.memory_space<vmem>>
          %dma_wait3A_120 = arith.constant 0 : i32
          %dma_wait3A_121 = tpu.memref_slice %arg8[%add3A_116, %dma_wait3A_120] : memref<8x2048xi32, #tpu.memory_space<vmem>> -> memref<1x2048xi32, #tpu.memory_space<vmem>>
          %dma_wait3A_122 = tpu.memref_squeeze %dma_wait3A_121 : memref<1x2048xi32, #tpu.memory_space<vmem>> -> memref<2048xi32, #tpu.memory_space<vmem>>
          %dma_wait3A_123 = arith.constant 0 : i32
          %dma_wait3A_124 = tpu.memref_slice %arg4[%dma_wait3A_123] : memref<16777216xf32, #tpu.memory_space<hbm>> -> memref<16777216xf32, #tpu.memory_space<hbm>>
          tpu.wait_indirect_dma semaphore(%arg12 : memref<!tpu.dma_semaphore, #tpu.memory_space<semaphore_mem>>) src(%dma_wait3A_124 : memref<16777216xf32, #tpu.memory_space<hbm>>) dst(%dma_wait3A_119 : memref<2048xf32, #tpu.memory_space<vmem>>)
          %mul3A_125 = arith.constant 4 : i32
          %mul3A_126 = arith.muli %scan3A_101, %mul3A_125 : i32
          %add3A_127 = arith.constant 2 : i32
          %add3A_128 = arith.addi %mul3A_126, %add3A_127 : i32
          %mul3A_129 = arith.constant 2048 : i32
          %mul3A_130 = arith.muli %add3A_128, %mul3A_129 : i32
          %dma_wait3A_131 = tpu.memref_slice %arg10[%mul3A_130] : memref<16384xf32, #tpu.memory_space<vmem>> -> memref<2048xf32, #tpu.memory_space<vmem>>
          %dma_wait3A_132 = arith.constant 0 : i32
          %dma_wait3A_133 = tpu.memref_slice %arg8[%add3A_128, %dma_wait3A_132] : memref<8x2048xi32, #tpu.memory_space<vmem>> -> memref<1x2048xi32, #tpu.memory_space<vmem>>
          %dma_wait3A_134 = tpu.memref_squeeze %dma_wait3A_133 : memref<1x2048xi32, #tpu.memory_space<vmem>> -> memref<2048xi32, #tpu.memory_space<vmem>>
          %dma_wait3A_135 = arith.constant 0 : i32
          %dma_wait3A_136 = tpu.memref_slice %arg4[%dma_wait3A_135] : memref<16777216xf32, #tpu.memory_space<hbm>> -> memref<16777216xf32, #tpu.memory_space<hbm>>
          tpu.wait_indirect_dma semaphore(%arg12 : memref<!tpu.dma_semaphore, #tpu.memory_space<semaphore_mem>>) src(%dma_wait3A_136 : memref<16777216xf32, #tpu.memory_space<hbm>>) dst(%dma_wait3A_131 : memref<2048xf32, #tpu.memory_space<vmem>>)
          %mul3A_137 = arith.constant 4 : i32
          %mul3A_138 = arith.muli %scan3A_101, %mul3A_137 : i32
          %add3A_139 = arith.constant 3 : i32
          %add3A_140 = arith.addi %mul3A_138, %add3A_139 : i32
          %mul3A_141 = arith.constant 2048 : i32
          %mul3A_142 = arith.muli %add3A_140, %mul3A_141 : i32
          %dma_wait3A_143 = tpu.memref_slice %arg10[%mul3A_142] : memref<16384xf32, #tpu.memory_space<vmem>> -> memref<2048xf32, #tpu.memory_space<vmem>>
          %dma_wait3A_144 = arith.constant 0 : i32
          %dma_wait3A_145 = tpu.memref_slice %arg8[%add3A_140, %dma_wait3A_144] : memref<8x2048xi32, #tpu.memory_space<vmem>> -> memref<1x2048xi32, #tpu.memory_space<vmem>>
          %dma_wait3A_146 = tpu.memref_squeeze %dma_wait3A_145 : memref<1x2048xi32, #tpu.memory_space<vmem>> -> memref<2048xi32, #tpu.memory_space<vmem>>
          %dma_wait3A_147 = arith.constant 0 : i32
          %dma_wait3A_148 = tpu.memref_slice %arg4[%dma_wait3A_147] : memref<16777216xf32, #tpu.memory_space<hbm>> -> memref<16777216xf32, #tpu.memory_space<hbm>>
          tpu.wait_indirect_dma semaphore(%arg12 : memref<!tpu.dma_semaphore, #tpu.memory_space<semaphore_mem>>) src(%dma_wait3A_148 : memref<16777216xf32, #tpu.memory_space<hbm>>) dst(%dma_wait3A_143 : memref<2048xf32, #tpu.memory_space<vmem>>)
        }
        %scan3A_92 = arith.constant 2 : i32
        %sub3A = arith.constant 1 : i32
        %sub3A_93 = arith.subi %scan3A_36, %sub3A : i32
        %mul3A_94 = arith.constant 512 : i32
        %mul3A_95 = arith.muli %sub3A_93, %mul3A_94 : i32
        %add3A_96 = arith.addi %mul3A_2, %mul3A_95 : i32
        %mul3A_97 = arith.constant 16 : i32
        %mul3A_98 = arith.muli %add3A_96, %mul3A_97 : i32
        %mul3A_99 = arith.constant 2 : i32
        %mul3A_100 = arith.muli %mul3A_98, %mul3A_99 : i32
        "tpu.region"() ({
          %run_scoped3A = tpu.sem_alloc : memref<!tpu.dma_semaphore, #tpu.memory_space<semaphore_mem>>
          %dma_start3A = tpu.memref_slice %arg5[%mul3A_100] : memref<8388608xf32, #tpu.memory_space<hbm>> -> memref<16384xf32, #tpu.memory_space<hbm>>
          %dma_start3A_101 = tpu.memref_slice %arg5[%mul3A_100] : memref<8388608xf32, #tpu.memory_space<hbm>> -> memref<16384xf32, #tpu.memory_space<hbm>>
          tpu.enqueue_dma source(%arg10 : memref<16384xf32, #tpu.memory_space<vmem>>) target(%dma_start3A_101 : memref<16384xf32, #tpu.memory_space<hbm>>) target_semaphore(%run_scoped3A : memref<!tpu.dma_semaphore, #tpu.memory_space<semaphore_mem>>)
          %dma_wait3A = tpu.memref_slice %arg5[%mul3A_100] : memref<8388608xf32, #tpu.memory_space<hbm>> -> memref<16384xf32, #tpu.memory_space<hbm>>
          %dma_wait3A_102 = tpu.memref_slice %arg5[%mul3A_100] : memref<8388608xf32, #tpu.memory_space<hbm>> -> memref<16384xf32, #tpu.memory_space<hbm>>
          tpu.wait_dma2 semaphore(%run_scoped3A : memref<!tpu.dma_semaphore, #tpu.memory_space<semaphore_mem>>) src(%arg10 : memref<16384xf32, #tpu.memory_space<vmem>>) dst(%dma_wait3A_102 : memref<16384xf32, #tpu.memory_space<hbm>>)
          tpu.yield
        }) : () -> ()
      } else {
      }
      %jit3A_49 = arith.constant 2 : i32
      %eq3A_50 = arith.constant 0 : i32
      %eq3A_51 = arith.cmpi eq, %jit3A_49, %eq3A_50 : i32
      %jit3A_52 = arith.constant 1 : i32
      %select_n3A_53 = arith.select %eq3A_51, %jit3A_52, %jit3A_49 : i32
      %rem3A_54 = arith.remsi %scan3A_36, %select_n3A_53 : i32
      %ne3A_55 = arith.constant 0 : i32
      %ne3A_56 = arith.cmpi ne, %rem3A_54, %ne3A_55 : i32
      %lt3A_57 = arith.constant 0 : i32
      %lt3A_58 = arith.cmpi slt, %rem3A_54, %lt3A_57 : i32
      %lt3A_59 = arith.constant 0 : i32
      %lt3A_60 = arith.cmpi slt, %select_n3A_53, %lt3A_59 : i32
      %ne3A_61 = arith.xori %lt3A_58, %lt3A_60 : i1
      %and3A_62 = arith.andi %ne3A_61, %ne3A_56 : i1
      %add3A_63 = arith.addi %rem3A_54, %select_n3A_53 : i32
      %select_n3A_64 = arith.select %and3A_62, %add3A_63, %rem3A_54 : i32
      %eq3A_65 = arith.constant 0 : i32
      %eq3A_66 = arith.cmpi eq, %select_n3A_64, %eq3A_65 : i32
      %convert_element_type3A_67 = arith.extui %eq3A_66 : i1 to i32
      %cond3A_68 = arith.constant 0 : i32
      %cond3A_69 = arith.cmpi ne, %convert_element_type3A_67, %cond3A_68 : i32
      scf.if %cond3A_69 {
        %mul3A_70 = arith.constant 512 : i32
        %mul3A_71 = arith.muli %scan3A_36, %mul3A_70 : i32
        %add3A_72 = arith.addi %mul3A_2, %mul3A_71 : i32
        %mul3A_73 = arith.constant 3 : i32
        %mul3A_74 = arith.muli %mul3A_73, %add3A_72 : i32
        "tpu.region"() ({
          %run_scoped3A = tpu.sem_alloc : memref<!tpu.dma_semaphore, #tpu.memory_space<semaphore_mem>>
          %dma_start3A = tpu.memref_slice %arg2[%mul3A_74] : memref<786432xf32, #tpu.memory_space<hbm>> -> memref<1536xf32, #tpu.memory_space<hbm>>
          %dma_start3A_101 = tpu.memref_slice %arg2[%mul3A_74] : memref<786432xf32, #tpu.memory_space<hbm>> -> memref<1536xf32, #tpu.memory_space<hbm>>
          tpu.enqueue_dma source(%dma_start3A_101 : memref<1536xf32, #tpu.memory_space<hbm>>) target(%arg6 : memref<1536xf32, #tpu.memory_space<vmem>>) target_semaphore(%run_scoped3A : memref<!tpu.dma_semaphore, #tpu.memory_space<semaphore_mem>>)
          %dma_wait3A = tpu.memref_slice %arg2[%mul3A_74] : memref<786432xf32, #tpu.memory_space<hbm>> -> memref<1536xf32, #tpu.memory_space<hbm>>
          %dma_wait3A_102 = tpu.memref_slice %arg2[%mul3A_74] : memref<786432xf32, #tpu.memory_space<hbm>> -> memref<1536xf32, #tpu.memory_space<hbm>>
          tpu.wait_dma2 semaphore(%run_scoped3A : memref<!tpu.dma_semaphore, #tpu.memory_space<semaphore_mem>>) src(%dma_wait3A_102 : memref<1536xf32, #tpu.memory_space<hbm>>) dst(%arg6 : memref<1536xf32, #tpu.memory_space<vmem>>)
          tpu.yield
        }) : () -> ()
        %scan3A_75 = arith.constant 0 : i32
        %scan3A_76 = arith.constant 0 : i32
        %scan3A_77 = arith.constant 32 : i32
        %scan3A_78 = arith.addi %scan3A_76, %scan3A_77 : i32
        %scan3A_79 = arith.constant 1 : i32
        scf.for %scan3A_101 = %scan3A_76 to %scan3A_78 step %scan3A_79  : i32 {
          %iota3A = tpu.iota {dimensions = array<i32: 0>} : vector<16xi32>
          %and3A_102 = arith.constant 3 : i32
          %and3A_103 = arith.andi %scan3A_101, %and3A_102 : i32
          %mul3A_104 = arith.constant 512 : i32
          %mul3A_105 = arith.muli %and3A_103, %mul3A_104 : i32
          %broadcast_in_dim3A = vector.broadcast %mul3A_105 : i32 to vector<16xi32>
          %mul3A_106 = arith.constant 32 : i32
          %mul3A_107 = vector.broadcast %mul3A_106 : i32 to vector<16xi32>
          %mul3A_108 = arith.muli %iota3A, %mul3A_107 : vector<16xi32>
          %add3A_109 = arith.addi %broadcast_in_dim3A, %mul3A_108 : vector<16xi32>
          %shift_right_logical3A = arith.constant 2 : i32
          %shift_right_logical3A_110 = arith.shrui %scan3A_101, %shift_right_logical3A : i32
          %broadcast_in_dim3A_111 = vector.broadcast %shift_right_logical3A_110 : i32 to vector<16xi32>
          %mul3A_112 = arith.constant 48 : i32
          %mul3A_113 = arith.muli %mul3A_112, %scan3A_101 : i32
          %broadcast_in_dim3A_114 = vector.broadcast %mul3A_113 : i32 to vector<16xi32>
          %mul3A_115 = arith.constant 3 : i32
          %mul3A_116 = vector.broadcast %mul3A_115 : i32 to vector<16xi32>
          %mul3A_117 = arith.muli %mul3A_116, %iota3A : vector<16xi32>
          %add3A_118 = arith.addi %broadcast_in_dim3A_114, %mul3A_117 : vector<16xi32>
          %gather3A = tpu.vector_load_idx %arg6[%add3A_118] : memref<1536xf32, #tpu.memory_space<vmem>>[vector<16xi32>], vector<16xf32>,
          %add3A_119 = arith.constant 1 : i32
          %add3A_120 = vector.broadcast %add3A_119 : i32 to vector<16xi32>
          %add3A_121 = arith.addi %add3A_118, %add3A_120 : vector<16xi32>
          %gather3A_122 = tpu.vector_load_idx %arg6[%add3A_121] : memref<1536xf32, #tpu.memory_space<vmem>>[vector<16xi32>], vector<16xf32>,
          %add3A_123 = arith.constant 2 : i32
          %add3A_124 = vector.broadcast %add3A_123 : i32 to vector<16xi32>
          %add3A_125 = arith.addi %add3A_118, %add3A_124 : vector<16xi32>
          %gather3A_126 = tpu.vector_load_idx %arg6[%add3A_125] : memref<1536xf32, #tpu.memory_space<vmem>>[vector<16xi32>], vector<16xf32>,
          %get3A = arith.constant 0 : i32
          %get3A_127 = arith.index_cast %get3A : i32 to index
          %get3A_128 = arith.constant 0 : index
          %get3A_129 = tpu.vector_load %arg7[%get3A_127, %get3A_128] {strides = array<i32>} : memref<16x16xf32, #tpu.memory_space<vmem>>, vector<16xf32>,
          %mul3A_130 = arith.mulf %gather3A, %get3A_129 : vector<16xf32>
          %mul3A_131 = arith.mulf %gather3A_122, %get3A_129 : vector<16xf32>
          %mul3A_132 = arith.mulf %gather3A_126, %get3A_129 : vector<16xf32>
          %convert_element_type3A_133 = arith.fptosi %mul3A_130 : vector<16xf32> to vector<16xi32>
          %convert_element_type3A_134 = arith.fptosi %mul3A_131 : vector<16xf32> to vector<16xi32>
          %convert_element_type3A_135 = arith.fptosi %mul3A_132 : vector<16xf32> to vector<16xi32>
          %convert_element_type3A_136 = arith.sitofp %convert_element_type3A_133 : vector<16xi32> to vector<16xf32>
          %gt3A = arith.cmpf ogt, %mul3A_130, %convert_element_type3A_136 : vector<16xf32>
          %convert_element_type3A_137 = arith.extui %gt3A : vector<16xi1> to vector<16xi32>
          %add3A_138 = arith.addi %convert_element_type3A_133, %convert_element_type3A_137 : vector<16xi32>
          %convert_element_type3A_139 = arith.sitofp %convert_element_type3A_134 : vector<16xi32> to vector<16xf32>
          %gt3A_140 = arith.cmpf ogt, %mul3A_131, %convert_element_type3A_139 : vector<16xf32>
          %convert_element_type3A_141 = arith.extui %gt3A_140 : vector<16xi1> to vector<16xi32>
          %add3A_142 = arith.addi %convert_element_type3A_134, %convert_element_type3A_141 : vector<16xi32>
          %convert_element_type3A_143 = arith.sitofp %convert_element_type3A_135 : vector<16xi32> to vector<16xf32>
          %gt3A_144 = arith.cmpf ogt, %mul3A_132, %convert_element_type3A_143 : vector<16xf32>
          %convert_element_type3A_145 = arith.extui %gt3A_144 : vector<16xi1> to vector<16xi32>
          %add3A_146 = arith.addi %convert_element_type3A_135, %convert_element_type3A_145 : vector<16xi32>
          %mul3A_147 = arith.constant -1640531535 : i32
          %mul3A_148 = vector.broadcast %mul3A_147 : i32 to vector<16xi32>
          %mul3A_149 = arith.muli %add3A_142, %mul3A_148 : vector<16xi32>
          %xor3A = arith.xori %add3A_138, %mul3A_149 : vector<16xi32>
          %mul3A_150 = arith.constant 805459861 : i32
          %mul3A_151 = vector.broadcast %mul3A_150 : i32 to vector<16xi32>
          %mul3A_152 = arith.muli %add3A_146, %mul3A_151 : vector<16xi32>
          %xor3A_153 = arith.xori %xor3A, %mul3A_152 : vector<16xi32>
          %and3A_154 = arith.constant 524287 : i32
          %and3A_155 = vector.broadcast %and3A_154 : i32 to vector<16xi32>
          %and3A_156 = arith.andi %xor3A_153, %and3A_155 : vector<16xi32>
          %add3A_157 = arith.constant 0 : i32
          %add3A_158 = vector.broadcast %add3A_157 : i32 to vector<16xi32>
          %add3A_159 = arith.addi %and3A_156, %add3A_158 : vector<16xi32>
          %shift_right_logical3A_160 = arith.constant 7 : i32
          %shift_right_logical3A_161 = vector.broadcast %shift_right_logical3A_160 : i32 to vector<16xi32>
          %shift_right_logical3A_162 = arith.shrui %add3A_159, %shift_right_logical3A_161 : vector<16xi32>
          %mul3A_163 = arith.constant 256 : i32
          %mul3A_164 = vector.broadcast %mul3A_163 : i32 to vector<16xi32>
          %mul3A_165 = arith.muli %shift_right_logical3A_162, %mul3A_164 : vector<16xi32>
          %and3A_166 = arith.constant 127 : i32
          %and3A_167 = vector.broadcast %and3A_166 : i32 to vector<16xi32>
          %and3A_168 = arith.andi %add3A_159, %and3A_167 : vector<16xi32>
          %add3A_169 = arith.addi %mul3A_165, %and3A_168 : vector<16xi32>
          %add3A_170 = arith.constant 0 : i32
          %add3A_171 = vector.broadcast %add3A_170 : i32 to vector<16xi32>
          %add3A_172 = arith.addi %add3A_109, %add3A_171 : vector<16xi32>
          tpu.vector_store_idx %arg8[%broadcast_in_dim3A_111, %add3A_172], %add3A_169 : memref<8x2048xi32, #tpu.memory_space<vmem>>[vector<16xi32>, vector<16xi32>], vector<16xi32>,
          %add3A_173 = arith.constant 0 : i32
          %add3A_174 = vector.broadcast %add3A_173 : i32 to vector<16xi32>
          %add3A_175 = arith.addi %add3A_109, %add3A_174 : vector<16xi32>
          %add3A_176 = arith.constant 1 : i32
          %add3A_177 = vector.broadcast %add3A_176 : i32 to vector<16xi32>
          %add3A_178 = arith.addi %add3A_175, %add3A_177 : vector<16xi32>
          %add3A_179 = arith.constant 128 : i32
          %add3A_180 = vector.broadcast %add3A_179 : i32 to vector<16xi32>
          %add3A_181 = arith.addi %add3A_169, %add3A_180 : vector<16xi32>
          tpu.vector_store_idx %arg8[%broadcast_in_dim3A_111, %add3A_178], %add3A_181 : memref<8x2048xi32, #tpu.memory_space<vmem>>[vector<16xi32>, vector<16xi32>], vector<16xi32>,
          %get3A_182 = arith.constant 1 : i32
          %get3A_183 = arith.index_cast %get3A_182 : i32 to index
          %get3A_184 = arith.constant 0 : index
          %get3A_185 = tpu.vector_load %arg7[%get3A_183, %get3A_184] {strides = array<i32>} : memref<16x16xf32, #tpu.memory_space<vmem>>, vector<16xf32>,
          %mul3A_186 = arith.mulf %gather3A, %get3A_185 : vector<16xf32>
          %mul3A_187 = arith.mulf %gather3A_122, %get3A_185 : vector<16xf32>
          %mul3A_188 = arith.mulf %gather3A_126, %get3A_185 : vector<16xf32>
          %convert_element_type3A_189 = arith.fptosi %mul3A_186 : vector<16xf32> to vector<16xi32>
          %convert_element_type3A_190 = arith.fptosi %mul3A_187 : vector<16xf32> to vector<16xi32>
          %convert_element_type3A_191 = arith.fptosi %mul3A_188 : vector<16xf32> to vector<16xi32>
          %convert_element_type3A_192 = arith.sitofp %convert_element_type3A_189 : vector<16xi32> to vector<16xf32>
          %gt3A_193 = arith.cmpf ogt, %mul3A_186, %convert_element_type3A_192 : vector<16xf32>
          %convert_element_type3A_194 = arith.extui %gt3A_193 : vector<16xi1> to vector<16xi32>
          %add3A_195 = arith.addi %convert_element_type3A_189, %convert_element_type3A_194 : vector<16xi32>
          %convert_element_type3A_196 = arith.sitofp %convert_element_type3A_190 : vector<16xi32> to vector<16xf32>
          %gt3A_197 = arith.cmpf ogt, %mul3A_187, %convert_element_type3A_196 : vector<16xf32>
          %convert_element_type3A_198 = arith.extui %gt3A_197 : vector<16xi1> to vector<16xi32>
          %add3A_199 = arith.addi %convert_element_type3A_190, %convert_element_type3A_198 : vector<16xi32>
          %convert_element_type3A_200 = arith.sitofp %convert_element_type3A_191 : vector<16xi32> to vector<16xf32>
          %gt3A_201 = arith.cmpf ogt, %mul3A_188, %convert_element_type3A_200 : vector<16xf32>
          %convert_element_type3A_202 = arith.extui %gt3A_201 : vector<16xi1> to vector<16xi32>
          %add3A_203 = arith.addi %convert_element_type3A_191, %convert_element_type3A_202 : vector<16xi32>
          %mul3A_204 = arith.constant -1640531535 : i32
          %mul3A_205 = vector.broadcast %mul3A_204 : i32 to vector<16xi32>
          %mul3A_206 = arith.muli %add3A_199, %mul3A_205 : vector<16xi32>
          %xor3A_207 = arith.xori %add3A_195, %mul3A_206 : vector<16xi32>
          %mul3A_208 = arith.constant 805459861 : i32
          %mul3A_209 = vector.broadcast %mul3A_208 : i32 to vector<16xi32>
          %mul3A_210 = arith.muli %add3A_203, %mul3A_209 : vector<16xi32>
          %xor3A_211 = arith.xori %xor3A_207, %mul3A_210 : vector<16xi32>
          %and3A_212 = arith.constant 524287 : i32
          %and3A_213 = vector.broadcast %and3A_212 : i32 to vector<16xi32>
          %and3A_214 = arith.andi %xor3A_211, %and3A_213 : vector<16xi32>
          %add3A_215 = arith.constant 524288 : i32
          %add3A_216 = vector.broadcast %add3A_215 : i32 to vector<16xi32>
          %add3A_217 = arith.addi %and3A_214, %add3A_216 : vector<16xi32>
          %shift_right_logical3A_218 = arith.constant 7 : i32
          %shift_right_logical3A_219 = vector.broadcast %shift_right_logical3A_218 : i32 to vector<16xi32>
          %shift_right_logical3A_220 = arith.shrui %add3A_217, %shift_right_logical3A_219 : vector<16xi32>
          %mul3A_221 = arith.constant 256 : i32
          %mul3A_222 = vector.broadcast %mul3A_221 : i32 to vector<16xi32>
          %mul3A_223 = arith.muli %shift_right_logical3A_220, %mul3A_222 : vector<16xi32>
          %and3A_224 = arith.constant 127 : i32
          %and3A_225 = vector.broadcast %and3A_224 : i32 to vector<16xi32>
          %and3A_226 = arith.andi %add3A_217, %and3A_225 : vector<16xi32>
          %add3A_227 = arith.addi %mul3A_223, %and3A_226 : vector<16xi32>
          %add3A_228 = arith.constant 2 : i32
          %add3A_229 = vector.broadcast %add3A_228 : i32 to vector<16xi32>
          %add3A_230 = arith.addi %add3A_109, %add3A_229 : vector<16xi32>
          tpu.vector_store_idx %arg8[%broadcast_in_dim3A_111, %add3A_230], %add3A_227 : memref<8x2048xi32, #tpu.memory_space<vmem>>[vector<16xi32>, vector<16xi32>], vector<16xi32>,
          %add3A_231 = arith.constant 2 : i32
          %add3A_232 = vector.broadcast %add3A_231 : i32 to vector<16xi32>
          %add3A_233 = arith.addi %add3A_109, %add3A_232 : vector<16xi32>
          %add3A_234 = arith.constant 1 : i32
          %add3A_235 = vector.broadcast %add3A_234 : i32 to vector<16xi32>
          %add3A_236 = arith.addi %add3A_233, %add3A_235 : vector<16xi32>
          %add3A_237 = arith.constant 128 : i32
          %add3A_238 = vector.broadcast %add3A_237 : i32 to vector<16xi32>
          %add3A_239 = arith.addi %add3A_227, %add3A_238 : vector<16xi32>
          tpu.vector_store_idx %arg8[%broadcast_in_dim3A_111, %add3A_236], %add3A_239 : memref<8x2048xi32, #tpu.memory_space<vmem>>[vector<16xi32>, vector<16xi32>], vector<16xi32>,
          %get3A_240 = arith.constant 2 : i32
          %get3A_241 = arith.index_cast %get3A_240 : i32 to index
          %get3A_242 = arith.constant 0 : index
          %get3A_243 = tpu.vector_load %arg7[%get3A_241, %get3A_242] {strides = array<i32>} : memref<16x16xf32, #tpu.memory_space<vmem>>, vector<16xf32>,
          %mul3A_244 = arith.mulf %gather3A, %get3A_243 : vector<16xf32>
          %mul3A_245 = arith.mulf %gather3A_122, %get3A_243 : vector<16xf32>
          %mul3A_246 = arith.mulf %gather3A_126, %get3A_243 : vector<16xf32>
          %convert_element_type3A_247 = arith.fptosi %mul3A_244 : vector<16xf32> to vector<16xi32>
          %convert_element_type3A_248 = arith.fptosi %mul3A_245 : vector<16xf32> to vector<16xi32>
          %convert_element_type3A_249 = arith.fptosi %mul3A_246 : vector<16xf32> to vector<16xi32>
          %convert_element_type3A_250 = arith.sitofp %convert_element_type3A_247 : vector<16xi32> to vector<16xf32>
          %gt3A_251 = arith.cmpf ogt, %mul3A_244, %convert_element_type3A_250 : vector<16xf32>
          %convert_element_type3A_252 = arith.extui %gt3A_251 : vector<16xi1> to vector<16xi32>
          %add3A_253 = arith.addi %convert_element_type3A_247, %convert_element_type3A_252 : vector<16xi32>
          %convert_element_type3A_254 = arith.sitofp %convert_element_type3A_248 : vector<16xi32> to vector<16xf32>
          %gt3A_255 = arith.cmpf ogt, %mul3A_245, %convert_element_type3A_254 : vector<16xf32>
          %convert_element_type3A_256 = arith.extui %gt3A_255 : vector<16xi1> to vector<16xi32>
          %add3A_257 = arith.addi %convert_element_type3A_248, %convert_element_type3A_256 : vector<16xi32>
          %convert_element_type3A_258 = arith.sitofp %convert_element_type3A_249 : vector<16xi32> to vector<16xf32>
          %gt3A_259 = arith.cmpf ogt, %mul3A_246, %convert_element_type3A_258 : vector<16xf32>
          %convert_element_type3A_260 = arith.extui %gt3A_259 : vector<16xi1> to vector<16xi32>
          %add3A_261 = arith.addi %convert_element_type3A_249, %convert_element_type3A_260 : vector<16xi32>
          %mul3A_262 = arith.constant -1640531535 : i32
          %mul3A_263 = vector.broadcast %mul3A_262 : i32 to vector<16xi32>
          %mul3A_264 = arith.muli %add3A_257, %mul3A_263 : vector<16xi32>
          %xor3A_265 = arith.xori %add3A_253, %mul3A_264 : vector<16xi32>
          %mul3A_266 = arith.constant 805459861 : i32
          %mul3A_267 = vector.broadcast %mul3A_266 : i32 to vector<16xi32>
          %mul3A_268 = arith.muli %add3A_261, %mul3A_267 : vector<16xi32>
          %xor3A_269 = arith.xori %xor3A_265, %mul3A_268 : vector<16xi32>
          %and3A_270 = arith.constant 524287 : i32
          %and3A_271 = vector.broadcast %and3A_270 : i32 to vector<16xi32>
          %and3A_272 = arith.andi %xor3A_269, %and3A_271 : vector<16xi32>
          %add3A_273 = arith.constant 1048576 : i32
          %add3A_274 = vector.broadcast %add3A_273 : i32 to vector<16xi32>
          %add3A_275 = arith.addi %and3A_272, %add3A_274 : vector<16xi32>
          %shift_right_logical3A_276 = arith.constant 7 : i32
          %shift_right_logical3A_277 = vector.broadcast %shift_right_logical3A_276 : i32 to vector<16xi32>
          %shift_right_logical3A_278 = arith.shrui %add3A_275, %shift_right_logical3A_277 : vector<16xi32>
          %mul3A_279 = arith.constant 256 : i32
          %mul3A_280 = vector.broadcast %mul3A_279 : i32 to vector<16xi32>
          %mul3A_281 = arith.muli %shift_right_logical3A_278, %mul3A_280 : vector<16xi32>
          %and3A_282 = arith.constant 127 : i32
          %and3A_283 = vector.broadcast %and3A_282 : i32 to vector<16xi32>
          %and3A_284 = arith.andi %add3A_275, %and3A_283 : vector<16xi32>
          %add3A_285 = arith.addi %mul3A_281, %and3A_284 : vector<16xi32>
          %add3A_286 = arith.constant 4 : i32
          %add3A_287 = vector.broadcast %add3A_286 : i32 to vector<16xi32>
          %add3A_288 = arith.addi %add3A_109, %add3A_287 : vector<16xi32>
          tpu.vector_store_idx %arg8[%broadcast_in_dim3A_111, %add3A_288], %add3A_285 : memref<8x2048xi32, #tpu.memory_space<vmem>>[vector<16xi32>, vector<16xi32>], vector<16xi32>,
          %add3A_289 = arith.constant 4 : i32
          %add3A_290 = vector.broadcast %add3A_289 : i32 to vector<16xi32>
          %add3A_291 = arith.addi %add3A_109, %add3A_290 : vector<16xi32>
          %add3A_292 = arith.constant 1 : i32
          %add3A_293 = vector.broadcast %add3A_292 : i32 to vector<16xi32>
          %add3A_294 = arith.addi %add3A_291, %add3A_293 : vector<16xi32>
          %add3A_295 = arith.constant 128 : i32
          %add3A_296 = vector.broadcast %add3A_295 : i32 to vector<16xi32>
          %add3A_297 = arith.addi %add3A_285, %add3A_296 : vector<16xi32>
          tpu.vector_store_idx %arg8[%broadcast_in_dim3A_111, %add3A_294], %add3A_297 : memref<8x2048xi32, #tpu.memory_space<vmem>>[vector<16xi32>, vector<16xi32>], vector<16xi32>,
          %get3A_298 = arith.constant 3 : i32
          %get3A_299 = arith.index_cast %get3A_298 : i32 to index
          %get3A_300 = arith.constant 0 : index
          %get3A_301 = tpu.vector_load %arg7[%get3A_299, %get3A_300] {strides = array<i32>} : memref<16x16xf32, #tpu.memory_space<vmem>>, vector<16xf32>,
          %mul3A_302 = arith.mulf %gather3A, %get3A_301 : vector<16xf32>
          %mul3A_303 = arith.mulf %gather3A_122, %get3A_301 : vector<16xf32>
          %mul3A_304 = arith.mulf %gather3A_126, %get3A_301 : vector<16xf32>
          %convert_element_type3A_305 = arith.fptosi %mul3A_302 : vector<16xf32> to vector<16xi32>
          %convert_element_type3A_306 = arith.fptosi %mul3A_303 : vector<16xf32> to vector<16xi32>
          %convert_element_type3A_307 = arith.fptosi %mul3A_304 : vector<16xf32> to vector<16xi32>
          %convert_element_type3A_308 = arith.sitofp %convert_element_type3A_305 : vector<16xi32> to vector<16xf32>
          %gt3A_309 = arith.cmpf ogt, %mul3A_302, %convert_element_type3A_308 : vector<16xf32>
          %convert_element_type3A_310 = arith.extui %gt3A_309 : vector<16xi1> to vector<16xi32>
          %add3A_311 = arith.addi %convert_element_type3A_305, %convert_element_type3A_310 : vector<16xi32>
          %convert_element_type3A_312 = arith.sitofp %convert_element_type3A_306 : vector<16xi32> to vector<16xf32>
          %gt3A_313 = arith.cmpf ogt, %mul3A_303, %convert_element_type3A_312 : vector<16xf32>
          %convert_element_type3A_314 = arith.extui %gt3A_313 : vector<16xi1> to vector<16xi32>
          %add3A_315 = arith.addi %convert_element_type3A_306, %convert_element_type3A_314 : vector<16xi32>
          %convert_element_type3A_316 = arith.sitofp %convert_element_type3A_307 : vector<16xi32> to vector<16xf32>
          %gt3A_317 = arith.cmpf ogt, %mul3A_304, %convert_element_type3A_316 : vector<16xf32>
          %convert_element_type3A_318 = arith.extui %gt3A_317 : vector<16xi1> to vector<16xi32>
          %add3A_319 = arith.addi %convert_element_type3A_307, %convert_element_type3A_318 : vector<16xi32>
          %mul3A_320 = arith.constant -1640531535 : i32
          %mul3A_321 = vector.broadcast %mul3A_320 : i32 to vector<16xi32>
          %mul3A_322 = arith.muli %add3A_315, %mul3A_321 : vector<16xi32>
          %xor3A_323 = arith.xori %add3A_311, %mul3A_322 : vector<16xi32>
          %mul3A_324 = arith.constant 805459861 : i32
          %mul3A_325 = vector.broadcast %mul3A_324 : i32 to vector<16xi32>
          %mul3A_326 = arith.muli %add3A_319, %mul3A_325 : vector<16xi32>
          %xor3A_327 = arith.xori %xor3A_323, %mul3A_326 : vector<16xi32>
          %and3A_328 = arith.constant 524287 : i32
          %and3A_329 = vector.broadcast %and3A_328 : i32 to vector<16xi32>
          %and3A_330 = arith.andi %xor3A_327, %and3A_329 : vector<16xi32>
          %add3A_331 = arith.constant 1572864 : i32
          %add3A_332 = vector.broadcast %add3A_331 : i32 to vector<16xi32>
          %add3A_333 = arith.addi %and3A_330, %add3A_332 : vector<16xi32>
          %shift_right_logical3A_334 = arith.constant 7 : i32
          %shift_right_logical3A_335 = vector.broadcast %shift_right_logical3A_334 : i32 to vector<16xi32>
          %shift_right_logical3A_336 = arith.shrui %add3A_333, %shift_right_logical3A_335 : vector<16xi32>
          %mul3A_337 = arith.constant 256 : i32
          %mul3A_338 = vector.broadcast %mul3A_337 : i32 to vector<16xi32>
          %mul3A_339 = arith.muli %shift_right_logical3A_336, %mul3A_338 : vector<16xi32>
          %and3A_340 = arith.constant 127 : i32
          %and3A_341 = vector.broadcast %and3A_340 : i32 to vector<16xi32>
          %and3A_342 = arith.andi %add3A_333, %and3A_341 : vector<16xi32>
          %add3A_343 = arith.addi %mul3A_339, %and3A_342 : vector<16xi32>
          %add3A_344 = arith.constant 6 : i32
          %add3A_345 = vector.broadcast %add3A_344 : i32 to vector<16xi32>
          %add3A_346 = arith.addi %add3A_109, %add3A_345 : vector<16xi32>
          tpu.vector_store_idx %arg8[%broadcast_in_dim3A_111, %add3A_346], %add3A_343 : memref<8x2048xi32, #tpu.memory_space<vmem>>[vector<16xi32>, vector<16xi32>], vector<16xi32>,
          %add3A_347 = arith.constant 6 : i32
          %add3A_348 = vector.broadcast %add3A_347 : i32 to vector<16xi32>
          %add3A_349 = arith.addi %add3A_109, %add3A_348 : vector<16xi32>
          %add3A_350 = arith.constant 1 : i32
          %add3A_351 = vector.broadcast %add3A_350 : i32 to vector<16xi32>
          %add3A_352 = arith.addi %add3A_349, %add3A_351 : vector<16xi32>
          %add3A_353 = arith.constant 128 : i32
          %add3A_354 = vector.broadcast %add3A_353 : i32 to vector<16xi32>
          %add3A_355 = arith.addi %add3A_343, %add3A_354 : vector<16xi32>
          tpu.vector_store_idx %arg8[%broadcast_in_dim3A_111, %add3A_352], %add3A_355 : memref<8x2048xi32, #tpu.memory_space<vmem>>[vector<16xi32>, vector<16xi32>], vector<16xi32>,
          %get3A_356 = arith.constant 4 : i32
          %get3A_357 = arith.index_cast %get3A_356 : i32 to index
          %get3A_358 = arith.constant 0 : index
          %get3A_359 = tpu.vector_load %arg7[%get3A_357, %get3A_358] {strides = array<i32>} : memref<16x16xf32, #tpu.memory_space<vmem>>, vector<16xf32>,
          %mul3A_360 = arith.mulf %gather3A, %get3A_359 : vector<16xf32>
          %mul3A_361 = arith.mulf %gather3A_122, %get3A_359 : vector<16xf32>
          %mul3A_362 = arith.mulf %gather3A_126, %get3A_359 : vector<16xf32>
          %convert_element_type3A_363 = arith.fptosi %mul3A_360 : vector<16xf32> to vector<16xi32>
          %convert_element_type3A_364 = arith.fptosi %mul3A_361 : vector<16xf32> to vector<16xi32>
          %convert_element_type3A_365 = arith.fptosi %mul3A_362 : vector<16xf32> to vector<16xi32>
          %convert_element_type3A_366 = arith.sitofp %convert_element_type3A_363 : vector<16xi32> to vector<16xf32>
          %gt3A_367 = arith.cmpf ogt, %mul3A_360, %convert_element_type3A_366 : vector<16xf32>
          %convert_element_type3A_368 = arith.extui %gt3A_367 : vector<16xi1> to vector<16xi32>
          %add3A_369 = arith.addi %convert_element_type3A_363, %convert_element_type3A_368 : vector<16xi32>
          %convert_element_type3A_370 = arith.sitofp %convert_element_type3A_364 : vector<16xi32> to vector<16xf32>
          %gt3A_371 = arith.cmpf ogt, %mul3A_361, %convert_element_type3A_370 : vector<16xf32>
          %convert_element_type3A_372 = arith.extui %gt3A_371 : vector<16xi1> to vector<16xi32>
          %add3A_373 = arith.addi %convert_element_type3A_364, %convert_element_type3A_372 : vector<16xi32>
          %convert_element_type3A_374 = arith.sitofp %convert_element_type3A_365 : vector<16xi32> to vector<16xf32>
          %gt3A_375 = arith.cmpf ogt, %mul3A_362, %convert_element_type3A_374 : vector<16xf32>
          %convert_element_type3A_376 = arith.extui %gt3A_375 : vector<16xi1> to vector<16xi32>
          %add3A_377 = arith.addi %convert_element_type3A_365, %convert_element_type3A_376 : vector<16xi32>
          %mul3A_378 = arith.constant -1640531535 : i32
          %mul3A_379 = vector.broadcast %mul3A_378 : i32 to vector<16xi32>
          %mul3A_380 = arith.muli %add3A_373, %mul3A_379 : vector<16xi32>
          %xor3A_381 = arith.xori %add3A_369, %mul3A_380 : vector<16xi32>
          %mul3A_382 = arith.constant 805459861 : i32
          %mul3A_383 = vector.broadcast %mul3A_382 : i32 to vector<16xi32>
          %mul3A_384 = arith.muli %add3A_377, %mul3A_383 : vector<16xi32>
          %xor3A_385 = arith.xori %xor3A_381, %mul3A_384 : vector<16xi32>
          %and3A_386 = arith.constant 524287 : i32
          %and3A_387 = vector.broadcast %and3A_386 : i32 to vector<16xi32>
          %and3A_388 = arith.andi %xor3A_385, %and3A_387 : vector<16xi32>
          %add3A_389 = arith.constant 2097152 : i32
          %add3A_390 = vector.broadcast %add3A_389 : i32 to vector<16xi32>
          %add3A_391 = arith.addi %and3A_388, %add3A_390 : vector<16xi32>
          %shift_right_logical3A_392 = arith.constant 7 : i32
          %shift_right_logical3A_393 = vector.broadcast %shift_right_logical3A_392 : i32 to vector<16xi32>
          %shift_right_logical3A_394 = arith.shrui %add3A_391, %shift_right_logical3A_393 : vector<16xi32>
          %mul3A_395 = arith.constant 256 : i32
          %mul3A_396 = vector.broadcast %mul3A_395 : i32 to vector<16xi32>
          %mul3A_397 = arith.muli %shift_right_logical3A_394, %mul3A_396 : vector<16xi32>
          %and3A_398 = arith.constant 127 : i32
          %and3A_399 = vector.broadcast %and3A_398 : i32 to vector<16xi32>
          %and3A_400 = arith.andi %add3A_391, %and3A_399 : vector<16xi32>
          %add3A_401 = arith.addi %mul3A_397, %and3A_400 : vector<16xi32>
          %add3A_402 = arith.constant 8 : i32
          %add3A_403 = vector.broadcast %add3A_402 : i32 to vector<16xi32>
          %add3A_404 = arith.addi %add3A_109, %add3A_403 : vector<16xi32>
          tpu.vector_store_idx %arg8[%broadcast_in_dim3A_111, %add3A_404], %add3A_401 : memref<8x2048xi32, #tpu.memory_space<vmem>>[vector<16xi32>, vector<16xi32>], vector<16xi32>,
          %add3A_405 = arith.constant 8 : i32
          %add3A_406 = vector.broadcast %add3A_405 : i32 to vector<16xi32>
          %add3A_407 = arith.addi %add3A_109, %add3A_406 : vector<16xi32>
          %add3A_408 = arith.constant 1 : i32
          %add3A_409 = vector.broadcast %add3A_408 : i32 to vector<16xi32>
          %add3A_410 = arith.addi %add3A_407, %add3A_409 : vector<16xi32>
          %add3A_411 = arith.constant 128 : i32
          %add3A_412 = vector.broadcast %add3A_411 : i32 to vector<16xi32>
          %add3A_413 = arith.addi %add3A_401, %add3A_412 : vector<16xi32>
          tpu.vector_store_idx %arg8[%broadcast_in_dim3A_111, %add3A_410], %add3A_413 : memref<8x2048xi32, #tpu.memory_space<vmem>>[vector<16xi32>, vector<16xi32>], vector<16xi32>,
          %get3A_414 = arith.constant 5 : i32
          %get3A_415 = arith.index_cast %get3A_414 : i32 to index
          %get3A_416 = arith.constant 0 : index
          %get3A_417 = tpu.vector_load %arg7[%get3A_415, %get3A_416] {strides = array<i32>} : memref<16x16xf32, #tpu.memory_space<vmem>>, vector<16xf32>,
          %mul3A_418 = arith.mulf %gather3A, %get3A_417 : vector<16xf32>
          %mul3A_419 = arith.mulf %gather3A_122, %get3A_417 : vector<16xf32>
          %mul3A_420 = arith.mulf %gather3A_126, %get3A_417 : vector<16xf32>
          %convert_element_type3A_421 = arith.fptosi %mul3A_418 : vector<16xf32> to vector<16xi32>
          %convert_element_type3A_422 = arith.fptosi %mul3A_419 : vector<16xf32> to vector<16xi32>
          %convert_element_type3A_423 = arith.fptosi %mul3A_420 : vector<16xf32> to vector<16xi32>
          %convert_element_type3A_424 = arith.sitofp %convert_element_type3A_421 : vector<16xi32> to vector<16xf32>
          %gt3A_425 = arith.cmpf ogt, %mul3A_418, %convert_element_type3A_424 : vector<16xf32>
          %convert_element_type3A_426 = arith.extui %gt3A_425 : vector<16xi1> to vector<16xi32>
          %add3A_427 = arith.addi %convert_element_type3A_421, %convert_element_type3A_426 : vector<16xi32>
          %convert_element_type3A_428 = arith.sitofp %convert_element_type3A_422 : vector<16xi32> to vector<16xf32>
          %gt3A_429 = arith.cmpf ogt, %mul3A_419, %convert_element_type3A_428 : vector<16xf32>
          %convert_element_type3A_430 = arith.extui %gt3A_429 : vector<16xi1> to vector<16xi32>
          %add3A_431 = arith.addi %convert_element_type3A_422, %convert_element_type3A_430 : vector<16xi32>
          %convert_element_type3A_432 = arith.sitofp %convert_element_type3A_423 : vector<16xi32> to vector<16xf32>
          %gt3A_433 = arith.cmpf ogt, %mul3A_420, %convert_element_type3A_432 : vector<16xf32>
          %convert_element_type3A_434 = arith.extui %gt3A_433 : vector<16xi1> to vector<16xi32>
          %add3A_435 = arith.addi %convert_element_type3A_423, %convert_element_type3A_434 : vector<16xi32>
          %mul3A_436 = arith.constant -1640531535 : i32
          %mul3A_437 = vector.broadcast %mul3A_436 : i32 to vector<16xi32>
          %mul3A_438 = arith.muli %add3A_431, %mul3A_437 : vector<16xi32>
          %xor3A_439 = arith.xori %add3A_427, %mul3A_438 : vector<16xi32>
          %mul3A_440 = arith.constant 805459861 : i32
          %mul3A_441 = vector.broadcast %mul3A_440 : i32 to vector<16xi32>
          %mul3A_442 = arith.muli %add3A_435, %mul3A_441 : vector<16xi32>
          %xor3A_443 = arith.xori %xor3A_439, %mul3A_442 : vector<16xi32>
          %and3A_444 = arith.constant 524287 : i32
          %and3A_445 = vector.broadcast %and3A_444 : i32 to vector<16xi32>
          %and3A_446 = arith.andi %xor3A_443, %and3A_445 : vector<16xi32>
          %add3A_447 = arith.constant 2621440 : i32
          %add3A_448 = vector.broadcast %add3A_447 : i32 to vector<16xi32>
          %add3A_449 = arith.addi %and3A_446, %add3A_448 : vector<16xi32>
          %shift_right_logical3A_450 = arith.constant 7 : i32
          %shift_right_logical3A_451 = vector.broadcast %shift_right_logical3A_450 : i32 to vector<16xi32>
          %shift_right_logical3A_452 = arith.shrui %add3A_449, %shift_right_logical3A_451 : vector<16xi32>
          %mul3A_453 = arith.constant 256 : i32
          %mul3A_454 = vector.broadcast %mul3A_453 : i32 to vector<16xi32>
          %mul3A_455 = arith.muli %shift_right_logical3A_452, %mul3A_454 : vector<16xi32>
          %and3A_456 = arith.constant 127 : i32
          %and3A_457 = vector.broadcast %and3A_456 : i32 to vector<16xi32>
          %and3A_458 = arith.andi %add3A_449, %and3A_457 : vector<16xi32>
          %add3A_459 = arith.addi %mul3A_455, %and3A_458 : vector<16xi32>
          %add3A_460 = arith.constant 10 : i32
          %add3A_461 = vector.broadcast %add3A_460 : i32 to vector<16xi32>
          %add3A_462 = arith.addi %add3A_109, %add3A_461 : vector<16xi32>
          tpu.vector_store_idx %arg8[%broadcast_in_dim3A_111, %add3A_462], %add3A_459 : memref<8x2048xi32, #tpu.memory_space<vmem>>[vector<16xi32>, vector<16xi32>], vector<16xi32>,
          %add3A_463 = arith.constant 10 : i32
          %add3A_464 = vector.broadcast %add3A_463 : i32 to vector<16xi32>
          %add3A_465 = arith.addi %add3A_109, %add3A_464 : vector<16xi32>
          %add3A_466 = arith.constant 1 : i32
          %add3A_467 = vector.broadcast %add3A_466 : i32 to vector<16xi32>
          %add3A_468 = arith.addi %add3A_465, %add3A_467 : vector<16xi32>
          %add3A_469 = arith.constant 128 : i32
          %add3A_470 = vector.broadcast %add3A_469 : i32 to vector<16xi32>
          %add3A_471 = arith.addi %add3A_459, %add3A_470 : vector<16xi32>
          tpu.vector_store_idx %arg8[%broadcast_in_dim3A_111, %add3A_468], %add3A_471 : memref<8x2048xi32, #tpu.memory_space<vmem>>[vector<16xi32>, vector<16xi32>], vector<16xi32>,
          %get3A_472 = arith.constant 6 : i32
          %get3A_473 = arith.index_cast %get3A_472 : i32 to index
          %get3A_474 = arith.constant 0 : index
          %get3A_475 = tpu.vector_load %arg7[%get3A_473, %get3A_474] {strides = array<i32>} : memref<16x16xf32, #tpu.memory_space<vmem>>, vector<16xf32>,
          %mul3A_476 = arith.mulf %gather3A, %get3A_475 : vector<16xf32>
          %mul3A_477 = arith.mulf %gather3A_122, %get3A_475 : vector<16xf32>
          %mul3A_478 = arith.mulf %gather3A_126, %get3A_475 : vector<16xf32>
          %convert_element_type3A_479 = arith.fptosi %mul3A_476 : vector<16xf32> to vector<16xi32>
          %convert_element_type3A_480 = arith.fptosi %mul3A_477 : vector<16xf32> to vector<16xi32>
          %convert_element_type3A_481 = arith.fptosi %mul3A_478 : vector<16xf32> to vector<16xi32>
          %convert_element_type3A_482 = arith.sitofp %convert_element_type3A_479 : vector<16xi32> to vector<16xf32>
          %gt3A_483 = arith.cmpf ogt, %mul3A_476, %convert_element_type3A_482 : vector<16xf32>
          %convert_element_type3A_484 = arith.extui %gt3A_483 : vector<16xi1> to vector<16xi32>
          %add3A_485 = arith.addi %convert_element_type3A_479, %convert_element_type3A_484 : vector<16xi32>
          %convert_element_type3A_486 = arith.sitofp %convert_element_type3A_480 : vector<16xi32> to vector<16xf32>
          %gt3A_487 = arith.cmpf ogt, %mul3A_477, %convert_element_type3A_486 : vector<16xf32>
          %convert_element_type3A_488 = arith.extui %gt3A_487 : vector<16xi1> to vector<16xi32>
          %add3A_489 = arith.addi %convert_element_type3A_480, %convert_element_type3A_488 : vector<16xi32>
          %convert_element_type3A_490 = arith.sitofp %convert_element_type3A_481 : vector<16xi32> to vector<16xf32>
          %gt3A_491 = arith.cmpf ogt, %mul3A_478, %convert_element_type3A_490 : vector<16xf32>
          %convert_element_type3A_492 = arith.extui %gt3A_491 : vector<16xi1> to vector<16xi32>
          %add3A_493 = arith.addi %convert_element_type3A_481, %convert_element_type3A_492 : vector<16xi32>
          %mul3A_494 = arith.constant -1640531535 : i32
          %mul3A_495 = vector.broadcast %mul3A_494 : i32 to vector<16xi32>
          %mul3A_496 = arith.muli %add3A_489, %mul3A_495 : vector<16xi32>
          %xor3A_497 = arith.xori %add3A_485, %mul3A_496 : vector<16xi32>
          %mul3A_498 = arith.constant 805459861 : i32
          %mul3A_499 = vector.broadcast %mul3A_498 : i32 to vector<16xi32>
          %mul3A_500 = arith.muli %add3A_493, %mul3A_499 : vector<16xi32>
          %xor3A_501 = arith.xori %xor3A_497, %mul3A_500 : vector<16xi32>
          %and3A_502 = arith.constant 524287 : i32
          %and3A_503 = vector.broadcast %and3A_502 : i32 to vector<16xi32>
          %and3A_504 = arith.andi %xor3A_501, %and3A_503 : vector<16xi32>
          %add3A_505 = arith.constant 3145728 : i32
          %add3A_506 = vector.broadcast %add3A_505 : i32 to vector<16xi32>
          %add3A_507 = arith.addi %and3A_504, %add3A_506 : vector<16xi32>
          %shift_right_logical3A_508 = arith.constant 7 : i32
          %shift_right_logical3A_509 = vector.broadcast %shift_right_logical3A_508 : i32 to vector<16xi32>
          %shift_right_logical3A_510 = arith.shrui %add3A_507, %shift_right_logical3A_509 : vector<16xi32>
          %mul3A_511 = arith.constant 256 : i32
          %mul3A_512 = vector.broadcast %mul3A_511 : i32 to vector<16xi32>
          %mul3A_513 = arith.muli %shift_right_logical3A_510, %mul3A_512 : vector<16xi32>
          %and3A_514 = arith.constant 127 : i32
          %and3A_515 = vector.broadcast %and3A_514 : i32 to vector<16xi32>
          %and3A_516 = arith.andi %add3A_507, %and3A_515 : vector<16xi32>
          %add3A_517 = arith.addi %mul3A_513, %and3A_516 : vector<16xi32>
          %add3A_518 = arith.constant 12 : i32
          %add3A_519 = vector.broadcast %add3A_518 : i32 to vector<16xi32>
          %add3A_520 = arith.addi %add3A_109, %add3A_519 : vector<16xi32>
          tpu.vector_store_idx %arg8[%broadcast_in_dim3A_111, %add3A_520], %add3A_517 : memref<8x2048xi32, #tpu.memory_space<vmem>>[vector<16xi32>, vector<16xi32>], vector<16xi32>,
          %add3A_521 = arith.constant 12 : i32
          %add3A_522 = vector.broadcast %add3A_521 : i32 to vector<16xi32>
          %add3A_523 = arith.addi %add3A_109, %add3A_522 : vector<16xi32>
          %add3A_524 = arith.constant 1 : i32
          %add3A_525 = vector.broadcast %add3A_524 : i32 to vector<16xi32>
          %add3A_526 = arith.addi %add3A_523, %add3A_525 : vector<16xi32>
          %add3A_527 = arith.constant 128 : i32
          %add3A_528 = vector.broadcast %add3A_527 : i32 to vector<16xi32>
          %add3A_529 = arith.addi %add3A_517, %add3A_528 : vector<16xi32>
          tpu.vector_store_idx %arg8[%broadcast_in_dim3A_111, %add3A_526], %add3A_529 : memref<8x2048xi32, #tpu.memory_space<vmem>>[vector<16xi32>, vector<16xi32>], vector<16xi32>,
          %get3A_530 = arith.constant 7 : i32
          %get3A_531 = arith.index_cast %get3A_530 : i32 to index
          %get3A_532 = arith.constant 0 : index
          %get3A_533 = tpu.vector_load %arg7[%get3A_531, %get3A_532] {strides = array<i32>} : memref<16x16xf32, #tpu.memory_space<vmem>>, vector<16xf32>,
          %mul3A_534 = arith.mulf %gather3A, %get3A_533 : vector<16xf32>
          %mul3A_535 = arith.mulf %gather3A_122, %get3A_533 : vector<16xf32>
          %mul3A_536 = arith.mulf %gather3A_126, %get3A_533 : vector<16xf32>
          %convert_element_type3A_537 = arith.fptosi %mul3A_534 : vector<16xf32> to vector<16xi32>
          %convert_element_type3A_538 = arith.fptosi %mul3A_535 : vector<16xf32> to vector<16xi32>
          %convert_element_type3A_539 = arith.fptosi %mul3A_536 : vector<16xf32> to vector<16xi32>
          %convert_element_type3A_540 = arith.sitofp %convert_element_type3A_537 : vector<16xi32> to vector<16xf32>
          %gt3A_541 = arith.cmpf ogt, %mul3A_534, %convert_element_type3A_540 : vector<16xf32>
          %convert_element_type3A_542 = arith.extui %gt3A_541 : vector<16xi1> to vector<16xi32>
          %add3A_543 = arith.addi %convert_element_type3A_537, %convert_element_type3A_542 : vector<16xi32>
          %convert_element_type3A_544 = arith.sitofp %convert_element_type3A_538 : vector<16xi32> to vector<16xf32>
          %gt3A_545 = arith.cmpf ogt, %mul3A_535, %convert_element_type3A_544 : vector<16xf32>
          %convert_element_type3A_546 = arith.extui %gt3A_545 : vector<16xi1> to vector<16xi32>
          %add3A_547 = arith.addi %convert_element_type3A_538, %convert_element_type3A_546 : vector<16xi32>
          %convert_element_type3A_548 = arith.sitofp %convert_element_type3A_539 : vector<16xi32> to vector<16xf32>
          %gt3A_549 = arith.cmpf ogt, %mul3A_536, %convert_element_type3A_548 : vector<16xf32>
          %convert_element_type3A_550 = arith.extui %gt3A_549 : vector<16xi1> to vector<16xi32>
          %add3A_551 = arith.addi %convert_element_type3A_539, %convert_element_type3A_550 : vector<16xi32>
          %mul3A_552 = arith.constant -1640531535 : i32
          %mul3A_553 = vector.broadcast %mul3A_552 : i32 to vector<16xi32>
          %mul3A_554 = arith.muli %add3A_547, %mul3A_553 : vector<16xi32>
          %xor3A_555 = arith.xori %add3A_543, %mul3A_554 : vector<16xi32>
          %mul3A_556 = arith.constant 805459861 : i32
          %mul3A_557 = vector.broadcast %mul3A_556 : i32 to vector<16xi32>
          %mul3A_558 = arith.muli %add3A_551, %mul3A_557 : vector<16xi32>
          %xor3A_559 = arith.xori %xor3A_555, %mul3A_558 : vector<16xi32>
          %and3A_560 = arith.constant 524287 : i32
          %and3A_561 = vector.broadcast %and3A_560 : i32 to vector<16xi32>
          %and3A_562 = arith.andi %xor3A_559, %and3A_561 : vector<16xi32>
          %add3A_563 = arith.constant 3670016 : i32
          %add3A_564 = vector.broadcast %add3A_563 : i32 to vector<16xi32>
          %add3A_565 = arith.addi %and3A_562, %add3A_564 : vector<16xi32>
          %shift_right_logical3A_566 = arith.constant 7 : i32
          %shift_right_logical3A_567 = vector.broadcast %shift_right_logical3A_566 : i32 to vector<16xi32>
          %shift_right_logical3A_568 = arith.shrui %add3A_565, %shift_right_logical3A_567 : vector<16xi32>
          %mul3A_569 = arith.constant 256 : i32
          %mul3A_570 = vector.broadcast %mul3A_569 : i32 to vector<16xi32>
          %mul3A_571 = arith.muli %shift_right_logical3A_568, %mul3A_570 : vector<16xi32>
          %and3A_572 = arith.constant 127 : i32
          %and3A_573 = vector.broadcast %and3A_572 : i32 to vector<16xi32>
          %and3A_574 = arith.andi %add3A_565, %and3A_573 : vector<16xi32>
          %add3A_575 = arith.addi %mul3A_571, %and3A_574 : vector<16xi32>
          %add3A_576 = arith.constant 14 : i32
          %add3A_577 = vector.broadcast %add3A_576 : i32 to vector<16xi32>
          %add3A_578 = arith.addi %add3A_109, %add3A_577 : vector<16xi32>
          tpu.vector_store_idx %arg8[%broadcast_in_dim3A_111, %add3A_578], %add3A_575 : memref<8x2048xi32, #tpu.memory_space<vmem>>[vector<16xi32>, vector<16xi32>], vector<16xi32>,
          %add3A_579 = arith.constant 14 : i32
          %add3A_580 = vector.broadcast %add3A_579 : i32 to vector<16xi32>
          %add3A_581 = arith.addi %add3A_109, %add3A_580 : vector<16xi32>
          %add3A_582 = arith.constant 1 : i32
          %add3A_583 = vector.broadcast %add3A_582 : i32 to vector<16xi32>
          %add3A_584 = arith.addi %add3A_581, %add3A_583 : vector<16xi32>
          %add3A_585 = arith.constant 128 : i32
          %add3A_586 = vector.broadcast %add3A_585 : i32 to vector<16xi32>
          %add3A_587 = arith.addi %add3A_575, %add3A_586 : vector<16xi32>
          tpu.vector_store_idx %arg8[%broadcast_in_dim3A_111, %add3A_584], %add3A_587 : memref<8x2048xi32, #tpu.memory_space<vmem>>[vector<16xi32>, vector<16xi32>], vector<16xi32>,
          %get3A_588 = arith.constant 8 : i32
          %get3A_589 = arith.index_cast %get3A_588 : i32 to index
          %get3A_590 = arith.constant 0 : index
          %get3A_591 = tpu.vector_load %arg7[%get3A_589, %get3A_590] {strides = array<i32>} : memref<16x16xf32, #tpu.memory_space<vmem>>, vector<16xf32>,
          %mul3A_592 = arith.mulf %gather3A, %get3A_591 : vector<16xf32>
          %mul3A_593 = arith.mulf %gather3A_122, %get3A_591 : vector<16xf32>
          %mul3A_594 = arith.mulf %gather3A_126, %get3A_591 : vector<16xf32>
          %convert_element_type3A_595 = arith.fptosi %mul3A_592 : vector<16xf32> to vector<16xi32>
          %convert_element_type3A_596 = arith.fptosi %mul3A_593 : vector<16xf32> to vector<16xi32>
          %convert_element_type3A_597 = arith.fptosi %mul3A_594 : vector<16xf32> to vector<16xi32>
          %convert_element_type3A_598 = arith.sitofp %convert_element_type3A_595 : vector<16xi32> to vector<16xf32>
          %gt3A_599 = arith.cmpf ogt, %mul3A_592, %convert_element_type3A_598 : vector<16xf32>
          %convert_element_type3A_600 = arith.extui %gt3A_599 : vector<16xi1> to vector<16xi32>
          %add3A_601 = arith.addi %convert_element_type3A_595, %convert_element_type3A_600 : vector<16xi32>
          %convert_element_type3A_602 = arith.sitofp %convert_element_type3A_596 : vector<16xi32> to vector<16xf32>
          %gt3A_603 = arith.cmpf ogt, %mul3A_593, %convert_element_type3A_602 : vector<16xf32>
          %convert_element_type3A_604 = arith.extui %gt3A_603 : vector<16xi1> to vector<16xi32>
          %add3A_605 = arith.addi %convert_element_type3A_596, %convert_element_type3A_604 : vector<16xi32>
          %convert_element_type3A_606 = arith.sitofp %convert_element_type3A_597 : vector<16xi32> to vector<16xf32>
          %gt3A_607 = arith.cmpf ogt, %mul3A_594, %convert_element_type3A_606 : vector<16xf32>
          %convert_element_type3A_608 = arith.extui %gt3A_607 : vector<16xi1> to vector<16xi32>
          %add3A_609 = arith.addi %convert_element_type3A_597, %convert_element_type3A_608 : vector<16xi32>
          %mul3A_610 = arith.constant -1640531535 : i32
          %mul3A_611 = vector.broadcast %mul3A_610 : i32 to vector<16xi32>
          %mul3A_612 = arith.muli %add3A_605, %mul3A_611 : vector<16xi32>
          %xor3A_613 = arith.xori %add3A_601, %mul3A_612 : vector<16xi32>
          %mul3A_614 = arith.constant 805459861 : i32
          %mul3A_615 = vector.broadcast %mul3A_614 : i32 to vector<16xi32>
          %mul3A_616 = arith.muli %add3A_609, %mul3A_615 : vector<16xi32>
          %xor3A_617 = arith.xori %xor3A_613, %mul3A_616 : vector<16xi32>
          %and3A_618 = arith.constant 524287 : i32
          %and3A_619 = vector.broadcast %and3A_618 : i32 to vector<16xi32>
          %and3A_620 = arith.andi %xor3A_617, %and3A_619 : vector<16xi32>
          %add3A_621 = arith.constant 4194304 : i32
          %add3A_622 = vector.broadcast %add3A_621 : i32 to vector<16xi32>
          %add3A_623 = arith.addi %and3A_620, %add3A_622 : vector<16xi32>
          %shift_right_logical3A_624 = arith.constant 7 : i32
          %shift_right_logical3A_625 = vector.broadcast %shift_right_logical3A_624 : i32 to vector<16xi32>
          %shift_right_logical3A_626 = arith.shrui %add3A_623, %shift_right_logical3A_625 : vector<16xi32>
          %mul3A_627 = arith.constant 256 : i32
          %mul3A_628 = vector.broadcast %mul3A_627 : i32 to vector<16xi32>
          %mul3A_629 = arith.muli %shift_right_logical3A_626, %mul3A_628 : vector<16xi32>
          %and3A_630 = arith.constant 127 : i32
          %and3A_631 = vector.broadcast %and3A_630 : i32 to vector<16xi32>
          %and3A_632 = arith.andi %add3A_623, %and3A_631 : vector<16xi32>
          %add3A_633 = arith.addi %mul3A_629, %and3A_632 : vector<16xi32>
          %add3A_634 = arith.constant 16 : i32
          %add3A_635 = vector.broadcast %add3A_634 : i32 to vector<16xi32>
          %add3A_636 = arith.addi %add3A_109, %add3A_635 : vector<16xi32>
          tpu.vector_store_idx %arg8[%broadcast_in_dim3A_111, %add3A_636], %add3A_633 : memref<8x2048xi32, #tpu.memory_space<vmem>>[vector<16xi32>, vector<16xi32>], vector<16xi32>,
          %add3A_637 = arith.constant 16 : i32
          %add3A_638 = vector.broadcast %add3A_637 : i32 to vector<16xi32>
          %add3A_639 = arith.addi %add3A_109, %add3A_638 : vector<16xi32>
          %add3A_640 = arith.constant 1 : i32
          %add3A_641 = vector.broadcast %add3A_640 : i32 to vector<16xi32>
          %add3A_642 = arith.addi %add3A_639, %add3A_641 : vector<16xi32>
          %add3A_643 = arith.constant 128 : i32
          %add3A_644 = vector.broadcast %add3A_643 : i32 to vector<16xi32>
          %add3A_645 = arith.addi %add3A_633, %add3A_644 : vector<16xi32>
          tpu.vector_store_idx %arg8[%broadcast_in_dim3A_111, %add3A_642], %add3A_645 : memref<8x2048xi32, #tpu.memory_space<vmem>>[vector<16xi32>, vector<16xi32>], vector<16xi32>,
          %get3A_646 = arith.constant 9 : i32
          %get3A_647 = arith.index_cast %get3A_646 : i32 to index
          %get3A_648 = arith.constant 0 : index
          %get3A_649 = tpu.vector_load %arg7[%get3A_647, %get3A_648] {strides = array<i32>} : memref<16x16xf32, #tpu.memory_space<vmem>>, vector<16xf32>,
          %mul3A_650 = arith.mulf %gather3A, %get3A_649 : vector<16xf32>
          %mul3A_651 = arith.mulf %gather3A_122, %get3A_649 : vector<16xf32>
          %mul3A_652 = arith.mulf %gather3A_126, %get3A_649 : vector<16xf32>
          %convert_element_type3A_653 = arith.fptosi %mul3A_650 : vector<16xf32> to vector<16xi32>
          %convert_element_type3A_654 = arith.fptosi %mul3A_651 : vector<16xf32> to vector<16xi32>
          %convert_element_type3A_655 = arith.fptosi %mul3A_652 : vector<16xf32> to vector<16xi32>
          %convert_element_type3A_656 = arith.sitofp %convert_element_type3A_653 : vector<16xi32> to vector<16xf32>
          %gt3A_657 = arith.cmpf ogt, %mul3A_650, %convert_element_type3A_656 : vector<16xf32>
          %convert_element_type3A_658 = arith.extui %gt3A_657 : vector<16xi1> to vector<16xi32>
          %add3A_659 = arith.addi %convert_element_type3A_653, %convert_element_type3A_658 : vector<16xi32>
          %convert_element_type3A_660 = arith.sitofp %convert_element_type3A_654 : vector<16xi32> to vector<16xf32>
          %gt3A_661 = arith.cmpf ogt, %mul3A_651, %convert_element_type3A_660 : vector<16xf32>
          %convert_element_type3A_662 = arith.extui %gt3A_661 : vector<16xi1> to vector<16xi32>
          %add3A_663 = arith.addi %convert_element_type3A_654, %convert_element_type3A_662 : vector<16xi32>
          %convert_element_type3A_664 = arith.sitofp %convert_element_type3A_655 : vector<16xi32> to vector<16xf32>
          %gt3A_665 = arith.cmpf ogt, %mul3A_652, %convert_element_type3A_664 : vector<16xf32>
          %convert_element_type3A_666 = arith.extui %gt3A_665 : vector<16xi1> to vector<16xi32>
          %add3A_667 = arith.addi %convert_element_type3A_655, %convert_element_type3A_666 : vector<16xi32>
          %mul3A_668 = arith.constant -1640531535 : i32
          %mul3A_669 = vector.broadcast %mul3A_668 : i32 to vector<16xi32>
          %mul3A_670 = arith.muli %add3A_663, %mul3A_669 : vector<16xi32>
          %xor3A_671 = arith.xori %add3A_659, %mul3A_670 : vector<16xi32>
          %mul3A_672 = arith.constant 805459861 : i32
          %mul3A_673 = vector.broadcast %mul3A_672 : i32 to vector<16xi32>
          %mul3A_674 = arith.muli %add3A_667, %mul3A_673 : vector<16xi32>
          %xor3A_675 = arith.xori %xor3A_671, %mul3A_674 : vector<16xi32>
          %and3A_676 = arith.constant 524287 : i32
          %and3A_677 = vector.broadcast %and3A_676 : i32 to vector<16xi32>
          %and3A_678 = arith.andi %xor3A_675, %and3A_677 : vector<16xi32>
          %add3A_679 = arith.constant 4718592 : i32
          %add3A_680 = vector.broadcast %add3A_679 : i32 to vector<16xi32>
          %add3A_681 = arith.addi %and3A_678, %add3A_680 : vector<16xi32>
          %shift_right_logical3A_682 = arith.constant 7 : i32
          %shift_right_logical3A_683 = vector.broadcast %shift_right_logical3A_682 : i32 to vector<16xi32>
          %shift_right_logical3A_684 = arith.shrui %add3A_681, %shift_right_logical3A_683 : vector<16xi32>
          %mul3A_685 = arith.constant 256 : i32
          %mul3A_686 = vector.broadcast %mul3A_685 : i32 to vector<16xi32>
          %mul3A_687 = arith.muli %shift_right_logical3A_684, %mul3A_686 : vector<16xi32>
          %and3A_688 = arith.constant 127 : i32
          %and3A_689 = vector.broadcast %and3A_688 : i32 to vector<16xi32>
          %and3A_690 = arith.andi %add3A_681, %and3A_689 : vector<16xi32>
          %add3A_691 = arith.addi %mul3A_687, %and3A_690 : vector<16xi32>
          %add3A_692 = arith.constant 18 : i32
          %add3A_693 = vector.broadcast %add3A_692 : i32 to vector<16xi32>
          %add3A_694 = arith.addi %add3A_109, %add3A_693 : vector<16xi32>
          tpu.vector_store_idx %arg8[%broadcast_in_dim3A_111, %add3A_694], %add3A_691 : memref<8x2048xi32, #tpu.memory_space<vmem>>[vector<16xi32>, vector<16xi32>], vector<16xi32>,
          %add3A_695 = arith.constant 18 : i32
          %add3A_696 = vector.broadcast %add3A_695 : i32 to vector<16xi32>
          %add3A_697 = arith.addi %add3A_109, %add3A_696 : vector<16xi32>
          %add3A_698 = arith.constant 1 : i32
          %add3A_699 = vector.broadcast %add3A_698 : i32 to vector<16xi32>
          %add3A_700 = arith.addi %add3A_697, %add3A_699 : vector<16xi32>
          %add3A_701 = arith.constant 128 : i32
          %add3A_702 = vector.broadcast %add3A_701 : i32 to vector<16xi32>
          %add3A_703 = arith.addi %add3A_691, %add3A_702 : vector<16xi32>
          tpu.vector_store_idx %arg8[%broadcast_in_dim3A_111, %add3A_700], %add3A_703 : memref<8x2048xi32, #tpu.memory_space<vmem>>[vector<16xi32>, vector<16xi32>], vector<16xi32>,
          %get3A_704 = arith.constant 10 : i32
          %get3A_705 = arith.index_cast %get3A_704 : i32 to index
          %get3A_706 = arith.constant 0 : index
          %get3A_707 = tpu.vector_load %arg7[%get3A_705, %get3A_706] {strides = array<i32>} : memref<16x16xf32, #tpu.memory_space<vmem>>, vector<16xf32>,
          %mul3A_708 = arith.mulf %gather3A, %get3A_707 : vector<16xf32>
          %mul3A_709 = arith.mulf %gather3A_122, %get3A_707 : vector<16xf32>
          %mul3A_710 = arith.mulf %gather3A_126, %get3A_707 : vector<16xf32>
          %convert_element_type3A_711 = arith.fptosi %mul3A_708 : vector<16xf32> to vector<16xi32>
          %convert_element_type3A_712 = arith.fptosi %mul3A_709 : vector<16xf32> to vector<16xi32>
          %convert_element_type3A_713 = arith.fptosi %mul3A_710 : vector<16xf32> to vector<16xi32>
          %convert_element_type3A_714 = arith.sitofp %convert_element_type3A_711 : vector<16xi32> to vector<16xf32>
          %gt3A_715 = arith.cmpf ogt, %mul3A_708, %convert_element_type3A_714 : vector<16xf32>
          %convert_element_type3A_716 = arith.extui %gt3A_715 : vector<16xi1> to vector<16xi32>
          %add3A_717 = arith.addi %convert_element_type3A_711, %convert_element_type3A_716 : vector<16xi32>
          %convert_element_type3A_718 = arith.sitofp %convert_element_type3A_712 : vector<16xi32> to vector<16xf32>
          %gt3A_719 = arith.cmpf ogt, %mul3A_709, %convert_element_type3A_718 : vector<16xf32>
          %convert_element_type3A_720 = arith.extui %gt3A_719 : vector<16xi1> to vector<16xi32>
          %add3A_721 = arith.addi %convert_element_type3A_712, %convert_element_type3A_720 : vector<16xi32>
          %convert_element_type3A_722 = arith.sitofp %convert_element_type3A_713 : vector<16xi32> to vector<16xf32>
          %gt3A_723 = arith.cmpf ogt, %mul3A_710, %convert_element_type3A_722 : vector<16xf32>
          %convert_element_type3A_724 = arith.extui %gt3A_723 : vector<16xi1> to vector<16xi32>
          %add3A_725 = arith.addi %convert_element_type3A_713, %convert_element_type3A_724 : vector<16xi32>
          %mul3A_726 = arith.constant -1640531535 : i32
          %mul3A_727 = vector.broadcast %mul3A_726 : i32 to vector<16xi32>
          %mul3A_728 = arith.muli %add3A_721, %mul3A_727 : vector<16xi32>
          %xor3A_729 = arith.xori %add3A_717, %mul3A_728 : vector<16xi32>
          %mul3A_730 = arith.constant 805459861 : i32
          %mul3A_731 = vector.broadcast %mul3A_730 : i32 to vector<16xi32>
          %mul3A_732 = arith.muli %add3A_725, %mul3A_731 : vector<16xi32>
          %xor3A_733 = arith.xori %xor3A_729, %mul3A_732 : vector<16xi32>
          %and3A_734 = arith.constant 524287 : i32
          %and3A_735 = vector.broadcast %and3A_734 : i32 to vector<16xi32>
          %and3A_736 = arith.andi %xor3A_733, %and3A_735 : vector<16xi32>
          %add3A_737 = arith.constant 5242880 : i32
          %add3A_738 = vector.broadcast %add3A_737 : i32 to vector<16xi32>
          %add3A_739 = arith.addi %and3A_736, %add3A_738 : vector<16xi32>
          %shift_right_logical3A_740 = arith.constant 7 : i32
          %shift_right_logical3A_741 = vector.broadcast %shift_right_logical3A_740 : i32 to vector<16xi32>
          %shift_right_logical3A_742 = arith.shrui %add3A_739, %shift_right_logical3A_741 : vector<16xi32>
          %mul3A_743 = arith.constant 256 : i32
          %mul3A_744 = vector.broadcast %mul3A_743 : i32 to vector<16xi32>
          %mul3A_745 = arith.muli %shift_right_logical3A_742, %mul3A_744 : vector<16xi32>
          %and3A_746 = arith.constant 127 : i32
          %and3A_747 = vector.broadcast %and3A_746 : i32 to vector<16xi32>
          %and3A_748 = arith.andi %add3A_739, %and3A_747 : vector<16xi32>
          %add3A_749 = arith.addi %mul3A_745, %and3A_748 : vector<16xi32>
          %add3A_750 = arith.constant 20 : i32
          %add3A_751 = vector.broadcast %add3A_750 : i32 to vector<16xi32>
          %add3A_752 = arith.addi %add3A_109, %add3A_751 : vector<16xi32>
          tpu.vector_store_idx %arg8[%broadcast_in_dim3A_111, %add3A_752], %add3A_749 : memref<8x2048xi32, #tpu.memory_space<vmem>>[vector<16xi32>, vector<16xi32>], vector<16xi32>,
          %add3A_753 = arith.constant 20 : i32
          %add3A_754 = vector.broadcast %add3A_753 : i32 to vector<16xi32>
          %add3A_755 = arith.addi %add3A_109, %add3A_754 : vector<16xi32>
          %add3A_756 = arith.constant 1 : i32
          %add3A_757 = vector.broadcast %add3A_756 : i32 to vector<16xi32>
          %add3A_758 = arith.addi %add3A_755, %add3A_757 : vector<16xi32>
          %add3A_759 = arith.constant 128 : i32
          %add3A_760 = vector.broadcast %add3A_759 : i32 to vector<16xi32>
          %add3A_761 = arith.addi %add3A_749, %add3A_760 : vector<16xi32>
          tpu.vector_store_idx %arg8[%broadcast_in_dim3A_111, %add3A_758], %add3A_761 : memref<8x2048xi32, #tpu.memory_space<vmem>>[vector<16xi32>, vector<16xi32>], vector<16xi32>,
          %get3A_762 = arith.constant 11 : i32
          %get3A_763 = arith.index_cast %get3A_762 : i32 to index
          %get3A_764 = arith.constant 0 : index
          %get3A_765 = tpu.vector_load %arg7[%get3A_763, %get3A_764] {strides = array<i32>} : memref<16x16xf32, #tpu.memory_space<vmem>>, vector<16xf32>,
          %mul3A_766 = arith.mulf %gather3A, %get3A_765 : vector<16xf32>
          %mul3A_767 = arith.mulf %gather3A_122, %get3A_765 : vector<16xf32>
          %mul3A_768 = arith.mulf %gather3A_126, %get3A_765 : vector<16xf32>
          %convert_element_type3A_769 = arith.fptosi %mul3A_766 : vector<16xf32> to vector<16xi32>
          %convert_element_type3A_770 = arith.fptosi %mul3A_767 : vector<16xf32> to vector<16xi32>
          %convert_element_type3A_771 = arith.fptosi %mul3A_768 : vector<16xf32> to vector<16xi32>
          %convert_element_type3A_772 = arith.sitofp %convert_element_type3A_769 : vector<16xi32> to vector<16xf32>
          %gt3A_773 = arith.cmpf ogt, %mul3A_766, %convert_element_type3A_772 : vector<16xf32>
          %convert_element_type3A_774 = arith.extui %gt3A_773 : vector<16xi1> to vector<16xi32>
          %add3A_775 = arith.addi %convert_element_type3A_769, %convert_element_type3A_774 : vector<16xi32>
          %convert_element_type3A_776 = arith.sitofp %convert_element_type3A_770 : vector<16xi32> to vector<16xf32>
          %gt3A_777 = arith.cmpf ogt, %mul3A_767, %convert_element_type3A_776 : vector<16xf32>
          %convert_element_type3A_778 = arith.extui %gt3A_777 : vector<16xi1> to vector<16xi32>
          %add3A_779 = arith.addi %convert_element_type3A_770, %convert_element_type3A_778 : vector<16xi32>
          %convert_element_type3A_780 = arith.sitofp %convert_element_type3A_771 : vector<16xi32> to vector<16xf32>
          %gt3A_781 = arith.cmpf ogt, %mul3A_768, %convert_element_type3A_780 : vector<16xf32>
          %convert_element_type3A_782 = arith.extui %gt3A_781 : vector<16xi1> to vector<16xi32>
          %add3A_783 = arith.addi %convert_element_type3A_771, %convert_element_type3A_782 : vector<16xi32>
          %mul3A_784 = arith.constant -1640531535 : i32
          %mul3A_785 = vector.broadcast %mul3A_784 : i32 to vector<16xi32>
          %mul3A_786 = arith.muli %add3A_779, %mul3A_785 : vector<16xi32>
          %xor3A_787 = arith.xori %add3A_775, %mul3A_786 : vector<16xi32>
          %mul3A_788 = arith.constant 805459861 : i32
          %mul3A_789 = vector.broadcast %mul3A_788 : i32 to vector<16xi32>
          %mul3A_790 = arith.muli %add3A_783, %mul3A_789 : vector<16xi32>
          %xor3A_791 = arith.xori %xor3A_787, %mul3A_790 : vector<16xi32>
          %and3A_792 = arith.constant 524287 : i32
          %and3A_793 = vector.broadcast %and3A_792 : i32 to vector<16xi32>
          %and3A_794 = arith.andi %xor3A_791, %and3A_793 : vector<16xi32>
          %add3A_795 = arith.constant 5767168 : i32
          %add3A_796 = vector.broadcast %add3A_795 : i32 to vector<16xi32>
          %add3A_797 = arith.addi %and3A_794, %add3A_796 : vector<16xi32>
          %shift_right_logical3A_798 = arith.constant 7 : i32
          %shift_right_logical3A_799 = vector.broadcast %shift_right_logical3A_798 : i32 to vector<16xi32>
          %shift_right_logical3A_800 = arith.shrui %add3A_797, %shift_right_logical3A_799 : vector<16xi32>
          %mul3A_801 = arith.constant 256 : i32
          %mul3A_802 = vector.broadcast %mul3A_801 : i32 to vector<16xi32>
          %mul3A_803 = arith.muli %shift_right_logical3A_800, %mul3A_802 : vector<16xi32>
          %and3A_804 = arith.constant 127 : i32
          %and3A_805 = vector.broadcast %and3A_804 : i32 to vector<16xi32>
          %and3A_806 = arith.andi %add3A_797, %and3A_805 : vector<16xi32>
          %add3A_807 = arith.addi %mul3A_803, %and3A_806 : vector<16xi32>
          %add3A_808 = arith.constant 22 : i32
          %add3A_809 = vector.broadcast %add3A_808 : i32 to vector<16xi32>
          %add3A_810 = arith.addi %add3A_109, %add3A_809 : vector<16xi32>
          tpu.vector_store_idx %arg8[%broadcast_in_dim3A_111, %add3A_810], %add3A_807 : memref<8x2048xi32, #tpu.memory_space<vmem>>[vector<16xi32>, vector<16xi32>], vector<16xi32>,
          %add3A_811 = arith.constant 22 : i32
          %add3A_812 = vector.broadcast %add3A_811 : i32 to vector<16xi32>
          %add3A_813 = arith.addi %add3A_109, %add3A_812 : vector<16xi32>
          %add3A_814 = arith.constant 1 : i32
          %add3A_815 = vector.broadcast %add3A_814 : i32 to vector<16xi32>
          %add3A_816 = arith.addi %add3A_813, %add3A_815 : vector<16xi32>
          %add3A_817 = arith.constant 128 : i32
          %add3A_818 = vector.broadcast %add3A_817 : i32 to vector<16xi32>
          %add3A_819 = arith.addi %add3A_807, %add3A_818 : vector<16xi32>
          tpu.vector_store_idx %arg8[%broadcast_in_dim3A_111, %add3A_816], %add3A_819 : memref<8x2048xi32, #tpu.memory_space<vmem>>[vector<16xi32>, vector<16xi32>], vector<16xi32>,
          %get3A_820 = arith.constant 12 : i32
          %get3A_821 = arith.index_cast %get3A_820 : i32 to index
          %get3A_822 = arith.constant 0 : index
          %get3A_823 = tpu.vector_load %arg7[%get3A_821, %get3A_822] {strides = array<i32>} : memref<16x16xf32, #tpu.memory_space<vmem>>, vector<16xf32>,
          %mul3A_824 = arith.mulf %gather3A, %get3A_823 : vector<16xf32>
          %mul3A_825 = arith.mulf %gather3A_122, %get3A_823 : vector<16xf32>
          %mul3A_826 = arith.mulf %gather3A_126, %get3A_823 : vector<16xf32>
          %convert_element_type3A_827 = arith.fptosi %mul3A_824 : vector<16xf32> to vector<16xi32>
          %convert_element_type3A_828 = arith.fptosi %mul3A_825 : vector<16xf32> to vector<16xi32>
          %convert_element_type3A_829 = arith.fptosi %mul3A_826 : vector<16xf32> to vector<16xi32>
          %convert_element_type3A_830 = arith.sitofp %convert_element_type3A_827 : vector<16xi32> to vector<16xf32>
          %gt3A_831 = arith.cmpf ogt, %mul3A_824, %convert_element_type3A_830 : vector<16xf32>
          %convert_element_type3A_832 = arith.extui %gt3A_831 : vector<16xi1> to vector<16xi32>
          %add3A_833 = arith.addi %convert_element_type3A_827, %convert_element_type3A_832 : vector<16xi32>
          %convert_element_type3A_834 = arith.sitofp %convert_element_type3A_828 : vector<16xi32> to vector<16xf32>
          %gt3A_835 = arith.cmpf ogt, %mul3A_825, %convert_element_type3A_834 : vector<16xf32>
          %convert_element_type3A_836 = arith.extui %gt3A_835 : vector<16xi1> to vector<16xi32>
          %add3A_837 = arith.addi %convert_element_type3A_828, %convert_element_type3A_836 : vector<16xi32>
          %convert_element_type3A_838 = arith.sitofp %convert_element_type3A_829 : vector<16xi32> to vector<16xf32>
          %gt3A_839 = arith.cmpf ogt, %mul3A_826, %convert_element_type3A_838 : vector<16xf32>
          %convert_element_type3A_840 = arith.extui %gt3A_839 : vector<16xi1> to vector<16xi32>
          %add3A_841 = arith.addi %convert_element_type3A_829, %convert_element_type3A_840 : vector<16xi32>
          %mul3A_842 = arith.constant -1640531535 : i32
          %mul3A_843 = vector.broadcast %mul3A_842 : i32 to vector<16xi32>
          %mul3A_844 = arith.muli %add3A_837, %mul3A_843 : vector<16xi32>
          %xor3A_845 = arith.xori %add3A_833, %mul3A_844 : vector<16xi32>
          %mul3A_846 = arith.constant 805459861 : i32
          %mul3A_847 = vector.broadcast %mul3A_846 : i32 to vector<16xi32>
          %mul3A_848 = arith.muli %add3A_841, %mul3A_847 : vector<16xi32>
          %xor3A_849 = arith.xori %xor3A_845, %mul3A_848 : vector<16xi32>
          %and3A_850 = arith.constant 524287 : i32
          %and3A_851 = vector.broadcast %and3A_850 : i32 to vector<16xi32>
          %and3A_852 = arith.andi %xor3A_849, %and3A_851 : vector<16xi32>
          %add3A_853 = arith.constant 6291456 : i32
          %add3A_854 = vector.broadcast %add3A_853 : i32 to vector<16xi32>
          %add3A_855 = arith.addi %and3A_852, %add3A_854 : vector<16xi32>
          %shift_right_logical3A_856 = arith.constant 7 : i32
          %shift_right_logical3A_857 = vector.broadcast %shift_right_logical3A_856 : i32 to vector<16xi32>
          %shift_right_logical3A_858 = arith.shrui %add3A_855, %shift_right_logical3A_857 : vector<16xi32>
          %mul3A_859 = arith.constant 256 : i32
          %mul3A_860 = vector.broadcast %mul3A_859 : i32 to vector<16xi32>
          %mul3A_861 = arith.muli %shift_right_logical3A_858, %mul3A_860 : vector<16xi32>
          %and3A_862 = arith.constant 127 : i32
          %and3A_863 = vector.broadcast %and3A_862 : i32 to vector<16xi32>
          %and3A_864 = arith.andi %add3A_855, %and3A_863 : vector<16xi32>
          %add3A_865 = arith.addi %mul3A_861, %and3A_864 : vector<16xi32>
          %add3A_866 = arith.constant 24 : i32
          %add3A_867 = vector.broadcast %add3A_866 : i32 to vector<16xi32>
          %add3A_868 = arith.addi %add3A_109, %add3A_867 : vector<16xi32>
          tpu.vector_store_idx %arg8[%broadcast_in_dim3A_111, %add3A_868], %add3A_865 : memref<8x2048xi32, #tpu.memory_space<vmem>>[vector<16xi32>, vector<16xi32>], vector<16xi32>,
          %add3A_869 = arith.constant 24 : i32
          %add3A_870 = vector.broadcast %add3A_869 : i32 to vector<16xi32>
          %add3A_871 = arith.addi %add3A_109, %add3A_870 : vector<16xi32>
          %add3A_872 = arith.constant 1 : i32
          %add3A_873 = vector.broadcast %add3A_872 : i32 to vector<16xi32>
          %add3A_874 = arith.addi %add3A_871, %add3A_873 : vector<16xi32>
          %add3A_875 = arith.constant 128 : i32
          %add3A_876 = vector.broadcast %add3A_875 : i32 to vector<16xi32>
          %add3A_877 = arith.addi %add3A_865, %add3A_876 : vector<16xi32>
          tpu.vector_store_idx %arg8[%broadcast_in_dim3A_111, %add3A_874], %add3A_877 : memref<8x2048xi32, #tpu.memory_space<vmem>>[vector<16xi32>, vector<16xi32>], vector<16xi32>,
          %get3A_878 = arith.constant 13 : i32
          %get3A_879 = arith.index_cast %get3A_878 : i32 to index
          %get3A_880 = arith.constant 0 : index
          %get3A_881 = tpu.vector_load %arg7[%get3A_879, %get3A_880] {strides = array<i32>} : memref<16x16xf32, #tpu.memory_space<vmem>>, vector<16xf32>,
          %mul3A_882 = arith.mulf %gather3A, %get3A_881 : vector<16xf32>
          %mul3A_883 = arith.mulf %gather3A_122, %get3A_881 : vector<16xf32>
          %mul3A_884 = arith.mulf %gather3A_126, %get3A_881 : vector<16xf32>
          %convert_element_type3A_885 = arith.fptosi %mul3A_882 : vector<16xf32> to vector<16xi32>
          %convert_element_type3A_886 = arith.fptosi %mul3A_883 : vector<16xf32> to vector<16xi32>
          %convert_element_type3A_887 = arith.fptosi %mul3A_884 : vector<16xf32> to vector<16xi32>
          %convert_element_type3A_888 = arith.sitofp %convert_element_type3A_885 : vector<16xi32> to vector<16xf32>
          %gt3A_889 = arith.cmpf ogt, %mul3A_882, %convert_element_type3A_888 : vector<16xf32>
          %convert_element_type3A_890 = arith.extui %gt3A_889 : vector<16xi1> to vector<16xi32>
          %add3A_891 = arith.addi %convert_element_type3A_885, %convert_element_type3A_890 : vector<16xi32>
          %convert_element_type3A_892 = arith.sitofp %convert_element_type3A_886 : vector<16xi32> to vector<16xf32>
          %gt3A_893 = arith.cmpf ogt, %mul3A_883, %convert_element_type3A_892 : vector<16xf32>
          %convert_element_type3A_894 = arith.extui %gt3A_893 : vector<16xi1> to vector<16xi32>
          %add3A_895 = arith.addi %convert_element_type3A_886, %convert_element_type3A_894 : vector<16xi32>
          %convert_element_type3A_896 = arith.sitofp %convert_element_type3A_887 : vector<16xi32> to vector<16xf32>
          %gt3A_897 = arith.cmpf ogt, %mul3A_884, %convert_element_type3A_896 : vector<16xf32>
          %convert_element_type3A_898 = arith.extui %gt3A_897 : vector<16xi1> to vector<16xi32>
          %add3A_899 = arith.addi %convert_element_type3A_887, %convert_element_type3A_898 : vector<16xi32>
          %mul3A_900 = arith.constant -1640531535 : i32
          %mul3A_901 = vector.broadcast %mul3A_900 : i32 to vector<16xi32>
          %mul3A_902 = arith.muli %add3A_895, %mul3A_901 : vector<16xi32>
          %xor3A_903 = arith.xori %add3A_891, %mul3A_902 : vector<16xi32>
          %mul3A_904 = arith.constant 805459861 : i32
          %mul3A_905 = vector.broadcast %mul3A_904 : i32 to vector<16xi32>
          %mul3A_906 = arith.muli %add3A_899, %mul3A_905 : vector<16xi32>
          %xor3A_907 = arith.xori %xor3A_903, %mul3A_906 : vector<16xi32>
          %and3A_908 = arith.constant 524287 : i32
          %and3A_909 = vector.broadcast %and3A_908 : i32 to vector<16xi32>
          %and3A_910 = arith.andi %xor3A_907, %and3A_909 : vector<16xi32>
          %add3A_911 = arith.constant 6815744 : i32
          %add3A_912 = vector.broadcast %add3A_911 : i32 to vector<16xi32>
          %add3A_913 = arith.addi %and3A_910, %add3A_912 : vector<16xi32>
          %shift_right_logical3A_914 = arith.constant 7 : i32
          %shift_right_logical3A_915 = vector.broadcast %shift_right_logical3A_914 : i32 to vector<16xi32>
          %shift_right_logical3A_916 = arith.shrui %add3A_913, %shift_right_logical3A_915 : vector<16xi32>
          %mul3A_917 = arith.constant 256 : i32
          %mul3A_918 = vector.broadcast %mul3A_917 : i32 to vector<16xi32>
          %mul3A_919 = arith.muli %shift_right_logical3A_916, %mul3A_918 : vector<16xi32>
          %and3A_920 = arith.constant 127 : i32
          %and3A_921 = vector.broadcast %and3A_920 : i32 to vector<16xi32>
          %and3A_922 = arith.andi %add3A_913, %and3A_921 : vector<16xi32>
          %add3A_923 = arith.addi %mul3A_919, %and3A_922 : vector<16xi32>
          %add3A_924 = arith.constant 26 : i32
          %add3A_925 = vector.broadcast %add3A_924 : i32 to vector<16xi32>
          %add3A_926 = arith.addi %add3A_109, %add3A_925 : vector<16xi32>
          tpu.vector_store_idx %arg8[%broadcast_in_dim3A_111, %add3A_926], %add3A_923 : memref<8x2048xi32, #tpu.memory_space<vmem>>[vector<16xi32>, vector<16xi32>], vector<16xi32>,
          %add3A_927 = arith.constant 26 : i32
          %add3A_928 = vector.broadcast %add3A_927 : i32 to vector<16xi32>
          %add3A_929 = arith.addi %add3A_109, %add3A_928 : vector<16xi32>
          %add3A_930 = arith.constant 1 : i32
          %add3A_931 = vector.broadcast %add3A_930 : i32 to vector<16xi32>
          %add3A_932 = arith.addi %add3A_929, %add3A_931 : vector<16xi32>
          %add3A_933 = arith.constant 128 : i32
          %add3A_934 = vector.broadcast %add3A_933 : i32 to vector<16xi32>
          %add3A_935 = arith.addi %add3A_923, %add3A_934 : vector<16xi32>
          tpu.vector_store_idx %arg8[%broadcast_in_dim3A_111, %add3A_932], %add3A_935 : memref<8x2048xi32, #tpu.memory_space<vmem>>[vector<16xi32>, vector<16xi32>], vector<16xi32>,
          %get3A_936 = arith.constant 14 : i32
          %get3A_937 = arith.index_cast %get3A_936 : i32 to index
          %get3A_938 = arith.constant 0 : index
          %get3A_939 = tpu.vector_load %arg7[%get3A_937, %get3A_938] {strides = array<i32>} : memref<16x16xf32, #tpu.memory_space<vmem>>, vector<16xf32>,
          %mul3A_940 = arith.mulf %gather3A, %get3A_939 : vector<16xf32>
          %mul3A_941 = arith.mulf %gather3A_122, %get3A_939 : vector<16xf32>
          %mul3A_942 = arith.mulf %gather3A_126, %get3A_939 : vector<16xf32>
          %convert_element_type3A_943 = arith.fptosi %mul3A_940 : vector<16xf32> to vector<16xi32>
          %convert_element_type3A_944 = arith.fptosi %mul3A_941 : vector<16xf32> to vector<16xi32>
          %convert_element_type3A_945 = arith.fptosi %mul3A_942 : vector<16xf32> to vector<16xi32>
          %convert_element_type3A_946 = arith.sitofp %convert_element_type3A_943 : vector<16xi32> to vector<16xf32>
          %gt3A_947 = arith.cmpf ogt, %mul3A_940, %convert_element_type3A_946 : vector<16xf32>
          %convert_element_type3A_948 = arith.extui %gt3A_947 : vector<16xi1> to vector<16xi32>
          %add3A_949 = arith.addi %convert_element_type3A_943, %convert_element_type3A_948 : vector<16xi32>
          %convert_element_type3A_950 = arith.sitofp %convert_element_type3A_944 : vector<16xi32> to vector<16xf32>
          %gt3A_951 = arith.cmpf ogt, %mul3A_941, %convert_element_type3A_950 : vector<16xf32>
          %convert_element_type3A_952 = arith.extui %gt3A_951 : vector<16xi1> to vector<16xi32>
          %add3A_953 = arith.addi %convert_element_type3A_944, %convert_element_type3A_952 : vector<16xi32>
          %convert_element_type3A_954 = arith.sitofp %convert_element_type3A_945 : vector<16xi32> to vector<16xf32>
          %gt3A_955 = arith.cmpf ogt, %mul3A_942, %convert_element_type3A_954 : vector<16xf32>
          %convert_element_type3A_956 = arith.extui %gt3A_955 : vector<16xi1> to vector<16xi32>
          %add3A_957 = arith.addi %convert_element_type3A_945, %convert_element_type3A_956 : vector<16xi32>
          %mul3A_958 = arith.constant -1640531535 : i32
          %mul3A_959 = vector.broadcast %mul3A_958 : i32 to vector<16xi32>
          %mul3A_960 = arith.muli %add3A_953, %mul3A_959 : vector<16xi32>
          %xor3A_961 = arith.xori %add3A_949, %mul3A_960 : vector<16xi32>
          %mul3A_962 = arith.constant 805459861 : i32
          %mul3A_963 = vector.broadcast %mul3A_962 : i32 to vector<16xi32>
          %mul3A_964 = arith.muli %add3A_957, %mul3A_963 : vector<16xi32>
          %xor3A_965 = arith.xori %xor3A_961, %mul3A_964 : vector<16xi32>
          %and3A_966 = arith.constant 524287 : i32
          %and3A_967 = vector.broadcast %and3A_966 : i32 to vector<16xi32>
          %and3A_968 = arith.andi %xor3A_965, %and3A_967 : vector<16xi32>
          %add3A_969 = arith.constant 7340032 : i32
          %add3A_970 = vector.broadcast %add3A_969 : i32 to vector<16xi32>
          %add3A_971 = arith.addi %and3A_968, %add3A_970 : vector<16xi32>
          %shift_right_logical3A_972 = arith.constant 7 : i32
          %shift_right_logical3A_973 = vector.broadcast %shift_right_logical3A_972 : i32 to vector<16xi32>
          %shift_right_logical3A_974 = arith.shrui %add3A_971, %shift_right_logical3A_973 : vector<16xi32>
          %mul3A_975 = arith.constant 256 : i32
          %mul3A_976 = vector.broadcast %mul3A_975 : i32 to vector<16xi32>
          %mul3A_977 = arith.muli %shift_right_logical3A_974, %mul3A_976 : vector<16xi32>
          %and3A_978 = arith.constant 127 : i32
          %and3A_979 = vector.broadcast %and3A_978 : i32 to vector<16xi32>
          %and3A_980 = arith.andi %add3A_971, %and3A_979 : vector<16xi32>
          %add3A_981 = arith.addi %mul3A_977, %and3A_980 : vector<16xi32>
          %add3A_982 = arith.constant 28 : i32
          %add3A_983 = vector.broadcast %add3A_982 : i32 to vector<16xi32>
          %add3A_984 = arith.addi %add3A_109, %add3A_983 : vector<16xi32>
          tpu.vector_store_idx %arg8[%broadcast_in_dim3A_111, %add3A_984], %add3A_981 : memref<8x2048xi32, #tpu.memory_space<vmem>>[vector<16xi32>, vector<16xi32>], vector<16xi32>,
          %add3A_985 = arith.constant 28 : i32
          %add3A_986 = vector.broadcast %add3A_985 : i32 to vector<16xi32>
          %add3A_987 = arith.addi %add3A_109, %add3A_986 : vector<16xi32>
          %add3A_988 = arith.constant 1 : i32
          %add3A_989 = vector.broadcast %add3A_988 : i32 to vector<16xi32>
          %add3A_990 = arith.addi %add3A_987, %add3A_989 : vector<16xi32>
          %add3A_991 = arith.constant 128 : i32
          %add3A_992 = vector.broadcast %add3A_991 : i32 to vector<16xi32>
          %add3A_993 = arith.addi %add3A_981, %add3A_992 : vector<16xi32>
          tpu.vector_store_idx %arg8[%broadcast_in_dim3A_111, %add3A_990], %add3A_993 : memref<8x2048xi32, #tpu.memory_space<vmem>>[vector<16xi32>, vector<16xi32>], vector<16xi32>,
          %get3A_994 = arith.constant 15 : i32
          %get3A_995 = arith.index_cast %get3A_994 : i32 to index
          %get3A_996 = arith.constant 0 : index
          %get3A_997 = tpu.vector_load %arg7[%get3A_995, %get3A_996] {strides = array<i32>} : memref<16x16xf32, #tpu.memory_space<vmem>>, vector<16xf32>,
          %mul3A_998 = arith.mulf %gather3A, %get3A_997 : vector<16xf32>
          %mul3A_999 = arith.mulf %gather3A_122, %get3A_997 : vector<16xf32>
          %mul3A_1000 = arith.mulf %gather3A_126, %get3A_997 : vector<16xf32>
          %convert_element_type3A_1001 = arith.fptosi %mul3A_998 : vector<16xf32> to vector<16xi32>
          %convert_element_type3A_1002 = arith.fptosi %mul3A_999 : vector<16xf32> to vector<16xi32>
          %convert_element_type3A_1003 = arith.fptosi %mul3A_1000 : vector<16xf32> to vector<16xi32>
          %convert_element_type3A_1004 = arith.sitofp %convert_element_type3A_1001 : vector<16xi32> to vector<16xf32>
          %gt3A_1005 = arith.cmpf ogt, %mul3A_998, %convert_element_type3A_1004 : vector<16xf32>
          %convert_element_type3A_1006 = arith.extui %gt3A_1005 : vector<16xi1> to vector<16xi32>
          %add3A_1007 = arith.addi %convert_element_type3A_1001, %convert_element_type3A_1006 : vector<16xi32>
          %convert_element_type3A_1008 = arith.sitofp %convert_element_type3A_1002 : vector<16xi32> to vector<16xf32>
          %gt3A_1009 = arith.cmpf ogt, %mul3A_999, %convert_element_type3A_1008 : vector<16xf32>
          %convert_element_type3A_1010 = arith.extui %gt3A_1009 : vector<16xi1> to vector<16xi32>
          %add3A_1011 = arith.addi %convert_element_type3A_1002, %convert_element_type3A_1010 : vector<16xi32>
          %convert_element_type3A_1012 = arith.sitofp %convert_element_type3A_1003 : vector<16xi32> to vector<16xf32>
          %gt3A_1013 = arith.cmpf ogt, %mul3A_1000, %convert_element_type3A_1012 : vector<16xf32>
          %convert_element_type3A_1014 = arith.extui %gt3A_1013 : vector<16xi1> to vector<16xi32>
          %add3A_1015 = arith.addi %convert_element_type3A_1003, %convert_element_type3A_1014 : vector<16xi32>
          %mul3A_1016 = arith.constant -1640531535 : i32
          %mul3A_1017 = vector.broadcast %mul3A_1016 : i32 to vector<16xi32>
          %mul3A_1018 = arith.muli %add3A_1011, %mul3A_1017 : vector<16xi32>
          %xor3A_1019 = arith.xori %add3A_1007, %mul3A_1018 : vector<16xi32>
          %mul3A_1020 = arith.constant 805459861 : i32
          %mul3A_1021 = vector.broadcast %mul3A_1020 : i32 to vector<16xi32>
          %mul3A_1022 = arith.muli %add3A_1015, %mul3A_1021 : vector<16xi32>
          %xor3A_1023 = arith.xori %xor3A_1019, %mul3A_1022 : vector<16xi32>
          %and3A_1024 = arith.constant 524287 : i32
          %and3A_1025 = vector.broadcast %and3A_1024 : i32 to vector<16xi32>
          %and3A_1026 = arith.andi %xor3A_1023, %and3A_1025 : vector<16xi32>
          %add3A_1027 = arith.constant 7864320 : i32
          %add3A_1028 = vector.broadcast %add3A_1027 : i32 to vector<16xi32>
          %add3A_1029 = arith.addi %and3A_1026, %add3A_1028 : vector<16xi32>
          %shift_right_logical3A_1030 = arith.constant 7 : i32
          %shift_right_logical3A_1031 = vector.broadcast %shift_right_logical3A_1030 : i32 to vector<16xi32>
          %shift_right_logical3A_1032 = arith.shrui %add3A_1029, %shift_right_logical3A_1031 : vector<16xi32>
          %mul3A_1033 = arith.constant 256 : i32
          %mul3A_1034 = vector.broadcast %mul3A_1033 : i32 to vector<16xi32>
          %mul3A_1035 = arith.muli %shift_right_logical3A_1032, %mul3A_1034 : vector<16xi32>
          %and3A_1036 = arith.constant 127 : i32
          %and3A_1037 = vector.broadcast %and3A_1036 : i32 to vector<16xi32>
          %and3A_1038 = arith.andi %add3A_1029, %and3A_1037 : vector<16xi32>
          %add3A_1039 = arith.addi %mul3A_1035, %and3A_1038 : vector<16xi32>
          %add3A_1040 = arith.constant 30 : i32
          %add3A_1041 = vector.broadcast %add3A_1040 : i32 to vector<16xi32>
          %add3A_1042 = arith.addi %add3A_109, %add3A_1041 : vector<16xi32>
          tpu.vector_store_idx %arg8[%broadcast_in_dim3A_111, %add3A_1042], %add3A_1039 : memref<8x2048xi32, #tpu.memory_space<vmem>>[vector<16xi32>, vector<16xi32>], vector<16xi32>,
          %add3A_1043 = arith.constant 30 : i32
          %add3A_1044 = vector.broadcast %add3A_1043 : i32 to vector<16xi32>
          %add3A_1045 = arith.addi %add3A_109, %add3A_1044 : vector<16xi32>
          %add3A_1046 = arith.constant 1 : i32
          %add3A_1047 = vector.broadcast %add3A_1046 : i32 to vector<16xi32>
          %add3A_1048 = arith.addi %add3A_1045, %add3A_1047 : vector<16xi32>
          %add3A_1049 = arith.constant 128 : i32
          %add3A_1050 = vector.broadcast %add3A_1049 : i32 to vector<16xi32>
          %add3A_1051 = arith.addi %add3A_1039, %add3A_1050 : vector<16xi32>
          tpu.vector_store_idx %arg8[%broadcast_in_dim3A_111, %add3A_1048], %add3A_1051 : memref<8x2048xi32, #tpu.memory_space<vmem>>[vector<16xi32>, vector<16xi32>], vector<16xi32>,
        }
        %scan3A_80 = arith.constant 32 : i32
        %scan3A_81 = arith.constant 0 : i32
        %scan3A_82 = arith.constant 0 : i32
        %scan3A_83 = arith.constant 2 : i32
        %scan3A_84 = arith.addi %scan3A_82, %scan3A_83 : i32
        %scan3A_85 = arith.constant 1 : i32
        scf.for %scan3A_101 = %scan3A_82 to %scan3A_84 step %scan3A_85  : i32 {
          %mul3A_102 = arith.constant 4 : i32
          %mul3A_103 = arith.muli %scan3A_101, %mul3A_102 : i32
          %add3A_104 = arith.constant 0 : i32
          %add3A_105 = arith.addi %mul3A_103, %add3A_104 : i32
          %mul3A_106 = arith.constant 2048 : i32
          %mul3A_107 = arith.muli %add3A_105, %mul3A_106 : i32
          %dma_start3A = tpu.memref_slice %arg10[%mul3A_107] : memref<16384xf32, #tpu.memory_space<vmem>> -> memref<2048xf32, #tpu.memory_space<vmem>>
          %dma_start3A_108 = arith.constant 0 : i32
          %dma_start3A_109 = tpu.memref_slice %arg8[%add3A_105, %dma_start3A_108] : memref<8x2048xi32, #tpu.memory_space<vmem>> -> memref<1x2048xi32, #tpu.memory_space<vmem>>
          %dma_start3A_110 = tpu.memref_squeeze %dma_start3A_109 : memref<1x2048xi32, #tpu.memory_space<vmem>> -> memref<2048xi32, #tpu.memory_space<vmem>>
          %dma_start3A_111 = arith.constant 0 : i32
          %dma_start3A_112 = tpu.memref_slice %arg4[%dma_start3A_111] : memref<16777216xf32, #tpu.memory_space<hbm>> -> memref<16777216xf32, #tpu.memory_space<hbm>>
          tpu.enqueue_indirect_dma source(%dma_start3A_112 : memref<16777216xf32, #tpu.memory_space<hbm>>) target(%dma_start3A : memref<2048xf32, #tpu.memory_space<vmem>>) offsets(%dma_start3A_110 : memref<2048xi32, #tpu.memory_space<vmem>>) semaphore(%arg12 : memref<!tpu.dma_semaphore, #tpu.memory_space<semaphore_mem>>)
          %mul3A_113 = arith.constant 4 : i32
          %mul3A_114 = arith.muli %scan3A_101, %mul3A_113 : i32
          %add3A_115 = arith.constant 1 : i32
          %add3A_116 = arith.addi %mul3A_114, %add3A_115 : i32
          %mul3A_117 = arith.constant 2048 : i32
          %mul3A_118 = arith.muli %add3A_116, %mul3A_117 : i32
          %dma_start3A_119 = tpu.memref_slice %arg10[%mul3A_118] : memref<16384xf32, #tpu.memory_space<vmem>> -> memref<2048xf32, #tpu.memory_space<vmem>>
          %dma_start3A_120 = arith.constant 0 : i32
          %dma_start3A_121 = tpu.memref_slice %arg8[%add3A_116, %dma_start3A_120] : memref<8x2048xi32, #tpu.memory_space<vmem>> -> memref<1x2048xi32, #tpu.memory_space<vmem>>
          %dma_start3A_122 = tpu.memref_squeeze %dma_start3A_121 : memref<1x2048xi32, #tpu.memory_space<vmem>> -> memref<2048xi32, #tpu.memory_space<vmem>>
          %dma_start3A_123 = arith.constant 0 : i32
          %dma_start3A_124 = tpu.memref_slice %arg4[%dma_start3A_123] : memref<16777216xf32, #tpu.memory_space<hbm>> -> memref<16777216xf32, #tpu.memory_space<hbm>>
          tpu.enqueue_indirect_dma source(%dma_start3A_124 : memref<16777216xf32, #tpu.memory_space<hbm>>) target(%dma_start3A_119 : memref<2048xf32, #tpu.memory_space<vmem>>) offsets(%dma_start3A_122 : memref<2048xi32, #tpu.memory_space<vmem>>) semaphore(%arg12 : memref<!tpu.dma_semaphore, #tpu.memory_space<semaphore_mem>>)
          %mul3A_125 = arith.constant 4 : i32
          %mul3A_126 = arith.muli %scan3A_101, %mul3A_125 : i32
          %add3A_127 = arith.constant 2 : i32
          %add3A_128 = arith.addi %mul3A_126, %add3A_127 : i32
          %mul3A_129 = arith.constant 2048 : i32
          %mul3A_130 = arith.muli %add3A_128, %mul3A_129 : i32
          %dma_start3A_131 = tpu.memref_slice %arg10[%mul3A_130] : memref<16384xf32, #tpu.memory_space<vmem>> -> memref<2048xf32, #tpu.memory_space<vmem>>
          %dma_start3A_132 = arith.constant 0 : i32
          %dma_start3A_133 = tpu.memref_slice %arg8[%add3A_128, %dma_start3A_132] : memref<8x2048xi32, #tpu.memory_space<vmem>> -> memref<1x2048xi32, #tpu.memory_space<vmem>>
          %dma_start3A_134 = tpu.memref_squeeze %dma_start3A_133 : memref<1x2048xi32, #tpu.memory_space<vmem>> -> memref<2048xi32, #tpu.memory_space<vmem>>
          %dma_start3A_135 = arith.constant 0 : i32
          %dma_start3A_136 = tpu.memref_slice %arg4[%dma_start3A_135] : memref<16777216xf32, #tpu.memory_space<hbm>> -> memref<16777216xf32, #tpu.memory_space<hbm>>
          tpu.enqueue_indirect_dma source(%dma_start3A_136 : memref<16777216xf32, #tpu.memory_space<hbm>>) target(%dma_start3A_131 : memref<2048xf32, #tpu.memory_space<vmem>>) offsets(%dma_start3A_134 : memref<2048xi32, #tpu.memory_space<vmem>>) semaphore(%arg12 : memref<!tpu.dma_semaphore, #tpu.memory_space<semaphore_mem>>)
          %mul3A_137 = arith.constant 4 : i32
          %mul3A_138 = arith.muli %scan3A_101, %mul3A_137 : i32
          %add3A_139 = arith.constant 3 : i32
          %add3A_140 = arith.addi %mul3A_138, %add3A_139 : i32
          %mul3A_141 = arith.constant 2048 : i32
          %mul3A_142 = arith.muli %add3A_140, %mul3A_141 : i32
          %dma_start3A_143 = tpu.memref_slice %arg10[%mul3A_142] : memref<16384xf32, #tpu.memory_space<vmem>> -> memref<2048xf32, #tpu.memory_space<vmem>>
          %dma_start3A_144 = arith.constant 0 : i32
          %dma_start3A_145 = tpu.memref_slice %arg8[%add3A_140, %dma_start3A_144] : memref<8x2048xi32, #tpu.memory_space<vmem>> -> memref<1x2048xi32, #tpu.memory_space<vmem>>
          %dma_start3A_146 = tpu.memref_squeeze %dma_start3A_145 : memref<1x2048xi32, #tpu.memory_space<vmem>> -> memref<2048xi32, #tpu.memory_space<vmem>>
          %dma_start3A_147 = arith.constant 0 : i32
          %dma_start3A_148 = tpu.memref_slice %arg4[%dma_start3A_147] : memref<16777216xf32, #tpu.memory_space<hbm>> -> memref<16777216xf32, #tpu.memory_space<hbm>>
          tpu.enqueue_indirect_dma source(%dma_start3A_148 : memref<16777216xf32, #tpu.memory_space<hbm>>) target(%dma_start3A_143 : memref<2048xf32, #tpu.memory_space<vmem>>) offsets(%dma_start3A_146 : memref<2048xi32, #tpu.memory_space<vmem>>) semaphore(%arg12 : memref<!tpu.dma_semaphore, #tpu.memory_space<semaphore_mem>>)
        }
        %scan3A_86 = arith.constant 2 : i32
        %scan3A_87 = arith.constant 0 : i32
        %scan3A_88 = arith.constant 0 : i32
        %scan3A_89 = arith.constant 2 : i32
        %scan3A_90 = arith.addi %scan3A_88, %scan3A_89 : i32
        %scan3A_91 = arith.constant 1 : i32
        scf.for %scan3A_101 = %scan3A_88 to %scan3A_90 step %scan3A_91  : i32 {
          %mul3A_102 = arith.constant 4 : i32
          %mul3A_103 = arith.muli %scan3A_101, %mul3A_102 : i32
          %add3A_104 = arith.constant 0 : i32
          %add3A_105 = arith.addi %mul3A_103, %add3A_104 : i32
          %mul3A_106 = arith.constant 2048 : i32
          %mul3A_107 = arith.muli %add3A_105, %mul3A_106 : i32
          %dma_wait3A = tpu.memref_slice %arg11[%mul3A_107] : memref<16384xf32, #tpu.memory_space<vmem>> -> memref<2048xf32, #tpu.memory_space<vmem>>
          %dma_wait3A_108 = arith.constant 0 : i32
          %dma_wait3A_109 = tpu.memref_slice %arg9[%add3A_105, %dma_wait3A_108] : memref<8x2048xi32, #tpu.memory_space<vmem>> -> memref<1x2048xi32, #tpu.memory_space<vmem>>
          %dma_wait3A_110 = tpu.memref_squeeze %dma_wait3A_109 : memref<1x2048xi32, #tpu.memory_space<vmem>> -> memref<2048xi32, #tpu.memory_space<vmem>>
          %dma_wait3A_111 = arith.constant 0 : i32
          %dma_wait3A_112 = tpu.memref_slice %arg4[%dma_wait3A_111] : memref<16777216xf32, #tpu.memory_space<hbm>> -> memref<16777216xf32, #tpu.memory_space<hbm>>
          tpu.wait_indirect_dma semaphore(%arg13 : memref<!tpu.dma_semaphore, #tpu.memory_space<semaphore_mem>>) src(%dma_wait3A_112 : memref<16777216xf32, #tpu.memory_space<hbm>>) dst(%dma_wait3A : memref<2048xf32, #tpu.memory_space<vmem>>)
          %mul3A_113 = arith.constant 4 : i32
          %mul3A_114 = arith.muli %scan3A_101, %mul3A_113 : i32
          %add3A_115 = arith.constant 1 : i32
          %add3A_116 = arith.addi %mul3A_114, %add3A_115 : i32
          %mul3A_117 = arith.constant 2048 : i32
          %mul3A_118 = arith.muli %add3A_116, %mul3A_117 : i32
          %dma_wait3A_119 = tpu.memref_slice %arg11[%mul3A_118] : memref<16384xf32, #tpu.memory_space<vmem>> -> memref<2048xf32, #tpu.memory_space<vmem>>
          %dma_wait3A_120 = arith.constant 0 : i32
          %dma_wait3A_121 = tpu.memref_slice %arg9[%add3A_116, %dma_wait3A_120] : memref<8x2048xi32, #tpu.memory_space<vmem>> -> memref<1x2048xi32, #tpu.memory_space<vmem>>
          %dma_wait3A_122 = tpu.memref_squeeze %dma_wait3A_121 : memref<1x2048xi32, #tpu.memory_space<vmem>> -> memref<2048xi32, #tpu.memory_space<vmem>>
          %dma_wait3A_123 = arith.constant 0 : i32
          %dma_wait3A_124 = tpu.memref_slice %arg4[%dma_wait3A_123] : memref<16777216xf32, #tpu.memory_space<hbm>> -> memref<16777216xf32, #tpu.memory_space<hbm>>
          tpu.wait_indirect_dma semaphore(%arg13 : memref<!tpu.dma_semaphore, #tpu.memory_space<semaphore_mem>>) src(%dma_wait3A_124 : memref<16777216xf32, #tpu.memory_space<hbm>>) dst(%dma_wait3A_119 : memref<2048xf32, #tpu.memory_space<vmem>>)
          %mul3A_125 = arith.constant 4 : i32
          %mul3A_126 = arith.muli %scan3A_101, %mul3A_125 : i32
          %add3A_127 = arith.constant 2 : i32
          %add3A_128 = arith.addi %mul3A_126, %add3A_127 : i32
          %mul3A_129 = arith.constant 2048 : i32
          %mul3A_130 = arith.muli %add3A_128, %mul3A_129 : i32
          %dma_wait3A_131 = tpu.memref_slice %arg11[%mul3A_130] : memref<16384xf32, #tpu.memory_space<vmem>> -> memref<2048xf32, #tpu.memory_space<vmem>>
          %dma_wait3A_132 = arith.constant 0 : i32
          %dma_wait3A_133 = tpu.memref_slice %arg9[%add3A_128, %dma_wait3A_132] : memref<8x2048xi32, #tpu.memory_space<vmem>> -> memref<1x2048xi32, #tpu.memory_space<vmem>>
          %dma_wait3A_134 = tpu.memref_squeeze %dma_wait3A_133 : memref<1x2048xi32, #tpu.memory_space<vmem>> -> memref<2048xi32, #tpu.memory_space<vmem>>
          %dma_wait3A_135 = arith.constant 0 : i32
          %dma_wait3A_136 = tpu.memref_slice %arg4[%dma_wait3A_135] : memref<16777216xf32, #tpu.memory_space<hbm>> -> memref<16777216xf32, #tpu.memory_space<hbm>>
          tpu.wait_indirect_dma semaphore(%arg13 : memref<!tpu.dma_semaphore, #tpu.memory_space<semaphore_mem>>) src(%dma_wait3A_136 : memref<16777216xf32, #tpu.memory_space<hbm>>) dst(%dma_wait3A_131 : memref<2048xf32, #tpu.memory_space<vmem>>)
          %mul3A_137 = arith.constant 4 : i32
          %mul3A_138 = arith.muli %scan3A_101, %mul3A_137 : i32
          %add3A_139 = arith.constant 3 : i32
          %add3A_140 = arith.addi %mul3A_138, %add3A_139 : i32
          %mul3A_141 = arith.constant 2048 : i32
          %mul3A_142 = arith.muli %add3A_140, %mul3A_141 : i32
          %dma_wait3A_143 = tpu.memref_slice %arg11[%mul3A_142] : memref<16384xf32, #tpu.memory_space<vmem>> -> memref<2048xf32, #tpu.memory_space<vmem>>
          %dma_wait3A_144 = arith.constant 0 : i32
          %dma_wait3A_145 = tpu.memref_slice %arg9[%add3A_140, %dma_wait3A_144] : memref<8x2048xi32, #tpu.memory_space<vmem>> -> memref<1x2048xi32, #tpu.memory_space<vmem>>
          %dma_wait3A_146 = tpu.memref_squeeze %dma_wait3A_145 : memref<1x2048xi32, #tpu.memory_space<vmem>> -> memref<2048xi32, #tpu.memory_space<vmem>>
          %dma_wait3A_147 = arith.constant 0 : i32
          %dma_wait3A_148 = tpu.memref_slice %arg4[%dma_wait3A_147] : memref<16777216xf32, #tpu.memory_space<hbm>> -> memref<16777216xf32, #tpu.memory_space<hbm>>
          tpu.wait_indirect_dma semaphore(%arg13 : memref<!tpu.dma_semaphore, #tpu.memory_space<semaphore_mem>>) src(%dma_wait3A_148 : memref<16777216xf32, #tpu.memory_space<hbm>>) dst(%dma_wait3A_143 : memref<2048xf32, #tpu.memory_space<vmem>>)
        }
        %scan3A_92 = arith.constant 2 : i32
        %sub3A = arith.constant 1 : i32
        %sub3A_93 = arith.subi %scan3A_36, %sub3A : i32
        %mul3A_94 = arith.constant 512 : i32
        %mul3A_95 = arith.muli %sub3A_93, %mul3A_94 : i32
        %add3A_96 = arith.addi %mul3A_2, %mul3A_95 : i32
        %mul3A_97 = arith.constant 16 : i32
        %mul3A_98 = arith.muli %add3A_96, %mul3A_97 : i32
        %mul3A_99 = arith.constant 2 : i32
        %mul3A_100 = arith.muli %mul3A_98, %mul3A_99 : i32
        "tpu.region"() ({
          %run_scoped3A = tpu.sem_alloc : memref<!tpu.dma_semaphore, #tpu.memory_space<semaphore_mem>>
          %dma_start3A = tpu.memref_slice %arg5[%mul3A_100] : memref<8388608xf32, #tpu.memory_space<hbm>> -> memref<16384xf32, #tpu.memory_space<hbm>>
          %dma_start3A_101 = tpu.memref_slice %arg5[%mul3A_100] : memref<8388608xf32, #tpu.memory_space<hbm>> -> memref<16384xf32, #tpu.memory_space<hbm>>
          tpu.enqueue_dma source(%arg11 : memref<16384xf32, #tpu.memory_space<vmem>>) target(%dma_start3A_101 : memref<16384xf32, #tpu.memory_space<hbm>>) target_semaphore(%run_scoped3A : memref<!tpu.dma_semaphore, #tpu.memory_space<semaphore_mem>>)
          %dma_wait3A = tpu.memref_slice %arg5[%mul3A_100] : memref<8388608xf32, #tpu.memory_space<hbm>> -> memref<16384xf32, #tpu.memory_space<hbm>>
          %dma_wait3A_102 = tpu.memref_slice %arg5[%mul3A_100] : memref<8388608xf32, #tpu.memory_space<hbm>> -> memref<16384xf32, #tpu.memory_space<hbm>>
          tpu.wait_dma2 semaphore(%run_scoped3A : memref<!tpu.dma_semaphore, #tpu.memory_space<semaphore_mem>>) src(%arg11 : memref<16384xf32, #tpu.memory_space<vmem>>) dst(%dma_wait3A_102 : memref<16384xf32, #tpu.memory_space<hbm>>)
          tpu.yield
        }) : () -> ()
      } else {
      }
    }
    %scan3A_23 = arith.constant 15 : i32
    %scan3A_24 = arith.constant 0 : i32
    %scan3A_25 = arith.constant 0 : i32
    %scan3A_26 = arith.constant 2 : i32
    %scan3A_27 = arith.addi %scan3A_25, %scan3A_26 : i32
    %scan3A_28 = arith.constant 1 : i32
    scf.for %scan3A_36 = %scan3A_25 to %scan3A_27 step %scan3A_28  : i32 {
      %mul3A_37 = arith.constant 4 : i32
      %mul3A_38 = arith.muli %scan3A_36, %mul3A_37 : i32
      %add3A_39 = arith.constant 0 : i32
      %add3A_40 = arith.addi %mul3A_38, %add3A_39 : i32
      %mul3A_41 = arith.constant 2048 : i32
      %mul3A_42 = arith.muli %add3A_40, %mul3A_41 : i32
      %dma_wait3A = tpu.memref_slice %arg11[%mul3A_42] : memref<16384xf32, #tpu.memory_space<vmem>> -> memref<2048xf32, #tpu.memory_space<vmem>>
      %dma_wait3A_43 = arith.constant 0 : i32
      %dma_wait3A_44 = tpu.memref_slice %arg9[%add3A_40, %dma_wait3A_43] : memref<8x2048xi32, #tpu.memory_space<vmem>> -> memref<1x2048xi32, #tpu.memory_space<vmem>>
      %dma_wait3A_45 = tpu.memref_squeeze %dma_wait3A_44 : memref<1x2048xi32, #tpu.memory_space<vmem>> -> memref<2048xi32, #tpu.memory_space<vmem>>
      %dma_wait3A_46 = arith.constant 0 : i32
      %dma_wait3A_47 = tpu.memref_slice %arg4[%dma_wait3A_46] : memref<16777216xf32, #tpu.memory_space<hbm>> -> memref<16777216xf32, #tpu.memory_space<hbm>>
      tpu.wait_indirect_dma semaphore(%arg13 : memref<!tpu.dma_semaphore, #tpu.memory_space<semaphore_mem>>) src(%dma_wait3A_47 : memref<16777216xf32, #tpu.memory_space<hbm>>) dst(%dma_wait3A : memref<2048xf32, #tpu.memory_space<vmem>>)
      %mul3A_48 = arith.constant 4 : i32
      %mul3A_49 = arith.muli %scan3A_36, %mul3A_48 : i32
      %add3A_50 = arith.constant 1 : i32
      %add3A_51 = arith.addi %mul3A_49, %add3A_50 : i32
      %mul3A_52 = arith.constant 2048 : i32
      %mul3A_53 = arith.muli %add3A_51, %mul3A_52 : i32
      %dma_wait3A_54 = tpu.memref_slice %arg11[%mul3A_53] : memref<16384xf32, #tpu.memory_space<vmem>> -> memref<2048xf32, #tpu.memory_space<vmem>>
      %dma_wait3A_55 = arith.constant 0 : i32
      %dma_wait3A_56 = tpu.memref_slice %arg9[%add3A_51, %dma_wait3A_55] : memref<8x2048xi32, #tpu.memory_space<vmem>> -> memref<1x2048xi32, #tpu.memory_space<vmem>>
      %dma_wait3A_57 = tpu.memref_squeeze %dma_wait3A_56 : memref<1x2048xi32, #tpu.memory_space<vmem>> -> memref<2048xi32, #tpu.memory_space<vmem>>
      %dma_wait3A_58 = arith.constant 0 : i32
      %dma_wait3A_59 = tpu.memref_slice %arg4[%dma_wait3A_58] : memref<16777216xf32, #tpu.memory_space<hbm>> -> memref<16777216xf32, #tpu.memory_space<hbm>>
      tpu.wait_indirect_dma semaphore(%arg13 : memref<!tpu.dma_semaphore, #tpu.memory_space<semaphore_mem>>) src(%dma_wait3A_59 : memref<16777216xf32, #tpu.memory_space<hbm>>) dst(%dma_wait3A_54 : memref<2048xf32, #tpu.memory_space<vmem>>)
      %mul3A_60 = arith.constant 4 : i32
      %mul3A_61 = arith.muli %scan3A_36, %mul3A_60 : i32
      %add3A_62 = arith.constant 2 : i32
      %add3A_63 = arith.addi %mul3A_61, %add3A_62 : i32
      %mul3A_64 = arith.constant 2048 : i32
      %mul3A_65 = arith.muli %add3A_63, %mul3A_64 : i32
      %dma_wait3A_66 = tpu.memref_slice %arg11[%mul3A_65] : memref<16384xf32, #tpu.memory_space<vmem>> -> memref<2048xf32, #tpu.memory_space<vmem>>
      %dma_wait3A_67 = arith.constant 0 : i32
      %dma_wait3A_68 = tpu.memref_slice %arg9[%add3A_63, %dma_wait3A_67] : memref<8x2048xi32, #tpu.memory_space<vmem>> -> memref<1x2048xi32, #tpu.memory_space<vmem>>
      %dma_wait3A_69 = tpu.memref_squeeze %dma_wait3A_68 : memref<1x2048xi32, #tpu.memory_space<vmem>> -> memref<2048xi32, #tpu.memory_space<vmem>>
      %dma_wait3A_70 = arith.constant 0 : i32
      %dma_wait3A_71 = tpu.memref_slice %arg4[%dma_wait3A_70] : memref<16777216xf32, #tpu.memory_space<hbm>> -> memref<16777216xf32, #tpu.memory_space<hbm>>
      tpu.wait_indirect_dma semaphore(%arg13 : memref<!tpu.dma_semaphore, #tpu.memory_space<semaphore_mem>>) src(%dma_wait3A_71 : memref<16777216xf32, #tpu.memory_space<hbm>>) dst(%dma_wait3A_66 : memref<2048xf32, #tpu.memory_space<vmem>>)
      %mul3A_72 = arith.constant 4 : i32
      %mul3A_73 = arith.muli %scan3A_36, %mul3A_72 : i32
      %add3A_74 = arith.constant 3 : i32
      %add3A_75 = arith.addi %mul3A_73, %add3A_74 : i32
      %mul3A_76 = arith.constant 2048 : i32
      %mul3A_77 = arith.muli %add3A_75, %mul3A_76 : i32
      %dma_wait3A_78 = tpu.memref_slice %arg11[%mul3A_77] : memref<16384xf32, #tpu.memory_space<vmem>> -> memref<2048xf32, #tpu.memory_space<vmem>>
      %dma_wait3A_79 = arith.constant 0 : i32
      %dma_wait3A_80 = tpu.memref_slice %arg9[%add3A_75, %dma_wait3A_79] : memref<8x2048xi32, #tpu.memory_space<vmem>> -> memref<1x2048xi32, #tpu.memory_space<vmem>>
      %dma_wait3A_81 = tpu.memref_squeeze %dma_wait3A_80 : memref<1x2048xi32, #tpu.memory_space<vmem>> -> memref<2048xi32, #tpu.memory_space<vmem>>
      %dma_wait3A_82 = arith.constant 0 : i32
      %dma_wait3A_83 = tpu.memref_slice %arg4[%dma_wait3A_82] : memref<16777216xf32, #tpu.memory_space<hbm>> -> memref<16777216xf32, #tpu.memory_space<hbm>>
      tpu.wait_indirect_dma semaphore(%arg13 : memref<!tpu.dma_semaphore, #tpu.memory_space<semaphore_mem>>) src(%dma_wait3A_83 : memref<16777216xf32, #tpu.memory_space<hbm>>) dst(%dma_wait3A_78 : memref<2048xf32, #tpu.memory_space<vmem>>)
    }
    %scan3A_29 = arith.constant 2 : i32
    %add3A_30 = arith.constant 7680 : i32
    %add3A_31 = arith.addi %mul3A_2, %add3A_30 : i32
    %mul3A_32 = arith.constant 16 : i32
    %mul3A_33 = arith.muli %add3A_31, %mul3A_32 : i32
    %mul3A_34 = arith.constant 2 : i32
    %mul3A_35 = arith.muli %mul3A_33, %mul3A_34 : i32
    "tpu.region"() ({
      %run_scoped3A = tpu.sem_alloc : memref<!tpu.dma_semaphore, #tpu.memory_space<semaphore_mem>>
      %dma_start3A = tpu.memref_slice %arg5[%mul3A_35] : memref<8388608xf32, #tpu.memory_space<hbm>> -> memref<16384xf32, #tpu.memory_space<hbm>>
      %dma_start3A_36 = tpu.memref_slice %arg5[%mul3A_35] : memref<8388608xf32, #tpu.memory_space<hbm>> -> memref<16384xf32, #tpu.memory_space<hbm>>
      tpu.enqueue_dma source(%arg11 : memref<16384xf32, #tpu.memory_space<vmem>>) target(%dma_start3A_36 : memref<16384xf32, #tpu.memory_space<hbm>>) target_semaphore(%run_scoped3A : memref<!tpu.dma_semaphore, #tpu.memory_space<semaphore_mem>>)
      %dma_wait3A = tpu.memref_slice %arg5[%mul3A_35] : memref<8388608xf32, #tpu.memory_space<hbm>> -> memref<16384xf32, #tpu.memory_space<hbm>>
      %dma_wait3A_37 = tpu.memref_slice %arg5[%mul3A_35] : memref<8388608xf32, #tpu.memory_space<hbm>> -> memref<16384xf32, #tpu.memory_space<hbm>>
      tpu.wait_dma2 semaphore(%run_scoped3A : memref<!tpu.dma_semaphore, #tpu.memory_space<semaphore_mem>>) src(%arg11 : memref<16384xf32, #tpu.memory_space<vmem>>) dst(%dma_wait3A_37 : memref<16384xf32, #tpu.memory_space<hbm>>)
      tpu.yield
    }) : () -> ()
    return
  }
}

module attributes {stable_mosaic.version = 14 : i64} {
  func.func @_mlp_body(%arg0: i32, %arg1: memref<512x128xf32, #tpu.memory_space<vmem>>, %arg2: memref<12x512xf32, #tpu.memory_space<vmem>>, %arg3: memref<128x256xf32, #tpu.memory_space<vmem>>, %arg4: memref<1x256xf32, #tpu.memory_space<vmem>>, %arg5: memref<256x64xf32, #tpu.memory_space<vmem>>, %arg6: memref<1x64xf32, #tpu.memory_space<vmem>>, %arg7: memref<64x256xf32, #tpu.memory_space<vmem>>, %arg8: memref<64x256xf32, #tpu.memory_space<vmem>>, %arg9: memref<1x256xf32, #tpu.memory_space<vmem>>, %arg10: memref<256x256xf32, #tpu.memory_space<vmem>>, %arg11: memref<1x256xf32, #tpu.memory_space<vmem>>, %arg12: memref<256x12xf32, #tpu.memory_space<vmem>>, %arg13: memref<1x12xf32, #tpu.memory_space<vmem>>, %arg14: memref<64x512xf32, #tpu.memory_space<vmem>>, %arg15: memref<12x512xf32, #tpu.memory_space<vmem>>) attributes {dimension_semantics = [#tpu.dimension_semantics<arbitrary>], iteration_bounds = array<i64: 128>, scalar_prefetch = 0 : i64, scratch_operands = 0 : i64, tpu.core_type = #tpu.core_type<tc>, window_params = [{transform_indices = @transform_0, window_bounds = array<i64: 512, 128>}, {transform_indices = @transform_1, window_bounds = array<i64: 12, 512>}, {pipeline_mode = #tpu.pipeline_mode<synchronous>, transform_indices = @transform_2, window_bounds = array<i64: 128, 256>}, {pipeline_mode = #tpu.pipeline_mode<synchronous>, transform_indices = @transform_3, window_bounds = array<i64: 1, 256>}, {pipeline_mode = #tpu.pipeline_mode<synchronous>, transform_indices = @transform_4, window_bounds = array<i64: 256, 64>}, {pipeline_mode = #tpu.pipeline_mode<synchronous>, transform_indices = @transform_5, window_bounds = array<i64: 1, 64>}, {pipeline_mode = #tpu.pipeline_mode<synchronous>, transform_indices = @transform_6, window_bounds = array<i64: 64, 256>}, {pipeline_mode = #tpu.pipeline_mode<synchronous>, transform_indices = @transform_7, window_bounds = array<i64: 64, 256>}, {pipeline_mode = #tpu.pipeline_mode<synchronous>, transform_indices = @transform_8, window_bounds = array<i64: 1, 256>}, {pipeline_mode = #tpu.pipeline_mode<synchronous>, transform_indices = @transform_9, window_bounds = array<i64: 256, 256>}, {pipeline_mode = #tpu.pipeline_mode<synchronous>, transform_indices = @transform_10, window_bounds = array<i64: 1, 256>}, {pipeline_mode = #tpu.pipeline_mode<synchronous>, transform_indices = @transform_11, window_bounds = array<i64: 256, 12>}, {pipeline_mode = #tpu.pipeline_mode<synchronous>, transform_indices = @transform_12, window_bounds = array<i64: 1, 12>}, {transform_indices = @transform_13, window_bounds = array<i64: 64, 512>}, {transform_indices = @transform_14, window_bounds = array<i64: 12, 512>}]} {
    %get3A = arith.constant 0 : index
    %get3A_0 = arith.constant 0 : index
    %get3A_1 = vector.load %arg1[%get3A, %get3A_0] : memref<512x128xf32, #tpu.memory_space<vmem>>, vector<512x128xf32>
    %get3A_2 = arith.constant 0 : index
    %get3A_3 = arith.constant 0 : index
    %get3A_4 = vector.load %arg3[%get3A_2, %get3A_3] : memref<128x256xf32, #tpu.memory_space<vmem>>, vector<128x256xf32>
    %dot_general3A = arith.constant dense<0.000000e+00> : vector<512x256xf32>
    %dot_general3A_5 = tpu.matmul %get3A_1, %get3A_4, %dot_general3A {dimension_numbers = #tpu.dot_dimension_numbers<[1], [0], [0], [1], [0, 0, 1, 1], [], []>, transpose_lhs_hint = false} : vector<512x128xf32>, vector<128x256xf32>, vector<512x256xf32> -> vector<512x256xf32>
    %get3A_6 = arith.constant 0 : index
    %get3A_7 = arith.constant 0 : index
    %get3A_8 = vector.load %arg4[%get3A_6, %get3A_7] : memref<1x256xf32, #tpu.memory_space<vmem>>, vector<1x256xf32>
    %add3A = vector.broadcast %get3A_8 : vector<1x256xf32> to vector<512x256xf32>
    %add3A_9 = arith.addf %dot_general3A_5, %add3A : vector<512x256xf32>
    %max3A = arith.constant 0.000000e+00 : f32
    %max3A_10 = vector.broadcast %max3A : f32 to vector<512x256xf32>
    %max3A_11 = arith.maximumf %add3A_9, %max3A_10 : vector<512x256xf32>
    %get3A_12 = arith.constant 0 : index
    %get3A_13 = arith.constant 0 : index
    %get3A_14 = vector.load %arg5[%get3A_12, %get3A_13] : memref<256x64xf32, #tpu.memory_space<vmem>>, vector<256x64xf32>
    %dot_general3A_15 = arith.constant dense<0.000000e+00> : vector<512x64xf32>
    %dot_general3A_16 = tpu.matmul %max3A_11, %get3A_14, %dot_general3A_15 {dimension_numbers = #tpu.dot_dimension_numbers<[1], [0], [0], [1], [0, 0, 1, 1], [], []>, transpose_lhs_hint = false} : vector<512x256xf32>, vector<256x64xf32>, vector<512x64xf32> -> vector<512x64xf32>
    %get3A_17 = arith.constant 0 : index
    %get3A_18 = arith.constant 0 : index
    %get3A_19 = vector.load %arg6[%get3A_17, %get3A_18] : memref<1x64xf32, #tpu.memory_space<vmem>>, vector<1x64xf32>
    %add3A_20 = vector.broadcast %get3A_19 : vector<1x64xf32> to vector<512x64xf32>
    %add3A_21 = arith.addf %dot_general3A_16, %add3A_20 : vector<512x64xf32>
    %transpose3A = tpu.transpose %add3A_21, [1, 0] : vector<512x64xf32> -> vector<64x512xf32>
    %swap3A = arith.constant 0 : index
    %swap3A_22 = arith.constant 0 : index
    %swap3A_23 = vector.load %arg14[%swap3A, %swap3A_22] : memref<64x512xf32, #tpu.memory_space<vmem>>, vector<64x512xf32>
    tpu.vector_store %arg14[%swap3A, %swap3A_22], %transpose3A {strides = array<i32>} : memref<64x512xf32, #tpu.memory_space<vmem>>, vector<64x512xf32>,
    %get3A_24 = arith.constant 0 : index
    %get3A_25 = arith.constant 0 : index
    %get3A_26 = vector.load %arg2[%get3A_24, %get3A_25] : memref<12x512xf32, #tpu.memory_space<vmem>>, vector<12x512xf32>
    %slice3A = vector.extract_strided_slice %get3A_26 {offsets = [0, 0], sizes = [1, 512], strides = [1, 1]} : vector<12x512xf32> to vector<1x512xf32>
    %slice3A_27 = vector.extract_strided_slice %get3A_26 {offsets = [1, 0], sizes = [1, 512], strides = [1, 1]} : vector<12x512xf32> to vector<1x512xf32>
    %slice3A_28 = vector.extract_strided_slice %get3A_26 {offsets = [2, 0], sizes = [1, 512], strides = [1, 1]} : vector<12x512xf32> to vector<1x512xf32>
    %mul3A = arith.mulf %slice3A, %slice3A : vector<1x512xf32>
    %mul3A_29 = arith.mulf %slice3A_27, %slice3A_27 : vector<1x512xf32>
    %mul3A_30 = arith.mulf %slice3A_28, %slice3A_28 : vector<1x512xf32>
    %broadcast_in_dim3A = arith.constant 1.000000e+00 : f32
    %broadcast_in_dim3A_31 = vector.broadcast %broadcast_in_dim3A : f32 to vector<1x512xf32>
    %mul3A_32 = arith.constant 0.282094806 : f32
    %mul3A_33 = vector.broadcast %mul3A_32 : f32 to vector<1x512xf32>
    %mul3A_34 = arith.mulf %mul3A_33, %broadcast_in_dim3A_31 : vector<1x512xf32>
    %mul3A_35 = arith.constant 0.488602519 : f32
    %mul3A_36 = vector.broadcast %mul3A_35 : f32 to vector<1x512xf32>
    %mul3A_37 = arith.mulf %mul3A_36, %slice3A_27 : vector<1x512xf32>
    %mul3A_38 = arith.constant 0.488602519 : f32
    %mul3A_39 = vector.broadcast %mul3A_38 : f32 to vector<1x512xf32>
    %mul3A_40 = arith.mulf %mul3A_39, %slice3A_28 : vector<1x512xf32>
    %mul3A_41 = arith.constant 0.488602519 : f32
    %mul3A_42 = vector.broadcast %mul3A_41 : f32 to vector<1x512xf32>
    %mul3A_43 = arith.mulf %mul3A_42, %slice3A : vector<1x512xf32>
    %mul3A_44 = arith.constant 1.09254849 : f32
    %mul3A_45 = vector.broadcast %mul3A_44 : f32 to vector<1x512xf32>
    %mul3A_46 = arith.mulf %mul3A_45, %slice3A : vector<1x512xf32>
    %mul3A_47 = arith.mulf %mul3A_46, %slice3A_27 : vector<1x512xf32>
    %mul3A_48 = arith.constant 1.09254849 : f32
    %mul3A_49 = vector.broadcast %mul3A_48 : f32 to vector<1x512xf32>
    %mul3A_50 = arith.mulf %mul3A_49, %slice3A_27 : vector<1x512xf32>
    %mul3A_51 = arith.mulf %mul3A_50, %slice3A_28 : vector<1x512xf32>
    %mul3A_52 = arith.constant 0.946174681 : f32
    %mul3A_53 = vector.broadcast %mul3A_52 : f32 to vector<1x512xf32>
    %mul3A_54 = arith.mulf %mul3A_53, %mul3A_30 : vector<1x512xf32>
    %sub3A = arith.constant 0.31539157 : f32
    %sub3A_55 = vector.broadcast %sub3A : f32 to vector<1x512xf32>
    %sub3A_56 = arith.subf %mul3A_54, %sub3A_55 : vector<1x512xf32>
    %mul3A_57 = arith.constant 1.09254849 : f32
    %mul3A_58 = vector.broadcast %mul3A_57 : f32 to vector<1x512xf32>
    %mul3A_59 = arith.mulf %mul3A_58, %slice3A : vector<1x512xf32>
    %mul3A_60 = arith.mulf %mul3A_59, %slice3A_28 : vector<1x512xf32>
    %sub3A_61 = arith.subf %mul3A, %mul3A_29 : vector<1x512xf32>
    %mul3A_62 = arith.constant 0.546274245 : f32
    %mul3A_63 = vector.broadcast %mul3A_62 : f32 to vector<1x512xf32>
    %mul3A_64 = arith.mulf %mul3A_63, %sub3A_61 : vector<1x512xf32>
    %mul3A_65 = arith.constant 0.590043604 : f32
    %mul3A_66 = vector.broadcast %mul3A_65 : f32 to vector<1x512xf32>
    %mul3A_67 = arith.mulf %mul3A_66, %slice3A_27 : vector<1x512xf32>
    %mul3A_68 = arith.constant 3.000000e+00 : f32
    %mul3A_69 = vector.broadcast %mul3A_68 : f32 to vector<1x512xf32>
    %mul3A_70 = arith.mulf %mul3A_69, %mul3A : vector<1x512xf32>
    %sub3A_71 = arith.subf %mul3A_70, %mul3A_29 : vector<1x512xf32>
    %mul3A_72 = arith.mulf %mul3A_67, %sub3A_71 : vector<1x512xf32>
    %mul3A_73 = arith.constant 2.89061141 : f32
    %mul3A_74 = vector.broadcast %mul3A_73 : f32 to vector<1x512xf32>
    %mul3A_75 = arith.mulf %mul3A_74, %slice3A : vector<1x512xf32>
    %mul3A_76 = arith.mulf %mul3A_75, %slice3A_27 : vector<1x512xf32>
    %mul3A_77 = arith.mulf %mul3A_76, %slice3A_28 : vector<1x512xf32>
    %mul3A_78 = arith.constant 0.457045794 : f32
    %mul3A_79 = vector.broadcast %mul3A_78 : f32 to vector<1x512xf32>
    %mul3A_80 = arith.mulf %mul3A_79, %slice3A_27 : vector<1x512xf32>
    %mul3A_81 = arith.constant 5.000000e+00 : f32
    %mul3A_82 = vector.broadcast %mul3A_81 : f32 to vector<1x512xf32>
    %mul3A_83 = arith.mulf %mul3A_82, %mul3A_30 : vector<1x512xf32>
    %sub3A_84 = arith.constant 1.000000e+00 : f32
    %sub3A_85 = vector.broadcast %sub3A_84 : f32 to vector<1x512xf32>
    %sub3A_86 = arith.subf %mul3A_83, %sub3A_85 : vector<1x512xf32>
    %mul3A_87 = arith.mulf %mul3A_80, %sub3A_86 : vector<1x512xf32>
    %mul3A_88 = arith.constant 0.373176336 : f32
    %mul3A_89 = vector.broadcast %mul3A_88 : f32 to vector<1x512xf32>
    %mul3A_90 = arith.mulf %mul3A_89, %slice3A_28 : vector<1x512xf32>
    %mul3A_91 = arith.constant 5.000000e+00 : f32
    %mul3A_92 = vector.broadcast %mul3A_91 : f32 to vector<1x512xf32>
    %mul3A_93 = arith.mulf %mul3A_92, %mul3A_30 : vector<1x512xf32>
    %sub3A_94 = arith.constant 3.000000e+00 : f32
    %sub3A_95 = vector.broadcast %sub3A_94 : f32 to vector<1x512xf32>
    %sub3A_96 = arith.subf %mul3A_93, %sub3A_95 : vector<1x512xf32>
    %mul3A_97 = arith.mulf %mul3A_90, %sub3A_96 : vector<1x512xf32>
    %mul3A_98 = arith.constant 0.457045794 : f32
    %mul3A_99 = vector.broadcast %mul3A_98 : f32 to vector<1x512xf32>
    %mul3A_100 = arith.mulf %mul3A_99, %slice3A : vector<1x512xf32>
    %mul3A_101 = arith.constant 5.000000e+00 : f32
    %mul3A_102 = vector.broadcast %mul3A_101 : f32 to vector<1x512xf32>
    %mul3A_103 = arith.mulf %mul3A_102, %mul3A_30 : vector<1x512xf32>
    %sub3A_104 = arith.constant 1.000000e+00 : f32
    %sub3A_105 = vector.broadcast %sub3A_104 : f32 to vector<1x512xf32>
    %sub3A_106 = arith.subf %mul3A_103, %sub3A_105 : vector<1x512xf32>
    %mul3A_107 = arith.mulf %mul3A_100, %sub3A_106 : vector<1x512xf32>
    %mul3A_108 = arith.constant 1.44530571 : f32
    %mul3A_109 = vector.broadcast %mul3A_108 : f32 to vector<1x512xf32>
    %mul3A_110 = arith.mulf %mul3A_109, %slice3A_28 : vector<1x512xf32>
    %sub3A_111 = arith.subf %mul3A, %mul3A_29 : vector<1x512xf32>
    %mul3A_112 = arith.mulf %mul3A_110, %sub3A_111 : vector<1x512xf32>
    %mul3A_113 = arith.constant 0.590043604 : f32
    %mul3A_114 = vector.broadcast %mul3A_113 : f32 to vector<1x512xf32>
    %mul3A_115 = arith.mulf %mul3A_114, %slice3A : vector<1x512xf32>
    %mul3A_116 = arith.constant 3.000000e+00 : f32
    %mul3A_117 = vector.broadcast %mul3A_116 : f32 to vector<1x512xf32>
    %mul3A_118 = arith.mulf %mul3A_117, %mul3A_29 : vector<1x512xf32>
    %sub3A_119 = arith.subf %mul3A, %mul3A_118 : vector<1x512xf32>
    %mul3A_120 = arith.mulf %mul3A_115, %sub3A_119 : vector<1x512xf32>
    %slice3A_121 = vector.extract_strided_slice %get3A_26 {offsets = [3, 0], sizes = [1, 512], strides = [1, 1]} : vector<12x512xf32> to vector<1x512xf32>
    %slice3A_122 = vector.extract_strided_slice %get3A_26 {offsets = [4, 0], sizes = [1, 512], strides = [1, 1]} : vector<12x512xf32> to vector<1x512xf32>
    %slice3A_123 = vector.extract_strided_slice %get3A_26 {offsets = [5, 0], sizes = [1, 512], strides = [1, 1]} : vector<12x512xf32> to vector<1x512xf32>
    %mul3A_124 = arith.mulf %slice3A_121, %slice3A_121 : vector<1x512xf32>
    %mul3A_125 = arith.mulf %slice3A_122, %slice3A_122 : vector<1x512xf32>
    %mul3A_126 = arith.mulf %slice3A_123, %slice3A_123 : vector<1x512xf32>
    %broadcast_in_dim3A_127 = arith.constant 1.000000e+00 : f32
    %broadcast_in_dim3A_128 = vector.broadcast %broadcast_in_dim3A_127 : f32 to vector<1x512xf32>
    %mul3A_129 = arith.constant 0.282094806 : f32
    %mul3A_130 = vector.broadcast %mul3A_129 : f32 to vector<1x512xf32>
    %mul3A_131 = arith.mulf %mul3A_130, %broadcast_in_dim3A_128 : vector<1x512xf32>
    %mul3A_132 = arith.constant 0.488602519 : f32
    %mul3A_133 = vector.broadcast %mul3A_132 : f32 to vector<1x512xf32>
    %mul3A_134 = arith.mulf %mul3A_133, %slice3A_122 : vector<1x512xf32>
    %mul3A_135 = arith.constant 0.488602519 : f32
    %mul3A_136 = vector.broadcast %mul3A_135 : f32 to vector<1x512xf32>
    %mul3A_137 = arith.mulf %mul3A_136, %slice3A_123 : vector<1x512xf32>
    %mul3A_138 = arith.constant 0.488602519 : f32
    %mul3A_139 = vector.broadcast %mul3A_138 : f32 to vector<1x512xf32>
    %mul3A_140 = arith.mulf %mul3A_139, %slice3A_121 : vector<1x512xf32>
    %mul3A_141 = arith.constant 1.09254849 : f32
    %mul3A_142 = vector.broadcast %mul3A_141 : f32 to vector<1x512xf32>
    %mul3A_143 = arith.mulf %mul3A_142, %slice3A_121 : vector<1x512xf32>
    %mul3A_144 = arith.mulf %mul3A_143, %slice3A_122 : vector<1x512xf32>
    %mul3A_145 = arith.constant 1.09254849 : f32
    %mul3A_146 = vector.broadcast %mul3A_145 : f32 to vector<1x512xf32>
    %mul3A_147 = arith.mulf %mul3A_146, %slice3A_122 : vector<1x512xf32>
    %mul3A_148 = arith.mulf %mul3A_147, %slice3A_123 : vector<1x512xf32>
    %mul3A_149 = arith.constant 0.946174681 : f32
    %mul3A_150 = vector.broadcast %mul3A_149 : f32 to vector<1x512xf32>
    %mul3A_151 = arith.mulf %mul3A_150, %mul3A_126 : vector<1x512xf32>
    %sub3A_152 = arith.constant 0.31539157 : f32
    %sub3A_153 = vector.broadcast %sub3A_152 : f32 to vector<1x512xf32>
    %sub3A_154 = arith.subf %mul3A_151, %sub3A_153 : vector<1x512xf32>
    %mul3A_155 = arith.constant 1.09254849 : f32
    %mul3A_156 = vector.broadcast %mul3A_155 : f32 to vector<1x512xf32>
    %mul3A_157 = arith.mulf %mul3A_156, %slice3A_121 : vector<1x512xf32>
    %mul3A_158 = arith.mulf %mul3A_157, %slice3A_123 : vector<1x512xf32>
    %sub3A_159 = arith.subf %mul3A_124, %mul3A_125 : vector<1x512xf32>
    %mul3A_160 = arith.constant 0.546274245 : f32
    %mul3A_161 = vector.broadcast %mul3A_160 : f32 to vector<1x512xf32>
    %mul3A_162 = arith.mulf %mul3A_161, %sub3A_159 : vector<1x512xf32>
    %mul3A_163 = arith.constant 0.590043604 : f32
    %mul3A_164 = vector.broadcast %mul3A_163 : f32 to vector<1x512xf32>
    %mul3A_165 = arith.mulf %mul3A_164, %slice3A_122 : vector<1x512xf32>
    %mul3A_166 = arith.constant 3.000000e+00 : f32
    %mul3A_167 = vector.broadcast %mul3A_166 : f32 to vector<1x512xf32>
    %mul3A_168 = arith.mulf %mul3A_167, %mul3A_124 : vector<1x512xf32>
    %sub3A_169 = arith.subf %mul3A_168, %mul3A_125 : vector<1x512xf32>
    %mul3A_170 = arith.mulf %mul3A_165, %sub3A_169 : vector<1x512xf32>
    %mul3A_171 = arith.constant 2.89061141 : f32
    %mul3A_172 = vector.broadcast %mul3A_171 : f32 to vector<1x512xf32>
    %mul3A_173 = arith.mulf %mul3A_172, %slice3A_121 : vector<1x512xf32>
    %mul3A_174 = arith.mulf %mul3A_173, %slice3A_122 : vector<1x512xf32>
    %mul3A_175 = arith.mulf %mul3A_174, %slice3A_123 : vector<1x512xf32>
    %mul3A_176 = arith.constant 0.457045794 : f32
    %mul3A_177 = vector.broadcast %mul3A_176 : f32 to vector<1x512xf32>
    %mul3A_178 = arith.mulf %mul3A_177, %slice3A_122 : vector<1x512xf32>
    %mul3A_179 = arith.constant 5.000000e+00 : f32
    %mul3A_180 = vector.broadcast %mul3A_179 : f32 to vector<1x512xf32>
    %mul3A_181 = arith.mulf %mul3A_180, %mul3A_126 : vector<1x512xf32>
    %sub3A_182 = arith.constant 1.000000e+00 : f32
    %sub3A_183 = vector.broadcast %sub3A_182 : f32 to vector<1x512xf32>
    %sub3A_184 = arith.subf %mul3A_181, %sub3A_183 : vector<1x512xf32>
    %mul3A_185 = arith.mulf %mul3A_178, %sub3A_184 : vector<1x512xf32>
    %mul3A_186 = arith.constant 0.373176336 : f32
    %mul3A_187 = vector.broadcast %mul3A_186 : f32 to vector<1x512xf32>
    %mul3A_188 = arith.mulf %mul3A_187, %slice3A_123 : vector<1x512xf32>
    %mul3A_189 = arith.constant 5.000000e+00 : f32
    %mul3A_190 = vector.broadcast %mul3A_189 : f32 to vector<1x512xf32>
    %mul3A_191 = arith.mulf %mul3A_190, %mul3A_126 : vector<1x512xf32>
    %sub3A_192 = arith.constant 3.000000e+00 : f32
    %sub3A_193 = vector.broadcast %sub3A_192 : f32 to vector<1x512xf32>
    %sub3A_194 = arith.subf %mul3A_191, %sub3A_193 : vector<1x512xf32>
    %mul3A_195 = arith.mulf %mul3A_188, %sub3A_194 : vector<1x512xf32>
    %mul3A_196 = arith.constant 0.457045794 : f32
    %mul3A_197 = vector.broadcast %mul3A_196 : f32 to vector<1x512xf32>
    %mul3A_198 = arith.mulf %mul3A_197, %slice3A_121 : vector<1x512xf32>
    %mul3A_199 = arith.constant 5.000000e+00 : f32
    %mul3A_200 = vector.broadcast %mul3A_199 : f32 to vector<1x512xf32>
    %mul3A_201 = arith.mulf %mul3A_200, %mul3A_126 : vector<1x512xf32>
    %sub3A_202 = arith.constant 1.000000e+00 : f32
    %sub3A_203 = vector.broadcast %sub3A_202 : f32 to vector<1x512xf32>
    %sub3A_204 = arith.subf %mul3A_201, %sub3A_203 : vector<1x512xf32>
    %mul3A_205 = arith.mulf %mul3A_198, %sub3A_204 : vector<1x512xf32>
    %mul3A_206 = arith.constant 1.44530571 : f32
    %mul3A_207 = vector.broadcast %mul3A_206 : f32 to vector<1x512xf32>
    %mul3A_208 = arith.mulf %mul3A_207, %slice3A_123 : vector<1x512xf32>
    %sub3A_209 = arith.subf %mul3A_124, %mul3A_125 : vector<1x512xf32>
    %mul3A_210 = arith.mulf %mul3A_208, %sub3A_209 : vector<1x512xf32>
    %mul3A_211 = arith.constant 0.590043604 : f32
    %mul3A_212 = vector.broadcast %mul3A_211 : f32 to vector<1x512xf32>
    %mul3A_213 = arith.mulf %mul3A_212, %slice3A_121 : vector<1x512xf32>
    %mul3A_214 = arith.constant 3.000000e+00 : f32
    %mul3A_215 = vector.broadcast %mul3A_214 : f32 to vector<1x512xf32>
    %mul3A_216 = arith.mulf %mul3A_215, %mul3A_125 : vector<1x512xf32>
    %sub3A_217 = arith.subf %mul3A_124, %mul3A_216 : vector<1x512xf32>
    %mul3A_218 = arith.mulf %mul3A_213, %sub3A_217 : vector<1x512xf32>
    %slice3A_219 = vector.extract_strided_slice %get3A_26 {offsets = [6, 0], sizes = [1, 512], strides = [1, 1]} : vector<12x512xf32> to vector<1x512xf32>
    %slice3A_220 = vector.extract_strided_slice %get3A_26 {offsets = [7, 0], sizes = [1, 512], strides = [1, 1]} : vector<12x512xf32> to vector<1x512xf32>
    %slice3A_221 = vector.extract_strided_slice %get3A_26 {offsets = [8, 0], sizes = [1, 512], strides = [1, 1]} : vector<12x512xf32> to vector<1x512xf32>
    %mul3A_222 = arith.mulf %slice3A_219, %slice3A_219 : vector<1x512xf32>
    %mul3A_223 = arith.mulf %slice3A_220, %slice3A_220 : vector<1x512xf32>
    %mul3A_224 = arith.mulf %slice3A_221, %slice3A_221 : vector<1x512xf32>
    %broadcast_in_dim3A_225 = arith.constant 1.000000e+00 : f32
    %broadcast_in_dim3A_226 = vector.broadcast %broadcast_in_dim3A_225 : f32 to vector<1x512xf32>
    %mul3A_227 = arith.constant 0.282094806 : f32
    %mul3A_228 = vector.broadcast %mul3A_227 : f32 to vector<1x512xf32>
    %mul3A_229 = arith.mulf %mul3A_228, %broadcast_in_dim3A_226 : vector<1x512xf32>
    %mul3A_230 = arith.constant 0.488602519 : f32
    %mul3A_231 = vector.broadcast %mul3A_230 : f32 to vector<1x512xf32>
    %mul3A_232 = arith.mulf %mul3A_231, %slice3A_220 : vector<1x512xf32>
    %mul3A_233 = arith.constant 0.488602519 : f32
    %mul3A_234 = vector.broadcast %mul3A_233 : f32 to vector<1x512xf32>
    %mul3A_235 = arith.mulf %mul3A_234, %slice3A_221 : vector<1x512xf32>
    %mul3A_236 = arith.constant 0.488602519 : f32
    %mul3A_237 = vector.broadcast %mul3A_236 : f32 to vector<1x512xf32>
    %mul3A_238 = arith.mulf %mul3A_237, %slice3A_219 : vector<1x512xf32>
    %mul3A_239 = arith.constant 1.09254849 : f32
    %mul3A_240 = vector.broadcast %mul3A_239 : f32 to vector<1x512xf32>
    %mul3A_241 = arith.mulf %mul3A_240, %slice3A_219 : vector<1x512xf32>
    %mul3A_242 = arith.mulf %mul3A_241, %slice3A_220 : vector<1x512xf32>
    %mul3A_243 = arith.constant 1.09254849 : f32
    %mul3A_244 = vector.broadcast %mul3A_243 : f32 to vector<1x512xf32>
    %mul3A_245 = arith.mulf %mul3A_244, %slice3A_220 : vector<1x512xf32>
    %mul3A_246 = arith.mulf %mul3A_245, %slice3A_221 : vector<1x512xf32>
    %mul3A_247 = arith.constant 0.946174681 : f32
    %mul3A_248 = vector.broadcast %mul3A_247 : f32 to vector<1x512xf32>
    %mul3A_249 = arith.mulf %mul3A_248, %mul3A_224 : vector<1x512xf32>
    %sub3A_250 = arith.constant 0.31539157 : f32
    %sub3A_251 = vector.broadcast %sub3A_250 : f32 to vector<1x512xf32>
    %sub3A_252 = arith.subf %mul3A_249, %sub3A_251 : vector<1x512xf32>
    %mul3A_253 = arith.constant 1.09254849 : f32
    %mul3A_254 = vector.broadcast %mul3A_253 : f32 to vector<1x512xf32>
    %mul3A_255 = arith.mulf %mul3A_254, %slice3A_219 : vector<1x512xf32>
    %mul3A_256 = arith.mulf %mul3A_255, %slice3A_221 : vector<1x512xf32>
    %sub3A_257 = arith.subf %mul3A_222, %mul3A_223 : vector<1x512xf32>
    %mul3A_258 = arith.constant 0.546274245 : f32
    %mul3A_259 = vector.broadcast %mul3A_258 : f32 to vector<1x512xf32>
    %mul3A_260 = arith.mulf %mul3A_259, %sub3A_257 : vector<1x512xf32>
    %mul3A_261 = arith.constant 0.590043604 : f32
    %mul3A_262 = vector.broadcast %mul3A_261 : f32 to vector<1x512xf32>
    %mul3A_263 = arith.mulf %mul3A_262, %slice3A_220 : vector<1x512xf32>
    %mul3A_264 = arith.constant 3.000000e+00 : f32
    %mul3A_265 = vector.broadcast %mul3A_264 : f32 to vector<1x512xf32>
    %mul3A_266 = arith.mulf %mul3A_265, %mul3A_222 : vector<1x512xf32>
    %sub3A_267 = arith.subf %mul3A_266, %mul3A_223 : vector<1x512xf32>
    %mul3A_268 = arith.mulf %mul3A_263, %sub3A_267 : vector<1x512xf32>
    %mul3A_269 = arith.constant 2.89061141 : f32
    %mul3A_270 = vector.broadcast %mul3A_269 : f32 to vector<1x512xf32>
    %mul3A_271 = arith.mulf %mul3A_270, %slice3A_219 : vector<1x512xf32>
    %mul3A_272 = arith.mulf %mul3A_271, %slice3A_220 : vector<1x512xf32>
    %mul3A_273 = arith.mulf %mul3A_272, %slice3A_221 : vector<1x512xf32>
    %mul3A_274 = arith.constant 0.457045794 : f32
    %mul3A_275 = vector.broadcast %mul3A_274 : f32 to vector<1x512xf32>
    %mul3A_276 = arith.mulf %mul3A_275, %slice3A_220 : vector<1x512xf32>
    %mul3A_277 = arith.constant 5.000000e+00 : f32
    %mul3A_278 = vector.broadcast %mul3A_277 : f32 to vector<1x512xf32>
    %mul3A_279 = arith.mulf %mul3A_278, %mul3A_224 : vector<1x512xf32>
    %sub3A_280 = arith.constant 1.000000e+00 : f32
    %sub3A_281 = vector.broadcast %sub3A_280 : f32 to vector<1x512xf32>
    %sub3A_282 = arith.subf %mul3A_279, %sub3A_281 : vector<1x512xf32>
    %mul3A_283 = arith.mulf %mul3A_276, %sub3A_282 : vector<1x512xf32>
    %mul3A_284 = arith.constant 0.373176336 : f32
    %mul3A_285 = vector.broadcast %mul3A_284 : f32 to vector<1x512xf32>
    %mul3A_286 = arith.mulf %mul3A_285, %slice3A_221 : vector<1x512xf32>
    %mul3A_287 = arith.constant 5.000000e+00 : f32
    %mul3A_288 = vector.broadcast %mul3A_287 : f32 to vector<1x512xf32>
    %mul3A_289 = arith.mulf %mul3A_288, %mul3A_224 : vector<1x512xf32>
    %sub3A_290 = arith.constant 3.000000e+00 : f32
    %sub3A_291 = vector.broadcast %sub3A_290 : f32 to vector<1x512xf32>
    %sub3A_292 = arith.subf %mul3A_289, %sub3A_291 : vector<1x512xf32>
    %mul3A_293 = arith.mulf %mul3A_286, %sub3A_292 : vector<1x512xf32>
    %mul3A_294 = arith.constant 0.457045794 : f32
    %mul3A_295 = vector.broadcast %mul3A_294 : f32 to vector<1x512xf32>
    %mul3A_296 = arith.mulf %mul3A_295, %slice3A_219 : vector<1x512xf32>
    %mul3A_297 = arith.constant 5.000000e+00 : f32
    %mul3A_298 = vector.broadcast %mul3A_297 : f32 to vector<1x512xf32>
    %mul3A_299 = arith.mulf %mul3A_298, %mul3A_224 : vector<1x512xf32>
    %sub3A_300 = arith.constant 1.000000e+00 : f32
    %sub3A_301 = vector.broadcast %sub3A_300 : f32 to vector<1x512xf32>
    %sub3A_302 = arith.subf %mul3A_299, %sub3A_301 : vector<1x512xf32>
    %mul3A_303 = arith.mulf %mul3A_296, %sub3A_302 : vector<1x512xf32>
    %mul3A_304 = arith.constant 1.44530571 : f32
    %mul3A_305 = vector.broadcast %mul3A_304 : f32 to vector<1x512xf32>
    %mul3A_306 = arith.mulf %mul3A_305, %slice3A_221 : vector<1x512xf32>
    %sub3A_307 = arith.subf %mul3A_222, %mul3A_223 : vector<1x512xf32>
    %mul3A_308 = arith.mulf %mul3A_306, %sub3A_307 : vector<1x512xf32>
    %mul3A_309 = arith.constant 0.590043604 : f32
    %mul3A_310 = vector.broadcast %mul3A_309 : f32 to vector<1x512xf32>
    %mul3A_311 = arith.mulf %mul3A_310, %slice3A_219 : vector<1x512xf32>
    %mul3A_312 = arith.constant 3.000000e+00 : f32
    %mul3A_313 = vector.broadcast %mul3A_312 : f32 to vector<1x512xf32>
    %mul3A_314 = arith.mulf %mul3A_313, %mul3A_223 : vector<1x512xf32>
    %sub3A_315 = arith.subf %mul3A_222, %mul3A_314 : vector<1x512xf32>
    %mul3A_316 = arith.mulf %mul3A_311, %sub3A_315 : vector<1x512xf32>
    %slice3A_317 = vector.extract_strided_slice %get3A_26 {offsets = [9, 0], sizes = [1, 512], strides = [1, 1]} : vector<12x512xf32> to vector<1x512xf32>
    %slice3A_318 = vector.extract_strided_slice %get3A_26 {offsets = [10, 0], sizes = [1, 512], strides = [1, 1]} : vector<12x512xf32> to vector<1x512xf32>
    %slice3A_319 = vector.extract_strided_slice %get3A_26 {offsets = [11, 0], sizes = [1, 512], strides = [1, 1]} : vector<12x512xf32> to vector<1x512xf32>
    %mul3A_320 = arith.mulf %slice3A_317, %slice3A_317 : vector<1x512xf32>
    %mul3A_321 = arith.mulf %slice3A_318, %slice3A_318 : vector<1x512xf32>
    %mul3A_322 = arith.mulf %slice3A_319, %slice3A_319 : vector<1x512xf32>
    %broadcast_in_dim3A_323 = arith.constant 1.000000e+00 : f32
    %broadcast_in_dim3A_324 = vector.broadcast %broadcast_in_dim3A_323 : f32 to vector<1x512xf32>
    %mul3A_325 = arith.constant 0.282094806 : f32
    %mul3A_326 = vector.broadcast %mul3A_325 : f32 to vector<1x512xf32>
    %mul3A_327 = arith.mulf %mul3A_326, %broadcast_in_dim3A_324 : vector<1x512xf32>
    %mul3A_328 = arith.constant 0.488602519 : f32
    %mul3A_329 = vector.broadcast %mul3A_328 : f32 to vector<1x512xf32>
    %mul3A_330 = arith.mulf %mul3A_329, %slice3A_318 : vector<1x512xf32>
    %mul3A_331 = arith.constant 0.488602519 : f32
    %mul3A_332 = vector.broadcast %mul3A_331 : f32 to vector<1x512xf32>
    %mul3A_333 = arith.mulf %mul3A_332, %slice3A_319 : vector<1x512xf32>
    %mul3A_334 = arith.constant 0.488602519 : f32
    %mul3A_335 = vector.broadcast %mul3A_334 : f32 to vector<1x512xf32>
    %mul3A_336 = arith.mulf %mul3A_335, %slice3A_317 : vector<1x512xf32>
    %mul3A_337 = arith.constant 1.09254849 : f32
    %mul3A_338 = vector.broadcast %mul3A_337 : f32 to vector<1x512xf32>
    %mul3A_339 = arith.mulf %mul3A_338, %slice3A_317 : vector<1x512xf32>
    %mul3A_340 = arith.mulf %mul3A_339, %slice3A_318 : vector<1x512xf32>
    %mul3A_341 = arith.constant 1.09254849 : f32
    %mul3A_342 = vector.broadcast %mul3A_341 : f32 to vector<1x512xf32>
    %mul3A_343 = arith.mulf %mul3A_342, %slice3A_318 : vector<1x512xf32>
    %mul3A_344 = arith.mulf %mul3A_343, %slice3A_319 : vector<1x512xf32>
    %mul3A_345 = arith.constant 0.946174681 : f32
    %mul3A_346 = vector.broadcast %mul3A_345 : f32 to vector<1x512xf32>
    %mul3A_347 = arith.mulf %mul3A_346, %mul3A_322 : vector<1x512xf32>
    %sub3A_348 = arith.constant 0.31539157 : f32
    %sub3A_349 = vector.broadcast %sub3A_348 : f32 to vector<1x512xf32>
    %sub3A_350 = arith.subf %mul3A_347, %sub3A_349 : vector<1x512xf32>
    %mul3A_351 = arith.constant 1.09254849 : f32
    %mul3A_352 = vector.broadcast %mul3A_351 : f32 to vector<1x512xf32>
    %mul3A_353 = arith.mulf %mul3A_352, %slice3A_317 : vector<1x512xf32>
    %mul3A_354 = arith.mulf %mul3A_353, %slice3A_319 : vector<1x512xf32>
    %sub3A_355 = arith.subf %mul3A_320, %mul3A_321 : vector<1x512xf32>
    %mul3A_356 = arith.constant 0.546274245 : f32
    %mul3A_357 = vector.broadcast %mul3A_356 : f32 to vector<1x512xf32>
    %mul3A_358 = arith.mulf %mul3A_357, %sub3A_355 : vector<1x512xf32>
    %mul3A_359 = arith.constant 0.590043604 : f32
    %mul3A_360 = vector.broadcast %mul3A_359 : f32 to vector<1x512xf32>
    %mul3A_361 = arith.mulf %mul3A_360, %slice3A_318 : vector<1x512xf32>
    %mul3A_362 = arith.constant 3.000000e+00 : f32
    %mul3A_363 = vector.broadcast %mul3A_362 : f32 to vector<1x512xf32>
    %mul3A_364 = arith.mulf %mul3A_363, %mul3A_320 : vector<1x512xf32>
    %sub3A_365 = arith.subf %mul3A_364, %mul3A_321 : vector<1x512xf32>
    %mul3A_366 = arith.mulf %mul3A_361, %sub3A_365 : vector<1x512xf32>
    %mul3A_367 = arith.constant 2.89061141 : f32
    %mul3A_368 = vector.broadcast %mul3A_367 : f32 to vector<1x512xf32>
    %mul3A_369 = arith.mulf %mul3A_368, %slice3A_317 : vector<1x512xf32>
    %mul3A_370 = arith.mulf %mul3A_369, %slice3A_318 : vector<1x512xf32>
    %mul3A_371 = arith.mulf %mul3A_370, %slice3A_319 : vector<1x512xf32>
    %mul3A_372 = arith.constant 0.457045794 : f32
    %mul3A_373 = vector.broadcast %mul3A_372 : f32 to vector<1x512xf32>
    %mul3A_374 = arith.mulf %mul3A_373, %slice3A_318 : vector<1x512xf32>
    %mul3A_375 = arith.constant 5.000000e+00 : f32
    %mul3A_376 = vector.broadcast %mul3A_375 : f32 to vector<1x512xf32>
    %mul3A_377 = arith.mulf %mul3A_376, %mul3A_322 : vector<1x512xf32>
    %sub3A_378 = arith.constant 1.000000e+00 : f32
    %sub3A_379 = vector.broadcast %sub3A_378 : f32 to vector<1x512xf32>
    %sub3A_380 = arith.subf %mul3A_377, %sub3A_379 : vector<1x512xf32>
    %mul3A_381 = arith.mulf %mul3A_374, %sub3A_380 : vector<1x512xf32>
    %mul3A_382 = arith.constant 0.373176336 : f32
    %mul3A_383 = vector.broadcast %mul3A_382 : f32 to vector<1x512xf32>
    %mul3A_384 = arith.mulf %mul3A_383, %slice3A_319 : vector<1x512xf32>
    %mul3A_385 = arith.constant 5.000000e+00 : f32
    %mul3A_386 = vector.broadcast %mul3A_385 : f32 to vector<1x512xf32>
    %mul3A_387 = arith.mulf %mul3A_386, %mul3A_322 : vector<1x512xf32>
    %sub3A_388 = arith.constant 3.000000e+00 : f32
    %sub3A_389 = vector.broadcast %sub3A_388 : f32 to vector<1x512xf32>
    %sub3A_390 = arith.subf %mul3A_387, %sub3A_389 : vector<1x512xf32>
    %mul3A_391 = arith.mulf %mul3A_384, %sub3A_390 : vector<1x512xf32>
    %mul3A_392 = arith.constant 0.457045794 : f32
    %mul3A_393 = vector.broadcast %mul3A_392 : f32 to vector<1x512xf32>
    %mul3A_394 = arith.mulf %mul3A_393, %slice3A_317 : vector<1x512xf32>
    %mul3A_395 = arith.constant 5.000000e+00 : f32
    %mul3A_396 = vector.broadcast %mul3A_395 : f32 to vector<1x512xf32>
    %mul3A_397 = arith.mulf %mul3A_396, %mul3A_322 : vector<1x512xf32>
    %sub3A_398 = arith.constant 1.000000e+00 : f32
    %sub3A_399 = vector.broadcast %sub3A_398 : f32 to vector<1x512xf32>
    %sub3A_400 = arith.subf %mul3A_397, %sub3A_399 : vector<1x512xf32>
    %mul3A_401 = arith.mulf %mul3A_394, %sub3A_400 : vector<1x512xf32>
    %mul3A_402 = arith.constant 1.44530571 : f32
    %mul3A_403 = vector.broadcast %mul3A_402 : f32 to vector<1x512xf32>
    %mul3A_404 = arith.mulf %mul3A_403, %slice3A_319 : vector<1x512xf32>
    %sub3A_405 = arith.subf %mul3A_320, %mul3A_321 : vector<1x512xf32>
    %mul3A_406 = arith.mulf %mul3A_404, %sub3A_405 : vector<1x512xf32>
    %mul3A_407 = arith.constant 0.590043604 : f32
    %mul3A_408 = vector.broadcast %mul3A_407 : f32 to vector<1x512xf32>
    %mul3A_409 = arith.mulf %mul3A_408, %slice3A_317 : vector<1x512xf32>
    %mul3A_410 = arith.constant 3.000000e+00 : f32
    %mul3A_411 = vector.broadcast %mul3A_410 : f32 to vector<1x512xf32>
    %mul3A_412 = arith.mulf %mul3A_411, %mul3A_321 : vector<1x512xf32>
    %sub3A_413 = arith.subf %mul3A_320, %mul3A_412 : vector<1x512xf32>
    %mul3A_414 = arith.mulf %mul3A_409, %sub3A_413 : vector<1x512xf32>
    %concatenate3A = tpu.concatenate %mul3A_34, %mul3A_37, %mul3A_40, %mul3A_43, %mul3A_47, %mul3A_51, %sub3A_56, %mul3A_60, %mul3A_64, %mul3A_72, %mul3A_77, %mul3A_87, %mul3A_97, %mul3A_107, %mul3A_112, %mul3A_120, %mul3A_131, %mul3A_134, %mul3A_137, %mul3A_140, %mul3A_144, %mul3A_148, %sub3A_154, %mul3A_158, %mul3A_162, %mul3A_170, %mul3A_175, %mul3A_185, %mul3A_195, %mul3A_205, %mul3A_210, %mul3A_218, %mul3A_229, %mul3A_232, %mul3A_235, %mul3A_238, %mul3A_242, %mul3A_246, %sub3A_252, %mul3A_256, %mul3A_260, %mul3A_268, %mul3A_273, %mul3A_283, %mul3A_293, %mul3A_303, %mul3A_308, %mul3A_316, %mul3A_327, %mul3A_330, %mul3A_333, %mul3A_336, %mul3A_340, %mul3A_344, %sub3A_350, %mul3A_354, %mul3A_358, %mul3A_366, %mul3A_371, %mul3A_381, %mul3A_391, %mul3A_401, %mul3A_406, %mul3A_414 in 0 : vector<1x512xf32>, vector<1x512xf32>, vector<1x512xf32>, vector<1x512xf32>, vector<1x512xf32>, vector<1x512xf32>, vector<1x512xf32>, vector<1x512xf32>, vector<1x512xf32>, vector<1x512xf32>, vector<1x512xf32>, vector<1x512xf32>, vector<1x512xf32>, vector<1x512xf32>, vector<1x512xf32>, vector<1x512xf32>, vector<1x512xf32>, vector<1x512xf32>, vector<1x512xf32>, vector<1x512xf32>, vector<1x512xf32>, vector<1x512xf32>, vector<1x512xf32>, vector<1x512xf32>, vector<1x512xf32>, vector<1x512xf32>, vector<1x512xf32>, vector<1x512xf32>, vector<1x512xf32>, vector<1x512xf32>, vector<1x512xf32>, vector<1x512xf32>, vector<1x512xf32>, vector<1x512xf32>, vector<1x512xf32>, vector<1x512xf32>, vector<1x512xf32>, vector<1x512xf32>, vector<1x512xf32>, vector<1x512xf32>, vector<1x512xf32>, vector<1x512xf32>, vector<1x512xf32>, vector<1x512xf32>, vector<1x512xf32>, vector<1x512xf32>, vector<1x512xf32>, vector<1x512xf32>, vector<1x512xf32>, vector<1x512xf32>, vector<1x512xf32>, vector<1x512xf32>, vector<1x512xf32>, vector<1x512xf32>, vector<1x512xf32>, vector<1x512xf32>, vector<1x512xf32>, vector<1x512xf32>, vector<1x512xf32>, vector<1x512xf32>, vector<1x512xf32>, vector<1x512xf32>, vector<1x512xf32>, vector<1x512xf32> -> vector<64x512xf32>
    %get3A_415 = arith.constant 0 : index
    %get3A_416 = arith.constant 0 : index
    %get3A_417 = vector.load %arg8[%get3A_415, %get3A_416] : memref<64x256xf32, #tpu.memory_space<vmem>>, vector<64x256xf32>
    %dot_general3A_418 = arith.constant dense<0.000000e+00> : vector<512x256xf32>
    %dot_general3A_419 = tpu.matmul %concatenate3A, %get3A_417, %dot_general3A_418 {dimension_numbers = #tpu.dot_dimension_numbers<[0], [0], [1], [1], [0, 1, 1, 1], [], []>, transpose_lhs_hint = false} : vector<64x512xf32>, vector<64x256xf32>, vector<512x256xf32> -> vector<512x256xf32>
    %get3A_420 = arith.constant 0 : index
    %get3A_421 = arith.constant 0 : index
    %get3A_422 = vector.load %arg7[%get3A_420, %get3A_421] : memref<64x256xf32, #tpu.memory_space<vmem>>, vector<64x256xf32>
    %dot_general3A_423 = arith.constant dense<0.000000e+00> : vector<512x256xf32>
    %dot_general3A_424 = tpu.matmul %add3A_21, %get3A_422, %dot_general3A_423 {dimension_numbers = #tpu.dot_dimension_numbers<[1], [0], [0], [1], [0, 0, 1, 1], [], []>, transpose_lhs_hint = false} : vector<512x64xf32>, vector<64x256xf32>, vector<512x256xf32> -> vector<512x256xf32>
    %add3A_425 = arith.addf %dot_general3A_424, %dot_general3A_419 : vector<512x256xf32>
    %get3A_426 = arith.constant 0 : index
    %get3A_427 = arith.constant 0 : index
    %get3A_428 = vector.load %arg9[%get3A_426, %get3A_427] : memref<1x256xf32, #tpu.memory_space<vmem>>, vector<1x256xf32>
    %add3A_429 = vector.broadcast %get3A_428 : vector<1x256xf32> to vector<512x256xf32>
    %add3A_430 = arith.addf %add3A_425, %add3A_429 : vector<512x256xf32>
    %max3A_431 = arith.constant 0.000000e+00 : f32
    %max3A_432 = vector.broadcast %max3A_431 : f32 to vector<512x256xf32>
    %max3A_433 = arith.maximumf %add3A_430, %max3A_432 : vector<512x256xf32>
    %get3A_434 = arith.constant 0 : index
    %get3A_435 = arith.constant 0 : index
    %get3A_436 = vector.load %arg10[%get3A_434, %get3A_435] : memref<256x256xf32, #tpu.memory_space<vmem>>, vector<256x256xf32>
    %dot_general3A_437 = arith.constant dense<0.000000e+00> : vector<512x256xf32>
    %dot_general3A_438 = tpu.matmul %max3A_433, %get3A_436, %dot_general3A_437 {dimension_numbers = #tpu.dot_dimension_numbers<[1], [0], [0], [1], [0, 0, 1, 1], [], []>, transpose_lhs_hint = false} : vector<512x256xf32>, vector<256x256xf32>, vector<512x256xf32> -> vector<512x256xf32>
    %get3A_439 = arith.constant 0 : index
    %get3A_440 = arith.constant 0 : index
    %get3A_441 = vector.load %arg11[%get3A_439, %get3A_440] : memref<1x256xf32, #tpu.memory_space<vmem>>, vector<1x256xf32>
    %add3A_442 = vector.broadcast %get3A_441 : vector<1x256xf32> to vector<512x256xf32>
    %add3A_443 = arith.addf %dot_general3A_438, %add3A_442 : vector<512x256xf32>
    %max3A_444 = arith.constant 0.000000e+00 : f32
    %max3A_445 = vector.broadcast %max3A_444 : f32 to vector<512x256xf32>
    %max3A_446 = arith.maximumf %add3A_443, %max3A_445 : vector<512x256xf32>
    %get3A_447 = arith.constant 0 : index
    %get3A_448 = arith.constant 0 : index
    %get3A_449 = vector.load %arg12[%get3A_447, %get3A_448] : memref<256x12xf32, #tpu.memory_space<vmem>>, vector<256x12xf32>
    %dot_general3A_450 = arith.constant dense<0.000000e+00> : vector<512x12xf32>
    %dot_general3A_451 = tpu.matmul %max3A_446, %get3A_449, %dot_general3A_450 {dimension_numbers = #tpu.dot_dimension_numbers<[1], [0], [0], [1], [0, 0, 1, 1], [], []>, transpose_lhs_hint = false} : vector<512x256xf32>, vector<256x12xf32>, vector<512x12xf32> -> vector<512x12xf32>
    %get3A_452 = arith.constant 0 : index
    %get3A_453 = arith.constant 0 : index
    %get3A_454 = vector.load %arg13[%get3A_452, %get3A_453] : memref<1x12xf32, #tpu.memory_space<vmem>>, vector<1x12xf32>
    %add3A_455 = vector.broadcast %get3A_454 : vector<1x12xf32> to vector<512x12xf32>
    %add3A_456 = arith.addf %dot_general3A_451, %add3A_455 : vector<512x12xf32>
    %logistic3A = arith.negf %add3A_456 : vector<512x12xf32>
    %logistic3A_457 = math.exp %logistic3A : vector<512x12xf32>
    %logistic3A_458 = arith.constant 1.000000e+00 : f32
    %logistic3A_459 = vector.broadcast %logistic3A_458 : f32 to vector<512x12xf32>
    %logistic3A_460 = arith.addf %logistic3A_459, %logistic3A_457 : vector<512x12xf32>
    %logistic3A_461 = arith.divf %logistic3A_459, %logistic3A_460 : vector<512x12xf32>
    %transpose3A_462 = tpu.transpose %logistic3A_461, [1, 0] : vector<512x12xf32> -> vector<12x512xf32>
    %swap3A_463 = arith.constant 0 : index
    %swap3A_464 = arith.constant 0 : index
    %swap3A_465 = vector.load %arg15[%swap3A_463, %swap3A_464] : memref<12x512xf32, #tpu.memory_space<vmem>>, vector<12x512xf32>
    tpu.vector_store %arg15[%swap3A_463, %swap3A_464], %transpose3A_462 {strides = array<i32>} : memref<12x512xf32, #tpu.memory_space<vmem>>, vector<12x512xf32>,
    return
  }
  func.func @transform_0(%arg0: i32) -> (i32, i32) {
    %c0_i32 = arith.constant 0 : i32
    %c0_i32_0 = arith.constant 0 : i32
    return %arg0, %c0_i32 : i32, i32
  }
  func.func @transform_1(%arg0: i32) -> (i32, i32) {
    %c0_i32 = arith.constant 0 : i32
    %c0_i32_0 = arith.constant 0 : i32
    return %c0_i32, %arg0 : i32, i32
  }
  func.func @transform_2(%arg0: i32) -> (i32, i32) {
    %c0_i32 = arith.constant 0 : i32
    %c0_i32_0 = arith.constant 0 : i32
    %c0_i32_1 = arith.constant 0 : i32
    return %c0_i32, %c0_i32_0 : i32, i32
  }
  func.func @transform_3(%arg0: i32) -> (i32, i32) {
    %c0_i32 = arith.constant 0 : i32
    %c0_i32_0 = arith.constant 0 : i32
    %c0_i32_1 = arith.constant 0 : i32
    return %c0_i32, %c0_i32_0 : i32, i32
  }
  func.func @transform_4(%arg0: i32) -> (i32, i32) {
    %c0_i32 = arith.constant 0 : i32
    %c0_i32_0 = arith.constant 0 : i32
    %c0_i32_1 = arith.constant 0 : i32
    return %c0_i32, %c0_i32_0 : i32, i32
  }
  func.func @transform_5(%arg0: i32) -> (i32, i32) {
    %c0_i32 = arith.constant 0 : i32
    %c0_i32_0 = arith.constant 0 : i32
    %c0_i32_1 = arith.constant 0 : i32
    return %c0_i32, %c0_i32_0 : i32, i32
  }
  func.func @transform_6(%arg0: i32) -> (i32, i32) {
    %c0_i32 = arith.constant 0 : i32
    %c0_i32_0 = arith.constant 0 : i32
    %c0_i32_1 = arith.constant 0 : i32
    return %c0_i32, %c0_i32_0 : i32, i32
  }
  func.func @transform_7(%arg0: i32) -> (i32, i32) {
    %c0_i32 = arith.constant 0 : i32
    %c0_i32_0 = arith.constant 0 : i32
    %c0_i32_1 = arith.constant 0 : i32
    return %c0_i32, %c0_i32_0 : i32, i32
  }
  func.func @transform_8(%arg0: i32) -> (i32, i32) {
    %c0_i32 = arith.constant 0 : i32
    %c0_i32_0 = arith.constant 0 : i32
    %c0_i32_1 = arith.constant 0 : i32
    return %c0_i32, %c0_i32_0 : i32, i32
  }
  func.func @transform_9(%arg0: i32) -> (i32, i32) {
    %c0_i32 = arith.constant 0 : i32
    %c0_i32_0 = arith.constant 0 : i32
    %c0_i32_1 = arith.constant 0 : i32
    return %c0_i32, %c0_i32_0 : i32, i32
  }
  func.func @transform_10(%arg0: i32) -> (i32, i32) {
    %c0_i32 = arith.constant 0 : i32
    %c0_i32_0 = arith.constant 0 : i32
    %c0_i32_1 = arith.constant 0 : i32
    return %c0_i32, %c0_i32_0 : i32, i32
  }
  func.func @transform_11(%arg0: i32) -> (i32, i32) {
    %c0_i32 = arith.constant 0 : i32
    %c0_i32_0 = arith.constant 0 : i32
    %c0_i32_1 = arith.constant 0 : i32
    return %c0_i32, %c0_i32_0 : i32, i32
  }
  func.func @transform_12(%arg0: i32) -> (i32, i32) {
    %c0_i32 = arith.constant 0 : i32
    %c0_i32_0 = arith.constant 0 : i32
    %c0_i32_1 = arith.constant 0 : i32
    return %c0_i32, %c0_i32_0 : i32, i32
  }
  func.func @transform_13(%arg0: i32) -> (i32, i32) {
    %c0_i32 = arith.constant 0 : i32
    %c0_i32_0 = arith.constant 0 : i32
    return %c0_i32, %arg0 : i32, i32
  }
  func.func @transform_14(%arg0: i32) -> (i32, i32) {
    %c0_i32 = arith.constant 0 : i32
    %c0_i32_0 = arith.constant 0 : i32
    return %c0_i32, %arg0 : i32, i32
  }
}

</mosaic_0001>

<sc_bundles>
// kernel: kernel.4.cloned.1.call-start
scs
__scs_entry_jumppad:
0x0: {  	(pc) =	sbr.rel $0x88, $3  }
0x1: {  	(tag) =	ssettag $0x0;
	lr =	simm.s32 $0x1  }
0x2: {  	[smem:$0x3F94] =	sst lr;
	_ =	strace $0xD0000000  }
0x3: {  	_ = 	snop  }
0x4: {  	_ = 	snop  }
0x5: {  	_ = 	snop  }
0x6: {  	_ = 	snop  }
0x7: {  	_ = 	snop  }
__scs_overlays_trampoline_lowered:
0x8: {  	[smem:$0x3FA3] =	sst s0  }
0x9: {  	[smem:$0x3FA4] =	sst s1  }
0xa: {  	[smem:$0x3FA5] =	sst s2  }
0xb: {  	[smem:$0x3FA6] =	sst s3  }
0xc: {  	[smem:$0x3FA7] =	sst s4  }
0xd: {  	[smem:$0x3FA8] =	sst s5  }
0xe: {  	[smem:$0x3FA9] =	sst s6  }
0xf: {  	[smem:$0x3FAA] =	sst s7  }
0x10: {  	[smem:$0x3FAB] =	sst s8  }
0x11: {  	[smem:$0x3FAC] =	sst s9;
	s0 =	simm.s32 @!p0 $0x0  }
0x12: {  	s1 =	sld [smem:$0x3F92];
	s0 =	simm.s32 @p0 $0x1  }
0x13: {  	[smem:$0x3FAD] =	sst s0;
	s0 =	simm.s32 @!p1 $0x0  }
0x14: {  	s2 =	sld [smem:$0x3F91];
	s0 =	simm.s32 @p1 $0x1  }
0x15: {  	[smem:$0x3FAE] =	sst s0;
	s0 =	simm.s32 @!p2 $0x0  }
0x16: {  	s3 =	sld [smem:$0x3FDB];
	s0 =	simm.s32 @p2 $0x1  }
0x17: {  	s4 =	simm.s32 $0x1BF5;
	[smem:$0x3FB0] =	sst s0  }
0x18: {  	s0 =	sld [smem:$0x3F93];
	_ =	swait.ge [sflag:s4], $0x0  }
0x19: {  	s7 =	sld [smem:$0x3F94]  }
0x1a: {  	s8 =	sadd.s32 $0xFFFFE003, lr  }
0x1b: {  	s9 =	sadd.s32 $0xFFFFFEF7, lr;
	s5 =	simm.s32 $0xFFFFFFFF;
	p2 =	slt.u32 s8, $0xFFFFF086  }
0x1c: {  	p1 =	slt.u32 s9, $0xF7A;
	s5 =	simm.s32 @!p2 $0x0  }
0x1d: {  	s5 =	simm.s32 @p1 $0x1;
	p0 =	seq.s32 s7, s2  }
0x1e: {  	s7 =	smul.u32 @!p0 $0xF7A, s2;
	p2 =	seq.s32 @!p0 s5, $0x0  }
0x1f: {  	s9 =	smul.u32 $0xF7A, s1;
	s8 =	simm.s32 @!p0 $0x1BF5;
	p2 =	por !p2, p0  }
0x20: {  	[sflag:s8] =	ssyncset.s32 @!p0 $0xFFFFF086;
	s6 =	sadd.s32 @!p0 s3, s7;
	s7 =	simm.s32 @!p0 $0x108  }
0x21: {  	s3 =	sadd.s32 s3, s9;
	s6 =	sadd.s32 @!p0 $0x88, s6;
	s7 =	simm.s32 @p2 $0x1082  }
0x22: {  	[simem:s7], [sflag:s8] =	dma.local @!p0 [hbm:s6], $0xF7A  }
0x23: {  	s9 =	sor.u32 $0xD0000000, s2;
	s6 =	simm.s32 $0x108;
	_ =	swait.ge @!p0 [sflag:s8], $0x0  }
0x24: {  	s3 =	sadd.s32 $0x88, s3;
	s6 =	simm.s32 @!p1 $0x1082;
	[sflag:s4] =	ssyncset.s32 $0xFFFFF086  }
0x25: {  	[simem:s6], [sflag:s4] =	dma.local [hbm:s3], $0xF7A  }
0x26: {  	[smem:$0x3F94] =	sst s1;
	(tag) =	ssettag s2;
	_ =	strace s9  }
0x27: {  	s1 =	sld [smem:$0x3FA4]  }
0x28: {  	s2 =	sld [smem:$0x3FA5]  }
0x29: {  	s4 =	sld [smem:$0x3FA7]  }
0x2a: {  	p0 =	seq.s32 s5, $0x0;
	s5 =	sld [smem:$0x3FA8]  }
0x2b: {  	s6 =	sld [smem:$0x3FA9]  }
0x2c: {  	s7 =	sld [smem:$0x3FAA]  }
0x2d: {  	s3 =	simm.s32 $0x108;
	s8 =	sld [smem:$0x3FAB]  }
0x2e: {  	s3 =	simm.s32 @!p0 $0x1082;
	s9 =	sld [smem:$0x3FAC]  }
0x2f: {  	lr =	sadd.s32 s0, s3;
	s0 =	sld [smem:$0x3FA3]  }
0x30: {  	s3 =	sld [smem:$0x3FA6]  }
0x31: {  	[smem:$0x3FAF] =	sst s10  }
0x32: {  	s10 =	sld [smem:$0x3FAD];
	_ =	sdelay $0x3  }
0x33: {  	p0 =	seq.s32 s10, $0x1;
	s10 =	sld [smem:$0x3FAF];
	_ =	sdelay $0x3  }
0x34: {  	[smem:$0x3FAF] =	sst s10  }
0x35: {  	s10 =	sld [smem:$0x3FAE];
	_ =	sdelay $0x3  }
0x36: {  	p1 =	seq.s32 s10, $0x1;
	s10 =	sld [smem:$0x3FAF];
	_ =	sdelay $0x3  }
0x37: {  	[smem:$0x3FAF] =	sst s10  }
0x38: {  	s10 =	sld [smem:$0x3FB0]  }
0x39: {  	_ = 	snop;
	(pc) =	sbr.ind lr, $3  }
0x3a: {  	_ = 	snop  }
0x3b: {  	_ = 	snop  }
0x3c: {  	p2 =	seq.s32 s10, $0x1;
	s10 =	sld [smem:$0x3FAF]  }
0x3d: {  	_ =	shalt  }
0x3e: {  	_ =	shalt  }
0x3f: {  	_ =	shalt  }
0x40: {  	_ =	shalt  }
0x41: {  	_ =	shalt  }
0x42: {  	_ =	shalt  }
0x43: {  	_ =	shalt  }
0x44: {  	_ =	shalt  }
0x45: {  	_ =	shalt  }
0x46: {  	_ =	shalt  }
0x47: {  	_ =	shalt  }
0x48: {  	_ =	shalt  }
0x49: {  	_ =	shalt  }
0x4a: {  	_ =	shalt  }
0x4b: {  	_ =	shalt  }
0x4c: {  	_ =	shalt  }
0x4d: {  	_ =	shalt  }
0x4e: {  	_ =	shalt  }
0x4f: {  	_ =	shalt  }
0x50: {  	_ =	shalt  }
0x51: {  	_ =	shalt  }
0x52: {  	_ =	shalt  }
0x53: {  	_ =	shalt  }
0x54: {  	_ =	shalt  }
0x55: {  	_ =	shalt  }
0x56: {  	_ =	shalt  }
0x57: {  	_ =	shalt  }
0x58: {  	_ =	shalt  }
0x59: {  	_ =	shalt  }
0x5a: {  	_ =	shalt  }
0x5b: {  	_ =	shalt  }
0x5c: {  	_ =	shalt  }
0x5d: {  	_ =	shalt  }
0x5e: {  	_ =	shalt  }
0x5f: {  	_ =	shalt  }
0x60: {  	_ =	shalt  }
0x61: {  	_ =	shalt  }
0x62: {  	_ =	shalt  }
0x63: {  	_ =	shalt  }
0x64: {  	_ =	shalt  }
0x65: {  	_ =	shalt  }
0x66: {  	_ =	shalt  }
0x67: {  	_ =	shalt  }
0x68: {  	_ =	shalt  }
0x69: {  	_ =	shalt  }
0x6a: {  	_ =	shalt  }
0x6b: {  	_ =	shalt  }
0x6c: {  	_ =	shalt  }
0x6d: {  	_ =	shalt  }
0x6e: {  	_ =	shalt  }
0x6f: {  	_ =	shalt  }
0x70: {  	_ =	shalt  }
0x71: {  	_ =	shalt  }
0x72: {  	_ =	shalt  }
0x73: {  	_ =	shalt  }
0x74: {  	_ =	shalt  }
0x75: {  	_ =	shalt  }
0x76: {  	_ =	shalt  }
0x77: {  	_ =	shalt  }
0x78: {  	_ =	shalt  }
0x79: {  	_ =	shalt  }
0x7a: {  	_ =	shalt  }
0x7b: {  	_ =	shalt  }
0x7c: {  	_ =	shalt  }
0x7d: {  	_ =	shalt  }
0x7e: {  	_ =	shalt  }
0x7f: {  	_ =	shalt  }
0x80: {  	_ =	shalt  }
0x81: {  	_ =	shalt  }
0x82: {  	_ =	shalt  }
0x83: {  	_ =	shalt  }
0x84: {  	_ =	shalt  }
0x85: {  	_ =	shalt  }
0x86: {  	_ =	shalt  }
0x87: {  	_ =	shalt  }
.Lfunc_end0:
.L_simem_size_0:
called_computation_lowered:
.L_overlay_start_0:
0x88: {  	s2 =	sld [smem:$0x3FD9]  }
0x89: {  	s3 =	sld [smem:$0x3FFE];
	_ =	sdelay $0x1  }
0x8a: {  	s1 =	srdreg.scid  }
0x8b: {  	s0 =	sand.u32 $0x1, s1  }
0x8c: {  	s14 =	sshll.u32 s0, $0xA;
	s2 =	sadd.s32 s3, s2  }
0x8d: {  	s2 =	sadd.s32 s2, s14  }
0x8e: {  	[smem:$0x3FBB] =	sst s2  }
0x8f: {  	_ = 	snop  }
0x90: {  	s2 =	sld [smem:$0x3FD0];
	_ =	sdelay $0x2  }
0x91: {  	s4 =	simm.s32 $0xA;
	s5 =	simm.s32 $0x10;
	s15 =	sld [smem:$0x3FC7]  }
0x92: {  	[smem:s5], [sflag:s4] =	dma.local [hbm:s2], $0x1  }
0x93: {  	_ =	swait.eq [sflag:s4], $0x1  }
0x94: {  	[sflag:s4] =	ssyncset.done $0x0  }
0x95: {  	s16 =	sld [smem:$0x10];
	[sflag:s4] =	ssyncadd.s32 $0xFFFFFFFF  }
0x96: {  	s17 =	sld [smem:$0x11];
	(tm) =	ssettm $0x1  }
0x97: {  	s18 =	sld [smem:$0x3FFB];
	_ =	sdelay $0x3  }
0x98: {  	_ =	strace s18  }
0x99: {  	s5 =	sld [smem:$0x3FFC];
	_ =	sdelay $0x3  }
0x9a: {  	_ =	strace s5  }
0x9b: {  	s5 =	sld [smem:$0x3FFD];
	_ =	sdelay $0x3  }
0x9c: {  	_ =	strace s5  }
0x9d: {  	_ =	strace $0x8FFFFFFF  }
0x9e: {  	s19 =	sld [smem:$0x3FDB];
	_ =	sdelay $0x1  }
0x9f: {  	s6 =	simm.s32 $_scs_section_size  }
0xa0: {  	s7 =	simm.s32 $_size__tile_overlayer_lowered;
	s8 =	simm.s32 $_tile_overlayer_lowered  }
0xa1: {  	s22 =	simm.s32 $0x1BFF;
	s21 =	sshll.u32 s8, $0x1;
	s5 =	sadd.s32 s6, s19  }
0xa2: {  	s9 =	simm.s32 $0x0;
	s20 =	sshll.u32 s7, $0x1;
	s7 =	sadd.s32 s21, s5  }
0xa3: {  	[timem:s9], [sflag:s22] =	dma.local [hbm:s7], s20  }
0xa4: {  	_ =	swait.ge [sflag:s22], s20  }
0xa5: {  	s6 =	ssub.s32 $0x0, s20;
	[sflag:s22] =	ssyncset.done $0x0  }
0xa6: {  	[sflag:s22] =	ssyncadd.s32 s6;
	_ =	sdelay $0x1  }
0xa7: {  	s23 =	simm.s32 $0x1B8B  }
0xa8: {  	_ =	swait.ge [sflag:s23], $0x1  }
0xa9: {  	[sflag:s23] =	ssyncset.done $0x0  }
0xaa: {  	s25 =	simm.s32 $0x1B8E;
	s24 =	sld [smem:$0x3FFE];
	[sflag:s23] =	ssyncadd.s32 $0xFFFFFFFF  }
0xab: {  	s26 =	simm.s32 $execute0_lowered;
	[smem:$0x3FD2] =	sst s25  }
0xac: {  	s7 =	sshll.u32 s26, $0x1;
	_ =	strace $0x80000046;
	[dreg:$0x1] =	wrdreg $0xFFFFFFFF  }
0xad: {  	s28 =	simm.s32 $_size_execute0_lowered;
	s5 =	sadd.s32 s5, s7;
	[dreg:$0x0] =	wrdreg $0x0  }
0xae: {  	s7 =	sshll.u32 s28, $0x1;
	[dreg:$0x2] =	wrdreg s5  }
0xaf: {  	[dreg:$0x3] =	wrdreg s7  }
0xb0: {  	[dreg:$0x4] =	wrdreg $0xC0  }
0xb1: {  	_ =	task [dreg:s9], $0x5FFFF  }
0xb2: {  	[dreg:$0x1] =	wrdreg $0xFFFFFFFF  }
0xb3: {  	[dreg:$0x0] =	wrdreg $0x60  }
0xb4: {  	[dreg:$0x2] =	wrdreg s17  }
0xb5: {  	[dreg:$0x3] =	wrdreg s16  }
0xb6: {  	[dreg:$0x4] =	wrdreg s15  }
0xb7: {  	[dreg:$0x5] =	wrdreg s24  }
0xb8: {  	[dreg:$0x6] =	wrdreg $0x9  }
0xb9: {  	_ =	task.clear_ibuf [dreg:s9], $0x7FFFF;
	_ =	strace $0x90000046  }
0xba: {  	s29 =	simm.s32 $0x9;
	_ =	strace $0x80000048  }
0xbb: {  	_ =	swait.ge [sflag:s29], $0x1  }
0xbc: {  	[sflag:s29] =	ssyncadd.s32 $0xFFFFFFFF  }
0xbd: {  	_ =	strace $0x90000048  }
0xbe: {  	_ =	sfence  }
0xbf: {  	s30 =	sld [smem:$0x0];
	_ =	sdelay $0x2  }
0xc0: {  	s31 =	sshll.u32 s1, $0xD;
	s1 =	sshrl.u32 s1, $0x2  }
0xc1: {  	s3 =	sand.u32 $0x4000, s31;
	s1 =	sadd.s32 s1, s30  }
0xc2: {  	s0 =	sor.u32 s3, s0;
	s1 =	sshll.u32 s1, $0x11  }
0xc3: {  	s0 =	sor.u32 s1, s0  }
0xc4: {  	s0 =	sadd.s32 $0x8F2B, s0  }
0xc5: {  	[sflag:s0] =	ssyncadd.remote.s32 $0x1  }
0xc6: {  	_ =	sfence.sel $0xFFFF  }
0xc7: {  	[dreg:$0x0] =	wrdreg $0xFFFFFFFF;
	(pc) =	sbr.abs _section_cstart, $3  }
0xc8: {  	[dreg:$0x1] =	wrdreg $0xFFFFFFFF  }
0xc9: {  	_ =	task.clear_ibuf [dreg:s9], $0x2FFFF;
	_ =	strace $0x9FFFFFFF  }
0xca: {  	(tm) =	ssettm $0x7FFFFFFF  }
0xcb: {  	_ =	shalt  }
tec
execute0_lowered:
.L_overlay_start_1:
0x0: {  	(tag) =	ssettag $0x1  }
0x1: {  	s1 =	rddreg [dreg:$0x0]  }
0x2: {  	s4 =	rddreg [dreg:$0x2]  }
0x3: {  	s0 =	rddreg [dreg:$0x3];
	v0 =	vimm.s32 $0x52741630  }
0x4: {  	s2 =	srdreg.scid;
	s3 =	stileid.u32;
	v2 =	vlaneseq.u32;
	v3 =	vimm.s32 $0x63052741;
	v1 =	vunpack.c.l.s4.s8 v0  }
0x5: {  	s5 =	simm.s32 $0x0;
	s13 =	simm.s32 $0x3;
	s14 =	simm.s32 $0x700;
	v0 =	vmul.u32 $0x3, v2;
	v4 =	vunpack.c.l.s4.s8 v3;
	v3 =	vimm.s32 $0x74163052  }
0x6: {  	s15 =	simm.s32 $0x800;
	s16 =	simm.s32 $0x8700;
	v7 =	vimm.s32 $0x0;
	s21 =	simm.s32 $0x1F00;
	v2 =	vmul.u32 $0x20, v2;
	v6 =	vunpack.c.l.s4.s8 v3  }
0x7: {  	s28 =	simm.s32 $0x3700;
	s29 =	simm.s32 $0xB700;
	s30 =	simm.s32 $0x3F00;
	v1 =	vunpack.c.0.s8.s32 v1;
	v3 =	vadd.s32 $0x1, v0;
	v4 =	vunpack.c.0.s8.s32 v4  }
0x8: {  	s31 =	simm.s32 $0xBF00;
	s12 =	simm.s32 $0x4700;
	s11 =	simm.s32 $0x1;
	v5 =	vadd.s32 $0x2, v0;
	v8 =	vor.u32 $0x1, v2;
	v9 =	vor.u32 $0x2, v2  }
0x9: {  	s10 =	simm.s32 $0x0;
	s2 =	sand.u32 $0x1, s2;
	s3 =	sshll.u32 s3, $0x1;
	v10 =	vor.u32 $0x3, v2;
	v11 =	vor.u32 $0x4, v2;
	v12 =	vor.u32 $0x5, v2  }
0xa: {  	[smem:$0x7FF] =	sst s5;
	s6 =	sadd.s32 $0x3000, s0;
	s7 =	ssub.s32 $0x2, s2;
	v13 =	vor.u32 $0x6, v2;
	v14 =	vor.u32 $0x7, v2;
	v15 =	vor.u32 $0x8, v2  }
0xb: {  	s2 =	sor.u32 s2, s3;
	_ =	strace $0x80000047;
	s3 =	simm.s32 $0x2;
	v16 =	vor.u32 $0x9, v2;
	v17 =	vor.u32 $0xA, v2;
	v18 =	vor.u32 $0xB, v2  }
0xc: {  	s22 =	sshrl.u32 s7, $0x1;
	s8 =	smul.u32 $0xC00, s2;
	s24 =	sshll.u32 s2, $0xF;
	v19 =	vor.u32 $0xC, v2;
	v20 =	vor.u32 $0xD, v2;
	v21 =	vor.u32 $0xE, v2  }
0xd: {  	v22 =	vor.u32 $0xF, v2;
	v23 =	vor.u32 $0x10, v2;
	v24 =	vor.u32 $0x11, v2;
	s23 =	ssub.s32 s7, s22;
	s7 =	sshll.u32 s2, $0xD;
	s26 =	sadd.s32 s24, s6  }
.Ltmp0:
0xe: {  	v25 =	vor.u32 $0x12, v2;
	v26 =	vor.u32 $0x13, v2;
	v27 =	vor.u32 $0x14, v2;
	s22 =	simm.s32 $0x9F00;
	s25 =	sadd.s32 s1, s8;
	(pc) =	sbr.rel .LBB2_1-.Ltmp0, $4  }
0xf: {  	v28 =	vor.u32 $0x15, v2;
	v29 =	vor.u32 $0x16, v2;
	v30 =	vor.u32 $0x17, v2;
	s24 =	simm.s32 $0xA700;
	s2 =	sadd.s32 $0x7800, s26;
	[dreg:$0x5] =	wrdreg s25  }
0x10: {  	v31 =	vor.u32 $0x18, v2;
	v32 =	vor.u32 $0x19, v2;
	v33 =	vor.u32 $0x1A, v2;
	s9 =	sadd.s32 $0x7FFFE00, s7;
	s0 =	smax.u32 s23, $0x1;
	[dreg:$0x6] =	wrdreg s2  }
0x11: {  	v34 =	vor.u32 $0x1B, v2;
	v35 =	vor.u32 $0x1C, v2;
	v36 =	vor.u32 $0x1D, v2;
	s23 =	simm.s32 $0x2700;
	s26 =	simm.s32 $0xAF00;
	[dreg:$0x7] =	wrdreg s0  }
0x12: {  	v37 =	vor.u32 $0x1E, v2;
	v38 =	vor.u32 $0x1F, v2;
	v6 =	vunpack.c.0.s8.s32 v6;
	s25 =	simm.s32 $0x2F00;
	s0 =	simm.s32 $0x4;
	s2 =	simm.s32 $0xC700  }
.LBB2_10:
0x13: {  	_ =	swait.ge [sflag:s3], $0x800  }
0x14: {  	[sflag:s3] =	ssyncset.done $0x0  }
0x15: {  	[sflag:s3] =	ssyncadd.s32 $0xFFFFF800  }
0x16: {  	_ =	swait.ge [sflag:s3], $0x800  }
0x17: {  	[sflag:s3] =	ssyncset.done $0x0  }
0x18: {  	[sflag:s3] =	ssyncadd.s32 $0xFFFFF800  }
0x19: {  	_ =	swait.ge [sflag:s3], $0x800  }
0x1a: {  	[sflag:s3] =	ssyncset.done $0x0  }
0x1b: {  	[sflag:s3] =	ssyncadd.s32 $0xFFFFF800  }
0x1c: {  	_ =	swait.ge [sflag:s3], $0x800  }
0x1d: {  	[sflag:s3] =	ssyncset.done $0x0  }
0x1e: {  	[sflag:s3] =	ssyncadd.s32 $0xFFFFF800  }
0x1f: {  	_ =	swait.ge [sflag:s3], $0x800  }
0x20: {  	[sflag:s3] =	ssyncset.done $0x0  }
0x21: {  	[sflag:s3] =	ssyncadd.s32 $0xFFFFF800  }
0x22: {  	_ =	swait.ge [sflag:s3], $0x800  }
0x23: {  	[sflag:s3] =	ssyncset.done $0x0  }
0x24: {  	[sflag:s3] =	ssyncadd.s32 $0xFFFFF800  }
0x25: {  	_ =	swait.ge [sflag:s3], $0x800  }
0x26: {  	[sflag:s3] =	ssyncset.done $0x0  }
0x27: {  	[sflag:s3] =	ssyncadd.s32 $0xFFFFF800  }
0x28: {  	_ =	swait.ge [sflag:s3], $0x800  }
0x29: {  	[sflag:s3] =	ssyncset.done $0x0  }
0x2a: {  	s13 =	simm.s32 $0x3;
	s8 =	rddreg [dreg:$0x6];
	[sflag:s3] =	ssyncadd.s32 $0xFFFFF800  }
0x2b: {  	[hbm4b:s8+s5] =	stream.linear.scatter [tilespmem:s2], [sflag:$0x3], $0x4000, $0x38;
	[tilespmem:$0x10700] =	vst v63  }
0x2c: {  	_ =	swait.ge [sflag:s13], $0x4000  }
0x2d: {  	s10 =	rddreg [dreg:$0x8]  }
0x2e: {  	s20 =	rddreg [dreg:$0x7];
	s10 =	sadd.s32 $0x1, s10  }
0x2f: {  	p0 =	sne.s32 s10, s20  }
.Ltmp1:
0x30: {  	_ = 	snop;
	(pc) =	sbr.rel @!p0 .LBB2_11-.Ltmp1, $3  }
0x31: {  	_ =	sdelay $0x1  }
0x32: {  	[sflag:s13] =	ssyncset.done $0x0  }
0x33: {  	[sflag:s13] =	ssyncadd.s32 $0xFFFFC000  }
.LBB2_1:
0x34: {  	[dreg:$0x8] =	wrdreg s10  }
0x35: {  	s8 =	rddreg [dreg:$0x1];
	s19 =	simm.s32 $0x600  }
0x36: {  	[tilespmem:s19], [sflag:$0x3] =	stream.linear.gather [hbm4b:s8+s5], $0x100, $0x38;
	[tilespmem:$0x10700] =	vst v63  }
0x37: {  	_ =	swait.ge [sflag:s13], $0x100  }
0x38: {  	[sflag:s13] =	ssyncset.done $0x0  }
0x39: {  	s20 =	rddreg [dreg:$0x5];
	[sflag:s13] =	ssyncadd.s32 $0xFFFFFF00  }
0x3a: {  	[tilespmem:s5], [sflag:$0x3] =	stream.linear.gather [hbm4b:s20+s5], $0x600, $0x38;
	[tilespmem:$0x10700] =	vst v63  }
0x3b: {  	_ =	swait.ge [sflag:s13], $0x600  }
0x3c: {  	s10 =	simm.s32 $0x0;
	[sflag:s13] =	ssyncset.done $0x0  }
0x3d: {  	s8 =	simm.s32 $0x0;
	[sflag:s13] =	ssyncadd.s32 $0xFFFFFA00;
	s13 =	simm.s32 $0x0  }
.LBB2_2:
0x3e: {  	v39 =	vadd.s32 s10, v0  }
0x3f: {  	v40 =	vadd.s32 s10, v3;
	v39 =	vand.u32 $0xFF8, v39  }
0x40: {  	v41 =	vadd.s32 s10, v5;
	v40 =	vand.u32 $0xFF8, v40;
	v39 =	vor.u32 v1, v39  }
0x41: {  	v41 =	vand.u32 $0xFF8, v41;
	v40 =	vor.u32 v4, v40  }
0x42: {  	v41 =	vor.u32 v6, v41;
	_ =	sdelay $0x1  }
0x43: {  	v42 =	vld [tilespmem:$0x600]  }
0x44: {  	v39 =	vld.idx.msk [tilespmem:v39+s5+$0x0], $0xffff  }
0x45: {  	v40 =	vld.idx.msk [tilespmem:v40+s5+$0x0], $0xffff  }
0x46: {  	v41 =	vld.idx.msk [tilespmem:v41+s5+$0x0], $0xffff;
	_ =	sdelay $0x3  }
0x47: {  	v43 =	vmul.f32 v42, v39  }
0x48: {  	v44 =	vmul.f32 v42, v40;
	v42 =	vmul.f32 v42, v41  }
0x49: {  	v45 =	vtrunc.f32 v43  }
0x4a: {  	v47 =	vtrunc.f32 v44;
	v49 =	vtrunc.f32 v42  }
0x4b: {  	v46 =	vcvt.f32.s32 v45;
	v48 =	vcvt.f32.s32 v47;
	vm0 =	vgt.f32 v44, v47  }
0x4c: {  	v51 =	vcvt.f32.s32 v49;
	vm5 =	vgt.f32 v42, v49;
	v47 =	vsel vm0, $0x1, v7  }
0x4d: {  	s17 =	sshll.u32 s13, $0x9;
	vm6 =	vgt.f32 v43, v45;
	v42 =	vsel vm5, $0x1, v7;
	v52 =	vadd.s32 v48, v47  }
0x4e: {  	s18 =	sand.u32 $0x600, s8;
	s17 =	sand.u32 $0xFFFFF800, s17;
	v45 =	vsel vm6, $0x1, v7;
	v42 =	vadd.s32 v51, v42;
	v43 =	vmul.u32 $0x779B1, v52  }
0x4f: {  	s17 =	sor.u32 s18, s17;
	v53 =	vadd.s32 v46, v45;
	v42 =	vmul.u32 $0x25795, v42  }
0x50: {  	v54 =	vor.u32 s17, v2;
	v43 =	vxor.u32 v53, v43  }
0x51: {  	v55 =	vor.u32 s17, v8;
	v42 =	vxor.u32 v42, v43  }
0x52: {  	v56 =	vshll.u32 v42, $0x1  }
0x53: {  	v42 =	vand.u32 $0x7F, v42;
	v45 =	vand.u32 $0xFFF00, v56  }
0x54: {  	v42 =	vor.u32 v42, v45  }
0x55: {  	[tilespmem:v54+s14+$0x0] =	vst.idx.msk $0xffff, v42;
	v42 =	vor.u32 $0x80, v42  }
0x56: {  	[tilespmem:v55+s14+$0x0] =	vst.idx.msk $0xffff, v42  }
0x57: {  	v42 =	vld [tilespmem:$0x610];
	_ =	sdelay $0x4  }
0x58: {  	v57 =	vmul.f32 v42, v39  }
0x59: {  	v58 =	vmul.f32 v42, v40;
	v42 =	vmul.f32 v42, v41  }
0x5a: {  	v59 =	vtrunc.f32 v57  }
0x5b: {  	v61 =	vtrunc.f32 v58;
	v63 =	vtrunc.f32 v42  }
0x5c: {  	v60 =	vcvt.f32.s32 v59;
	v62 =	vcvt.f32.s32 v61;
	vm7 =	vgt.f32 v58, v61  }
0x5d: {  	v51 =	vcvt.f32.s32 v63;
	vm8 =	vgt.f32 v42, v63;
	v47 =	vsel vm7, $0x1, v7  }
0x5e: {  	vm9 =	vgt.f32 v57, v59;
	v42 =	vsel vm8, $0x1, v7;
	v52 =	vadd.s32 v62, v47  }
0x5f: {  	v45 =	vsel vm9, $0x1, v7;
	v42 =	vadd.s32 v51, v42;
	v43 =	vmul.u32 $0x779B1, v52  }
0x60: {  	v53 =	vadd.s32 v60, v45;
	v42 =	vmul.u32 $0x25795, v42  }
0x61: {  	v43 =	vxor.u32 v53, v43  }
0x62: {  	v54 =	vor.u32 s17, v9;
	v42 =	vxor.u32 v42, v43  }
0x63: {  	v56 =	vor.u32 s17, v10;
	v55 =	vshll.u32 v42, $0x1  }
0x64: {  	v42 =	vand.u32 $0x7F, v42;
	v44 =	vand.u32 $0xFFF00, v55  }
0x65: {  	v42 =	vor.u32 v44, v42  }
0x66: {  	v44 =	vor.u32 $0x100000, v42  }
0x67: {  	v42 =	vor.u32 $0x100080, v42;
	[tilespmem:v54+s14+$0x0] =	vst.idx.msk $0xffff, v44  }
0x68: {  	[tilespmem:v56+s14+$0x0] =	vst.idx.msk $0xffff, v42  }
0x69: {  	v42 =	vld [tilespmem:$0x620];
	_ =	sdelay $0x4  }
0x6a: {  	v57 =	vmul.f32 v42, v39  }
0x6b: {  	v58 =	vmul.f32 v42, v40;
	v42 =	vmul.f32 v42, v41  }
0x6c: {  	v59 =	vtrunc.f32 v57  }
0x6d: {  	v61 =	vtrunc.f32 v58;
	v63 =	vtrunc.f32 v42  }
0x6e: {  	v60 =	vcvt.f32.s32 v59;
	v62 =	vcvt.f32.s32 v61;
	vm10 =	vgt.f32 v58, v61  }
0x6f: {  	v51 =	vcvt.f32.s32 v63;
	vm11 =	vgt.f32 v42, v63;
	v47 =	vsel vm10, $0x1, v7  }
0x70: {  	vm12 =	vgt.f32 v57, v59;
	v42 =	vsel vm11, $0x1, v7;
	v52 =	vadd.s32 v62, v47  }
0x71: {  	v45 =	vsel vm12, $0x1, v7;
	v42 =	vadd.s32 v51, v42;
	v43 =	vmul.u32 $0x779B1, v52  }
0x72: {  	v53 =	vadd.s32 v60, v45;
	v42 =	vmul.u32 $0x25795, v42  }
0x73: {  	v43 =	vxor.u32 v53, v43  }
0x74: {  	v54 =	vor.u32 s17, v11;
	v42 =	vxor.u32 v42, v43  }
0x75: {  	v56 =	vor.u32 s17, v12;
	v55 =	vshll.u32 v42, $0x1  }
0x76: {  	v42 =	vand.u32 $0x7F, v42;
	v44 =	vand.u32 $0xFFF00, v55  }
0x77: {  	v42 =	vor.u32 v44, v42  }
0x78: {  	v44 =	vor.u32 $0x200000, v42  }
0x79: {  	v42 =	vor.u32 $0x200080, v42;
	[tilespmem:v54+s14+$0x0] =	vst.idx.msk $0xffff, v44  }
0x7a: {  	[tilespmem:v56+s14+$0x0] =	vst.idx.msk $0xffff, v42  }
0x7b: {  	v42 =	vld [tilespmem:$0x630];
	_ =	sdelay $0x4  }
0x7c: {  	v57 =	vmul.f32 v42, v39  }
0x7d: {  	v58 =	vmul.f32 v42, v40;
	v42 =	vmul.f32 v42, v41  }
0x7e: {  	v59 =	vtrunc.f32 v57  }
0x7f: {  	v61 =	vtrunc.f32 v58;
	v63 =	vtrunc.f32 v42  }
0x80: {  	v60 =	vcvt.f32.s32 v59;
	v62 =	vcvt.f32.s32 v61;
	vm13 =	vgt.f32 v58, v61  }
0x81: {  	v51 =	vcvt.f32.s32 v63;
	vm14 =	vgt.f32 v42, v63;
	v47 =	vsel vm13, $0x1, v7  }
0x82: {  	vm15 =	vgt.f32 v57, v59;
	v42 =	vsel vm14, $0x1, v7;
	v52 =	vadd.s32 v62, v47  }
0x83: {  	v45 =	vsel vm15, $0x1, v7;
	v42 =	vadd.s32 v51, v42;
	v43 =	vmul.u32 $0x779B1, v52  }
0x84: {  	v53 =	vadd.s32 v60, v45;
	v42 =	vmul.u32 $0x25795, v42  }
0x85: {  	v43 =	vxor.u32 v53, v43  }
0x86: {  	v54 =	vor.u32 s17, v13;
	v42 =	vxor.u32 v42, v43  }
0x87: {  	v56 =	vor.u32 s17, v14;
	v55 =	vshll.u32 v42, $0x1  }
0x88: {  	v42 =	vand.u32 $0x7F, v42;
	v44 =	vand.u32 $0xFFF00, v55  }
0x89: {  	v42 =	vor.u32 v44, v42  }
0x8a: {  	v44 =	vor.u32 $0x300000, v42  }
0x8b: {  	v42 =	vor.u32 $0x300080, v42;
	[tilespmem:v54+s14+$0x0] =	vst.idx.msk $0xffff, v44  }
0x8c: {  	[tilespmem:v56+s14+$0x0] =	vst.idx.msk $0xffff, v42  }
0x8d: {  	v42 =	vld [tilespmem:$0x640];
	_ =	sdelay $0x4  }
0x8e: {  	v57 =	vmul.f32 v42, v39  }
0x8f: {  	v58 =	vmul.f32 v42, v40;
	v42 =	vmul.f32 v42, v41  }
0x90: {  	v59 =	vtrunc.f32 v57  }
0x91: {  	v61 =	vtrunc.f32 v58;
	v63 =	vtrunc.f32 v42  }
0x92: {  	v60 =	vcvt.f32.s32 v59;
	v62 =	vcvt.f32.s32 v61;
	vm4 =	vgt.f32 v58, v61  }
0x93: {  	v51 =	vcvt.f32.s32 v63;
	vm5 =	vgt.f32 v42, v63;
	v47 =	vsel vm4, $0x1, v7  }
0x94: {  	vm6 =	vgt.f32 v57, v59;
	v42 =	vsel vm5, $0x1, v7;
	v52 =	vadd.s32 v62, v47  }
0x95: {  	v45 =	vsel vm6, $0x1, v7;
	v42 =	vadd.s32 v51, v42;
	v43 =	vmul.u32 $0x779B1, v52  }
0x96: {  	v53 =	vadd.s32 v60, v45;
	v42 =	vmul.u32 $0x25795, v42  }
0x97: {  	v43 =	vxor.u32 v53, v43  }
0x98: {  	v54 =	vor.u32 s17, v15;
	v42 =	vxor.u32 v42, v43  }
0x99: {  	v56 =	vor.u32 s17, v16;
	v55 =	vshll.u32 v42, $0x1  }
0x9a: {  	v42 =	vand.u32 $0x7F, v42;
	v44 =	vand.u32 $0xFFF00, v55  }
0x9b: {  	v42 =	vor.u32 v44, v42  }
0x9c: {  	v44 =	vor.u32 $0x400000, v42  }
0x9d: {  	v42 =	vor.u32 $0x400080, v42;
	[tilespmem:v54+s14+$0x0] =	vst.idx.msk $0xffff, v44  }
0x9e: {  	[tilespmem:v56+s14+$0x0] =	vst.idx.msk $0xffff, v42  }
0x9f: {  	v42 =	vld [tilespmem:$0x650];
	_ =	sdelay $0x4  }
0xa0: {  	v57 =	vmul.f32 v42, v39  }
0xa1: {  	v58 =	vmul.f32 v42, v40;
	v42 =	vmul.f32 v42, v41  }
0xa2: {  	v59 =	vtrunc.f32 v57  }
0xa3: {  	v61 =	vtrunc.f32 v58;
	v63 =	vtrunc.f32 v42  }
0xa4: {  	v60 =	vcvt.f32.s32 v59;
	v62 =	vcvt.f32.s32 v61;
	vm7 =	vgt.f32 v58, v61  }
0xa5: {  	v51 =	vcvt.f32.s32 v63;
	vm8 =	vgt.f32 v42, v63;
	v47 =	vsel vm7, $0x1, v7  }
0xa6: {  	vm9 =	vgt.f32 v57, v59;
	v42 =	vsel vm8, $0x1, v7;
	v52 =	vadd.s32 v62, v47  }
0xa7: {  	v45 =	vsel vm9, $0x1, v7;
	v42 =	vadd.s32 v51, v42;
	v43 =	vmul.u32 $0x779B1, v52  }
0xa8: {  	v53 =	vadd.s32 v60, v45;
	v42 =	vmul.u32 $0x25795, v42  }
0xa9: {  	v43 =	vxor.u32 v53, v43  }
0xaa: {  	v54 =	vor.u32 s17, v17;
	v42 =	vxor.u32 v42, v43  }
0xab: {  	v56 =	vor.u32 s17, v18;
	v55 =	vshll.u32 v42, $0x1  }
0xac: {  	v42 =	vand.u32 $0x7F, v42;
	v44 =	vand.u32 $0xFFF00, v55  }
0xad: {  	v42 =	vor.u32 v44, v42  }
0xae: {  	v44 =	vor.u32 $0x500000, v42  }
0xaf: {  	v42 =	vor.u32 $0x500080, v42;
	[tilespmem:v54+s14+$0x0] =	vst.idx.msk $0xffff, v44  }
0xb0: {  	[tilespmem:v56+s14+$0x0] =	vst.idx.msk $0xffff, v42  }
0xb1: {  	v42 =	vld [tilespmem:$0x660];
	_ =	sdelay $0x4  }
0xb2: {  	v57 =	vmul.f32 v42, v39  }
0xb3: {  	v58 =	vmul.f32 v42, v40;
	v42 =	vmul.f32 v42, v41  }
0xb4: {  	v59 =	vtrunc.f32 v57  }
0xb5: {  	v61 =	vtrunc.f32 v58;
	v63 =	vtrunc.f32 v42  }
0xb6: {  	v60 =	vcvt.f32.s32 v59;
	v62 =	vcvt.f32.s32 v61;
	vm10 =	vgt.f32 v58, v61  }
0xb7: {  	v51 =	vcvt.f32.s32 v63;
	vm11 =	vgt.f32 v42, v63;
	v47 =	vsel vm10, $0x1, v7  }
0xb8: {  	vm12 =	vgt.f32 v57, v59;
	v42 =	vsel vm11, $0x1, v7;
	v52 =	vadd.s32 v62, v47  }
0xb9: {  	v45 =	vsel vm12, $0x1, v7;
	v42 =	vadd.s32 v51, v42;
	v43 =	vmul.u32 $0x779B1, v52  }
0xba: {  	v53 =	vadd.s32 v60, v45;
	v42 =	vmul.u32 $0x25795, v42  }
0xbb: {  	v43 =	vxor.u32 v53, v43  }
0xbc: {  	v54 =	vor.u32 s17, v19;
	v42 =	vxor.u32 v42, v43  }
0xbd: {  	v56 =	vor.u32 s17, v20;
	v55 =	vshll.u32 v42, $0x1  }
0xbe: {  	v42 =	vand.u32 $0x7F, v42;
	v44 =	vand.u32 $0xFFF00, v55  }
0xbf: {  	v42 =	vor.u32 v44, v42  }
0xc0: {  	v44 =	vor.u32 $0x600000, v42  }
0xc1: {  	v42 =	vor.u32 $0x600080, v42;
	[tilespmem:v54+s14+$0x0] =	vst.idx.msk $0xffff, v44  }
0xc2: {  	[tilespmem:v56+s14+$0x0] =	vst.idx.msk $0xffff, v42  }
0xc3: {  	v42 =	vld [tilespmem:$0x670];
	_ =	sdelay $0x4  }
0xc4: {  	v57 =	vmul.f32 v42, v39  }
0xc5: {  	v58 =	vmul.f32 v42, v40;
	v42 =	vmul.f32 v42, v41  }
0xc6: {  	v59 =	vtrunc.f32 v57  }
0xc7: {  	v61 =	vtrunc.f32 v58;
	v63 =	vtrunc.f32 v42  }
0xc8: {  	v60 =	vcvt.f32.s32 v59;
	v62 =	vcvt.f32.s32 v61;
	vm13 =	vgt.f32 v58, v61  }
0xc9: {  	v51 =	vcvt.f32.s32 v63;
	vm14 =	vgt.f32 v42, v63;
	v47 =	vsel vm13, $0x1, v7  }
0xca: {  	vm15 =	vgt.f32 v57, v59;
	v42 =	vsel vm14, $0x1, v7;
	v52 =	vadd.s32 v62, v47  }
0xcb: {  	v45 =	vsel vm15, $0x1, v7;
	v42 =	vadd.s32 v51, v42;
	v43 =	vmul.u32 $0x779B1, v52  }
0xcc: {  	v53 =	vadd.s32 v60, v45;
	v42 =	vmul.u32 $0x25795, v42  }
0xcd: {  	v43 =	vxor.u32 v53, v43  }
0xce: {  	v54 =	vor.u32 s17, v21;
	v42 =	vxor.u32 v42, v43  }
0xcf: {  	v56 =	vor.u32 s17, v22;
	v55 =	vshll.u32 v42, $0x1  }
0xd0: {  	v42 =	vand.u32 $0x7F, v42;
	v44 =	vand.u32 $0xFFF00, v55  }
0xd1: {  	v42 =	vor.u32 v44, v42  }
0xd2: {  	v44 =	vor.u32 $0x700000, v42  }
0xd3: {  	v42 =	vor.u32 $0x700080, v42;
	[tilespmem:v54+s14+$0x0] =	vst.idx.msk $0xffff, v44  }
0xd4: {  	[tilespmem:v56+s14+$0x0] =	vst.idx.msk $0xffff, v42  }
0xd5: {  	v42 =	vld [tilespmem:$0x680];
	_ =	sdelay $0x4  }
0xd6: {  	v57 =	vmul.f32 v42, v39  }
0xd7: {  	v58 =	vmul.f32 v42, v40;
	v42 =	vmul.f32 v42, v41  }
0xd8: {  	v59 =	vtrunc.f32 v57  }
0xd9: {  	v61 =	vtrunc.f32 v58;
	v63 =	vtrunc.f32 v42  }
0xda: {  	v60 =	vcvt.f32.s32 v59;
	v62 =	vcvt.f32.s32 v61;
	vm4 =	vgt.f32 v58, v61  }
0xdb: {  	v51 =	vcvt.f32.s32 v63;
	vm5 =	vgt.f32 v42, v63;
	v47 =	vsel vm4, $0x1, v7  }
0xdc: {  	vm6 =	vgt.f32 v57, v59;
	v42 =	vsel vm5, $0x1, v7;
	v52 =	vadd.s32 v62, v47  }
0xdd: {  	v45 =	vsel vm6, $0x1, v7;
	v42 =	vadd.s32 v51, v42;
	v43 =	vmul.u32 $0x779B1, v52  }
0xde: {  	v53 =	vadd.s32 v60, v45;
	v42 =	vmul.u32 $0x25795, v42  }
0xdf: {  	v43 =	vxor.u32 v53, v43  }
0xe0: {  	v54 =	vor.u32 s17, v23;
	v42 =	vxor.u32 v42, v43  }
0xe1: {  	v56 =	vor.u32 s17, v24;
	v55 =	vshll.u32 v42, $0x1  }
0xe2: {  	v42 =	vand.u32 $0x7F, v42;
	v44 =	vand.u32 $0xFFF00, v55  }
0xe3: {  	v42 =	vor.u32 v44, v42  }
0xe4: {  	v44 =	vor.u32 $0x800000, v42  }
0xe5: {  	v42 =	vor.u32 $0x800080, v42;
	[tilespmem:v54+s14+$0x0] =	vst.idx.msk $0xffff, v44  }
0xe6: {  	[tilespmem:v56+s14+$0x0] =	vst.idx.msk $0xffff, v42  }
0xe7: {  	v42 =	vld [tilespmem:$0x690];
	_ =	sdelay $0x4  }
0xe8: {  	v57 =	vmul.f32 v42, v39  }
0xe9: {  	v58 =	vmul.f32 v42, v40;
	v42 =	vmul.f32 v42, v41  }
0xea: {  	v59 =	vtrunc.f32 v57  }
0xeb: {  	v61 =	vtrunc.f32 v58;
	v63 =	vtrunc.f32 v42  }
0xec: {  	v60 =	vcvt.f32.s32 v59;
	v62 =	vcvt.f32.s32 v61;
	vm7 =	vgt.f32 v58, v61  }
0xed: {  	v51 =	vcvt.f32.s32 v63;
	vm8 =	vgt.f32 v42, v63;
	v47 =	vsel vm7, $0x1, v7  }
0xee: {  	vm9 =	vgt.f32 v57, v59;
	v42 =	vsel vm8, $0x1, v7;
	v52 =	vadd.s32 v62, v47  }
0xef: {  	v45 =	vsel vm9, $0x1, v7;
	v42 =	vadd.s32 v51, v42;
	v43 =	vmul.u32 $0x779B1, v52  }
0xf0: {  	v53 =	vadd.s32 v60, v45;
	v42 =	vmul.u32 $0x25795, v42  }
0xf1: {  	v43 =	vxor.u32 v53, v43  }
0xf2: {  	v54 =	vor.u32 s17, v25;
	v42 =	vxor.u32 v42, v43  }
0xf3: {  	v56 =	vor.u32 s17, v26;
	v55 =	vshll.u32 v42, $0x1  }
0xf4: {  	v42 =	vand.u32 $0x7F, v42;
	v44 =	vand.u32 $0xFFF00, v55  }
0xf5: {  	v42 =	vor.u32 v44, v42  }
0xf6: {  	v44 =	vor.u32 $0x900000, v42  }
0xf7: {  	v42 =	vor.u32 $0x900080, v42;
	[tilespmem:v54+s14+$0x0] =	vst.idx.msk $0xffff, v44  }
0xf8: {  	[tilespmem:v56+s14+$0x0] =	vst.idx.msk $0xffff, v42  }
0xf9: {  	v42 =	vld [tilespmem:$0x6A0];
	_ =	sdelay $0x4  }
0xfa: {  	v57 =	vmul.f32 v42, v39  }
0xfb: {  	v58 =	vmul.f32 v42, v40;
	v42 =	vmul.f32 v42, v41  }
0xfc: {  	v59 =	vtrunc.f32 v57  }
0xfd: {  	v61 =	vtrunc.f32 v58;
	v63 =	vtrunc.f32 v42  }
0xfe: {  	v60 =	vcvt.f32.s32 v59;
	v62 =	vcvt.f32.s32 v61;
	vm10 =	vgt.f32 v58, v61  }
0xff: {  	v51 =	vcvt.f32.s32 v63;
	vm11 =	vgt.f32 v42, v63;
	v47 =	vsel vm10, $0x1, v7  }
0x100: {  	vm12 =	vgt.f32 v57, v59;
	v42 =	vsel vm11, $0x1, v7;
	v52 =	vadd.s32 v62, v47  }
0x101: {  	v45 =	vsel vm12, $0x1, v7;
	v42 =	vadd.s32 v51, v42;
	v43 =	vmul.u32 $0x779B1, v52  }
0x102: {  	v53 =	vadd.s32 v60, v45;
	v42 =	vmul.u32 $0x25795, v42  }
0x103: {  	v43 =	vxor.u32 v53, v43  }
0x104: {  	v54 =	vor.u32 s17, v27;
	v42 =	vxor.u32 v42, v43  }
0x105: {  	v56 =	vor.u32 s17, v28;
	v55 =	vshll.u32 v42, $0x1  }
0x106: {  	v42 =	vand.u32 $0x7F, v42;
	v44 =	vand.u32 $0xFFF00, v55  }
0x107: {  	v42 =	vor.u32 v44, v42  }
0x108: {  	v44 =	vor.u32 $0xA00000, v42  }
0x109: {  	v42 =	vor.u32 $0xA00080, v42;
	[tilespmem:v54+s14+$0x0] =	vst.idx.msk $0xffff, v44  }
0x10a: {  	[tilespmem:v56+s14+$0x0] =	vst.idx.msk $0xffff, v42  }
0x10b: {  	v42 =	vld [tilespmem:$0x6B0];
	_ =	sdelay $0x4  }
0x10c: {  	v57 =	vmul.f32 v42, v39  }
0x10d: {  	v58 =	vmul.f32 v42, v40;
	v42 =	vmul.f32 v42, v41  }
0x10e: {  	v59 =	vtrunc.f32 v57  }
0x10f: {  	v61 =	vtrunc.f32 v58;
	v63 =	vtrunc.f32 v42  }
0x110: {  	v60 =	vcvt.f32.s32 v59;
	v62 =	vcvt.f32.s32 v61;
	vm13 =	vgt.f32 v58, v61  }
0x111: {  	v51 =	vcvt.f32.s32 v63;
	vm14 =	vgt.f32 v42, v63;
	v47 =	vsel vm13, $0x1, v7  }
0x112: {  	vm15 =	vgt.f32 v57, v59;
	v42 =	vsel vm14, $0x1, v7;
	v52 =	vadd.s32 v62, v47  }
0x113: {  	v45 =	vsel vm15, $0x1, v7;
	v42 =	vadd.s32 v51, v42;
	v43 =	vmul.u32 $0x779B1, v52  }
0x114: {  	v53 =	vadd.s32 v60, v45;
	v42 =	vmul.u32 $0x25795, v42  }
0x115: {  	v43 =	vxor.u32 v53, v43  }
0x116: {  	v54 =	vor.u32 s17, v29;
	v42 =	vxor.u32 v42, v43  }
0x117: {  	v56 =	vor.u32 s17, v30;
	v55 =	vshll.u32 v42, $0x1  }
0x118: {  	v42 =	vand.u32 $0x7F, v42;
	v44 =	vand.u32 $0xFFF00, v55  }
0x119: {  	v42 =	vor.u32 v44, v42  }
0x11a: {  	v44 =	vor.u32 $0xB00000, v42  }
0x11b: {  	v42 =	vor.u32 $0xB00080, v42;
	[tilespmem:v54+s14+$0x0] =	vst.idx.msk $0xffff, v44  }
0x11c: {  	[tilespmem:v56+s14+$0x0] =	vst.idx.msk $0xffff, v42  }
0x11d: {  	v42 =	vld [tilespmem:$0x6C0];
	_ =	sdelay $0x4  }
0x11e: {  	v57 =	vmul.f32 v42, v39  }
0x11f: {  	v58 =	vmul.f32 v42, v40;
	v42 =	vmul.f32 v42, v41  }
0x120: {  	v59 =	vtrunc.f32 v57  }
0x121: {  	v61 =	vtrunc.f32 v58;
	v63 =	vtrunc.f32 v42  }
0x122: {  	v60 =	vcvt.f32.s32 v59;
	v62 =	vcvt.f32.s32 v61;
	vm4 =	vgt.f32 v58, v61  }
0x123: {  	v51 =	vcvt.f32.s32 v63;
	vm5 =	vgt.f32 v42, v63;
	v47 =	vsel vm4, $0x1, v7  }
0x124: {  	vm6 =	vgt.f32 v57, v59;
	v42 =	vsel vm5, $0x1, v7;
	v52 =	vadd.s32 v62, v47  }
0x125: {  	v45 =	vsel vm6, $0x1, v7;
	v42 =	vadd.s32 v51, v42;
	v43 =	vmul.u32 $0x779B1, v52  }
0x126: {  	v53 =	vadd.s32 v60, v45;
	v42 =	vmul.u32 $0x25795, v42  }
0x127: {  	v43 =	vxor.u32 v53, v43  }
0x128: {  	v54 =	vor.u32 s17, v31;
	v42 =	vxor.u32 v42, v43  }
0x129: {  	v56 =	vor.u32 s17, v32;
	v55 =	vshll.u32 v42, $0x1  }
0x12a: {  	v42 =	vand.u32 $0x7F, v42;
	v44 =	vand.u32 $0xFFF00, v55  }
0x12b: {  	v42 =	vor.u32 v44, v42  }
0x12c: {  	v44 =	vor.u32 $0xC00000, v42  }
0x12d: {  	v42 =	vor.u32 $0xC00080, v42;
	[tilespmem:v54+s14+$0x0] =	vst.idx.msk $0xffff, v44  }
0x12e: {  	[tilespmem:v56+s14+$0x0] =	vst.idx.msk $0xffff, v42  }
0x12f: {  	v42 =	vld [tilespmem:$0x6D0];
	_ =	sdelay $0x4  }
0x130: {  	v57 =	vmul.f32 v42, v39  }
0x131: {  	v58 =	vmul.f32 v42, v40;
	v42 =	vmul.f32 v42, v41  }
0x132: {  	v59 =	vtrunc.f32 v57  }
0x133: {  	v61 =	vtrunc.f32 v58;
	v63 =	vtrunc.f32 v42  }
0x134: {  	v60 =	vcvt.f32.s32 v59;
	v62 =	vcvt.f32.s32 v61;
	vm7 =	vgt.f32 v58, v61  }
0x135: {  	v50 =	vcvt.f32.s32 v63;
	vm8 =	vgt.f32 v42, v63;
	v47 =	vsel vm7, $0x1, v7  }
0x136: {  	vm9 =	vgt.f32 v57, v59;
	v42 =	vsel vm8, $0x1, v7;
	v51 =	vadd.s32 v62, v47  }
0x137: {  	v45 =	vsel vm9, $0x1, v7;
	v42 =	vadd.s32 v50, v42;
	v43 =	vmul.u32 $0x779B1, v51  }
0x138: {  	v52 =	vadd.s32 v60, v45;
	v42 =	vmul.u32 $0x25795, v42  }
0x139: {  	v43 =	vxor.u32 v52, v43  }
0x13a: {  	v53 =	vor.u32 s17, v33;
	v42 =	vxor.u32 v42, v43  }
0x13b: {  	v55 =	vor.u32 s17, v34;
	v54 =	vshll.u32 v42, $0x1  }
0x13c: {  	v42 =	vand.u32 $0x7F, v42;
	v44 =	vand.u32 $0xFFF00, v54  }
0x13d: {  	v42 =	vor.u32 v44, v42  }
0x13e: {  	v44 =	vor.u32 $0xD00000, v42  }
0x13f: {  	v42 =	vor.u32 $0xD00080, v42;
	[tilespmem:v53+s14+$0x0] =	vst.idx.msk $0xffff, v44  }
0x140: {  	[tilespmem:v55+s14+$0x0] =	vst.idx.msk $0xffff, v42  }
0x141: {  	v42 =	vld [tilespmem:$0x6E0];
	_ =	sdelay $0x4  }
0x142: {  	v56 =	vmul.f32 v42, v39  }
0x143: {  	v57 =	vmul.f32 v42, v40;
	v42 =	vmul.f32 v42, v41  }
0x144: {  	v58 =	vtrunc.f32 v56  }
0x145: {  	v60 =	vtrunc.f32 v57;
	v62 =	vtrunc.f32 v42  }
0x146: {  	v59 =	vcvt.f32.s32 v58;
	v61 =	vcvt.f32.s32 v60;
	vm10 =	vgt.f32 v57, v60  }
0x147: {  	v63 =	vcvt.f32.s32 v62;
	vm11 =	vgt.f32 v42, v62;
	v47 =	vsel vm10, $0x1, v7  }
0x148: {  	vm12 =	vgt.f32 v56, v58;
	v42 =	vsel vm11, $0x1, v7;
	v48 =	vadd.s32 v61, v47  }
0x149: {  	v45 =	vsel vm12, $0x1, v7;
	v42 =	vadd.s32 v63, v42;
	v43 =	vmul.u32 $0x779B1, v48  }
0x14a: {  	v49 =	vadd.s32 v59, v45;
	v42 =	vmul.u32 $0x25795, v42  }
0x14b: {  	v43 =	vxor.u32 v49, v43  }
0x14c: {  	v50 =	vor.u32 s17, v35;
	v42 =	vxor.u32 v42, v43  }
0x14d: {  	v52 =	vor.u32 s17, v36;
	v51 =	vshll.u32 v42, $0x1  }
0x14e: {  	v42 =	vand.u32 $0x7F, v42;
	v44 =	vand.u32 $0xFFF00, v51  }
0x14f: {  	v42 =	vor.u32 v44, v42  }
0x150: {  	v44 =	vor.u32 $0xE00000, v42  }
0x151: {  	v42 =	vor.u32 $0xE00080, v42;
	[tilespmem:v50+s14+$0x0] =	vst.idx.msk $0xffff, v44  }
0x152: {  	[tilespmem:v52+s14+$0x0] =	vst.idx.msk $0xffff, v42  }
0x153: {  	v42 =	vld [tilespmem:$0x6F0];
	_ =	sdelay $0x4  }
0x154: {  	v39 =	vmul.f32 v42, v39  }
0x155: {  	v40 =	vmul.f32 v42, v40;
	v41 =	vmul.f32 v42, v41  }
0x156: {  	v53 =	vtrunc.f32 v39  }
0x157: {  	v55 =	vtrunc.f32 v40;
	v57 =	vtrunc.f32 v41  }
0x158: {  	v54 =	vcvt.f32.s32 v53;
	v56 =	vcvt.f32.s32 v55;
	vm13 =	vgt.f32 v40, v55  }
0x159: {  	v58 =	vcvt.f32.s32 v57;
	vm14 =	vgt.f32 v41, v57;
	v44 =	vsel vm13, $0x1, v7  }
0x15a: {  	vm15 =	vgt.f32 v39, v53;
	v41 =	vsel vm14, $0x1, v7;
	v59 =	vadd.s32 v56, v44  }
0x15b: {  	v42 =	vsel vm15, $0x1, v7;
	v40 =	vadd.s32 v58, v41;
	v39 =	vmul.u32 $0x779B1, v59  }
0x15c: {  	v60 =	vadd.s32 v54, v42;
	v40 =	vmul.u32 $0x25795, v40  }
0x15d: {  	v39 =	vxor.u32 v60, v39  }
0x15e: {  	v61 =	vor.u32 s17, v37;
	v39 =	vxor.u32 v40, v39  }
0x15f: {  	p0 =	sne.s32 s13, $0x1F;
	v63 =	vor.u32 s17, v38;
	v62 =	vshll.u32 v39, $0x1  }
.Ltmp2:
0x160: {  	v39 =	vand.u32 $0x7F, v39;
	v41 =	vand.u32 $0xFFF00, v62;
	(pc) =	sbr.rel @p0 .LBB2_2-.Ltmp2, $4  }
0x161: {  	v39 =	vor.u32 v41, v39  }
0x162: {  	v41 =	vor.u32 $0xF00000, v39  }
0x163: {  	v39 =	vor.u32 $0xF00080, v39;
	[tilespmem:v61+s14+$0x0] =	vst.idx.msk $0xffff, v41  }
0x164: {  	s10 =	sadd.s32 $0x30, s10;
	s8 =	sadd.s32 $0x200, s8;
	s13 =	sadd.s32 $0x1, s13;
	[tilespmem:v63+s14+$0x0] =	vst.idx.msk $0xffff, v39  }
0x165: {  	[tilespmem:s16], [sflag:$0x1] =	stream.indirect.gather [hbm4b:s4+s15], $0x1, s14, s15, $0xb8;
	[tilespmem:$0x10700] =	vst v63  }
0x166: {  	s8 =	simm.s32 $0xF00;
	s10 =	simm.s32 $0x8F00  }
0x167: {  	[tilespmem:s10], [sflag:$0x1] =	stream.indirect.gather [hbm4b:s4+s15], $0x1, s8, s15, $0xb8;
	[tilespmem:$0x10700] =	vst v63  }
0x168: {  	s19 =	simm.s32 $0x1700;
	s20 =	simm.s32 $0x9700  }
0x169: {  	[tilespmem:s20], [sflag:$0x1] =	stream.indirect.gather [hbm4b:s4+s15], $0x1, s19, s15, $0xb8;
	[tilespmem:$0x10700] =	vst v63  }
0x16a: {  	_ = 	snop  }
0x16b: {  	[tilespmem:s22], [sflag:$0x1] =	stream.indirect.gather [hbm4b:s4+s15], $0x1, s21, s15, $0xb8;
	[tilespmem:$0x10700] =	vst v63  }
0x16c: {  	_ = 	snop  }
0x16d: {  	[tilespmem:s24], [sflag:$0x1] =	stream.indirect.gather [hbm4b:s4+s15], $0x1, s23, s15, $0xb8;
	[tilespmem:$0x10700] =	vst v63  }
0x16e: {  	_ = 	snop  }
0x16f: {  	[tilespmem:s26], [sflag:$0x1] =	stream.indirect.gather [hbm4b:s4+s15], $0x1, s25, s15, $0xb8;
	[tilespmem:$0x10700] =	vst v63  }
.Ltmp3:
0x170: {  	_ = 	snop;
	(pc) =	sbr.rel .LBB2_4-.Ltmp3, $4  }
0x171: {  	_ = 	snop  }
0x172: {  	[tilespmem:s29], [sflag:$0x1] =	stream.indirect.gather [hbm4b:s4+s15], $0x1, s28, s15, $0xb8;
	[tilespmem:$0x10700] =	vst v63  }
0x173: {  	s13 =	simm.s32 $0x1  }
0x174: {  	[tilespmem:s31], [sflag:$0x1] =	stream.indirect.gather [hbm4b:s4+s15], $0x1, s30, s15, $0xb8;
	[tilespmem:$0x10700] =	vst v63  }
.LBB2_6:
0x175: {  	[tilespmem:s2], [sflag:$0x2] =	stream.indirect.gather [hbm4b:s4+s15], $0x1, s12, s15, $0xb8;
	[tilespmem:$0x10700] =	vst v63  }
0x176: {  	s10 =	simm.s32 $0x4F00;
	s17 =	simm.s32 $0xCF00  }
0x177: {  	[tilespmem:s17], [sflag:$0x2] =	stream.indirect.gather [hbm4b:s4+s15], $0x1, s10, s15, $0xb8;
	[tilespmem:$0x10700] =	vst v63  }
0x178: {  	s18 =	simm.s32 $0xD700;
	s17 =	simm.s32 $0x5700  }
0x179: {  	[tilespmem:s18], [sflag:$0x2] =	stream.indirect.gather [hbm4b:s4+s15], $0x1, s17, s15, $0xb8;
	[tilespmem:$0x10700] =	vst v63  }
0x17a: {  	s19 =	simm.s32 $0x5F00;
	s20 =	simm.s32 $0xDF00  }
0x17b: {  	[tilespmem:s20], [sflag:$0x2] =	stream.indirect.gather [hbm4b:s4+s15], $0x1, s19, s15, $0xb8;
	[tilespmem:$0x10700] =	vst v63  }
0x17c: {  	s17 =	simm.s32 $0x6700;
	s18 =	simm.s32 $0xE700  }
0x17d: {  	[tilespmem:s18], [sflag:$0x2] =	stream.indirect.gather [hbm4b:s4+s15], $0x1, s17, s15, $0xb8;
	[tilespmem:$0x10700] =	vst v63  }
0x17e: {  	s19 =	simm.s32 $0x6F00;
	s20 =	simm.s32 $0xEF00  }
0x17f: {  	[tilespmem:s20], [sflag:$0x2] =	stream.indirect.gather [hbm4b:s4+s15], $0x1, s19, s15, $0xb8;
	[tilespmem:$0x10700] =	vst v63  }
0x180: {  	s17 =	simm.s32 $0x7700;
	s18 =	simm.s32 $0xF700  }
0x181: {  	[tilespmem:s18], [sflag:$0x2] =	stream.indirect.gather [hbm4b:s4+s15], $0x1, s17, s15, $0xb8;
	[tilespmem:$0x10700] =	vst v63  }
0x182: {  	s19 =	simm.s32 $0x7F00;
	s20 =	simm.s32 $0xFF00  }
0x183: {  	[tilespmem:s20], [sflag:$0x2] =	stream.indirect.gather [hbm4b:s4+s15], $0x1, s19, s15, $0xb8;
	[tilespmem:$0x10700] =	vst v63  }
0x184: {  	_ =	swait.ge [sflag:s11], $0x800  }
0x185: {  	[sflag:s11] =	ssyncset.done $0x0  }
0x186: {  	[sflag:s11] =	ssyncadd.s32 $0xFFFFF800  }
0x187: {  	_ =	swait.ge [sflag:s11], $0x800  }
0x188: {  	[sflag:s11] =	ssyncset.done $0x0  }
0x189: {  	[sflag:s11] =	ssyncadd.s32 $0xFFFFF800  }
0x18a: {  	_ =	swait.ge [sflag:s11], $0x800  }
0x18b: {  	[sflag:s11] =	ssyncset.done $0x0  }
0x18c: {  	[sflag:s11] =	ssyncadd.s32 $0xFFFFF800  }
0x18d: {  	_ =	swait.ge [sflag:s11], $0x800  }
0x18e: {  	[sflag:s11] =	ssyncset.done $0x0  }
0x18f: {  	[sflag:s11] =	ssyncadd.s32 $0xFFFFF800  }
0x190: {  	_ =	swait.ge [sflag:s11], $0x800  }
0x191: {  	[sflag:s11] =	ssyncset.done $0x0  }
0x192: {  	[sflag:s11] =	ssyncadd.s32 $0xFFFFF800  }
0x193: {  	_ =	swait.ge [sflag:s11], $0x800  }
0x194: {  	[sflag:s11] =	ssyncset.done $0x0  }
0x195: {  	[sflag:s11] =	ssyncadd.s32 $0xFFFFF800  }
0x196: {  	_ =	swait.ge [sflag:s11], $0x800  }
0x197: {  	[sflag:s11] =	ssyncset.done $0x0  }
0x198: {  	s8 =	sadd.s32 s9, s8;
	[sflag:s11] =	ssyncadd.s32 $0xFFFFF800  }
0x199: {  	s8 =	sshll.u32 s8, $0x2;
	_ =	swait.ge [sflag:s11], $0x800  }
0x19a: {  	s8 =	sand.u32 $0x1FFFF000, s8;
	[sflag:s11] =	ssyncset.done $0x0  }
0x19b: {  	s8 =	sadd.s32 s6, s8;
	[sflag:s11] =	ssyncadd.s32 $0xFFFFF800  }
0x19c: {  	[hbm4b:s8+s5] =	stream.linear.scatter [tilespmem:s16], [sflag:$0x4], $0x4000, $0x38;
	[tilespmem:$0x10700] =	vst v63  }
0x19d: {  	s8 =	simm.s32 $0x4  }
.LBB2_9:
0x19e: {  	s13 =	sadd.s32 $0x1, s13  }
0x19f: {  	p0 =	sne.s32 s13, $0x10  }
.Ltmp4:
0x1a0: {  	_ = 	snop;
	(pc) =	sbr.rel @!p0 .LBB2_10-.Ltmp4, $4  }
0x1a1: {  	_ = 	snop  }
0x1a2: {  	_ =	swait.ge [sflag:s8], $0x4000  }
0x1a3: {  	[sflag:s8] =	ssyncset.done $0x0  }
0x1a4: {  	[sflag:s8] =	ssyncadd.s32 $0xFFFFC000  }
.LBB2_4:
0x1a5: {  	s8 =	sshll.u32 s13, $0x9  }
0x1a6: {  	s10 =	sadd.s32 s7, s8  }
0x1a7: {  	s10 =	smul.u32 $0x3, s10  }
0x1a8: {  	s20 =	sand.u32 $0x1, s13  }
0x1a9: {  	p0 =	seq.s32 s20, $0x0;
	s10 =	sshrl.u32 s10, $0x3  }
.Ltmp5:
0x1aa: {  	s17 =	sadd.s32 s1, s10;
	s10 =	simm.s32 $0x0;
	(pc) =	sbr.rel @!p0 .LBB2_5-.Ltmp5, $4  }
0x1ab: {  	[tilespmem:s10], [sflag:$0x4] =	stream.linear.gather [hbm4b:s17+s10], $0x600, $0x38;
	[tilespmem:$0x10700] =	vst v63  }
0x1ac: {  	_ =	swait.ge [sflag:s0], $0x600  }
0x1ad: {  	s18 =	simm.s32 $0x0;
	s19 =	simm.s32 $0x0;
	[sflag:s0] =	ssyncset.done $0x0  }
0x1ae: {  	s20 =	simm.s32 $0x0;
	s17 =	simm.s32 $0x0;
	[sflag:s0] =	ssyncadd.s32 $0xFFFFFA00  }
.LBB2_7:
0x1af: {  	v39 =	vadd.s32 s19, v0  }
0x1b0: {  	v40 =	vadd.s32 s19, v3;
	v39 =	vand.u32 $0xFF8, v39  }
0x1b1: {  	v41 =	vadd.s32 s19, v5;
	v40 =	vand.u32 $0xFF8, v40;
	v39 =	vor.u32 v1, v39  }
0x1b2: {  	v41 =	vand.u32 $0xFF8, v41;
	v40 =	vor.u32 v4, v40  }
0x1b3: {  	v41 =	vor.u32 v6, v41;
	_ =	sdelay $0x1  }
0x1b4: {  	v42 =	vld [tilespmem:$0x600]  }
0x1b5: {  	v39 =	vld.idx.msk [tilespmem:v39+s5+$0x0], $0xffff  }
0x1b6: {  	v40 =	vld.idx.msk [tilespmem:v40+s5+$0x0], $0xffff  }
0x1b7: {  	v41 =	vld.idx.msk [tilespmem:v41+s5+$0x0], $0xffff;
	_ =	sdelay $0x3  }
0x1b8: {  	v43 =	vmul.f32 v42, v39  }
0x1b9: {  	v44 =	vmul.f32 v42, v40;
	v42 =	vmul.f32 v42, v41  }
0x1ba: {  	v45 =	vtrunc.f32 v43  }
0x1bb: {  	v47 =	vtrunc.f32 v44;
	v49 =	vtrunc.f32 v42  }
0x1bc: {  	v46 =	vcvt.f32.s32 v45;
	v48 =	vcvt.f32.s32 v47;
	vm0 =	vgt.f32 v44, v47  }
0x1bd: {  	v51 =	vcvt.f32.s32 v49;
	vm5 =	vgt.f32 v42, v49;
	v47 =	vsel vm0, $0x1, v7  }
0x1be: {  	s17 =	sshll.u32 s20, $0x9;
	vm6 =	vgt.f32 v43, v45;
	v42 =	vsel vm5, $0x1, v7;
	v52 =	vadd.s32 v48, v47  }
0x1bf: {  	s18 =	sand.u32 $0x600, s10;
	s17 =	sand.u32 $0xFFFFF800, s17;
	v45 =	vsel vm6, $0x1, v7;
	v42 =	vadd.s32 v51, v42;
	v43 =	vmul.u32 $0x779B1, v52  }
0x1c0: {  	s17 =	sor.u32 s18, s17;
	v53 =	vadd.s32 v46, v45;
	v42 =	vmul.u32 $0x25795, v42  }
0x1c1: {  	v54 =	vor.u32 s17, v2;
	v43 =	vxor.u32 v53, v43  }
0x1c2: {  	v55 =	vor.u32 s17, v8;
	v42 =	vxor.u32 v42, v43  }
0x1c3: {  	v56 =	vshll.u32 v42, $0x1  }
0x1c4: {  	v42 =	vand.u32 $0x7F, v42;
	v45 =	vand.u32 $0xFFF00, v56  }
0x1c5: {  	v42 =	vor.u32 v42, v45  }
0x1c6: {  	[tilespmem:v54+s14+$0x0] =	vst.idx.msk $0xffff, v42;
	v42 =	vor.u32 $0x80, v42  }
0x1c7: {  	[tilespmem:v55+s14+$0x0] =	vst.idx.msk $0xffff, v42  }
0x1c8: {  	v42 =	vld [tilespmem:$0x610];
	_ =	sdelay $0x4  }
0x1c9: {  	v57 =	vmul.f32 v42, v39  }
0x1ca: {  	v58 =	vmul.f32 v42, v40;
	v42 =	vmul.f32 v42, v41  }
0x1cb: {  	v59 =	vtrunc.f32 v57  }
0x1cc: {  	v61 =	vtrunc.f32 v58;
	v63 =	vtrunc.f32 v42  }
0x1cd: {  	v60 =	vcvt.f32.s32 v59;
	v62 =	vcvt.f32.s32 v61;
	vm7 =	vgt.f32 v58, v61  }
0x1ce: {  	v51 =	vcvt.f32.s32 v63;
	vm8 =	vgt.f32 v42, v63;
	v47 =	vsel vm7, $0x1, v7  }
0x1cf: {  	vm9 =	vgt.f32 v57, v59;
	v42 =	vsel vm8, $0x1, v7;
	v52 =	vadd.s32 v62, v47  }
0x1d0: {  	v45 =	vsel vm9, $0x1, v7;
	v42 =	vadd.s32 v51, v42;
	v43 =	vmul.u32 $0x779B1, v52  }
0x1d1: {  	v53 =	vadd.s32 v60, v45;
	v42 =	vmul.u32 $0x25795, v42  }
0x1d2: {  	v43 =	vxor.u32 v53, v43  }
0x1d3: {  	v54 =	vor.u32 s17, v9;
	v42 =	vxor.u32 v42, v43  }
0x1d4: {  	v56 =	vor.u32 s17, v10;
	v55 =	vshll.u32 v42, $0x1  }
0x1d5: {  	v42 =	vand.u32 $0x7F, v42;
	v44 =	vand.u32 $0xFFF00, v55  }
0x1d6: {  	v42 =	vor.u32 v44, v42  }
0x1d7: {  	v44 =	vor.u32 $0x100000, v42  }
0x1d8: {  	v42 =	vor.u32 $0x100080, v42;
	[tilespmem:v54+s14+$0x0] =	vst.idx.msk $0xffff, v44  }
0x1d9: {  	[tilespmem:v56+s14+$0x0] =	vst.idx.msk $0xffff, v42  }
0x1da: {  	v42 =	vld [tilespmem:$0x620];
	_ =	sdelay $0x4  }
0x1db: {  	v57 =	vmul.f32 v42, v39  }
0x1dc: {  	v58 =	vmul.f32 v42, v40;
	v42 =	vmul.f32 v42, v41  }
0x1dd: {  	v59 =	vtrunc.f32 v57  }
0x1de: {  	v61 =	vtrunc.f32 v58;
	v63 =	vtrunc.f32 v42  }
0x1df: {  	v60 =	vcvt.f32.s32 v59;
	v62 =	vcvt.f32.s32 v61;
	vm10 =	vgt.f32 v58, v61  }
0x1e0: {  	v51 =	vcvt.f32.s32 v63;
	vm11 =	vgt.f32 v42, v63;
	v47 =	vsel vm10, $0x1, v7  }
0x1e1: {  	vm12 =	vgt.f32 v57, v59;
	v42 =	vsel vm11, $0x1, v7;
	v52 =	vadd.s32 v62, v47  }
0x1e2: {  	v45 =	vsel vm12, $0x1, v7;
	v42 =	vadd.s32 v51, v42;
	v43 =	vmul.u32 $0x779B1, v52  }
0x1e3: {  	v53 =	vadd.s32 v60, v45;
	v42 =	vmul.u32 $0x25795, v42  }
0x1e4: {  	v43 =	vxor.u32 v53, v43  }
0x1e5: {  	v54 =	vor.u32 s17, v11;
	v42 =	vxor.u32 v42, v43  }
0x1e6: {  	v56 =	vor.u32 s17, v12;
	v55 =	vshll.u32 v42, $0x1  }
0x1e7: {  	v42 =	vand.u32 $0x7F, v42;
	v44 =	vand.u32 $0xFFF00, v55  }
0x1e8: {  	v42 =	vor.u32 v44, v42  }
0x1e9: {  	v44 =	vor.u32 $0x200000, v42  }
0x1ea: {  	v42 =	vor.u32 $0x200080, v42;
	[tilespmem:v54+s14+$0x0] =	vst.idx.msk $0xffff, v44  }
0x1eb: {  	[tilespmem:v56+s14+$0x0] =	vst.idx.msk $0xffff, v42  }
0x1ec: {  	v42 =	vld [tilespmem:$0x630];
	_ =	sdelay $0x4  }
0x1ed: {  	v57 =	vmul.f32 v42, v39  }
0x1ee: {  	v58 =	vmul.f32 v42, v40;
	v42 =	vmul.f32 v42, v41  }
0x1ef: {  	v59 =	vtrunc.f32 v57  }
0x1f0: {  	v61 =	vtrunc.f32 v58;
	v63 =	vtrunc.f32 v42  }
0x1f1: {  	v60 =	vcvt.f32.s32 v59;
	v62 =	vcvt.f32.s32 v61;
	vm13 =	vgt.f32 v58, v61  }
0x1f2: {  	v51 =	vcvt.f32.s32 v63;
	vm14 =	vgt.f32 v42, v63;
	v47 =	vsel vm13, $0x1, v7  }
0x1f3: {  	vm15 =	vgt.f32 v57, v59;
	v42 =	vsel vm14, $0x1, v7;
	v52 =	vadd.s32 v62, v47  }
0x1f4: {  	v45 =	vsel vm15, $0x1, v7;
	v42 =	vadd.s32 v51, v42;
	v43 =	vmul.u32 $0x779B1, v52  }
0x1f5: {  	v53 =	vadd.s32 v60, v45;
	v42 =	vmul.u32 $0x25795, v42  }
0x1f6: {  	v43 =	vxor.u32 v53, v43  }
0x1f7: {  	v54 =	vor.u32 s17, v13;
	v42 =	vxor.u32 v42, v43  }
0x1f8: {  	v56 =	vor.u32 s17, v14;
	v55 =	vshll.u32 v42, $0x1  }
0x1f9: {  	v42 =	vand.u32 $0x7F, v42;
	v44 =	vand.u32 $0xFFF00, v55  }
0x1fa: {  	v42 =	vor.u32 v44, v42  }
0x1fb: {  	v44 =	vor.u32 $0x300000, v42  }
0x1fc: {  	v42 =	vor.u32 $0x300080, v42;
	[tilespmem:v54+s14+$0x0] =	vst.idx.msk $0xffff, v44  }
0x1fd: {  	[tilespmem:v56+s14+$0x0] =	vst.idx.msk $0xffff, v42  }
0x1fe: {  	v42 =	vld [tilespmem:$0x640];
	_ =	sdelay $0x4  }
0x1ff: {  	v57 =	vmul.f32 v42, v39  }
0x200: {  	v58 =	vmul.f32 v42, v40;
	v42 =	vmul.f32 v42, v41  }
0x201: {  	v59 =	vtrunc.f32 v57  }
0x202: {  	v61 =	vtrunc.f32 v58;
	v63 =	vtrunc.f32 v42  }
0x203: {  	v60 =	vcvt.f32.s32 v59;
	v62 =	vcvt.f32.s32 v61;
	vm4 =	vgt.f32 v58, v61  }
0x204: {  	v51 =	vcvt.f32.s32 v63;
	vm5 =	vgt.f32 v42, v63;
	v47 =	vsel vm4, $0x1, v7  }
0x205: {  	vm6 =	vgt.f32 v57, v59;
	v42 =	vsel vm5, $0x1, v7;
	v52 =	vadd.s32 v62, v47  }
0x206: {  	v45 =	vsel vm6, $0x1, v7;
	v42 =	vadd.s32 v51, v42;
	v43 =	vmul.u32 $0x779B1, v52  }
0x207: {  	v53 =	vadd.s32 v60, v45;
	v42 =	vmul.u32 $0x25795, v42  }
0x208: {  	v43 =	vxor.u32 v53, v43  }
0x209: {  	v54 =	vor.u32 s17, v15;
	v42 =	vxor.u32 v42, v43  }
0x20a: {  	v56 =	vor.u32 s17, v16;
	v55 =	vshll.u32 v42, $0x1  }
0x20b: {  	v42 =	vand.u32 $0x7F, v42;
	v44 =	vand.u32 $0xFFF00, v55  }
0x20c: {  	v42 =	vor.u32 v44, v42  }
0x20d: {  	v44 =	vor.u32 $0x400000, v42  }
0x20e: {  	v42 =	vor.u32 $0x400080, v42;
	[tilespmem:v54+s14+$0x0] =	vst.idx.msk $0xffff, v44  }
0x20f: {  	[tilespmem:v56+s14+$0x0] =	vst.idx.msk $0xffff, v42  }
0x210: {  	v42 =	vld [tilespmem:$0x650];
	_ =	sdelay $0x4  }
0x211: {  	v57 =	vmul.f32 v42, v39  }
0x212: {  	v58 =	vmul.f32 v42, v40;
	v42 =	vmul.f32 v42, v41  }
0x213: {  	v59 =	vtrunc.f32 v57  }
0x214: {  	v61 =	vtrunc.f32 v58;
	v63 =	vtrunc.f32 v42  }
0x215: {  	v60 =	vcvt.f32.s32 v59;
	v62 =	vcvt.f32.s32 v61;
	vm7 =	vgt.f32 v58, v61  }
0x216: {  	v51 =	vcvt.f32.s32 v63;
	vm8 =	vgt.f32 v42, v63;
	v47 =	vsel vm7, $0x1, v7  }
0x217: {  	vm9 =	vgt.f32 v57, v59;
	v42 =	vsel vm8, $0x1, v7;
	v52 =	vadd.s32 v62, v47  }
0x218: {  	v45 =	vsel vm9, $0x1, v7;
	v42 =	vadd.s32 v51, v42;
	v43 =	vmul.u32 $0x779B1, v52  }
0x219: {  	v53 =	vadd.s32 v60, v45;
	v42 =	vmul.u32 $0x25795, v42  }
0x21a: {  	v43 =	vxor.u32 v53, v43  }
0x21b: {  	v54 =	vor.u32 s17, v17;
	v42 =	vxor.u32 v42, v43  }
0x21c: {  	v56 =	vor.u32 s17, v18;
	v55 =	vshll.u32 v42, $0x1  }
0x21d: {  	v42 =	vand.u32 $0x7F, v42;
	v44 =	vand.u32 $0xFFF00, v55  }
0x21e: {  	v42 =	vor.u32 v44, v42  }
0x21f: {  	v44 =	vor.u32 $0x500000, v42  }
0x220: {  	v42 =	vor.u32 $0x500080, v42;
	[tilespmem:v54+s14+$0x0] =	vst.idx.msk $0xffff, v44  }
0x221: {  	[tilespmem:v56+s14+$0x0] =	vst.idx.msk $0xffff, v42  }
0x222: {  	v42 =	vld [tilespmem:$0x660];
	_ =	sdelay $0x4  }
0x223: {  	v57 =	vmul.f32 v42, v39  }
0x224: {  	v58 =	vmul.f32 v42, v40;
	v42 =	vmul.f32 v42, v41  }
0x225: {  	v59 =	vtrunc.f32 v57  }
0x226: {  	v61 =	vtrunc.f32 v58;
	v63 =	vtrunc.f32 v42  }
0x227: {  	v60 =	vcvt.f32.s32 v59;
	v62 =	vcvt.f32.s32 v61;
	vm10 =	vgt.f32 v58, v61  }
0x228: {  	v51 =	vcvt.f32.s32 v63;
	vm11 =	vgt.f32 v42, v63;
	v47 =	vsel vm10, $0x1, v7  }
0x229: {  	vm12 =	vgt.f32 v57, v59;
	v42 =	vsel vm11, $0x1, v7;
	v52 =	vadd.s32 v62, v47  }
0x22a: {  	v45 =	vsel vm12, $0x1, v7;
	v42 =	vadd.s32 v51, v42;
	v43 =	vmul.u32 $0x779B1, v52  }
0x22b: {  	v53 =	vadd.s32 v60, v45;
	v42 =	vmul.u32 $0x25795, v42  }
0x22c: {  	v43 =	vxor.u32 v53, v43  }
0x22d: {  	v54 =	vor.u32 s17, v19;
	v42 =	vxor.u32 v42, v43  }
0x22e: {  	v56 =	vor.u32 s17, v20;
	v55 =	vshll.u32 v42, $0x1  }
0x22f: {  	v42 =	vand.u32 $0x7F, v42;
	v44 =	vand.u32 $0xFFF00, v55  }
0x230: {  	v42 =	vor.u32 v44, v42  }
0x231: {  	v44 =	vor.u32 $0x600000, v42  }
0x232: {  	v42 =	vor.u32 $0x600080, v42;
	[tilespmem:v54+s14+$0x0] =	vst.idx.msk $0xffff, v44  }
0x233: {  	[tilespmem:v56+s14+$0x0] =	vst.idx.msk $0xffff, v42  }
0x234: {  	v42 =	vld [tilespmem:$0x670];
	_ =	sdelay $0x4  }
0x235: {  	v57 =	vmul.f32 v42, v39  }
0x236: {  	v58 =	vmul.f32 v42, v40;
	v42 =	vmul.f32 v42, v41  }
0x237: {  	v59 =	vtrunc.f32 v57  }
0x238: {  	v61 =	vtrunc.f32 v58;
	v63 =	vtrunc.f32 v42  }
0x239: {  	v60 =	vcvt.f32.s32 v59;
	v62 =	vcvt.f32.s32 v61;
	vm13 =	vgt.f32 v58, v61  }
0x23a: {  	v51 =	vcvt.f32.s32 v63;
	vm14 =	vgt.f32 v42, v63;
	v47 =	vsel vm13, $0x1, v7  }
0x23b: {  	vm15 =	vgt.f32 v57, v59;
	v42 =	vsel vm14, $0x1, v7;
	v52 =	vadd.s32 v62, v47  }
0x23c: {  	v45 =	vsel vm15, $0x1, v7;
	v42 =	vadd.s32 v51, v42;
	v43 =	vmul.u32 $0x779B1, v52  }
0x23d: {  	v53 =	vadd.s32 v60, v45;
	v42 =	vmul.u32 $0x25795, v42  }
0x23e: {  	v43 =	vxor.u32 v53, v43  }
0x23f: {  	v54 =	vor.u32 s17, v21;
	v42 =	vxor.u32 v42, v43  }
0x240: {  	v56 =	vor.u32 s17, v22;
	v55 =	vshll.u32 v42, $0x1  }
0x241: {  	v42 =	vand.u32 $0x7F, v42;
	v44 =	vand.u32 $0xFFF00, v55  }
0x242: {  	v42 =	vor.u32 v44, v42  }
0x243: {  	v44 =	vor.u32 $0x700000, v42  }
0x244: {  	v42 =	vor.u32 $0x700080, v42;
	[tilespmem:v54+s14+$0x0] =	vst.idx.msk $0xffff, v44  }
0x245: {  	[tilespmem:v56+s14+$0x0] =	vst.idx.msk $0xffff, v42  }
0x246: {  	v42 =	vld [tilespmem:$0x680];
	_ =	sdelay $0x4  }
0x247: {  	v57 =	vmul.f32 v42, v39  }
0x248: {  	v58 =	vmul.f32 v42, v40;
	v42 =	vmul.f32 v42, v41  }
0x249: {  	v59 =	vtrunc.f32 v57  }
0x24a: {  	v61 =	vtrunc.f32 v58;
	v63 =	vtrunc.f32 v42  }
0x24b: {  	v60 =	vcvt.f32.s32 v59;
	v62 =	vcvt.f32.s32 v61;
	vm4 =	vgt.f32 v58, v61  }
0x24c: {  	v51 =	vcvt.f32.s32 v63;
	vm5 =	vgt.f32 v42, v63;
	v47 =	vsel vm4, $0x1, v7  }
0x24d: {  	vm6 =	vgt.f32 v57, v59;
	v42 =	vsel vm5, $0x1, v7;
	v52 =	vadd.s32 v62, v47  }
0x24e: {  	v45 =	vsel vm6, $0x1, v7;
	v42 =	vadd.s32 v51, v42;
	v43 =	vmul.u32 $0x779B1, v52  }
0x24f: {  	v53 =	vadd.s32 v60, v45;
	v42 =	vmul.u32 $0x25795, v42  }
0x250: {  	v43 =	vxor.u32 v53, v43  }
0x251: {  	v54 =	vor.u32 s17, v23;
	v42 =	vxor.u32 v42, v43  }
0x252: {  	v56 =	vor.u32 s17, v24;
	v55 =	vshll.u32 v42, $0x1  }
0x253: {  	v42 =	vand.u32 $0x7F, v42;
	v44 =	vand.u32 $0xFFF00, v55  }
0x254: {  	v42 =	vor.u32 v44, v42  }
0x255: {  	v44 =	vor.u32 $0x800000, v42  }
0x256: {  	v42 =	vor.u32 $0x800080, v42;
	[tilespmem:v54+s14+$0x0] =	vst.idx.msk $0xffff, v44  }
0x257: {  	[tilespmem:v56+s14+$0x0] =	vst.idx.msk $0xffff, v42  }
0x258: {  	v42 =	vld [tilespmem:$0x690];
	_ =	sdelay $0x4  }
0x259: {  	v57 =	vmul.f32 v42, v39  }
0x25a: {  	v58 =	vmul.f32 v42, v40;
	v42 =	vmul.f32 v42, v41  }
0x25b: {  	v59 =	vtrunc.f32 v57  }
0x25c: {  	v61 =	vtrunc.f32 v58;
	v63 =	vtrunc.f32 v42  }
0x25d: {  	v60 =	vcvt.f32.s32 v59;
	v62 =	vcvt.f32.s32 v61;
	vm7 =	vgt.f32 v58, v61  }
0x25e: {  	v51 =	vcvt.f32.s32 v63;
	vm8 =	vgt.f32 v42, v63;
	v47 =	vsel vm7, $0x1, v7  }
0x25f: {  	vm9 =	vgt.f32 v57, v59;
	v42 =	vsel vm8, $0x1, v7;
	v52 =	vadd.s32 v62, v47  }
0x260: {  	v45 =	vsel vm9, $0x1, v7;
	v42 =	vadd.s32 v51, v42;
	v43 =	vmul.u32 $0x779B1, v52  }
0x261: {  	v53 =	vadd.s32 v60, v45;
	v42 =	vmul.u32 $0x25795, v42  }
0x262: {  	v43 =	vxor.u32 v53, v43  }
0x263: {  	v54 =	vor.u32 s17, v25;
	v42 =	vxor.u32 v42, v43  }
0x264: {  	v56 =	vor.u32 s17, v26;
	v55 =	vshll.u32 v42, $0x1  }
0x265: {  	v42 =	vand.u32 $0x7F, v42;
	v44 =	vand.u32 $0xFFF00, v55  }
0x266: {  	v42 =	vor.u32 v44, v42  }
0x267: {  	v44 =	vor.u32 $0x900000, v42  }
0x268: {  	v42 =	vor.u32 $0x900080, v42;
	[tilespmem:v54+s14+$0x0] =	vst.idx.msk $0xffff, v44  }
0x269: {  	[tilespmem:v56+s14+$0x0] =	vst.idx.msk $0xffff, v42  }
0x26a: {  	v42 =	vld [tilespmem:$0x6A0];
	_ =	sdelay $0x4  }
0x26b: {  	v57 =	vmul.f32 v42, v39  }
0x26c: {  	v58 =	vmul.f32 v42, v40;
	v42 =	vmul.f32 v42, v41  }
0x26d: {  	v59 =	vtrunc.f32 v57  }
0x26e: {  	v61 =	vtrunc.f32 v58;
	v63 =	vtrunc.f32 v42  }
0x26f: {  	v60 =	vcvt.f32.s32 v59;
	v62 =	vcvt.f32.s32 v61;
	vm10 =	vgt.f32 v58, v61  }
0x270: {  	v51 =	vcvt.f32.s32 v63;
	vm11 =	vgt.f32 v42, v63;
	v47 =	vsel vm10, $0x1, v7  }
0x271: {  	vm12 =	vgt.f32 v57, v59;
	v42 =	vsel vm11, $0x1, v7;
	v52 =	vadd.s32 v62, v47  }
0x272: {  	v45 =	vsel vm12, $0x1, v7;
	v42 =	vadd.s32 v51, v42;
	v43 =	vmul.u32 $0x779B1, v52  }
0x273: {  	v53 =	vadd.s32 v60, v45;
	v42 =	vmul.u32 $0x25795, v42  }
0x274: {  	v43 =	vxor.u32 v53, v43  }
0x275: {  	v54 =	vor.u32 s17, v27;
	v42 =	vxor.u32 v42, v43  }
0x276: {  	v56 =	vor.u32 s17, v28;
	v55 =	vshll.u32 v42, $0x1  }
0x277: {  	v42 =	vand.u32 $0x7F, v42;
	v44 =	vand.u32 $0xFFF00, v55  }
0x278: {  	v42 =	vor.u32 v44, v42  }
0x279: {  	v44 =	vor.u32 $0xA00000, v42  }
0x27a: {  	v42 =	vor.u32 $0xA00080, v42;
	[tilespmem:v54+s14+$0x0] =	vst.idx.msk $0xffff, v44  }
0x27b: {  	[tilespmem:v56+s14+$0x0] =	vst.idx.msk $0xffff, v42  }
0x27c: {  	v42 =	vld [tilespmem:$0x6B0];
	_ =	sdelay $0x4  }
0x27d: {  	v57 =	vmul.f32 v42, v39  }
0x27e: {  	v58 =	vmul.f32 v42, v40;
	v42 =	vmul.f32 v42, v41  }
0x27f: {  	v59 =	vtrunc.f32 v57  }
0x280: {  	v61 =	vtrunc.f32 v58;
	v63 =	vtrunc.f32 v42  }
0x281: {  	v60 =	vcvt.f32.s32 v59;
	v62 =	vcvt.f32.s32 v61;
	vm13 =	vgt.f32 v58, v61  }
0x282: {  	v51 =	vcvt.f32.s32 v63;
	vm14 =	vgt.f32 v42, v63;
	v47 =	vsel vm13, $0x1, v7  }
0x283: {  	vm15 =	vgt.f32 v57, v59;
	v42 =	vsel vm14, $0x1, v7;
	v52 =	vadd.s32 v62, v47  }
0x284: {  	v45 =	vsel vm15, $0x1, v7;
	v42 =	vadd.s32 v51, v42;
	v43 =	vmul.u32 $0x779B1, v52  }
0x285: {  	v53 =	vadd.s32 v60, v45;
	v42 =	vmul.u32 $0x25795, v42  }
0x286: {  	v43 =	vxor.u32 v53, v43  }
0x287: {  	v54 =	vor.u32 s17, v29;
	v42 =	vxor.u32 v42, v43  }
0x288: {  	v56 =	vor.u32 s17, v30;
	v55 =	vshll.u32 v42, $0x1  }
0x289: {  	v42 =	vand.u32 $0x7F, v42;
	v44 =	vand.u32 $0xFFF00, v55  }
0x28a: {  	v42 =	vor.u32 v44, v42  }
0x28b: {  	v44 =	vor.u32 $0xB00000, v42  }
0x28c: {  	v42 =	vor.u32 $0xB00080, v42;
	[tilespmem:v54+s14+$0x0] =	vst.idx.msk $0xffff, v44  }
0x28d: {  	[tilespmem:v56+s14+$0x0] =	vst.idx.msk $0xffff, v42  }
0x28e: {  	v42 =	vld [tilespmem:$0x6C0];
	_ =	sdelay $0x4  }
0x28f: {  	v57 =	vmul.f32 v42, v39  }
0x290: {  	v58 =	vmul.f32 v42, v40;
	v42 =	vmul.f32 v42, v41  }
0x291: {  	v59 =	vtrunc.f32 v57  }
0x292: {  	v61 =	vtrunc.f32 v58;
	v63 =	vtrunc.f32 v42  }
0x293: {  	v60 =	vcvt.f32.s32 v59;
	v62 =	vcvt.f32.s32 v61;
	vm4 =	vgt.f32 v58, v61  }
0x294: {  	v51 =	vcvt.f32.s32 v63;
	vm5 =	vgt.f32 v42, v63;
	v47 =	vsel vm4, $0x1, v7  }
0x295: {  	vm6 =	vgt.f32 v57, v59;
	v42 =	vsel vm5, $0x1, v7;
	v52 =	vadd.s32 v62, v47  }
0x296: {  	v45 =	vsel vm6, $0x1, v7;
	v42 =	vadd.s32 v51, v42;
	v43 =	vmul.u32 $0x779B1, v52  }
0x297: {  	v53 =	vadd.s32 v60, v45;
	v42 =	vmul.u32 $0x25795, v42  }
0x298: {  	v43 =	vxor.u32 v53, v43  }
0x299: {  	v54 =	vor.u32 s17, v31;
	v42 =	vxor.u32 v42, v43  }
0x29a: {  	v56 =	vor.u32 s17, v32;
	v55 =	vshll.u32 v42, $0x1  }
0x29b: {  	v42 =	vand.u32 $0x7F, v42;
	v44 =	vand.u32 $0xFFF00, v55  }
0x29c: {  	v42 =	vor.u32 v44, v42  }
0x29d: {  	v44 =	vor.u32 $0xC00000, v42  }
0x29e: {  	v42 =	vor.u32 $0xC00080, v42;
	[tilespmem:v54+s14+$0x0] =	vst.idx.msk $0xffff, v44  }
0x29f: {  	[tilespmem:v56+s14+$0x0] =	vst.idx.msk $0xffff, v42  }
0x2a0: {  	v42 =	vld [tilespmem:$0x6D0];
	_ =	sdelay $0x4  }
0x2a1: {  	v57 =	vmul.f32 v42, v39  }
0x2a2: {  	v58 =	vmul.f32 v42, v40;
	v42 =	vmul.f32 v42, v41  }
0x2a3: {  	v59 =	vtrunc.f32 v57  }
0x2a4: {  	v61 =	vtrunc.f32 v58;
	v63 =	vtrunc.f32 v42  }
0x2a5: {  	v60 =	vcvt.f32.s32 v59;
	v62 =	vcvt.f32.s32 v61;
	vm7 =	vgt.f32 v58, v61  }
0x2a6: {  	v50 =	vcvt.f32.s32 v63;
	vm8 =	vgt.f32 v42, v63;
	v47 =	vsel vm7, $0x1, v7  }
0x2a7: {  	vm9 =	vgt.f32 v57, v59;
	v42 =	vsel vm8, $0x1, v7;
	v51 =	vadd.s32 v62, v47  }
0x2a8: {  	v45 =	vsel vm9, $0x1, v7;
	v42 =	vadd.s32 v50, v42;
	v43 =	vmul.u32 $0x779B1, v51  }
0x2a9: {  	v52 =	vadd.s32 v60, v45;
	v42 =	vmul.u32 $0x25795, v42  }
0x2aa: {  	v43 =	vxor.u32 v52, v43  }
0x2ab: {  	v53 =	vor.u32 s17, v33;
	v42 =	vxor.u32 v42, v43  }
0x2ac: {  	v55 =	vor.u32 s17, v34;
	v54 =	vshll.u32 v42, $0x1  }
0x2ad: {  	v42 =	vand.u32 $0x7F, v42;
	v44 =	vand.u32 $0xFFF00, v54  }
0x2ae: {  	v42 =	vor.u32 v44, v42  }
0x2af: {  	v44 =	vor.u32 $0xD00000, v42  }
0x2b0: {  	v42 =	vor.u32 $0xD00080, v42;
	[tilespmem:v53+s14+$0x0] =	vst.idx.msk $0xffff, v44  }
0x2b1: {  	[tilespmem:v55+s14+$0x0] =	vst.idx.msk $0xffff, v42  }
0x2b2: {  	v42 =	vld [tilespmem:$0x6E0];
	_ =	sdelay $0x4  }
0x2b3: {  	v56 =	vmul.f32 v42, v39  }
0x2b4: {  	v57 =	vmul.f32 v42, v40;
	v42 =	vmul.f32 v42, v41  }
0x2b5: {  	v58 =	vtrunc.f32 v56  }
0x2b6: {  	v60 =	vtrunc.f32 v57;
	v62 =	vtrunc.f32 v42  }
0x2b7: {  	v59 =	vcvt.f32.s32 v58;
	v61 =	vcvt.f32.s32 v60;
	vm10 =	vgt.f32 v57, v60  }
0x2b8: {  	v63 =	vcvt.f32.s32 v62;
	vm11 =	vgt.f32 v42, v62;
	v47 =	vsel vm10, $0x1, v7  }
0x2b9: {  	vm12 =	vgt.f32 v56, v58;
	v42 =	vsel vm11, $0x1, v7;
	v48 =	vadd.s32 v61, v47  }
0x2ba: {  	v45 =	vsel vm12, $0x1, v7;
	v42 =	vadd.s32 v63, v42;
	v43 =	vmul.u32 $0x779B1, v48  }
0x2bb: {  	v49 =	vadd.s32 v59, v45;
	v42 =	vmul.u32 $0x25795, v42  }
0x2bc: {  	v43 =	vxor.u32 v49, v43  }
0x2bd: {  	v50 =	vor.u32 s17, v35;
	v42 =	vxor.u32 v42, v43  }
0x2be: {  	v52 =	vor.u32 s17, v36;
	v51 =	vshll.u32 v42, $0x1  }
0x2bf: {  	v42 =	vand.u32 $0x7F, v42;
	v44 =	vand.u32 $0xFFF00, v51  }
0x2c0: {  	v42 =	vor.u32 v44, v42  }
0x2c1: {  	v44 =	vor.u32 $0xE00000, v42  }
0x2c2: {  	v42 =	vor.u32 $0xE00080, v42;
	[tilespmem:v50+s14+$0x0] =	vst.idx.msk $0xffff, v44  }
0x2c3: {  	[tilespmem:v52+s14+$0x0] =	vst.idx.msk $0xffff, v42  }
0x2c4: {  	v42 =	vld [tilespmem:$0x6F0];
	_ =	sdelay $0x4  }
0x2c5: {  	v39 =	vmul.f32 v42, v39  }
0x2c6: {  	v40 =	vmul.f32 v42, v40;
	v41 =	vmul.f32 v42, v41  }
0x2c7: {  	v53 =	vtrunc.f32 v39  }
0x2c8: {  	v55 =	vtrunc.f32 v40;
	v57 =	vtrunc.f32 v41  }
0x2c9: {  	v54 =	vcvt.f32.s32 v53;
	v56 =	vcvt.f32.s32 v55;
	vm13 =	vgt.f32 v40, v55  }
0x2ca: {  	v58 =	vcvt.f32.s32 v57;
	vm14 =	vgt.f32 v41, v57;
	v44 =	vsel vm13, $0x1, v7  }
0x2cb: {  	vm15 =	vgt.f32 v39, v53;
	v41 =	vsel vm14, $0x1, v7;
	v59 =	vadd.s32 v56, v44  }
0x2cc: {  	v42 =	vsel vm15, $0x1, v7;
	v40 =	vadd.s32 v58, v41;
	v39 =	vmul.u32 $0x779B1, v59  }
0x2cd: {  	v60 =	vadd.s32 v54, v42;
	v40 =	vmul.u32 $0x25795, v40  }
0x2ce: {  	v39 =	vxor.u32 v60, v39  }
0x2cf: {  	v61 =	vor.u32 s17, v37;
	v39 =	vxor.u32 v40, v39  }
0x2d0: {  	p0 =	sne.s32 s20, $0x1F;
	v63 =	vor.u32 s17, v38;
	v62 =	vshll.u32 v39, $0x1  }
.Ltmp6:
0x2d1: {  	v39 =	vand.u32 $0x7F, v39;
	v41 =	vand.u32 $0xFFF00, v62;
	(pc) =	sbr.rel @p0 .LBB2_7-.Ltmp6, $4  }
0x2d2: {  	v39 =	vor.u32 v41, v39  }
0x2d3: {  	v41 =	vor.u32 $0xF00000, v39  }
0x2d4: {  	v39 =	vor.u32 $0xF00080, v39;
	[tilespmem:v61+s14+$0x0] =	vst.idx.msk $0xffff, v41  }
0x2d5: {  	s19 =	sadd.s32 $0x30, s19;
	s10 =	sadd.s32 $0x200, s10;
	s20 =	sadd.s32 $0x1, s20;
	[tilespmem:v63+s14+$0x0] =	vst.idx.msk $0xffff, v39  }
0x2d6: {  	[tilespmem:s16], [sflag:$0x1] =	stream.indirect.gather [hbm4b:s4+s15], $0x1, s14, s15, $0xb8;
	[tilespmem:$0x10700] =	vst v63  }
0x2d7: {  	s10 =	simm.s32 $0xF00;
	s17 =	simm.s32 $0x8F00  }
0x2d8: {  	[tilespmem:s17], [sflag:$0x1] =	stream.indirect.gather [hbm4b:s4+s15], $0x1, s10, s15, $0xb8;
	[tilespmem:$0x10700] =	vst v63  }
0x2d9: {  	s19 =	simm.s32 $0x1700;
	s20 =	simm.s32 $0x9700  }
0x2da: {  	[tilespmem:s20], [sflag:$0x1] =	stream.indirect.gather [hbm4b:s4+s15], $0x1, s19, s15, $0xb8;
	[tilespmem:$0x10700] =	vst v63  }
0x2db: {  	_ = 	snop  }
0x2dc: {  	[tilespmem:s22], [sflag:$0x1] =	stream.indirect.gather [hbm4b:s4+s15], $0x1, s21, s15, $0xb8;
	[tilespmem:$0x10700] =	vst v63  }
0x2dd: {  	_ = 	snop  }
0x2de: {  	[tilespmem:s24], [sflag:$0x1] =	stream.indirect.gather [hbm4b:s4+s15], $0x1, s23, s15, $0xb8;
	[tilespmem:$0x10700] =	vst v63  }
0x2df: {  	_ = 	snop  }
0x2e0: {  	[tilespmem:s26], [sflag:$0x1] =	stream.indirect.gather [hbm4b:s4+s15], $0x1, s25, s15, $0xb8;
	[tilespmem:$0x10700] =	vst v63  }
0x2e1: {  	_ = 	snop  }
0x2e2: {  	[tilespmem:s29], [sflag:$0x1] =	stream.indirect.gather [hbm4b:s4+s15], $0x1, s28, s15, $0xb8;
	[tilespmem:$0x10700] =	vst v63  }
0x2e3: {  	_ = 	snop  }
0x2e4: {  	[tilespmem:s31], [sflag:$0x1] =	stream.indirect.gather [hbm4b:s4+s15], $0x1, s30, s15, $0xb8;
	[tilespmem:$0x10700] =	vst v63  }
0x2e5: {  	_ =	swait.ge [sflag:s3], $0x800  }
0x2e6: {  	[sflag:s3] =	ssyncset.done $0x0  }
0x2e7: {  	[sflag:s3] =	ssyncadd.s32 $0xFFFFF800  }
0x2e8: {  	_ =	swait.ge [sflag:s3], $0x800  }
0x2e9: {  	[sflag:s3] =	ssyncset.done $0x0  }
0x2ea: {  	[sflag:s3] =	ssyncadd.s32 $0xFFFFF800  }
0x2eb: {  	_ =	swait.ge [sflag:s3], $0x800  }
0x2ec: {  	[sflag:s3] =	ssyncset.done $0x0  }
0x2ed: {  	[sflag:s3] =	ssyncadd.s32 $0xFFFFF800  }
0x2ee: {  	_ =	swait.ge [sflag:s3], $0x800  }
0x2ef: {  	[sflag:s3] =	ssyncset.done $0x0  }
0x2f0: {  	[sflag:s3] =	ssyncadd.s32 $0xFFFFF800  }
0x2f1: {  	_ =	swait.ge [sflag:s3], $0x800  }
0x2f2: {  	[sflag:s3] =	ssyncset.done $0x0  }
0x2f3: {  	[sflag:s3] =	ssyncadd.s32 $0xFFFFF800  }
0x2f4: {  	_ =	swait.ge [sflag:s3], $0x800  }
0x2f5: {  	[sflag:s3] =	ssyncset.done $0x0  }
0x2f6: {  	[sflag:s3] =	ssyncadd.s32 $0xFFFFF800  }
0x2f7: {  	_ =	swait.ge [sflag:s3], $0x800  }
0x2f8: {  	[sflag:s3] =	ssyncset.done $0x0  }
0x2f9: {  	s8 =	sadd.s32 s8, s9;
	[sflag:s3] =	ssyncadd.s32 $0xFFFFF800  }
.Ltmp7:
0x2fa: {  	s8 =	sshll.u32 s8, $0x2;
	_ =	swait.ge [sflag:s3], $0x800;
	(pc) =	sbr.rel .LBB2_9-.Ltmp7, $4  }
0x2fb: {  	s8 =	sand.u32 $0x1FFFF800, s8;
	[sflag:s3] =	ssyncset.done $0x0  }
0x2fc: {  	s8 =	sadd.s32 s6, s8;
	[sflag:s3] =	ssyncadd.s32 $0xFFFFF800  }
0x2fd: {  	[hbm4b:s8+s5] =	stream.linear.scatter [tilespmem:s2], [sflag:$0x3], $0x4000, $0x38;
	[tilespmem:$0x10700] =	vst v63  }
0x2fe: {  	s8 =	simm.s32 $0x3  }
.LBB2_5:
0x2ff: {  	v39 =	vadd.s32 s17, v0  }
0x300: {  	v40 =	vadd.s32 s17, v3;
	v39 =	vand.u32 $0xFF8, v39  }
0x301: {  	v41 =	vadd.s32 s17, v5;
	v40 =	vand.u32 $0xFF8, v40;
	v39 =	vor.u32 v1, v39  }
0x302: {  	v41 =	vand.u32 $0xFF8, v41;
	v40 =	vor.u32 v4, v40  }
0x303: {  	v41 =	vor.u32 v6, v41;
	_ =	sdelay $0x1  }
0x304: {  	v42 =	vld [tilespmem:$0x600]  }
0x305: {  	v39 =	vld.idx.msk [tilespmem:v39+s5+$0x0], $0xffff  }
0x306: {  	v40 =	vld.idx.msk [tilespmem:v40+s5+$0x0], $0xffff  }
0x307: {  	v41 =	vld.idx.msk [tilespmem:v41+s5+$0x0], $0xffff;
	_ =	sdelay $0x3  }
0x308: {  	v43 =	vmul.f32 v42, v39  }
0x309: {  	v44 =	vmul.f32 v42, v40;
	v42 =	vmul.f32 v42, v41  }
0x30a: {  	v45 =	vtrunc.f32 v43  }
0x30b: {  	v47 =	vtrunc.f32 v44;
	v49 =	vtrunc.f32 v42  }
0x30c: {  	v46 =	vcvt.f32.s32 v45;
	v48 =	vcvt.f32.s32 v47;
	vm0 =	vgt.f32 v44, v47  }
0x30d: {  	v51 =	vcvt.f32.s32 v49;
	vm5 =	vgt.f32 v42, v49;
	v47 =	vsel vm0, $0x1, v7  }
0x30e: {  	s19 =	sshll.u32 s18, $0x9;
	vm6 =	vgt.f32 v43, v45;
	v42 =	vsel vm5, $0x1, v7;
	v52 =	vadd.s32 v48, v47  }
0x30f: {  	s20 =	sand.u32 $0x600, s10;
	s19 =	sand.u32 $0xFFFFF800, s19;
	v45 =	vsel vm6, $0x1, v7;
	v42 =	vadd.s32 v51, v42;
	v43 =	vmul.u32 $0x779B1, v52  }
0x310: {  	s19 =	sor.u32 s20, s19;
	v53 =	vadd.s32 v46, v45;
	v42 =	vmul.u32 $0x25795, v42  }
0x311: {  	v54 =	vor.u32 s19, v2;
	v43 =	vxor.u32 v53, v43  }
0x312: {  	v55 =	vor.u32 s19, v8;
	v42 =	vxor.u32 v42, v43  }
0x313: {  	v56 =	vshll.u32 v42, $0x1  }
0x314: {  	v42 =	vand.u32 $0x7F, v42;
	v45 =	vand.u32 $0xFFF00, v56  }
0x315: {  	v42 =	vor.u32 v42, v45  }
0x316: {  	[tilespmem:v54+s12+$0x0] =	vst.idx.msk $0xffff, v42;
	v42 =	vor.u32 $0x80, v42  }
0x317: {  	[tilespmem:v55+s12+$0x0] =	vst.idx.msk $0xffff, v42  }
0x318: {  	v42 =	vld [tilespmem:$0x610];
	_ =	sdelay $0x4  }
0x319: {  	v57 =	vmul.f32 v42, v39  }
0x31a: {  	v58 =	vmul.f32 v42, v40;
	v42 =	vmul.f32 v42, v41  }
0x31b: {  	v59 =	vtrunc.f32 v57  }
0x31c: {  	v61 =	vtrunc.f32 v58;
	v63 =	vtrunc.f32 v42  }
0x31d: {  	v60 =	vcvt.f32.s32 v59;
	v62 =	vcvt.f32.s32 v61;
	vm7 =	vgt.f32 v58, v61  }
0x31e: {  	v51 =	vcvt.f32.s32 v63;
	vm8 =	vgt.f32 v42, v63;
	v47 =	vsel vm7, $0x1, v7  }
0x31f: {  	vm9 =	vgt.f32 v57, v59;
	v42 =	vsel vm8, $0x1, v7;
	v52 =	vadd.s32 v62, v47  }
0x320: {  	v45 =	vsel vm9, $0x1, v7;
	v42 =	vadd.s32 v51, v42;
	v43 =	vmul.u32 $0x779B1, v52  }
0x321: {  	v53 =	vadd.s32 v60, v45;
	v42 =	vmul.u32 $0x25795, v42  }
0x322: {  	v43 =	vxor.u32 v53, v43  }
0x323: {  	v54 =	vor.u32 s19, v9;
	v42 =	vxor.u32 v42, v43  }
0x324: {  	v56 =	vor.u32 s19, v10;
	v55 =	vshll.u32 v42, $0x1  }
0x325: {  	v42 =	vand.u32 $0x7F, v42;
	v44 =	vand.u32 $0xFFF00, v55  }
0x326: {  	v42 =	vor.u32 v44, v42  }
0x327: {  	v44 =	vor.u32 $0x100000, v42  }
0x328: {  	v42 =	vor.u32 $0x100080, v42;
	[tilespmem:v54+s12+$0x0] =	vst.idx.msk $0xffff, v44  }
0x329: {  	[tilespmem:v56+s12+$0x0] =	vst.idx.msk $0xffff, v42  }
0x32a: {  	v42 =	vld [tilespmem:$0x620];
	_ =	sdelay $0x4  }
0x32b: {  	v57 =	vmul.f32 v42, v39  }
0x32c: {  	v58 =	vmul.f32 v42, v40;
	v42 =	vmul.f32 v42, v41  }
0x32d: {  	v59 =	vtrunc.f32 v57  }
0x32e: {  	v61 =	vtrunc.f32 v58;
	v63 =	vtrunc.f32 v42  }
0x32f: {  	v60 =	vcvt.f32.s32 v59;
	v62 =	vcvt.f32.s32 v61;
	vm10 =	vgt.f32 v58, v61  }
0x330: {  	v51 =	vcvt.f32.s32 v63;
	vm11 =	vgt.f32 v42, v63;
	v47 =	vsel vm10, $0x1, v7  }
0x331: {  	vm12 =	vgt.f32 v57, v59;
	v42 =	vsel vm11, $0x1, v7;
	v52 =	vadd.s32 v62, v47  }
0x332: {  	v45 =	vsel vm12, $0x1, v7;
	v42 =	vadd.s32 v51, v42;
	v43 =	vmul.u32 $0x779B1, v52  }
0x333: {  	v53 =	vadd.s32 v60, v45;
	v42 =	vmul.u32 $0x25795, v42  }
0x334: {  	v43 =	vxor.u32 v53, v43  }
0x335: {  	v54 =	vor.u32 s19, v11;
	v42 =	vxor.u32 v42, v43  }
0x336: {  	v56 =	vor.u32 s19, v12;
	v55 =	vshll.u32 v42, $0x1  }
0x337: {  	v42 =	vand.u32 $0x7F, v42;
	v44 =	vand.u32 $0xFFF00, v55  }
0x338: {  	v42 =	vor.u32 v44, v42  }
0x339: {  	v44 =	vor.u32 $0x200000, v42  }
0x33a: {  	v42 =	vor.u32 $0x200080, v42;
	[tilespmem:v54+s12+$0x0] =	vst.idx.msk $0xffff, v44  }
0x33b: {  	[tilespmem:v56+s12+$0x0] =	vst.idx.msk $0xffff, v42  }
0x33c: {  	v42 =	vld [tilespmem:$0x630];
	_ =	sdelay $0x4  }
0x33d: {  	v57 =	vmul.f32 v42, v39  }
0x33e: {  	v58 =	vmul.f32 v42, v40;
	v42 =	vmul.f32 v42, v41  }
0x33f: {  	v59 =	vtrunc.f32 v57  }
0x340: {  	v61 =	vtrunc.f32 v58;
	v63 =	vtrunc.f32 v42  }
0x341: {  	v60 =	vcvt.f32.s32 v59;
	v62 =	vcvt.f32.s32 v61;
	vm13 =	vgt.f32 v58, v61  }
0x342: {  	v51 =	vcvt.f32.s32 v63;
	vm14 =	vgt.f32 v42, v63;
	v47 =	vsel vm13, $0x1, v7  }
0x343: {  	vm15 =	vgt.f32 v57, v59;
	v42 =	vsel vm14, $0x1, v7;
	v52 =	vadd.s32 v62, v47  }
0x344: {  	v45 =	vsel vm15, $0x1, v7;
	v42 =	vadd.s32 v51, v42;
	v43 =	vmul.u32 $0x779B1, v52  }
0x345: {  	v53 =	vadd.s32 v60, v45;
	v42 =	vmul.u32 $0x25795, v42  }
0x346: {  	v43 =	vxor.u32 v53, v43  }
0x347: {  	v54 =	vor.u32 s19, v13;
	v42 =	vxor.u32 v42, v43  }
0x348: {  	v56 =	vor.u32 s19, v14;
	v55 =	vshll.u32 v42, $0x1  }
0x349: {  	v42 =	vand.u32 $0x7F, v42;
	v44 =	vand.u32 $0xFFF00, v55  }
0x34a: {  	v42 =	vor.u32 v44, v42  }
0x34b: {  	v44 =	vor.u32 $0x300000, v42  }
0x34c: {  	v42 =	vor.u32 $0x300080, v42;
	[tilespmem:v54+s12+$0x0] =	vst.idx.msk $0xffff, v44  }
0x34d: {  	[tilespmem:v56+s12+$0x0] =	vst.idx.msk $0xffff, v42  }
0x34e: {  	v42 =	vld [tilespmem:$0x640];
	_ =	sdelay $0x4  }
0x34f: {  	v57 =	vmul.f32 v42, v39  }
0x350: {  	v58 =	vmul.f32 v42, v40;
	v42 =	vmul.f32 v42, v41  }
0x351: {  	v59 =	vtrunc.f32 v57  }
0x352: {  	v61 =	vtrunc.f32 v58;
	v63 =	vtrunc.f32 v42  }
0x353: {  	v60 =	vcvt.f32.s32 v59;
	v62 =	vcvt.f32.s32 v61;
	vm4 =	vgt.f32 v58, v61  }
0x354: {  	v51 =	vcvt.f32.s32 v63;
	vm5 =	vgt.f32 v42, v63;
	v47 =	vsel vm4, $0x1, v7  }
0x355: {  	vm6 =	vgt.f32 v57, v59;
	v42 =	vsel vm5, $0x1, v7;
	v52 =	vadd.s32 v62, v47  }
0x356: {  	v45 =	vsel vm6, $0x1, v7;
	v42 =	vadd.s32 v51, v42;
	v43 =	vmul.u32 $0x779B1, v52  }
0x357: {  	v53 =	vadd.s32 v60, v45;
	v42 =	vmul.u32 $0x25795, v42  }
0x358: {  	v43 =	vxor.u32 v53, v43  }
0x359: {  	v54 =	vor.u32 s19, v15;
	v42 =	vxor.u32 v42, v43  }
0x35a: {  	v56 =	vor.u32 s19, v16;
	v55 =	vshll.u32 v42, $0x1  }
0x35b: {  	v42 =	vand.u32 $0x7F, v42;
	v44 =	vand.u32 $0xFFF00, v55  }
0x35c: {  	v42 =	vor.u32 v44, v42  }
0x35d: {  	v44 =	vor.u32 $0x400000, v42  }
0x35e: {  	v42 =	vor.u32 $0x400080, v42;
	[tilespmem:v54+s12+$0x0] =	vst.idx.msk $0xffff, v44  }
0x35f: {  	[tilespmem:v56+s12+$0x0] =	vst.idx.msk $0xffff, v42  }
0x360: {  	v42 =	vld [tilespmem:$0x650];
	_ =	sdelay $0x4  }
0x361: {  	v57 =	vmul.f32 v42, v39  }
0x362: {  	v58 =	vmul.f32 v42, v40;
	v42 =	vmul.f32 v42, v41  }
0x363: {  	v59 =	vtrunc.f32 v57  }
0x364: {  	v61 =	vtrunc.f32 v58;
	v63 =	vtrunc.f32 v42  }
0x365: {  	v60 =	vcvt.f32.s32 v59;
	v62 =	vcvt.f32.s32 v61;
	vm7 =	vgt.f32 v58, v61  }
0x366: {  	v51 =	vcvt.f32.s32 v63;
	vm8 =	vgt.f32 v42, v63;
	v47 =	vsel vm7, $0x1, v7  }
0x367: {  	vm9 =	vgt.f32 v57, v59;
	v42 =	vsel vm8, $0x1, v7;
	v52 =	vadd.s32 v62, v47  }
0x368: {  	v45 =	vsel vm9, $0x1, v7;
	v42 =	vadd.s32 v51, v42;
	v43 =	vmul.u32 $0x779B1, v52  }
0x369: {  	v53 =	vadd.s32 v60, v45;
	v42 =	vmul.u32 $0x25795, v42  }
0x36a: {  	v43 =	vxor.u32 v53, v43  }
0x36b: {  	v54 =	vor.u32 s19, v17;
	v42 =	vxor.u32 v42, v43  }
0x36c: {  	v56 =	vor.u32 s19, v18;
	v55 =	vshll.u32 v42, $0x1  }
0x36d: {  	v42 =	vand.u32 $0x7F, v42;
	v44 =	vand.u32 $0xFFF00, v55  }
0x36e: {  	v42 =	vor.u32 v44, v42  }
0x36f: {  	v44 =	vor.u32 $0x500000, v42  }
0x370: {  	v42 =	vor.u32 $0x500080, v42;
	[tilespmem:v54+s12+$0x0] =	vst.idx.msk $0xffff, v44  }
0x371: {  	[tilespmem:v56+s12+$0x0] =	vst.idx.msk $0xffff, v42  }
0x372: {  	v42 =	vld [tilespmem:$0x660];
	_ =	sdelay $0x4  }
0x373: {  	v57 =	vmul.f32 v42, v39  }
0x374: {  	v58 =	vmul.f32 v42, v40;
	v42 =	vmul.f32 v42, v41  }
0x375: {  	v59 =	vtrunc.f32 v57  }
0x376: {  	v61 =	vtrunc.f32 v58;
	v63 =	vtrunc.f32 v42  }
0x377: {  	v60 =	vcvt.f32.s32 v59;
	v62 =	vcvt.f32.s32 v61;
	vm10 =	vgt.f32 v58, v61  }
0x378: {  	v51 =	vcvt.f32.s32 v63;
	vm11 =	vgt.f32 v42, v63;
	v47 =	vsel vm10, $0x1, v7  }
0x379: {  	vm12 =	vgt.f32 v57, v59;
	v42 =	vsel vm11, $0x1, v7;
	v52 =	vadd.s32 v62, v47  }
0x37a: {  	v45 =	vsel vm12, $0x1, v7;
	v42 =	vadd.s32 v51, v42;
	v43 =	vmul.u32 $0x779B1, v52  }
0x37b: {  	v53 =	vadd.s32 v60, v45;
	v42 =	vmul.u32 $0x25795, v42  }
0x37c: {  	v43 =	vxor.u32 v53, v43  }
0x37d: {  	v54 =	vor.u32 s19, v19;
	v42 =	vxor.u32 v42, v43  }
0x37e: {  	v56 =	vor.u32 s19, v20;
	v55 =	vshll.u32 v42, $0x1  }
0x37f: {  	v42 =	vand.u32 $0x7F, v42;
	v44 =	vand.u32 $0xFFF00, v55  }
0x380: {  	v42 =	vor.u32 v44, v42  }
0x381: {  	v44 =	vor.u32 $0x600000, v42  }
0x382: {  	v42 =	vor.u32 $0x600080, v42;
	[tilespmem:v54+s12+$0x0] =	vst.idx.msk $0xffff, v44  }
0x383: {  	[tilespmem:v56+s12+$0x0] =	vst.idx.msk $0xffff, v42  }
0x384: {  	v42 =	vld [tilespmem:$0x670];
	_ =	sdelay $0x4  }
0x385: {  	v57 =	vmul.f32 v42, v39  }
0x386: {  	v58 =	vmul.f32 v42, v40;
	v42 =	vmul.f32 v42, v41  }
0x387: {  	v59 =	vtrunc.f32 v57  }
0x388: {  	v61 =	vtrunc.f32 v58;
	v63 =	vtrunc.f32 v42  }
0x389: {  	v60 =	vcvt.f32.s32 v59;
	v62 =	vcvt.f32.s32 v61;
	vm13 =	vgt.f32 v58, v61  }
0x38a: {  	v51 =	vcvt.f32.s32 v63;
	vm14 =	vgt.f32 v42, v63;
	v47 =	vsel vm13, $0x1, v7  }
0x38b: {  	vm15 =	vgt.f32 v57, v59;
	v42 =	vsel vm14, $0x1, v7;
	v52 =	vadd.s32 v62, v47  }
0x38c: {  	v45 =	vsel vm15, $0x1, v7;
	v42 =	vadd.s32 v51, v42;
	v43 =	vmul.u32 $0x779B1, v52  }
0x38d: {  	v53 =	vadd.s32 v60, v45;
	v42 =	vmul.u32 $0x25795, v42  }
0x38e: {  	v43 =	vxor.u32 v53, v43  }
0x38f: {  	v54 =	vor.u32 s19, v21;
	v42 =	vxor.u32 v42, v43  }
0x390: {  	v56 =	vor.u32 s19, v22;
	v55 =	vshll.u32 v42, $0x1  }
0x391: {  	v42 =	vand.u32 $0x7F, v42;
	v44 =	vand.u32 $0xFFF00, v55  }
0x392: {  	v42 =	vor.u32 v44, v42  }
0x393: {  	v44 =	vor.u32 $0x700000, v42  }
0x394: {  	v42 =	vor.u32 $0x700080, v42;
	[tilespmem:v54+s12+$0x0] =	vst.idx.msk $0xffff, v44  }
0x395: {  	[tilespmem:v56+s12+$0x0] =	vst.idx.msk $0xffff, v42  }
0x396: {  	v42 =	vld [tilespmem:$0x680];
	_ =	sdelay $0x4  }
0x397: {  	v57 =	vmul.f32 v42, v39  }
0x398: {  	v58 =	vmul.f32 v42, v40;
	v42 =	vmul.f32 v42, v41  }
0x399: {  	v59 =	vtrunc.f32 v57  }
0x39a: {  	v61 =	vtrunc.f32 v58;
	v63 =	vtrunc.f32 v42  }
0x39b: {  	v60 =	vcvt.f32.s32 v59;
	v62 =	vcvt.f32.s32 v61;
	vm4 =	vgt.f32 v58, v61  }
0x39c: {  	v51 =	vcvt.f32.s32 v63;
	vm5 =	vgt.f32 v42, v63;
	v47 =	vsel vm4, $0x1, v7  }
0x39d: {  	vm6 =	vgt.f32 v57, v59;
	v42 =	vsel vm5, $0x1, v7;
	v52 =	vadd.s32 v62, v47  }
0x39e: {  	v45 =	vsel vm6, $0x1, v7;
	v42 =	vadd.s32 v51, v42;
	v43 =	vmul.u32 $0x779B1, v52  }
0x39f: {  	v53 =	vadd.s32 v60, v45;
	v42 =	vmul.u32 $0x25795, v42  }
0x3a0: {  	v43 =	vxor.u32 v53, v43  }
0x3a1: {  	v54 =	vor.u32 s19, v23;
	v42 =	vxor.u32 v42, v43  }
0x3a2: {  	v56 =	vor.u32 s19, v24;
	v55 =	vshll.u32 v42, $0x1  }
0x3a3: {  	v42 =	vand.u32 $0x7F, v42;
	v44 =	vand.u32 $0xFFF00, v55  }
0x3a4: {  	v42 =	vor.u32 v44, v42  }
0x3a5: {  	v44 =	vor.u32 $0x800000, v42  }
0x3a6: {  	v42 =	vor.u32 $0x800080, v42;
	[tilespmem:v54+s12+$0x0] =	vst.idx.msk $0xffff, v44  }
0x3a7: {  	[tilespmem:v56+s12+$0x0] =	vst.idx.msk $0xffff, v42  }
0x3a8: {  	v42 =	vld [tilespmem:$0x690];
	_ =	sdelay $0x4  }
0x3a9: {  	v57 =	vmul.f32 v42, v39  }
0x3aa: {  	v58 =	vmul.f32 v42, v40;
	v42 =	vmul.f32 v42, v41  }
0x3ab: {  	v59 =	vtrunc.f32 v57  }
0x3ac: {  	v61 =	vtrunc.f32 v58;
	v63 =	vtrunc.f32 v42  }
0x3ad: {  	v60 =	vcvt.f32.s32 v59;
	v62 =	vcvt.f32.s32 v61;
	vm7 =	vgt.f32 v58, v61  }
0x3ae: {  	v51 =	vcvt.f32.s32 v63;
	vm8 =	vgt.f32 v42, v63;
	v47 =	vsel vm7, $0x1, v7  }
0x3af: {  	vm9 =	vgt.f32 v57, v59;
	v42 =	vsel vm8, $0x1, v7;
	v52 =	vadd.s32 v62, v47  }
0x3b0: {  	v45 =	vsel vm9, $0x1, v7;
	v42 =	vadd.s32 v51, v42;
	v43 =	vmul.u32 $0x779B1, v52  }
0x3b1: {  	v53 =	vadd.s32 v60, v45;
	v42 =	vmul.u32 $0x25795, v42  }
0x3b2: {  	v43 =	vxor.u32 v53, v43  }
0x3b3: {  	v54 =	vor.u32 s19, v25;
	v42 =	vxor.u32 v42, v43  }
0x3b4: {  	v56 =	vor.u32 s19, v26;
	v55 =	vshll.u32 v42, $0x1  }
0x3b5: {  	v42 =	vand.u32 $0x7F, v42;
	v44 =	vand.u32 $0xFFF00, v55  }
0x3b6: {  	v42 =	vor.u32 v44, v42  }
0x3b7: {  	v44 =	vor.u32 $0x900000, v42  }
0x3b8: {  	v42 =	vor.u32 $0x900080, v42;
	[tilespmem:v54+s12+$0x0] =	vst.idx.msk $0xffff, v44  }
0x3b9: {  	[tilespmem:v56+s12+$0x0] =	vst.idx.msk $0xffff, v42  }
0x3ba: {  	v42 =	vld [tilespmem:$0x6A0];
	_ =	sdelay $0x4  }
0x3bb: {  	v57 =	vmul.f32 v42, v39  }
0x3bc: {  	v58 =	vmul.f32 v42, v40;
	v42 =	vmul.f32 v42, v41  }
0x3bd: {  	v59 =	vtrunc.f32 v57  }
0x3be: {  	v61 =	vtrunc.f32 v58;
	v63 =	vtrunc.f32 v42  }
0x3bf: {  	v60 =	vcvt.f32.s32 v59;
	v62 =	vcvt.f32.s32 v61;
	vm10 =	vgt.f32 v58, v61  }
0x3c0: {  	v51 =	vcvt.f32.s32 v63;
	vm11 =	vgt.f32 v42, v63;
	v47 =	vsel vm10, $0x1, v7  }
0x3c1: {  	vm12 =	vgt.f32 v57, v59;
	v42 =	vsel vm11, $0x1, v7;
	v52 =	vadd.s32 v62, v47  }
0x3c2: {  	v45 =	vsel vm12, $0x1, v7;
	v42 =	vadd.s32 v51, v42;
	v43 =	vmul.u32 $0x779B1, v52  }
0x3c3: {  	v53 =	vadd.s32 v60, v45;
	v42 =	vmul.u32 $0x25795, v42  }
0x3c4: {  	v43 =	vxor.u32 v53, v43  }
0x3c5: {  	v54 =	vor.u32 s19, v27;
	v42 =	vxor.u32 v42, v43  }
0x3c6: {  	v56 =	vor.u32 s19, v28;
	v55 =	vshll.u32 v42, $0x1  }
0x3c7: {  	v42 =	vand.u32 $0x7F, v42;
	v44 =	vand.u32 $0xFFF00, v55  }
0x3c8: {  	v42 =	vor.u32 v44, v42  }
0x3c9: {  	v44 =	vor.u32 $0xA00000, v42  }
0x3ca: {  	v42 =	vor.u32 $0xA00080, v42;
	[tilespmem:v54+s12+$0x0] =	vst.idx.msk $0xffff, v44  }
0x3cb: {  	[tilespmem:v56+s12+$0x0] =	vst.idx.msk $0xffff, v42  }
0x3cc: {  	v42 =	vld [tilespmem:$0x6B0];
	_ =	sdelay $0x4  }
0x3cd: {  	v57 =	vmul.f32 v42, v39  }
0x3ce: {  	v58 =	vmul.f32 v42, v40;
	v42 =	vmul.f32 v42, v41  }
0x3cf: {  	v59 =	vtrunc.f32 v57  }
0x3d0: {  	v61 =	vtrunc.f32 v58;
	v63 =	vtrunc.f32 v42  }
0x3d1: {  	v60 =	vcvt.f32.s32 v59;
	v62 =	vcvt.f32.s32 v61;
	vm13 =	vgt.f32 v58, v61  }
0x3d2: {  	v51 =	vcvt.f32.s32 v63;
	vm14 =	vgt.f32 v42, v63;
	v47 =	vsel vm13, $0x1, v7  }
0x3d3: {  	vm15 =	vgt.f32 v57, v59;
	v42 =	vsel vm14, $0x1, v7;
	v52 =	vadd.s32 v62, v47  }
0x3d4: {  	v45 =	vsel vm15, $0x1, v7;
	v42 =	vadd.s32 v51, v42;
	v43 =	vmul.u32 $0x779B1, v52  }
0x3d5: {  	v53 =	vadd.s32 v60, v45;
	v42 =	vmul.u32 $0x25795, v42  }
0x3d6: {  	v43 =	vxor.u32 v53, v43  }
0x3d7: {  	v54 =	vor.u32 s19, v29;
	v42 =	vxor.u32 v42, v43  }
0x3d8: {  	v56 =	vor.u32 s19, v30;
	v55 =	vshll.u32 v42, $0x1  }
0x3d9: {  	v42 =	vand.u32 $0x7F, v42;
	v44 =	vand.u32 $0xFFF00, v55  }
0x3da: {  	v42 =	vor.u32 v44, v42  }
0x3db: {  	v44 =	vor.u32 $0xB00000, v42  }
0x3dc: {  	v42 =	vor.u32 $0xB00080, v42;
	[tilespmem:v54+s12+$0x0] =	vst.idx.msk $0xffff, v44  }
0x3dd: {  	[tilespmem:v56+s12+$0x0] =	vst.idx.msk $0xffff, v42  }
0x3de: {  	v42 =	vld [tilespmem:$0x6C0];
	_ =	sdelay $0x4  }
0x3df: {  	v57 =	vmul.f32 v42, v39  }
0x3e0: {  	v58 =	vmul.f32 v42, v40;
	v42 =	vmul.f32 v42, v41  }
0x3e1: {  	v59 =	vtrunc.f32 v57  }
0x3e2: {  	v61 =	vtrunc.f32 v58;
	v63 =	vtrunc.f32 v42  }
0x3e3: {  	v60 =	vcvt.f32.s32 v59;
	v62 =	vcvt.f32.s32 v61;
	vm4 =	vgt.f32 v58, v61  }
0x3e4: {  	v51 =	vcvt.f32.s32 v63;
	vm5 =	vgt.f32 v42, v63;
	v47 =	vsel vm4, $0x1, v7  }
0x3e5: {  	vm6 =	vgt.f32 v57, v59;
	v42 =	vsel vm5, $0x1, v7;
	v52 =	vadd.s32 v62, v47  }
0x3e6: {  	v45 =	vsel vm6, $0x1, v7;
	v42 =	vadd.s32 v51, v42;
	v43 =	vmul.u32 $0x779B1, v52  }
0x3e7: {  	v53 =	vadd.s32 v60, v45;
	v42 =	vmul.u32 $0x25795, v42  }
0x3e8: {  	v43 =	vxor.u32 v53, v43  }
0x3e9: {  	v54 =	vor.u32 s19, v31;
	v42 =	vxor.u32 v42, v43  }
0x3ea: {  	v56 =	vor.u32 s19, v32;
	v55 =	vshll.u32 v42, $0x1  }
0x3eb: {  	v42 =	vand.u32 $0x7F, v42;
	v44 =	vand.u32 $0xFFF00, v55  }
0x3ec: {  	v42 =	vor.u32 v44, v42  }
0x3ed: {  	v44 =	vor.u32 $0xC00000, v42  }
0x3ee: {  	v42 =	vor.u32 $0xC00080, v42;
	[tilespmem:v54+s12+$0x0] =	vst.idx.msk $0xffff, v44  }
0x3ef: {  	[tilespmem:v56+s12+$0x0] =	vst.idx.msk $0xffff, v42  }
0x3f0: {  	v42 =	vld [tilespmem:$0x6D0];
	_ =	sdelay $0x4  }
0x3f1: {  	v57 =	vmul.f32 v42, v39  }
0x3f2: {  	v58 =	vmul.f32 v42, v40;
	v42 =	vmul.f32 v42, v41  }
0x3f3: {  	v59 =	vtrunc.f32 v57  }
0x3f4: {  	v61 =	vtrunc.f32 v58;
	v63 =	vtrunc.f32 v42  }
0x3f5: {  	v60 =	vcvt.f32.s32 v59;
	v62 =	vcvt.f32.s32 v61;
	vm7 =	vgt.f32 v58, v61  }
0x3f6: {  	v50 =	vcvt.f32.s32 v63;
	vm8 =	vgt.f32 v42, v63;
	v47 =	vsel vm7, $0x1, v7  }
0x3f7: {  	vm9 =	vgt.f32 v57, v59;
	v42 =	vsel vm8, $0x1, v7;
	v51 =	vadd.s32 v62, v47  }
0x3f8: {  	v45 =	vsel vm9, $0x1, v7;
	v42 =	vadd.s32 v50, v42;
	v43 =	vmul.u32 $0x779B1, v51  }
0x3f9: {  	v52 =	vadd.s32 v60, v45;
	v42 =	vmul.u32 $0x25795, v42  }
0x3fa: {  	v43 =	vxor.u32 v52, v43  }
0x3fb: {  	v53 =	vor.u32 s19, v33;
	v42 =	vxor.u32 v42, v43  }
0x3fc: {  	v55 =	vor.u32 s19, v34;
	v54 =	vshll.u32 v42, $0x1  }
0x3fd: {  	v42 =	vand.u32 $0x7F, v42;
	v44 =	vand.u32 $0xFFF00, v54  }
0x3fe: {  	v42 =	vor.u32 v44, v42  }
0x3ff: {  	v44 =	vor.u32 $0xD00000, v42  }
0x400: {  	v42 =	vor.u32 $0xD00080, v42;
	[tilespmem:v53+s12+$0x0] =	vst.idx.msk $0xffff, v44  }
0x401: {  	[tilespmem:v55+s12+$0x0] =	vst.idx.msk $0xffff, v42  }
0x402: {  	v42 =	vld [tilespmem:$0x6E0];
	_ =	sdelay $0x4  }
0x403: {  	v56 =	vmul.f32 v42, v39  }
0x404: {  	v57 =	vmul.f32 v42, v40;
	v42 =	vmul.f32 v42, v41  }
0x405: {  	v58 =	vtrunc.f32 v56  }
0x406: {  	v60 =	vtrunc.f32 v57;
	v62 =	vtrunc.f32 v42  }
0x407: {  	v59 =	vcvt.f32.s32 v58;
	v61 =	vcvt.f32.s32 v60;
	vm10 =	vgt.f32 v57, v60  }
0x408: {  	v63 =	vcvt.f32.s32 v62;
	vm11 =	vgt.f32 v42, v62;
	v47 =	vsel vm10, $0x1, v7  }
0x409: {  	vm12 =	vgt.f32 v56, v58;
	v42 =	vsel vm11, $0x1, v7;
	v48 =	vadd.s32 v61, v47  }
0x40a: {  	v45 =	vsel vm12, $0x1, v7;
	v42 =	vadd.s32 v63, v42;
	v43 =	vmul.u32 $0x779B1, v48  }
0x40b: {  	v49 =	vadd.s32 v59, v45;
	v42 =	vmul.u32 $0x25795, v42  }
0x40c: {  	v43 =	vxor.u32 v49, v43  }
0x40d: {  	v50 =	vor.u32 s19, v35;
	v42 =	vxor.u32 v42, v43  }
0x40e: {  	v52 =	vor.u32 s19, v36;
	v51 =	vshll.u32 v42, $0x1  }
0x40f: {  	v42 =	vand.u32 $0x7F, v42;
	v44 =	vand.u32 $0xFFF00, v51  }
0x410: {  	v42 =	vor.u32 v44, v42  }
0x411: {  	v44 =	vor.u32 $0xE00000, v42  }
0x412: {  	v42 =	vor.u32 $0xE00080, v42;
	[tilespmem:v50+s12+$0x0] =	vst.idx.msk $0xffff, v44  }
0x413: {  	[tilespmem:v52+s12+$0x0] =	vst.idx.msk $0xffff, v42  }
0x414: {  	v42 =	vld [tilespmem:$0x6F0];
	_ =	sdelay $0x4  }
0x415: {  	v39 =	vmul.f32 v42, v39  }
0x416: {  	v40 =	vmul.f32 v42, v40;
	v41 =	vmul.f32 v42, v41  }
0x417: {  	v53 =	vtrunc.f32 v39  }
0x418: {  	v55 =	vtrunc.f32 v40;
	v57 =	vtrunc.f32 v41  }
0x419: {  	v54 =	vcvt.f32.s32 v53;
	v56 =	vcvt.f32.s32 v55;
	vm13 =	vgt.f32 v40, v55  }
0x41a: {  	v58 =	vcvt.f32.s32 v57;
	vm14 =	vgt.f32 v41, v57;
	v44 =	vsel vm13, $0x1, v7  }
0x41b: {  	vm15 =	vgt.f32 v39, v53;
	v41 =	vsel vm14, $0x1, v7;
	v59 =	vadd.s32 v56, v44  }
0x41c: {  	v42 =	vsel vm15, $0x1, v7;
	v40 =	vadd.s32 v58, v41;
	v39 =	vmul.u32 $0x779B1, v59  }
0x41d: {  	v60 =	vadd.s32 v54, v42;
	v40 =	vmul.u32 $0x25795, v40  }
0x41e: {  	v39 =	vxor.u32 v60, v39  }
0x41f: {  	v61 =	vor.u32 s19, v37;
	v39 =	vxor.u32 v40, v39  }
0x420: {  	p0 =	sne.s32 s18, $0x1F;
	v63 =	vor.u32 s19, v38;
	v62 =	vshll.u32 v39, $0x1  }
.Ltmp8:
0x421: {  	v39 =	vand.u32 $0x7F, v39;
	v41 =	vand.u32 $0xFFF00, v62;
	(pc) =	sbr.rel @p0 .LBB2_5-.Ltmp8, $4  }
0x422: {  	v39 =	vor.u32 v41, v39  }
0x423: {  	v41 =	vor.u32 $0xF00000, v39  }
0x424: {  	v39 =	vor.u32 $0xF00080, v39;
	[tilespmem:v61+s12+$0x0] =	vst.idx.msk $0xffff, v41  }
0x425: {  	s17 =	sadd.s32 $0x30, s17;
	s10 =	sadd.s32 $0x200, s10;
	s18 =	sadd.s32 $0x1, s18;
	[tilespmem:v63+s12+$0x0] =	vst.idx.msk $0xffff, v39  }
.Ltmp9:
0x426: {  	_ = 	snop;
	(pc) =	sbr.rel .LBB2_6-.Ltmp9, $1  }
0x427: {  	_ =	sdelay $0x3  }
.LBB2_11:
0x428: {  	_ =	sfence.sel $0x180000  }
0x429: {  	[bflag:$0x0] =	sbarrier.arrive $0xFFFF  }
0x42a: {  	_ =	strace $0x90000047  }
0x42b: {  	s0 =	stileid.u32;
	[bflag:$0x2] =	sbarrier.arrive $0xFFFF  }
0x42c: {  	p0 =	sne.s32 s0, $0x0;
	s0 =	rddreg [dreg:$0x4]  }
0x42d: {  	s0 =	sadd.s32 @!p0 $0x100000, s0  }
0x42e: {  	[sflag:s0] =	ssyncadd.tile.s32 @!p0 $0x1;
	_ =	shalt  }
.Lfunc_end2:
_tile_overlayer_lowered:
.L_overlay_start_2:
0x42f: {  	(tag) =	ssettag $0x2  }
0x430: {  	s0 =	rddreg [dreg:$0x0];
	s2 =	stileid.u32  }
0x431: {  	s1 =	rddreg [dreg:$0x1];
	p0 =	sne.s32 s2, $0x0  }
0x432: {  	s3 =	rddreg [dreg:$0x2];
	[bflag:$0x3] =	sbarrier.arrive $0xFFFF;
	s2 =	simm.s32 @!p0 $0x1C03  }
0x433: {  	[timem:s3], [sflag:s2] =	dma.local @!p0 [hbm:s0], s1  }
0x434: {  	s0 =	simm.s32 @!p0 $0x3  }
0x435: {  	_ =	swait.ge @!p0 [sflag:s0], s1  }
0x436: {  	s1 =	ssub.s32 @!p0 $0x0, s1;
	[sflag:s0] =	ssyncset.done @!p0 $0x0  }
0x437: {  	[sflag:s0] =	ssyncadd.s32 @!p0 s1  }
0x438: {  	[bflag:$0x3] =	sbarrier.arrive $0xFFFF  }
0x439: {  	_ =	shalt  }

</sc_bundles>
